<compile_context>
chip_gen: v7x
topology: tpu7x:2x2x1
jax: 0.10.2.dev20260603
libtpu: 0.0.44.dev20260713+nightly
codegen_flags: <defaults>
</compile_context>

<pallas_src>
import jax
import jax.numpy as jnp
from jax import lax
from jax.experimental import pallas as pl
from jax.experimental.pallas import tpu as pltpu
from jax.experimental.pallas import tpu_sc as plsc

BATCH = 4096
SEQ_LEN = 200
EMBED_DIM = 32

NUM_CORES = 2
NUM_SUBCORES = 16
NUM_WORKERS = NUM_CORES * NUM_SUBCORES

CHUNK = 128
NBUF = 4
ROWS_PER_WORKER = BATCH * SEQ_LEN // NUM_WORKERS
CHUNKS_PER_WORKER = ROWS_PER_WORKER // CHUNK
NGROUPS = CHUNKS_PER_WORKER // NBUF
POS_REP = SEQ_LEN + CHUNK


def _sc_body(x2d_hbm, tok_hbm, posrep_hbm, out_hbm, idx_v, pos_v, *bufs_and_sems):
    rows = bufs_and_sems[:NBUF]
    gsem = bufs_and_sems[NBUF:2 * NBUF]
    ssem = bufs_and_sems[2 * NBUF:3 * NBUF]

    wid = lax.axis_index("s") * NUM_CORES + lax.axis_index("c")
    idx_row0 = wid * CHUNKS_PER_WORKER

    pltpu.sync_copy(x2d_hbm.at[pl.ds(idx_row0, CHUNKS_PER_WORKER)], idx_v)
    pltpu.sync_copy(posrep_hbm, pos_v)

    def start_gather(c, b):
        pltpu.async_copy(tok_hbm.at[idx_v.at[c]], rows[b], gsem[b])

    def wait_gather(c, b):
        pltpu.make_async_copy(tok_hbm.at[idx_v.at[c]], rows[b], gsem[b]).wait()

    def start_store(c, b):
        pltpu.async_copy(
            rows[b], out_hbm.at[pl.ds((idx_row0 + c) * CHUNK, CHUNK)], ssem[b])

    def wait_store(c, b):
        pltpu.make_async_copy(
            rows[b], out_hbm.at[pl.ds((idx_row0 + c) * CHUNK, CHUNK)],
            ssem[b]).wait()

    def add_pos(c, b):
        p = lax.rem(c * CHUNK, SEQ_LEN)

        @pl.loop(0, CHUNK, unroll=8)
        def _row(r):
            pr = p + r
            for h in range(EMBED_DIM // 16):
                vec = pos_v[pr, pl.ds(h * 16, 16)]
                plsc.addupdate(rows[b].at[r, pl.ds(h * 16, 16)], vec)

    for b in range(NBUF):
        start_gather(b, b)

    for b in range(NBUF):
        wait_gather(b, b)
        add_pos(b, b)
        start_store(b, b)
        if b > 0:
            wait_store(b - 1, b - 1)
            start_gather(b - 1 + NBUF, b - 1)

    @pl.loop(1, NGROUPS - 1)
    def _group(g):
        for b in range(NBUF):
            c = g * NBUF + b
            wait_gather(c, b)
            add_pos(c, b)
            start_store(c, b)
            bp = (b - 1) % NBUF
            wait_store(c - 1, bp)
            start_gather(c - 1 + NBUF, bp)

    g = NGROUPS - 1
    for b in range(NBUF):
        c = g * NBUF + b
        wait_gather(c, b)
        add_pos(c, b)
        start_store(c, b)
        if b == 0:
            wait_store(c - 1, NBUF - 1)
            start_gather(c - 1 + NBUF, NBUF - 1)

    for b in range(NBUF):
        wait_store(g * NBUF + b, b)


@jax.jit
def _tok_pos_embed(x2d, token_table, posrep):
    mesh = plsc.VectorSubcoreMesh(core_axis_name="c", subcore_axis_name="s")
    kfn = pl.kernel(
        _sc_body,
        out_type=jax.ShapeDtypeStruct((BATCH * SEQ_LEN, EMBED_DIM), jnp.float32),
        mesh=mesh,
        scratch_types=[
            pltpu.VMEM((CHUNKS_PER_WORKER, CHUNK), jnp.int32),
            pltpu.VMEM((POS_REP, EMBED_DIM), jnp.float32),
        ] + [pltpu.VMEM((CHUNK, EMBED_DIM), jnp.float32) for _ in range(NBUF)]
        + [pltpu.SemaphoreType.DMA for _ in range(2 * NBUF)],
        compiler_params=pltpu.CompilerParams(use_tc_tiling_on_sc=False),
    )
    return kfn(x2d, token_table, posrep)


def kernel(x, token_table, pos_table):
    x2d = x.astype(jnp.int32).reshape(BATCH * SEQ_LEN // CHUNK, CHUNK)
    posrep = jnp.concatenate(
        [pos_table[:SEQ_LEN], pos_table[:POS_REP - SEQ_LEN]], axis=0
    )
    out = _tok_pos_embed(x2d, token_table, posrep)
    return out.reshape(BATCH, SEQ_LEN, EMBED_DIM)

# --- scband reference (transcript-rebuilt; emitter-appended) ---
"""Pipeline reference for scband-tok-pos-embedding-8134668059284 (READ-ONLY COPY).

The authoritative reference and input builder live on the scoring server;
editing this copy changes nothing except your own understanding.
"""

import jax, jax.numpy as jnp
import numpy as np

VOCAB_SIZE = 1000000
MAX_SEQ_LEN = 2048
EMBED_DIM = 32
BATCH = 4096
SEQ_LEN = 200


def setup_inputs(seed: int = 0) -> dict:
    key = jax.random.key(seed)
    k1, k2, k3 = jax.random.split(key, 3)
    x = jax.random.randint(k1, (BATCH, SEQ_LEN), 0, VOCAB_SIZE, dtype=jnp.int64 if jax.config.jax_enable_x64 else jnp.int32)
    token_table = jax.random.normal(k2, (VOCAB_SIZE, EMBED_DIM), dtype=jnp.float32) * 0.05
    pos_table = jax.random.normal(k3, (MAX_SEQ_LEN, EMBED_DIM), dtype=jnp.float32) * 0.05
    return {"x": x, "token_table": token_table, "pos_table": pos_table}


def reference(x, token_table, pos_table):
    # token embedding lookup: [B, S] -> [B, S, D]
    token = jnp.take(token_table, x, axis=0)
    seq_len = x.shape[-1]
    # position embedding for positions [0, seq_len): [S, D]
    position = jnp.take(pos_table, jnp.arange(seq_len), axis=0)
    # broadcast position to token's shape and add
    position = jnp.broadcast_to(position, token.shape)
    return token + position

if __name__ == "__main__":
    import jax
    _d = setup_inputs()
    print(jax.jit(kernel)(*tuple(_d.values())))

</pallas_src>

<mosaic_0001>
#map = affine_map<(d0, d1) -> (0, 0)>
module attributes {stable_mosaic.version = 14 : i64} {
  func.func @_sc_body(%arg0: i32, %arg1: i32, %arg2: memref<6400x128xi32, #tpu.memory_space<hbm>>, %arg3: memref<1000000x32xf32, #tpu.memory_space<hbm>>, %arg4: memref<328x32xf32, #tpu.memory_space<hbm>>, %arg5: memref<819200x32xf32, #tpu.memory_space<hbm>>, %arg6: memref<200x128xi32, #tpu.memory_space<vmem>>, %arg7: memref<328x32xf32, #tpu.memory_space<vmem>>, %arg8: memref<128x32xf32, #tpu.memory_space<vmem>>, %arg9: memref<128x32xf32, #tpu.memory_space<vmem>>, %arg10: memref<128x32xf32, #tpu.memory_space<vmem>>, %arg11: memref<128x32xf32, #tpu.memory_space<vmem>>, %arg12: memref<!tpu.dma_semaphore, #tpu.memory_space<semaphore_mem>>, %arg13: memref<!tpu.dma_semaphore, #tpu.memory_space<semaphore_mem>>, %arg14: memref<!tpu.dma_semaphore, #tpu.memory_space<semaphore_mem>>, %arg15: memref<!tpu.dma_semaphore, #tpu.memory_space<semaphore_mem>>, %arg16: memref<!tpu.dma_semaphore, #tpu.memory_space<semaphore_mem>>, %arg17: memref<!tpu.dma_semaphore, #tpu.memory_space<semaphore_mem>>, %arg18: memref<!tpu.dma_semaphore, #tpu.memory_space<semaphore_mem>>, %arg19: memref<!tpu.dma_semaphore, #tpu.memory_space<semaphore_mem>>) attributes {dimension_semantics = [#tpu.dimension_semantics<core_parallel>, #tpu.dimension_semantics<subcore_parallel>], iteration_bounds = array<i64: 2, 16>, scalar_prefetch = 0 : i64, scratch_operands = 14 : i64, tpu.core_type = #tpu.core_type<sc_vector_subcore>, window_params = [{transform_indices = #map}, {transform_indices = #map}, {transform_indices = #map}, {transform_indices = #map}]} {
    %mul3A = arith.constant 2 : i32
    %mul3A_0 = arith.muli %arg1, %mul3A : i32
    %add3A = arith.addi %mul3A_0, %arg0 : i32
    %mul3A_1 = arith.constant 200 : i32
    %mul3A_2 = arith.muli %add3A, %mul3A_1 : i32
    "tpu.region"() ({
      %run_scoped3A = tpu.sem_alloc : memref<!tpu.dma_semaphore, #tpu.memory_space<semaphore_mem>>
      %dma_start3A_308 = arith.constant 0 : i32
      %dma_start3A_309 = tpu.memref_slice %arg2[%mul3A_2, %dma_start3A_308] : memref<6400x128xi32, #tpu.memory_space<hbm>> -> memref<200x128xi32, #tpu.memory_space<hbm>>
      %dma_start3A_310 = arith.constant 0 : i32
      %dma_start3A_311 = tpu.memref_slice %arg2[%mul3A_2, %dma_start3A_310] : memref<6400x128xi32, #tpu.memory_space<hbm>> -> memref<200x128xi32, #tpu.memory_space<hbm>>
      tpu.enqueue_dma source(%dma_start3A_311 : memref<200x128xi32, #tpu.memory_space<hbm>>) target(%arg6 : memref<200x128xi32, #tpu.memory_space<vmem>>) target_semaphore(%run_scoped3A : memref<!tpu.dma_semaphore, #tpu.memory_space<semaphore_mem>>)
      %dma_wait3A_312 = arith.constant 0 : i32
      %dma_wait3A_313 = tpu.memref_slice %arg2[%mul3A_2, %dma_wait3A_312] : memref<6400x128xi32, #tpu.memory_space<hbm>> -> memref<200x128xi32, #tpu.memory_space<hbm>>
      %dma_wait3A_314 = arith.constant 0 : i32
      %dma_wait3A_315 = tpu.memref_slice %arg2[%mul3A_2, %dma_wait3A_314] : memref<6400x128xi32, #tpu.memory_space<hbm>> -> memref<200x128xi32, #tpu.memory_space<hbm>>
      tpu.wait_dma2 semaphore(%run_scoped3A : memref<!tpu.dma_semaphore, #tpu.memory_space<semaphore_mem>>) src(%dma_wait3A_315 : memref<200x128xi32, #tpu.memory_space<hbm>>) dst(%arg6 : memref<200x128xi32, #tpu.memory_space<vmem>>)
      tpu.yield
    }) : () -> ()
    "tpu.region"() ({
      %run_scoped3A = tpu.sem_alloc : memref<!tpu.dma_semaphore, #tpu.memory_space<semaphore_mem>>
      tpu.enqueue_dma source(%arg4 : memref<328x32xf32, #tpu.memory_space<hbm>>) target(%arg7 : memref<328x32xf32, #tpu.memory_space<vmem>>) target_semaphore(%run_scoped3A : memref<!tpu.dma_semaphore, #tpu.memory_space<semaphore_mem>>)
      tpu.wait_dma2 semaphore(%run_scoped3A : memref<!tpu.dma_semaphore, #tpu.memory_space<semaphore_mem>>) src(%arg4 : memref<328x32xf32, #tpu.memory_space<hbm>>) dst(%arg7 : memref<328x32xf32, #tpu.memory_space<vmem>>)
      tpu.yield
    }) : () -> ()
    %dma_start3A = arith.constant 0 : i32
    %dma_start3A_3 = arith.constant 0 : i32
    %dma_start3A_4 = tpu.memref_slice %arg6[%dma_start3A, %dma_start3A_3] : memref<200x128xi32, #tpu.memory_space<vmem>> -> memref<1x128xi32, #tpu.memory_space<vmem>>
    %dma_start3A_5 = tpu.memref_squeeze %dma_start3A_4 : memref<1x128xi32, #tpu.memory_space<vmem>> -> memref<128xi32, #tpu.memory_space<vmem>>
    %dma_start3A_6 = arith.constant 0 : i32
    %dma_start3A_7 = arith.constant 0 : i32
    %dma_start3A_8 = tpu.memref_slice %arg3[%dma_start3A_6, %dma_start3A_7] : memref<1000000x32xf32, #tpu.memory_space<hbm>> -> memref<1000000x32xf32, #tpu.memory_space<hbm>>
    tpu.enqueue_indirect_dma source(%dma_start3A_8 : memref<1000000x32xf32, #tpu.memory_space<hbm>>) target(%arg8 : memref<128x32xf32, #tpu.memory_space<vmem>>) offsets(%dma_start3A_5 : memref<128xi32, #tpu.memory_space<vmem>>) semaphore(%arg12 : memref<!tpu.dma_semaphore, #tpu.memory_space<semaphore_mem>>)
    %dma_start3A_9 = arith.constant 1 : i32
    %dma_start3A_10 = arith.constant 0 : i32
    %dma_start3A_11 = tpu.memref_slice %arg6[%dma_start3A_9, %dma_start3A_10] : memref<200x128xi32, #tpu.memory_space<vmem>> -> memref<1x128xi32, #tpu.memory_space<vmem>>
    %dma_start3A_12 = tpu.memref_squeeze %dma_start3A_11 : memref<1x128xi32, #tpu.memory_space<vmem>> -> memref<128xi32, #tpu.memory_space<vmem>>
    %dma_start3A_13 = arith.constant 0 : i32
    %dma_start3A_14 = arith.constant 0 : i32
    %dma_start3A_15 = tpu.memref_slice %arg3[%dma_start3A_13, %dma_start3A_14] : memref<1000000x32xf32, #tpu.memory_space<hbm>> -> memref<1000000x32xf32, #tpu.memory_space<hbm>>
    tpu.enqueue_indirect_dma source(%dma_start3A_15 : memref<1000000x32xf32, #tpu.memory_space<hbm>>) target(%arg9 : memref<128x32xf32, #tpu.memory_space<vmem>>) offsets(%dma_start3A_12 : memref<128xi32, #tpu.memory_space<vmem>>) semaphore(%arg13 : memref<!tpu.dma_semaphore, #tpu.memory_space<semaphore_mem>>)
    %dma_start3A_16 = arith.constant 2 : i32
    %dma_start3A_17 = arith.constant 0 : i32
    %dma_start3A_18 = tpu.memref_slice %arg6[%dma_start3A_16, %dma_start3A_17] : memref<200x128xi32, #tpu.memory_space<vmem>> -> memref<1x128xi32, #tpu.memory_space<vmem>>
    %dma_start3A_19 = tpu.memref_squeeze %dma_start3A_18 : memref<1x128xi32, #tpu.memory_space<vmem>> -> memref<128xi32, #tpu.memory_space<vmem>>
    %dma_start3A_20 = arith.constant 0 : i32
    %dma_start3A_21 = arith.constant 0 : i32
    %dma_start3A_22 = tpu.memref_slice %arg3[%dma_start3A_20, %dma_start3A_21] : memref<1000000x32xf32, #tpu.memory_space<hbm>> -> memref<1000000x32xf32, #tpu.memory_space<hbm>>
    tpu.enqueue_indirect_dma source(%dma_start3A_22 : memref<1000000x32xf32, #tpu.memory_space<hbm>>) target(%arg10 : memref<128x32xf32, #tpu.memory_space<vmem>>) offsets(%dma_start3A_19 : memref<128xi32, #tpu.memory_space<vmem>>) semaphore(%arg14 : memref<!tpu.dma_semaphore, #tpu.memory_space<semaphore_mem>>)
    %dma_start3A_23 = arith.constant 3 : i32
    %dma_start3A_24 = arith.constant 0 : i32
    %dma_start3A_25 = tpu.memref_slice %arg6[%dma_start3A_23, %dma_start3A_24] : memref<200x128xi32, #tpu.memory_space<vmem>> -> memref<1x128xi32, #tpu.memory_space<vmem>>
    %dma_start3A_26 = tpu.memref_squeeze %dma_start3A_25 : memref<1x128xi32, #tpu.memory_space<vmem>> -> memref<128xi32, #tpu.memory_space<vmem>>
    %dma_start3A_27 = arith.constant 0 : i32
    %dma_start3A_28 = arith.constant 0 : i32
    %dma_start3A_29 = tpu.memref_slice %arg3[%dma_start3A_27, %dma_start3A_28] : memref<1000000x32xf32, #tpu.memory_space<hbm>> -> memref<1000000x32xf32, #tpu.memory_space<hbm>>
    tpu.enqueue_indirect_dma source(%dma_start3A_29 : memref<1000000x32xf32, #tpu.memory_space<hbm>>) target(%arg11 : memref<128x32xf32, #tpu.memory_space<vmem>>) offsets(%dma_start3A_26 : memref<128xi32, #tpu.memory_space<vmem>>) semaphore(%arg15 : memref<!tpu.dma_semaphore, #tpu.memory_space<semaphore_mem>>)
    %dma_wait3A = arith.constant 0 : i32
    %dma_wait3A_30 = arith.constant 0 : i32
    %dma_wait3A_31 = tpu.memref_slice %arg6[%dma_wait3A, %dma_wait3A_30] : memref<200x128xi32, #tpu.memory_space<vmem>> -> memref<1x128xi32, #tpu.memory_space<vmem>>
    %dma_wait3A_32 = tpu.memref_squeeze %dma_wait3A_31 : memref<1x128xi32, #tpu.memory_space<vmem>> -> memref<128xi32, #tpu.memory_space<vmem>>
    %dma_wait3A_33 = arith.constant 0 : i32
    %dma_wait3A_34 = arith.constant 0 : i32
    %dma_wait3A_35 = tpu.memref_slice %arg3[%dma_wait3A_33, %dma_wait3A_34] : memref<1000000x32xf32, #tpu.memory_space<hbm>> -> memref<1000000x32xf32, #tpu.memory_space<hbm>>
    tpu.wait_indirect_dma semaphore(%arg12 : memref<!tpu.dma_semaphore, #tpu.memory_space<semaphore_mem>>) src(%dma_wait3A_35 : memref<1000000x32xf32, #tpu.memory_space<hbm>>) dst(%arg8 : memref<128x32xf32, #tpu.memory_space<vmem>>)
    %rem3A = arith.constant 0 : i32
    %rem3A_36 = arith.constant 200 : i32
    %rem3A_37 = arith.remsi %rem3A, %rem3A_36 : i32
    %scan3A = arith.constant 0 : i32
    %scan3A_38 = arith.constant 128 : i32
    %scan3A_39 = arith.addi %scan3A, %scan3A_38 : i32
    %scan3A_40 = arith.constant 8 : i32
    scf.for %scan3A_308 = %scan3A to %scan3A_39 step %scan3A_40  : i32 {
      %mul3A_309 = arith.constant 1 : i32
      %mul3A_310 = arith.muli %scan3A_308, %mul3A_309 : i32
      %add3A_311 = arith.constant 0 : i32
      %add3A_312 = arith.addi %add3A_311, %mul3A_310 : i32
      %add3A_313 = arith.addi %rem3A_37, %add3A_312 : i32
      %get3A = arith.index_cast %add3A_313 : i32 to index
      %get3A_314 = arith.constant 0 : index
      %get3A_315 = tpu.vector_load %arg7[%get3A, %get3A_314] {strides = array<i32>} : memref<328x32xf32, #tpu.memory_space<vmem>>, vector<1x16xf32>,
      %get3A_316 = vector.shape_cast %get3A_315 : vector<1x16xf32> to vector<16xf32>
      %swap3A = arith.index_cast %add3A_312 : i32 to index
      %swap3A_317 = arith.constant 0 : index
      %swap3A_318 = tpu.vector_load %arg8[%swap3A, %swap3A_317] {strides = array<i32>} : memref<128x32xf32, #tpu.memory_space<vmem>>, vector<1x16xf32>,
      %swap3A_319 = vector.shape_cast %swap3A_318 : vector<1x16xf32> to vector<16xf32>
      %swap3A_320 = vector.shape_cast %get3A_316 : vector<16xf32> to vector<1x16xf32>
      tpu.vector_store %arg8[%swap3A, %swap3A_317], %swap3A_320 {add = true, strides = array<i32>} : memref<128x32xf32, #tpu.memory_space<vmem>>, vector<1x16xf32>,
      %get3A_321 = arith.index_cast %add3A_313 : i32 to index
      %get3A_322 = arith.constant 16 : index
      %get3A_323 = tpu.vector_load %arg7[%get3A_321, %get3A_322] {strides = array<i32>} : memref<328x32xf32, #tpu.memory_space<vmem>>, vector<1x16xf32>,
      %get3A_324 = vector.shape_cast %get3A_323 : vector<1x16xf32> to vector<16xf32>
      %swap3A_325 = arith.index_cast %add3A_312 : i32 to index
      %swap3A_326 = arith.constant 16 : index
      %swap3A_327 = tpu.vector_load %arg8[%swap3A_325, %swap3A_326] {strides = array<i32>} : memref<128x32xf32, #tpu.memory_space<vmem>>, vector<1x16xf32>,
      %swap3A_328 = vector.shape_cast %swap3A_327 : vector<1x16xf32> to vector<16xf32>
      %swap3A_329 = vector.shape_cast %get3A_324 : vector<16xf32> to vector<1x16xf32>
      tpu.vector_store %arg8[%swap3A_325, %swap3A_326], %swap3A_329 {add = true, strides = array<i32>} : memref<128x32xf32, #tpu.memory_space<vmem>>, vector<1x16xf32>,
      %scan3A_330 = arith.constant 1 : i32
      %scan3A_331 = arith.addi %scan3A_308, %scan3A_330 : i32
      %mul3A_332 = arith.constant 1 : i32
      %mul3A_333 = arith.muli %scan3A_331, %mul3A_332 : i32
      %add3A_334 = arith.constant 0 : i32
      %add3A_335 = arith.addi %add3A_334, %mul3A_333 : i32
      %add3A_336 = arith.addi %rem3A_37, %add3A_335 : i32
      %get3A_337 = arith.index_cast %add3A_336 : i32 to index
      %get3A_338 = arith.constant 0 : index
      %get3A_339 = tpu.vector_load %arg7[%get3A_337, %get3A_338] {strides = array<i32>} : memref<328x32xf32, #tpu.memory_space<vmem>>, vector<1x16xf32>,
      %get3A_340 = vector.shape_cast %get3A_339 : vector<1x16xf32> to vector<16xf32>
      %swap3A_341 = arith.index_cast %add3A_335 : i32 to index
      %swap3A_342 = arith.constant 0 : index
      %swap3A_343 = tpu.vector_load %arg8[%swap3A_341, %swap3A_342] {strides = array<i32>} : memref<128x32xf32, #tpu.memory_space<vmem>>, vector<1x16xf32>,
      %swap3A_344 = vector.shape_cast %swap3A_343 : vector<1x16xf32> to vector<16xf32>
      %swap3A_345 = vector.shape_cast %get3A_340 : vector<16xf32> to vector<1x16xf32>
      tpu.vector_store %arg8[%swap3A_341, %swap3A_342], %swap3A_345 {add = true, strides = array<i32>} : memref<128x32xf32, #tpu.memory_space<vmem>>, vector<1x16xf32>,
      %get3A_346 = arith.index_cast %add3A_336 : i32 to index
      %get3A_347 = arith.constant 16 : index
      %get3A_348 = tpu.vector_load %arg7[%get3A_346, %get3A_347] {strides = array<i32>} : memref<328x32xf32, #tpu.memory_space<vmem>>, vector<1x16xf32>,
      %get3A_349 = vector.shape_cast %get3A_348 : vector<1x16xf32> to vector<16xf32>
      %swap3A_350 = arith.index_cast %add3A_335 : i32 to index
      %swap3A_351 = arith.constant 16 : index
      %swap3A_352 = tpu.vector_load %arg8[%swap3A_350, %swap3A_351] {strides = array<i32>} : memref<128x32xf32, #tpu.memory_space<vmem>>, vector<1x16xf32>,
      %swap3A_353 = vector.shape_cast %swap3A_352 : vector<1x16xf32> to vector<16xf32>
      %swap3A_354 = vector.shape_cast %get3A_349 : vector<16xf32> to vector<1x16xf32>
      tpu.vector_store %arg8[%swap3A_350, %swap3A_351], %swap3A_354 {add = true, strides = array<i32>} : memref<128x32xf32, #tpu.memory_space<vmem>>, vector<1x16xf32>,
      %scan3A_355 = arith.constant 2 : i32
      %scan3A_356 = arith.addi %scan3A_308, %scan3A_355 : i32
      %mul3A_357 = arith.constant 1 : i32
      %mul3A_358 = arith.muli %scan3A_356, %mul3A_357 : i32
      %add3A_359 = arith.constant 0 : i32
      %add3A_360 = arith.addi %add3A_359, %mul3A_358 : i32
      %add3A_361 = arith.addi %rem3A_37, %add3A_360 : i32
      %get3A_362 = arith.index_cast %add3A_361 : i32 to index
      %get3A_363 = arith.constant 0 : index
      %get3A_364 = tpu.vector_load %arg7[%get3A_362, %get3A_363] {strides = array<i32>} : memref<328x32xf32, #tpu.memory_space<vmem>>, vector<1x16xf32>,
      %get3A_365 = vector.shape_cast %get3A_364 : vector<1x16xf32> to vector<16xf32>
      %swap3A_366 = arith.index_cast %add3A_360 : i32 to index
      %swap3A_367 = arith.constant 0 : index
      %swap3A_368 = tpu.vector_load %arg8[%swap3A_366, %swap3A_367] {strides = array<i32>} : memref<128x32xf32, #tpu.memory_space<vmem>>, vector<1x16xf32>,
      %swap3A_369 = vector.shape_cast %swap3A_368 : vector<1x16xf32> to vector<16xf32>
      %swap3A_370 = vector.shape_cast %get3A_365 : vector<16xf32> to vector<1x16xf32>
      tpu.vector_store %arg8[%swap3A_366, %swap3A_367], %swap3A_370 {add = true, strides = array<i32>} : memref<128x32xf32, #tpu.memory_space<vmem>>, vector<1x16xf32>,
      %get3A_371 = arith.index_cast %add3A_361 : i32 to index
      %get3A_372 = arith.constant 16 : index
      %get3A_373 = tpu.vector_load %arg7[%get3A_371, %get3A_372] {strides = array<i32>} : memref<328x32xf32, #tpu.memory_space<vmem>>, vector<1x16xf32>,
      %get3A_374 = vector.shape_cast %get3A_373 : vector<1x16xf32> to vector<16xf32>
      %swap3A_375 = arith.index_cast %add3A_360 : i32 to index
      %swap3A_376 = arith.constant 16 : index
      %swap3A_377 = tpu.vector_load %arg8[%swap3A_375, %swap3A_376] {strides = array<i32>} : memref<128x32xf32, #tpu.memory_space<vmem>>, vector<1x16xf32>,
      %swap3A_378 = vector.shape_cast %swap3A_377 : vector<1x16xf32> to vector<16xf32>
      %swap3A_379 = vector.shape_cast %get3A_374 : vector<16xf32> to vector<1x16xf32>
      tpu.vector_store %arg8[%swap3A_375, %swap3A_376], %swap3A_379 {add = true, strides = array<i32>} : memref<128x32xf32, #tpu.memory_space<vmem>>, vector<1x16xf32>,
      %scan3A_380 = arith.constant 3 : i32
      %scan3A_381 = arith.addi %scan3A_308, %scan3A_380 : i32
      %mul3A_382 = arith.constant 1 : i32
      %mul3A_383 = arith.muli %scan3A_381, %mul3A_382 : i32
      %add3A_384 = arith.constant 0 : i32
      %add3A_385 = arith.addi %add3A_384, %mul3A_383 : i32
      %add3A_386 = arith.addi %rem3A_37, %add3A_385 : i32
      %get3A_387 = arith.index_cast %add3A_386 : i32 to index
      %get3A_388 = arith.constant 0 : index
      %get3A_389 = tpu.vector_load %arg7[%get3A_387, %get3A_388] {strides = array<i32>} : memref<328x32xf32, #tpu.memory_space<vmem>>, vector<1x16xf32>,
      %get3A_390 = vector.shape_cast %get3A_389 : vector<1x16xf32> to vector<16xf32>
      %swap3A_391 = arith.index_cast %add3A_385 : i32 to index
      %swap3A_392 = arith.constant 0 : index
      %swap3A_393 = tpu.vector_load %arg8[%swap3A_391, %swap3A_392] {strides = array<i32>} : memref<128x32xf32, #tpu.memory_space<vmem>>, vector<1x16xf32>,
      %swap3A_394 = vector.shape_cast %swap3A_393 : vector<1x16xf32> to vector<16xf32>
      %swap3A_395 = vector.shape_cast %get3A_390 : vector<16xf32> to vector<1x16xf32>
      tpu.vector_store %arg8[%swap3A_391, %swap3A_392], %swap3A_395 {add = true, strides = array<i32>} : memref<128x32xf32, #tpu.memory_space<vmem>>, vector<1x16xf32>,
      %get3A_396 = arith.index_cast %add3A_386 : i32 to index
      %get3A_397 = arith.constant 16 : index
      %get3A_398 = tpu.vector_load %arg7[%get3A_396, %get3A_397] {strides = array<i32>} : memref<328x32xf32, #tpu.memory_space<vmem>>, vector<1x16xf32>,
      %get3A_399 = vector.shape_cast %get3A_398 : vector<1x16xf32> to vector<16xf32>
      %swap3A_400 = arith.index_cast %add3A_385 : i32 to index
      %swap3A_401 = arith.constant 16 : index
      %swap3A_402 = tpu.vector_load %arg8[%swap3A_400, %swap3A_401] {strides = array<i32>} : memref<128x32xf32, #tpu.memory_space<vmem>>, vector<1x16xf32>,
      %swap3A_403 = vector.shape_cast %swap3A_402 : vector<1x16xf32> to vector<16xf32>
      %swap3A_404 = vector.shape_cast %get3A_399 : vector<16xf32> to vector<1x16xf32>
      tpu.vector_store %arg8[%swap3A_400, %swap3A_401], %swap3A_404 {add = true, strides = array<i32>} : memref<128x32xf32, #tpu.memory_space<vmem>>, vector<1x16xf32>,
      %scan3A_405 = arith.constant 4 : i32
      %scan3A_406 = arith.addi %scan3A_308, %scan3A_405 : i32
      %mul3A_407 = arith.constant 1 : i32
      %mul3A_408 = arith.muli %scan3A_406, %mul3A_407 : i32
      %add3A_409 = arith.constant 0 : i32
      %add3A_410 = arith.addi %add3A_409, %mul3A_408 : i32
      %add3A_411 = arith.addi %rem3A_37, %add3A_410 : i32
      %get3A_412 = arith.index_cast %add3A_411 : i32 to index
      %get3A_413 = arith.constant 0 : index
      %get3A_414 = tpu.vector_load %arg7[%get3A_412, %get3A_413] {strides = array<i32>} : memref<328x32xf32, #tpu.memory_space<vmem>>, vector<1x16xf32>,
      %get3A_415 = vector.shape_cast %get3A_414 : vector<1x16xf32> to vector<16xf32>
      %swap3A_416 = arith.index_cast %add3A_410 : i32 to index
      %swap3A_417 = arith.constant 0 : index
      %swap3A_418 = tpu.vector_load %arg8[%swap3A_416, %swap3A_417] {strides = array<i32>} : memref<128x32xf32, #tpu.memory_space<vmem>>, vector<1x16xf32>,
      %swap3A_419 = vector.shape_cast %swap3A_418 : vector<1x16xf32> to vector<16xf32>
      %swap3A_420 = vector.shape_cast %get3A_415 : vector<16xf32> to vector<1x16xf32>
      tpu.vector_store %arg8[%swap3A_416, %swap3A_417], %swap3A_420 {add = true, strides = array<i32>} : memref<128x32xf32, #tpu.memory_space<vmem>>, vector<1x16xf32>,
      %get3A_421 = arith.index_cast %add3A_411 : i32 to index
      %get3A_422 = arith.constant 16 : index
      %get3A_423 = tpu.vector_load %arg7[%get3A_421, %get3A_422] {strides = array<i32>} : memref<328x32xf32, #tpu.memory_space<vmem>>, vector<1x16xf32>,
      %get3A_424 = vector.shape_cast %get3A_423 : vector<1x16xf32> to vector<16xf32>
      %swap3A_425 = arith.index_cast %add3A_410 : i32 to index
      %swap3A_426 = arith.constant 16 : index
      %swap3A_427 = tpu.vector_load %arg8[%swap3A_425, %swap3A_426] {strides = array<i32>} : memref<128x32xf32, #tpu.memory_space<vmem>>, vector<1x16xf32>,
      %swap3A_428 = vector.shape_cast %swap3A_427 : vector<1x16xf32> to vector<16xf32>
      %swap3A_429 = vector.shape_cast %get3A_424 : vector<16xf32> to vector<1x16xf32>
      tpu.vector_store %arg8[%swap3A_425, %swap3A_426], %swap3A_429 {add = true, strides = array<i32>} : memref<128x32xf32, #tpu.memory_space<vmem>>, vector<1x16xf32>,
      %scan3A_430 = arith.constant 5 : i32
      %scan3A_431 = arith.addi %scan3A_308, %scan3A_430 : i32
      %mul3A_432 = arith.constant 1 : i32
      %mul3A_433 = arith.muli %scan3A_431, %mul3A_432 : i32
      %add3A_434 = arith.constant 0 : i32
      %add3A_435 = arith.addi %add3A_434, %mul3A_433 : i32
      %add3A_436 = arith.addi %rem3A_37, %add3A_435 : i32
      %get3A_437 = arith.index_cast %add3A_436 : i32 to index
      %get3A_438 = arith.constant 0 : index
      %get3A_439 = tpu.vector_load %arg7[%get3A_437, %get3A_438] {strides = array<i32>} : memref<328x32xf32, #tpu.memory_space<vmem>>, vector<1x16xf32>,
      %get3A_440 = vector.shape_cast %get3A_439 : vector<1x16xf32> to vector<16xf32>
      %swap3A_441 = arith.index_cast %add3A_435 : i32 to index
      %swap3A_442 = arith.constant 0 : index
      %swap3A_443 = tpu.vector_load %arg8[%swap3A_441, %swap3A_442] {strides = array<i32>} : memref<128x32xf32, #tpu.memory_space<vmem>>, vector<1x16xf32>,
      %swap3A_444 = vector.shape_cast %swap3A_443 : vector<1x16xf32> to vector<16xf32>
      %swap3A_445 = vector.shape_cast %get3A_440 : vector<16xf32> to vector<1x16xf32>
      tpu.vector_store %arg8[%swap3A_441, %swap3A_442], %swap3A_445 {add = true, strides = array<i32>} : memref<128x32xf32, #tpu.memory_space<vmem>>, vector<1x16xf32>,
      %get3A_446 = arith.index_cast %add3A_436 : i32 to index
      %get3A_447 = arith.constant 16 : index
      %get3A_448 = tpu.vector_load %arg7[%get3A_446, %get3A_447] {strides = array<i32>} : memref<328x32xf32, #tpu.memory_space<vmem>>, vector<1x16xf32>,
      %get3A_449 = vector.shape_cast %get3A_448 : vector<1x16xf32> to vector<16xf32>
      %swap3A_450 = arith.index_cast %add3A_435 : i32 to index
      %swap3A_451 = arith.constant 16 : index
      %swap3A_452 = tpu.vector_load %arg8[%swap3A_450, %swap3A_451] {strides = array<i32>} : memref<128x32xf32, #tpu.memory_space<vmem>>, vector<1x16xf32>,
      %swap3A_453 = vector.shape_cast %swap3A_452 : vector<1x16xf32> to vector<16xf32>
      %swap3A_454 = vector.shape_cast %get3A_449 : vector<16xf32> to vector<1x16xf32>
      tpu.vector_store %arg8[%swap3A_450, %swap3A_451], %swap3A_454 {add = true, strides = array<i32>} : memref<128x32xf32, #tpu.memory_space<vmem>>, vector<1x16xf32>,
      %scan3A_455 = arith.constant 6 : i32
      %scan3A_456 = arith.addi %scan3A_308, %scan3A_455 : i32
      %mul3A_457 = arith.constant 1 : i32
      %mul3A_458 = arith.muli %scan3A_456, %mul3A_457 : i32
      %add3A_459 = arith.constant 0 : i32
      %add3A_460 = arith.addi %add3A_459, %mul3A_458 : i32
      %add3A_461 = arith.addi %rem3A_37, %add3A_460 : i32
      %get3A_462 = arith.index_cast %add3A_461 : i32 to index
      %get3A_463 = arith.constant 0 : index
      %get3A_464 = tpu.vector_load %arg7[%get3A_462, %get3A_463] {strides = array<i32>} : memref<328x32xf32, #tpu.memory_space<vmem>>, vector<1x16xf32>,
      %get3A_465 = vector.shape_cast %get3A_464 : vector<1x16xf32> to vector<16xf32>
      %swap3A_466 = arith.index_cast %add3A_460 : i32 to index
      %swap3A_467 = arith.constant 0 : index
      %swap3A_468 = tpu.vector_load %arg8[%swap3A_466, %swap3A_467] {strides = array<i32>} : memref<128x32xf32, #tpu.memory_space<vmem>>, vector<1x16xf32>,
      %swap3A_469 = vector.shape_cast %swap3A_468 : vector<1x16xf32> to vector<16xf32>
      %swap3A_470 = vector.shape_cast %get3A_465 : vector<16xf32> to vector<1x16xf32>
      tpu.vector_store %arg8[%swap3A_466, %swap3A_467], %swap3A_470 {add = true, strides = array<i32>} : memref<128x32xf32, #tpu.memory_space<vmem>>, vector<1x16xf32>,
      %get3A_471 = arith.index_cast %add3A_461 : i32 to index
      %get3A_472 = arith.constant 16 : index
      %get3A_473 = tpu.vector_load %arg7[%get3A_471, %get3A_472] {strides = array<i32>} : memref<328x32xf32, #tpu.memory_space<vmem>>, vector<1x16xf32>,
      %get3A_474 = vector.shape_cast %get3A_473 : vector<1x16xf32> to vector<16xf32>
      %swap3A_475 = arith.index_cast %add3A_460 : i32 to index
      %swap3A_476 = arith.constant 16 : index
      %swap3A_477 = tpu.vector_load %arg8[%swap3A_475, %swap3A_476] {strides = array<i32>} : memref<128x32xf32, #tpu.memory_space<vmem>>, vector<1x16xf32>,
      %swap3A_478 = vector.shape_cast %swap3A_477 : vector<1x16xf32> to vector<16xf32>
      %swap3A_479 = vector.shape_cast %get3A_474 : vector<16xf32> to vector<1x16xf32>
      tpu.vector_store %arg8[%swap3A_475, %swap3A_476], %swap3A_479 {add = true, strides = array<i32>} : memref<128x32xf32, #tpu.memory_space<vmem>>, vector<1x16xf32>,
      %scan3A_480 = arith.constant 7 : i32
      %scan3A_481 = arith.addi %scan3A_308, %scan3A_480 : i32
      %mul3A_482 = arith.constant 1 : i32
      %mul3A_483 = arith.muli %scan3A_481, %mul3A_482 : i32
      %add3A_484 = arith.constant 0 : i32
      %add3A_485 = arith.addi %add3A_484, %mul3A_483 : i32
      %add3A_486 = arith.addi %rem3A_37, %add3A_485 : i32
      %get3A_487 = arith.index_cast %add3A_486 : i32 to index
      %get3A_488 = arith.constant 0 : index
      %get3A_489 = tpu.vector_load %arg7[%get3A_487, %get3A_488] {strides = array<i32>} : memref<328x32xf32, #tpu.memory_space<vmem>>, vector<1x16xf32>,
      %get3A_490 = vector.shape_cast %get3A_489 : vector<1x16xf32> to vector<16xf32>
      %swap3A_491 = arith.index_cast %add3A_485 : i32 to index
      %swap3A_492 = arith.constant 0 : index
      %swap3A_493 = tpu.vector_load %arg8[%swap3A_491, %swap3A_492] {strides = array<i32>} : memref<128x32xf32, #tpu.memory_space<vmem>>, vector<1x16xf32>,
      %swap3A_494 = vector.shape_cast %swap3A_493 : vector<1x16xf32> to vector<16xf32>
      %swap3A_495 = vector.shape_cast %get3A_490 : vector<16xf32> to vector<1x16xf32>
      tpu.vector_store %arg8[%swap3A_491, %swap3A_492], %swap3A_495 {add = true, strides = array<i32>} : memref<128x32xf32, #tpu.memory_space<vmem>>, vector<1x16xf32>,
      %get3A_496 = arith.index_cast %add3A_486 : i32 to index
      %get3A_497 = arith.constant 16 : index
      %get3A_498 = tpu.vector_load %arg7[%get3A_496, %get3A_497] {strides = array<i32>} : memref<328x32xf32, #tpu.memory_space<vmem>>, vector<1x16xf32>,
      %get3A_499 = vector.shape_cast %get3A_498 : vector<1x16xf32> to vector<16xf32>
      %swap3A_500 = arith.index_cast %add3A_485 : i32 to index
      %swap3A_501 = arith.constant 16 : index
      %swap3A_502 = tpu.vector_load %arg8[%swap3A_500, %swap3A_501] {strides = array<i32>} : memref<128x32xf32, #tpu.memory_space<vmem>>, vector<1x16xf32>,
      %swap3A_503 = vector.shape_cast %swap3A_502 : vector<1x16xf32> to vector<16xf32>
      %swap3A_504 = vector.shape_cast %get3A_499 : vector<16xf32> to vector<1x16xf32>
      tpu.vector_store %arg8[%swap3A_500, %swap3A_501], %swap3A_504 {add = true, strides = array<i32>} : memref<128x32xf32, #tpu.memory_space<vmem>>, vector<1x16xf32>,
    }
    %scan3A_41 = arith.constant 128 : i32
    %add3A_42 = arith.constant 0 : i32
    %add3A_43 = arith.addi %mul3A_2, %add3A_42 : i32
    %mul3A_44 = arith.constant 128 : i32
    %mul3A_45 = arith.muli %add3A_43, %mul3A_44 : i32
    %dma_start3A_46 = arith.constant 0 : i32
    %dma_start3A_47 = tpu.memref_slice %arg5[%mul3A_45, %dma_start3A_46] : memref<819200x32xf32, #tpu.memory_space<hbm>> -> memref<128x32xf32, #tpu.memory_space<hbm>>
    %dma_start3A_48 = arith.constant 0 : i32
    %dma_start3A_49 = tpu.memref_slice %arg5[%mul3A_45, %dma_start3A_48] : memref<819200x32xf32, #tpu.memory_space<hbm>> -> memref<128x32xf32, #tpu.memory_space<hbm>>
    tpu.enqueue_dma source(%arg8 : memref<128x32xf32, #tpu.memory_space<vmem>>) target(%dma_start3A_49 : memref<128x32xf32, #tpu.memory_space<hbm>>) target_semaphore(%arg16 : memref<!tpu.dma_semaphore, #tpu.memory_space<semaphore_mem>>)
    %dma_wait3A_50 = arith.constant 1 : i32
    %dma_wait3A_51 = arith.constant 0 : i32
    %dma_wait3A_52 = tpu.memref_slice %arg6[%dma_wait3A_50, %dma_wait3A_51] : memref<200x128xi32, #tpu.memory_space<vmem>> -> memref<1x128xi32, #tpu.memory_space<vmem>>
    %dma_wait3A_53 = tpu.memref_squeeze %dma_wait3A_52 : memref<1x128xi32, #tpu.memory_space<vmem>> -> memref<128xi32, #tpu.memory_space<vmem>>
    %dma_wait3A_54 = arith.constant 0 : i32
    %dma_wait3A_55 = arith.constant 0 : i32
    %dma_wait3A_56 = tpu.memref_slice %arg3[%dma_wait3A_54, %dma_wait3A_55] : memref<1000000x32xf32, #tpu.memory_space<hbm>> -> memref<1000000x32xf32, #tpu.memory_space<hbm>>
    tpu.wait_indirect_dma semaphore(%arg13 : memref<!tpu.dma_semaphore, #tpu.memory_space<semaphore_mem>>) src(%dma_wait3A_56 : memref<1000000x32xf32, #tpu.memory_space<hbm>>) dst(%arg9 : memref<128x32xf32, #tpu.memory_space<vmem>>)
    %rem3A_57 = arith.constant 128 : i32
    %rem3A_58 = arith.constant 200 : i32
    %rem3A_59 = arith.remsi %rem3A_57, %rem3A_58 : i32
    %scan3A_60 = arith.constant 0 : i32
    %scan3A_61 = arith.constant 128 : i32
    %scan3A_62 = arith.addi %scan3A_60, %scan3A_61 : i32
    %scan3A_63 = arith.constant 8 : i32
    scf.for %scan3A_308 = %scan3A_60 to %scan3A_62 step %scan3A_63  : i32 {
      %mul3A_309 = arith.constant 1 : i32
      %mul3A_310 = arith.muli %scan3A_308, %mul3A_309 : i32
      %add3A_311 = arith.constant 0 : i32
      %add3A_312 = arith.addi %add3A_311, %mul3A_310 : i32
      %add3A_313 = arith.addi %rem3A_59, %add3A_312 : i32
      %get3A = arith.index_cast %add3A_313 : i32 to index
      %get3A_314 = arith.constant 0 : index
      %get3A_315 = tpu.vector_load %arg7[%get3A, %get3A_314] {strides = array<i32>} : memref<328x32xf32, #tpu.memory_space<vmem>>, vector<1x16xf32>,
      %get3A_316 = vector.shape_cast %get3A_315 : vector<1x16xf32> to vector<16xf32>
      %swap3A = arith.index_cast %add3A_312 : i32 to index
      %swap3A_317 = arith.constant 0 : index
      %swap3A_318 = tpu.vector_load %arg9[%swap3A, %swap3A_317] {strides = array<i32>} : memref<128x32xf32, #tpu.memory_space<vmem>>, vector<1x16xf32>,
      %swap3A_319 = vector.shape_cast %swap3A_318 : vector<1x16xf32> to vector<16xf32>
      %swap3A_320 = vector.shape_cast %get3A_316 : vector<16xf32> to vector<1x16xf32>
      tpu.vector_store %arg9[%swap3A, %swap3A_317], %swap3A_320 {add = true, strides = array<i32>} : memref<128x32xf32, #tpu.memory_space<vmem>>, vector<1x16xf32>,
      %get3A_321 = arith.index_cast %add3A_313 : i32 to index
      %get3A_322 = arith.constant 16 : index
      %get3A_323 = tpu.vector_load %arg7[%get3A_321, %get3A_322] {strides = array<i32>} : memref<328x32xf32, #tpu.memory_space<vmem>>, vector<1x16xf32>,
      %get3A_324 = vector.shape_cast %get3A_323 : vector<1x16xf32> to vector<16xf32>
      %swap3A_325 = arith.index_cast %add3A_312 : i32 to index
      %swap3A_326 = arith.constant 16 : index
      %swap3A_327 = tpu.vector_load %arg9[%swap3A_325, %swap3A_326] {strides = array<i32>} : memref<128x32xf32, #tpu.memory_space<vmem>>, vector<1x16xf32>,
      %swap3A_328 = vector.shape_cast %swap3A_327 : vector<1x16xf32> to vector<16xf32>
      %swap3A_329 = vector.shape_cast %get3A_324 : vector<16xf32> to vector<1x16xf32>
      tpu.vector_store %arg9[%swap3A_325, %swap3A_326], %swap3A_329 {add = true, strides = array<i32>} : memref<128x32xf32, #tpu.memory_space<vmem>>, vector<1x16xf32>,
      %scan3A_330 = arith.constant 1 : i32
      %scan3A_331 = arith.addi %scan3A_308, %scan3A_330 : i32
      %mul3A_332 = arith.constant 1 : i32
      %mul3A_333 = arith.muli %scan3A_331, %mul3A_332 : i32
      %add3A_334 = arith.constant 0 : i32
      %add3A_335 = arith.addi %add3A_334, %mul3A_333 : i32
      %add3A_336 = arith.addi %rem3A_59, %add3A_335 : i32
      %get3A_337 = arith.index_cast %add3A_336 : i32 to index
      %get3A_338 = arith.constant 0 : index
      %get3A_339 = tpu.vector_load %arg7[%get3A_337, %get3A_338] {strides = array<i32>} : memref<328x32xf32, #tpu.memory_space<vmem>>, vector<1x16xf32>,
      %get3A_340 = vector.shape_cast %get3A_339 : vector<1x16xf32> to vector<16xf32>
      %swap3A_341 = arith.index_cast %add3A_335 : i32 to index
      %swap3A_342 = arith.constant 0 : index
      %swap3A_343 = tpu.vector_load %arg9[%swap3A_341, %swap3A_342] {strides = array<i32>} : memref<128x32xf32, #tpu.memory_space<vmem>>, vector<1x16xf32>,
      %swap3A_344 = vector.shape_cast %swap3A_343 : vector<1x16xf32> to vector<16xf32>
      %swap3A_345 = vector.shape_cast %get3A_340 : vector<16xf32> to vector<1x16xf32>
      tpu.vector_store %arg9[%swap3A_341, %swap3A_342], %swap3A_345 {add = true, strides = array<i32>} : memref<128x32xf32, #tpu.memory_space<vmem>>, vector<1x16xf32>,
      %get3A_346 = arith.index_cast %add3A_336 : i32 to index
      %get3A_347 = arith.constant 16 : index
      %get3A_348 = tpu.vector_load %arg7[%get3A_346, %get3A_347] {strides = array<i32>} : memref<328x32xf32, #tpu.memory_space<vmem>>, vector<1x16xf32>,
      %get3A_349 = vector.shape_cast %get3A_348 : vector<1x16xf32> to vector<16xf32>
      %swap3A_350 = arith.index_cast %add3A_335 : i32 to index
      %swap3A_351 = arith.constant 16 : index
      %swap3A_352 = tpu.vector_load %arg9[%swap3A_350, %swap3A_351] {strides = array<i32>} : memref<128x32xf32, #tpu.memory_space<vmem>>, vector<1x16xf32>,
      %swap3A_353 = vector.shape_cast %swap3A_352 : vector<1x16xf32> to vector<16xf32>
      %swap3A_354 = vector.shape_cast %get3A_349 : vector<16xf32> to vector<1x16xf32>
      tpu.vector_store %arg9[%swap3A_350, %swap3A_351], %swap3A_354 {add = true, strides = array<i32>} : memref<128x32xf32, #tpu.memory_space<vmem>>, vector<1x16xf32>,
      %scan3A_355 = arith.constant 2 : i32
      %scan3A_356 = arith.addi %scan3A_308, %scan3A_355 : i32
      %mul3A_357 = arith.constant 1 : i32
      %mul3A_358 = arith.muli %scan3A_356, %mul3A_357 : i32
      %add3A_359 = arith.constant 0 : i32
      %add3A_360 = arith.addi %add3A_359, %mul3A_358 : i32
      %add3A_361 = arith.addi %rem3A_59, %add3A_360 : i32
      %get3A_362 = arith.index_cast %add3A_361 : i32 to index
      %get3A_363 = arith.constant 0 : index
      %get3A_364 = tpu.vector_load %arg7[%get3A_362, %get3A_363] {strides = array<i32>} : memref<328x32xf32, #tpu.memory_space<vmem>>, vector<1x16xf32>,
      %get3A_365 = vector.shape_cast %get3A_364 : vector<1x16xf32> to vector<16xf32>
      %swap3A_366 = arith.index_cast %add3A_360 : i32 to index
      %swap3A_367 = arith.constant 0 : index
      %swap3A_368 = tpu.vector_load %arg9[%swap3A_366, %swap3A_367] {strides = array<i32>} : memref<128x32xf32, #tpu.memory_space<vmem>>, vector<1x16xf32>,
      %swap3A_369 = vector.shape_cast %swap3A_368 : vector<1x16xf32> to vector<16xf32>
      %swap3A_370 = vector.shape_cast %get3A_365 : vector<16xf32> to vector<1x16xf32>
      tpu.vector_store %arg9[%swap3A_366, %swap3A_367], %swap3A_370 {add = true, strides = array<i32>} : memref<128x32xf32, #tpu.memory_space<vmem>>, vector<1x16xf32>,
      %get3A_371 = arith.index_cast %add3A_361 : i32 to index
      %get3A_372 = arith.constant 16 : index
      %get3A_373 = tpu.vector_load %arg7[%get3A_371, %get3A_372] {strides = array<i32>} : memref<328x32xf32, #tpu.memory_space<vmem>>, vector<1x16xf32>,
      %get3A_374 = vector.shape_cast %get3A_373 : vector<1x16xf32> to vector<16xf32>
      %swap3A_375 = arith.index_cast %add3A_360 : i32 to index
      %swap3A_376 = arith.constant 16 : index
      %swap3A_377 = tpu.vector_load %arg9[%swap3A_375, %swap3A_376] {strides = array<i32>} : memref<128x32xf32, #tpu.memory_space<vmem>>, vector<1x16xf32>,
      %swap3A_378 = vector.shape_cast %swap3A_377 : vector<1x16xf32> to vector<16xf32>
      %swap3A_379 = vector.shape_cast %get3A_374 : vector<16xf32> to vector<1x16xf32>
      tpu.vector_store %arg9[%swap3A_375, %swap3A_376], %swap3A_379 {add = true, strides = array<i32>} : memref<128x32xf32, #tpu.memory_space<vmem>>, vector<1x16xf32>,
      %scan3A_380 = arith.constant 3 : i32
      %scan3A_381 = arith.addi %scan3A_308, %scan3A_380 : i32
      %mul3A_382 = arith.constant 1 : i32
      %mul3A_383 = arith.muli %scan3A_381, %mul3A_382 : i32
      %add3A_384 = arith.constant 0 : i32
      %add3A_385 = arith.addi %add3A_384, %mul3A_383 : i32
      %add3A_386 = arith.addi %rem3A_59, %add3A_385 : i32
      %get3A_387 = arith.index_cast %add3A_386 : i32 to index
      %get3A_388 = arith.constant 0 : index
      %get3A_389 = tpu.vector_load %arg7[%get3A_387, %get3A_388] {strides = array<i32>} : memref<328x32xf32, #tpu.memory_space<vmem>>, vector<1x16xf32>,
      %get3A_390 = vector.shape_cast %get3A_389 : vector<1x16xf32> to vector<16xf32>
      %swap3A_391 = arith.index_cast %add3A_385 : i32 to index
      %swap3A_392 = arith.constant 0 : index
      %swap3A_393 = tpu.vector_load %arg9[%swap3A_391, %swap3A_392] {strides = array<i32>} : memref<128x32xf32, #tpu.memory_space<vmem>>, vector<1x16xf32>,
      %swap3A_394 = vector.shape_cast %swap3A_393 : vector<1x16xf32> to vector<16xf32>
      %swap3A_395 = vector.shape_cast %get3A_390 : vector<16xf32> to vector<1x16xf32>
      tpu.vector_store %arg9[%swap3A_391, %swap3A_392], %swap3A_395 {add = true, strides = array<i32>} : memref<128x32xf32, #tpu.memory_space<vmem>>, vector<1x16xf32>,
      %get3A_396 = arith.index_cast %add3A_386 : i32 to index
      %get3A_397 = arith.constant 16 : index
      %get3A_398 = tpu.vector_load %arg7[%get3A_396, %get3A_397] {strides = array<i32>} : memref<328x32xf32, #tpu.memory_space<vmem>>, vector<1x16xf32>,
      %get3A_399 = vector.shape_cast %get3A_398 : vector<1x16xf32> to vector<16xf32>
      %swap3A_400 = arith.index_cast %add3A_385 : i32 to index
      %swap3A_401 = arith.constant 16 : index
      %swap3A_402 = tpu.vector_load %arg9[%swap3A_400, %swap3A_401] {strides = array<i32>} : memref<128x32xf32, #tpu.memory_space<vmem>>, vector<1x16xf32>,
      %swap3A_403 = vector.shape_cast %swap3A_402 : vector<1x16xf32> to vector<16xf32>
      %swap3A_404 = vector.shape_cast %get3A_399 : vector<16xf32> to vector<1x16xf32>
      tpu.vector_store %arg9[%swap3A_400, %swap3A_401], %swap3A_404 {add = true, strides = array<i32>} : memref<128x32xf32, #tpu.memory_space<vmem>>, vector<1x16xf32>,
      %scan3A_405 = arith.constant 4 : i32
      %scan3A_406 = arith.addi %scan3A_308, %scan3A_405 : i32
      %mul3A_407 = arith.constant 1 : i32
      %mul3A_408 = arith.muli %scan3A_406, %mul3A_407 : i32
      %add3A_409 = arith.constant 0 : i32
      %add3A_410 = arith.addi %add3A_409, %mul3A_408 : i32
      %add3A_411 = arith.addi %rem3A_59, %add3A_410 : i32
      %get3A_412 = arith.index_cast %add3A_411 : i32 to index
      %get3A_413 = arith.constant 0 : index
      %get3A_414 = tpu.vector_load %arg7[%get3A_412, %get3A_413] {strides = array<i32>} : memref<328x32xf32, #tpu.memory_space<vmem>>, vector<1x16xf32>,
      %get3A_415 = vector.shape_cast %get3A_414 : vector<1x16xf32> to vector<16xf32>
      %swap3A_416 = arith.index_cast %add3A_410 : i32 to index
      %swap3A_417 = arith.constant 0 : index
      %swap3A_418 = tpu.vector_load %arg9[%swap3A_416, %swap3A_417] {strides = array<i32>} : memref<128x32xf32, #tpu.memory_space<vmem>>, vector<1x16xf32>,
      %swap3A_419 = vector.shape_cast %swap3A_418 : vector<1x16xf32> to vector<16xf32>
      %swap3A_420 = vector.shape_cast %get3A_415 : vector<16xf32> to vector<1x16xf32>
      tpu.vector_store %arg9[%swap3A_416, %swap3A_417], %swap3A_420 {add = true, strides = array<i32>} : memref<128x32xf32, #tpu.memory_space<vmem>>, vector<1x16xf32>,
      %get3A_421 = arith.index_cast %add3A_411 : i32 to index
      %get3A_422 = arith.constant 16 : index
      %get3A_423 = tpu.vector_load %arg7[%get3A_421, %get3A_422] {strides = array<i32>} : memref<328x32xf32, #tpu.memory_space<vmem>>, vector<1x16xf32>,
      %get3A_424 = vector.shape_cast %get3A_423 : vector<1x16xf32> to vector<16xf32>
      %swap3A_425 = arith.index_cast %add3A_410 : i32 to index
      %swap3A_426 = arith.constant 16 : index
      %swap3A_427 = tpu.vector_load %arg9[%swap3A_425, %swap3A_426] {strides = array<i32>} : memref<128x32xf32, #tpu.memory_space<vmem>>, vector<1x16xf32>,
      %swap3A_428 = vector.shape_cast %swap3A_427 : vector<1x16xf32> to vector<16xf32>
      %swap3A_429 = vector.shape_cast %get3A_424 : vector<16xf32> to vector<1x16xf32>
      tpu.vector_store %arg9[%swap3A_425, %swap3A_426], %swap3A_429 {add = true, strides = array<i32>} : memref<128x32xf32, #tpu.memory_space<vmem>>, vector<1x16xf32>,
      %scan3A_430 = arith.constant 5 : i32
      %scan3A_431 = arith.addi %scan3A_308, %scan3A_430 : i32
      %mul3A_432 = arith.constant 1 : i32
      %mul3A_433 = arith.muli %scan3A_431, %mul3A_432 : i32
      %add3A_434 = arith.constant 0 : i32
      %add3A_435 = arith.addi %add3A_434, %mul3A_433 : i32
      %add3A_436 = arith.addi %rem3A_59, %add3A_435 : i32
      %get3A_437 = arith.index_cast %add3A_436 : i32 to index
      %get3A_438 = arith.constant 0 : index
      %get3A_439 = tpu.vector_load %arg7[%get3A_437, %get3A_438] {strides = array<i32>} : memref<328x32xf32, #tpu.memory_space<vmem>>, vector<1x16xf32>,
      %get3A_440 = vector.shape_cast %get3A_439 : vector<1x16xf32> to vector<16xf32>
      %swap3A_441 = arith.index_cast %add3A_435 : i32 to index
      %swap3A_442 = arith.constant 0 : index
      %swap3A_443 = tpu.vector_load %arg9[%swap3A_441, %swap3A_442] {strides = array<i32>} : memref<128x32xf32, #tpu.memory_space<vmem>>, vector<1x16xf32>,
      %swap3A_444 = vector.shape_cast %swap3A_443 : vector<1x16xf32> to vector<16xf32>
      %swap3A_445 = vector.shape_cast %get3A_440 : vector<16xf32> to vector<1x16xf32>
      tpu.vector_store %arg9[%swap3A_441, %swap3A_442], %swap3A_445 {add = true, strides = array<i32>} : memref<128x32xf32, #tpu.memory_space<vmem>>, vector<1x16xf32>,
      %get3A_446 = arith.index_cast %add3A_436 : i32 to index
      %get3A_447 = arith.constant 16 : index
      %get3A_448 = tpu.vector_load %arg7[%get3A_446, %get3A_447] {strides = array<i32>} : memref<328x32xf32, #tpu.memory_space<vmem>>, vector<1x16xf32>,
      %get3A_449 = vector.shape_cast %get3A_448 : vector<1x16xf32> to vector<16xf32>
      %swap3A_450 = arith.index_cast %add3A_435 : i32 to index
      %swap3A_451 = arith.constant 16 : index
      %swap3A_452 = tpu.vector_load %arg9[%swap3A_450, %swap3A_451] {strides = array<i32>} : memref<128x32xf32, #tpu.memory_space<vmem>>, vector<1x16xf32>,
      %swap3A_453 = vector.shape_cast %swap3A_452 : vector<1x16xf32> to vector<16xf32>
      %swap3A_454 = vector.shape_cast %get3A_449 : vector<16xf32> to vector<1x16xf32>
      tpu.vector_store %arg9[%swap3A_450, %swap3A_451], %swap3A_454 {add = true, strides = array<i32>} : memref<128x32xf32, #tpu.memory_space<vmem>>, vector<1x16xf32>,
      %scan3A_455 = arith.constant 6 : i32
      %scan3A_456 = arith.addi %scan3A_308, %scan3A_455 : i32
      %mul3A_457 = arith.constant 1 : i32
      %mul3A_458 = arith.muli %scan3A_456, %mul3A_457 : i32
      %add3A_459 = arith.constant 0 : i32
      %add3A_460 = arith.addi %add3A_459, %mul3A_458 : i32
      %add3A_461 = arith.addi %rem3A_59, %add3A_460 : i32
      %get3A_462 = arith.index_cast %add3A_461 : i32 to index
      %get3A_463 = arith.constant 0 : index
      %get3A_464 = tpu.vector_load %arg7[%get3A_462, %get3A_463] {strides = array<i32>} : memref<328x32xf32, #tpu.memory_space<vmem>>, vector<1x16xf32>,
      %get3A_465 = vector.shape_cast %get3A_464 : vector<1x16xf32> to vector<16xf32>
      %swap3A_466 = arith.index_cast %add3A_460 : i32 to index
      %swap3A_467 = arith.constant 0 : index
      %swap3A_468 = tpu.vector_load %arg9[%swap3A_466, %swap3A_467] {strides = array<i32>} : memref<128x32xf32, #tpu.memory_space<vmem>>, vector<1x16xf32>,
      %swap3A_469 = vector.shape_cast %swap3A_468 : vector<1x16xf32> to vector<16xf32>
      %swap3A_470 = vector.shape_cast %get3A_465 : vector<16xf32> to vector<1x16xf32>
      tpu.vector_store %arg9[%swap3A_466, %swap3A_467], %swap3A_470 {add = true, strides = array<i32>} : memref<128x32xf32, #tpu.memory_space<vmem>>, vector<1x16xf32>,
      %get3A_471 = arith.index_cast %add3A_461 : i32 to index
      %get3A_472 = arith.constant 16 : index
      %get3A_473 = tpu.vector_load %arg7[%get3A_471, %get3A_472] {strides = array<i32>} : memref<328x32xf32, #tpu.memory_space<vmem>>, vector<1x16xf32>,
      %get3A_474 = vector.shape_cast %get3A_473 : vector<1x16xf32> to vector<16xf32>
      %swap3A_475 = arith.index_cast %add3A_460 : i32 to index
      %swap3A_476 = arith.constant 16 : index
      %swap3A_477 = tpu.vector_load %arg9[%swap3A_475, %swap3A_476] {strides = array<i32>} : memref<128x32xf32, #tpu.memory_space<vmem>>, vector<1x16xf32>,
      %swap3A_478 = vector.shape_cast %swap3A_477 : vector<1x16xf32> to vector<16xf32>
      %swap3A_479 = vector.shape_cast %get3A_474 : vector<16xf32> to vector<1x16xf32>
      tpu.vector_store %arg9[%swap3A_475, %swap3A_476], %swap3A_479 {add = true, strides = array<i32>} : memref<128x32xf32, #tpu.memory_space<vmem>>, vector<1x16xf32>,
      %scan3A_480 = arith.constant 7 : i32
      %scan3A_481 = arith.addi %scan3A_308, %scan3A_480 : i32
      %mul3A_482 = arith.constant 1 : i32
      %mul3A_483 = arith.muli %scan3A_481, %mul3A_482 : i32
      %add3A_484 = arith.constant 0 : i32
      %add3A_485 = arith.addi %add3A_484, %mul3A_483 : i32
      %add3A_486 = arith.addi %rem3A_59, %add3A_485 : i32
      %get3A_487 = arith.index_cast %add3A_486 : i32 to index
      %get3A_488 = arith.constant 0 : index
      %get3A_489 = tpu.vector_load %arg7[%get3A_487, %get3A_488] {strides = array<i32>} : memref<328x32xf32, #tpu.memory_space<vmem>>, vector<1x16xf32>,
      %get3A_490 = vector.shape_cast %get3A_489 : vector<1x16xf32> to vector<16xf32>
      %swap3A_491 = arith.index_cast %add3A_485 : i32 to index
      %swap3A_492 = arith.constant 0 : index
      %swap3A_493 = tpu.vector_load %arg9[%swap3A_491, %swap3A_492] {strides = array<i32>} : memref<128x32xf32, #tpu.memory_space<vmem>>, vector<1x16xf32>,
      %swap3A_494 = vector.shape_cast %swap3A_493 : vector<1x16xf32> to vector<16xf32>
      %swap3A_495 = vector.shape_cast %get3A_490 : vector<16xf32> to vector<1x16xf32>
      tpu.vector_store %arg9[%swap3A_491, %swap3A_492], %swap3A_495 {add = true, strides = array<i32>} : memref<128x32xf32, #tpu.memory_space<vmem>>, vector<1x16xf32>,
      %get3A_496 = arith.index_cast %add3A_486 : i32 to index
      %get3A_497 = arith.constant 16 : index
      %get3A_498 = tpu.vector_load %arg7[%get3A_496, %get3A_497] {strides = array<i32>} : memref<328x32xf32, #tpu.memory_space<vmem>>, vector<1x16xf32>,
      %get3A_499 = vector.shape_cast %get3A_498 : vector<1x16xf32> to vector<16xf32>
      %swap3A_500 = arith.index_cast %add3A_485 : i32 to index
      %swap3A_501 = arith.constant 16 : index
      %swap3A_502 = tpu.vector_load %arg9[%swap3A_500, %swap3A_501] {strides = array<i32>} : memref<128x32xf32, #tpu.memory_space<vmem>>, vector<1x16xf32>,
      %swap3A_503 = vector.shape_cast %swap3A_502 : vector<1x16xf32> to vector<16xf32>
      %swap3A_504 = vector.shape_cast %get3A_499 : vector<16xf32> to vector<1x16xf32>
      tpu.vector_store %arg9[%swap3A_500, %swap3A_501], %swap3A_504 {add = true, strides = array<i32>} : memref<128x32xf32, #tpu.memory_space<vmem>>, vector<1x16xf32>,
    }
    %scan3A_64 = arith.constant 128 : i32
    %add3A_65 = arith.constant 1 : i32
    %add3A_66 = arith.addi %mul3A_2, %add3A_65 : i32
    %mul3A_67 = arith.constant 128 : i32
    %mul3A_68 = arith.muli %add3A_66, %mul3A_67 : i32
    %dma_start3A_69 = arith.constant 0 : i32
    %dma_start3A_70 = tpu.memref_slice %arg5[%mul3A_68, %dma_start3A_69] : memref<819200x32xf32, #tpu.memory_space<hbm>> -> memref<128x32xf32, #tpu.memory_space<hbm>>
    %dma_start3A_71 = arith.constant 0 : i32
    %dma_start3A_72 = tpu.memref_slice %arg5[%mul3A_68, %dma_start3A_71] : memref<819200x32xf32, #tpu.memory_space<hbm>> -> memref<128x32xf32, #tpu.memory_space<hbm>>
    tpu.enqueue_dma source(%arg9 : memref<128x32xf32, #tpu.memory_space<vmem>>) target(%dma_start3A_72 : memref<128x32xf32, #tpu.memory_space<hbm>>) target_semaphore(%arg17 : memref<!tpu.dma_semaphore, #tpu.memory_space<semaphore_mem>>)
    %add3A_73 = arith.constant 0 : i32
    %add3A_74 = arith.addi %mul3A_2, %add3A_73 : i32
    %mul3A_75 = arith.constant 128 : i32
    %mul3A_76 = arith.muli %add3A_74, %mul3A_75 : i32
    %dma_wait3A_77 = arith.constant 0 : i32
    %dma_wait3A_78 = tpu.memref_slice %arg5[%mul3A_76, %dma_wait3A_77] : memref<819200x32xf32, #tpu.memory_space<hbm>> -> memref<128x32xf32, #tpu.memory_space<hbm>>
    %dma_wait3A_79 = arith.constant 0 : i32
    %dma_wait3A_80 = tpu.memref_slice %arg5[%mul3A_76, %dma_wait3A_79] : memref<819200x32xf32, #tpu.memory_space<hbm>> -> memref<128x32xf32, #tpu.memory_space<hbm>>
    tpu.wait_dma2 semaphore(%arg16 : memref<!tpu.dma_semaphore, #tpu.memory_space<semaphore_mem>>) src(%arg8 : memref<128x32xf32, #tpu.memory_space<vmem>>) dst(%dma_wait3A_80 : memref<128x32xf32, #tpu.memory_space<hbm>>)
    %dma_start3A_81 = arith.constant 4 : i32
    %dma_start3A_82 = arith.constant 0 : i32
    %dma_start3A_83 = tpu.memref_slice %arg6[%dma_start3A_81, %dma_start3A_82] : memref<200x128xi32, #tpu.memory_space<vmem>> -> memref<1x128xi32, #tpu.memory_space<vmem>>
    %dma_start3A_84 = tpu.memref_squeeze %dma_start3A_83 : memref<1x128xi32, #tpu.memory_space<vmem>> -> memref<128xi32, #tpu.memory_space<vmem>>
    %dma_start3A_85 = arith.constant 0 : i32
    %dma_start3A_86 = arith.constant 0 : i32
    %dma_start3A_87 = tpu.memref_slice %arg3[%dma_start3A_85, %dma_start3A_86] : memref<1000000x32xf32, #tpu.memory_space<hbm>> -> memref<1000000x32xf32, #tpu.memory_space<hbm>>
    tpu.enqueue_indirect_dma source(%dma_start3A_87 : memref<1000000x32xf32, #tpu.memory_space<hbm>>) target(%arg8 : memref<128x32xf32, #tpu.memory_space<vmem>>) offsets(%dma_start3A_84 : memref<128xi32, #tpu.memory_space<vmem>>) semaphore(%arg12 : memref<!tpu.dma_semaphore, #tpu.memory_space<semaphore_mem>>)
    %dma_wait3A_88 = arith.constant 2 : i32
    %dma_wait3A_89 = arith.constant 0 : i32
    %dma_wait3A_90 = tpu.memref_slice %arg6[%dma_wait3A_88, %dma_wait3A_89] : memref<200x128xi32, #tpu.memory_space<vmem>> -> memref<1x128xi32, #tpu.memory_space<vmem>>
    %dma_wait3A_91 = tpu.memref_squeeze %dma_wait3A_90 : memref<1x128xi32, #tpu.memory_space<vmem>> -> memref<128xi32, #tpu.memory_space<vmem>>
    %dma_wait3A_92 = arith.constant 0 : i32
    %dma_wait3A_93 = arith.constant 0 : i32
    %dma_wait3A_94 = tpu.memref_slice %arg3[%dma_wait3A_92, %dma_wait3A_93] : memref<1000000x32xf32, #tpu.memory_space<hbm>> -> memref<1000000x32xf32, #tpu.memory_space<hbm>>
    tpu.wait_indirect_dma semaphore(%arg14 : memref<!tpu.dma_semaphore, #tpu.memory_space<semaphore_mem>>) src(%dma_wait3A_94 : memref<1000000x32xf32, #tpu.memory_space<hbm>>) dst(%arg10 : memref<128x32xf32, #tpu.memory_space<vmem>>)
    %rem3A_95 = arith.constant 256 : i32
    %rem3A_96 = arith.constant 200 : i32
    %rem3A_97 = arith.remsi %rem3A_95, %rem3A_96 : i32
    %scan3A_98 = arith.constant 0 : i32
    %scan3A_99 = arith.constant 128 : i32
    %scan3A_100 = arith.addi %scan3A_98, %scan3A_99 : i32
    %scan3A_101 = arith.constant 8 : i32
    scf.for %scan3A_308 = %scan3A_98 to %scan3A_100 step %scan3A_101  : i32 {
      %mul3A_309 = arith.constant 1 : i32
      %mul3A_310 = arith.muli %scan3A_308, %mul3A_309 : i32
      %add3A_311 = arith.constant 0 : i32
      %add3A_312 = arith.addi %add3A_311, %mul3A_310 : i32
      %add3A_313 = arith.addi %rem3A_97, %add3A_312 : i32
      %get3A = arith.index_cast %add3A_313 : i32 to index
      %get3A_314 = arith.constant 0 : index
      %get3A_315 = tpu.vector_load %arg7[%get3A, %get3A_314] {strides = array<i32>} : memref<328x32xf32, #tpu.memory_space<vmem>>, vector<1x16xf32>,
      %get3A_316 = vector.shape_cast %get3A_315 : vector<1x16xf32> to vector<16xf32>
      %swap3A = arith.index_cast %add3A_312 : i32 to index
      %swap3A_317 = arith.constant 0 : index
      %swap3A_318 = tpu.vector_load %arg10[%swap3A, %swap3A_317] {strides = array<i32>} : memref<128x32xf32, #tpu.memory_space<vmem>>, vector<1x16xf32>,
      %swap3A_319 = vector.shape_cast %swap3A_318 : vector<1x16xf32> to vector<16xf32>
      %swap3A_320 = vector.shape_cast %get3A_316 : vector<16xf32> to vector<1x16xf32>
      tpu.vector_store %arg10[%swap3A, %swap3A_317], %swap3A_320 {add = true, strides = array<i32>} : memref<128x32xf32, #tpu.memory_space<vmem>>, vector<1x16xf32>,
      %get3A_321 = arith.index_cast %add3A_313 : i32 to index
      %get3A_322 = arith.constant 16 : index
      %get3A_323 = tpu.vector_load %arg7[%get3A_321, %get3A_322] {strides = array<i32>} : memref<328x32xf32, #tpu.memory_space<vmem>>, vector<1x16xf32>,
      %get3A_324 = vector.shape_cast %get3A_323 : vector<1x16xf32> to vector<16xf32>
      %swap3A_325 = arith.index_cast %add3A_312 : i32 to index
      %swap3A_326 = arith.constant 16 : index
      %swap3A_327 = tpu.vector_load %arg10[%swap3A_325, %swap3A_326] {strides = array<i32>} : memref<128x32xf32, #tpu.memory_space<vmem>>, vector<1x16xf32>,
      %swap3A_328 = vector.shape_cast %swap3A_327 : vector<1x16xf32> to vector<16xf32>
      %swap3A_329 = vector.shape_cast %get3A_324 : vector<16xf32> to vector<1x16xf32>
      tpu.vector_store %arg10[%swap3A_325, %swap3A_326], %swap3A_329 {add = true, strides = array<i32>} : memref<128x32xf32, #tpu.memory_space<vmem>>, vector<1x16xf32>,
      %scan3A_330 = arith.constant 1 : i32
      %scan3A_331 = arith.addi %scan3A_308, %scan3A_330 : i32
      %mul3A_332 = arith.constant 1 : i32
      %mul3A_333 = arith.muli %scan3A_331, %mul3A_332 : i32
      %add3A_334 = arith.constant 0 : i32
      %add3A_335 = arith.addi %add3A_334, %mul3A_333 : i32
      %add3A_336 = arith.addi %rem3A_97, %add3A_335 : i32
      %get3A_337 = arith.index_cast %add3A_336 : i32 to index
      %get3A_338 = arith.constant 0 : index
      %get3A_339 = tpu.vector_load %arg7[%get3A_337, %get3A_338] {strides = array<i32>} : memref<328x32xf32, #tpu.memory_space<vmem>>, vector<1x16xf32>,
      %get3A_340 = vector.shape_cast %get3A_339 : vector<1x16xf32> to vector<16xf32>
      %swap3A_341 = arith.index_cast %add3A_335 : i32 to index
      %swap3A_342 = arith.constant 0 : index
      %swap3A_343 = tpu.vector_load %arg10[%swap3A_341, %swap3A_342] {strides = array<i32>} : memref<128x32xf32, #tpu.memory_space<vmem>>, vector<1x16xf32>,
      %swap3A_344 = vector.shape_cast %swap3A_343 : vector<1x16xf32> to vector<16xf32>
      %swap3A_345 = vector.shape_cast %get3A_340 : vector<16xf32> to vector<1x16xf32>
      tpu.vector_store %arg10[%swap3A_341, %swap3A_342], %swap3A_345 {add = true, strides = array<i32>} : memref<128x32xf32, #tpu.memory_space<vmem>>, vector<1x16xf32>,
      %get3A_346 = arith.index_cast %add3A_336 : i32 to index
      %get3A_347 = arith.constant 16 : index
      %get3A_348 = tpu.vector_load %arg7[%get3A_346, %get3A_347] {strides = array<i32>} : memref<328x32xf32, #tpu.memory_space<vmem>>, vector<1x16xf32>,
      %get3A_349 = vector.shape_cast %get3A_348 : vector<1x16xf32> to vector<16xf32>
      %swap3A_350 = arith.index_cast %add3A_335 : i32 to index
      %swap3A_351 = arith.constant 16 : index
      %swap3A_352 = tpu.vector_load %arg10[%swap3A_350, %swap3A_351] {strides = array<i32>} : memref<128x32xf32, #tpu.memory_space<vmem>>, vector<1x16xf32>,
      %swap3A_353 = vector.shape_cast %swap3A_352 : vector<1x16xf32> to vector<16xf32>
      %swap3A_354 = vector.shape_cast %get3A_349 : vector<16xf32> to vector<1x16xf32>
      tpu.vector_store %arg10[%swap3A_350, %swap3A_351], %swap3A_354 {add = true, strides = array<i32>} : memref<128x32xf32, #tpu.memory_space<vmem>>, vector<1x16xf32>,
      %scan3A_355 = arith.constant 2 : i32
      %scan3A_356 = arith.addi %scan3A_308, %scan3A_355 : i32
      %mul3A_357 = arith.constant 1 : i32
      %mul3A_358 = arith.muli %scan3A_356, %mul3A_357 : i32
      %add3A_359 = arith.constant 0 : i32
      %add3A_360 = arith.addi %add3A_359, %mul3A_358 : i32
      %add3A_361 = arith.addi %rem3A_97, %add3A_360 : i32
      %get3A_362 = arith.index_cast %add3A_361 : i32 to index
      %get3A_363 = arith.constant 0 : index
      %get3A_364 = tpu.vector_load %arg7[%get3A_362, %get3A_363] {strides = array<i32>} : memref<328x32xf32, #tpu.memory_space<vmem>>, vector<1x16xf32>,
      %get3A_365 = vector.shape_cast %get3A_364 : vector<1x16xf32> to vector<16xf32>
      %swap3A_366 = arith.index_cast %add3A_360 : i32 to index
      %swap3A_367 = arith.constant 0 : index
      %swap3A_368 = tpu.vector_load %arg10[%swap3A_366, %swap3A_367] {strides = array<i32>} : memref<128x32xf32, #tpu.memory_space<vmem>>, vector<1x16xf32>,
      %swap3A_369 = vector.shape_cast %swap3A_368 : vector<1x16xf32> to vector<16xf32>
      %swap3A_370 = vector.shape_cast %get3A_365 : vector<16xf32> to vector<1x16xf32>
      tpu.vector_store %arg10[%swap3A_366, %swap3A_367], %swap3A_370 {add = true, strides = array<i32>} : memref<128x32xf32, #tpu.memory_space<vmem>>, vector<1x16xf32>,
      %get3A_371 = arith.index_cast %add3A_361 : i32 to index
      %get3A_372 = arith.constant 16 : index
      %get3A_373 = tpu.vector_load %arg7[%get3A_371, %get3A_372] {strides = array<i32>} : memref<328x32xf32, #tpu.memory_space<vmem>>, vector<1x16xf32>,
      %get3A_374 = vector.shape_cast %get3A_373 : vector<1x16xf32> to vector<16xf32>
      %swap3A_375 = arith.index_cast %add3A_360 : i32 to index
      %swap3A_376 = arith.constant 16 : index
      %swap3A_377 = tpu.vector_load %arg10[%swap3A_375, %swap3A_376] {strides = array<i32>} : memref<128x32xf32, #tpu.memory_space<vmem>>, vector<1x16xf32>,
      %swap3A_378 = vector.shape_cast %swap3A_377 : vector<1x16xf32> to vector<16xf32>
      %swap3A_379 = vector.shape_cast %get3A_374 : vector<16xf32> to vector<1x16xf32>
      tpu.vector_store %arg10[%swap3A_375, %swap3A_376], %swap3A_379 {add = true, strides = array<i32>} : memref<128x32xf32, #tpu.memory_space<vmem>>, vector<1x16xf32>,
      %scan3A_380 = arith.constant 3 : i32
      %scan3A_381 = arith.addi %scan3A_308, %scan3A_380 : i32
      %mul3A_382 = arith.constant 1 : i32
      %mul3A_383 = arith.muli %scan3A_381, %mul3A_382 : i32
      %add3A_384 = arith.constant 0 : i32
      %add3A_385 = arith.addi %add3A_384, %mul3A_383 : i32
      %add3A_386 = arith.addi %rem3A_97, %add3A_385 : i32
      %get3A_387 = arith.index_cast %add3A_386 : i32 to index
      %get3A_388 = arith.constant 0 : index
      %get3A_389 = tpu.vector_load %arg7[%get3A_387, %get3A_388] {strides = array<i32>} : memref<328x32xf32, #tpu.memory_space<vmem>>, vector<1x16xf32>,
      %get3A_390 = vector.shape_cast %get3A_389 : vector<1x16xf32> to vector<16xf32>
      %swap3A_391 = arith.index_cast %add3A_385 : i32 to index
      %swap3A_392 = arith.constant 0 : index
      %swap3A_393 = tpu.vector_load %arg10[%swap3A_391, %swap3A_392] {strides = array<i32>} : memref<128x32xf32, #tpu.memory_space<vmem>>, vector<1x16xf32>,
      %swap3A_394 = vector.shape_cast %swap3A_393 : vector<1x16xf32> to vector<16xf32>
      %swap3A_395 = vector.shape_cast %get3A_390 : vector<16xf32> to vector<1x16xf32>
      tpu.vector_store %arg10[%swap3A_391, %swap3A_392], %swap3A_395 {add = true, strides = array<i32>} : memref<128x32xf32, #tpu.memory_space<vmem>>, vector<1x16xf32>,
      %get3A_396 = arith.index_cast %add3A_386 : i32 to index
      %get3A_397 = arith.constant 16 : index
      %get3A_398 = tpu.vector_load %arg7[%get3A_396, %get3A_397] {strides = array<i32>} : memref<328x32xf32, #tpu.memory_space<vmem>>, vector<1x16xf32>,
      %get3A_399 = vector.shape_cast %get3A_398 : vector<1x16xf32> to vector<16xf32>
      %swap3A_400 = arith.index_cast %add3A_385 : i32 to index
      %swap3A_401 = arith.constant 16 : index
      %swap3A_402 = tpu.vector_load %arg10[%swap3A_400, %swap3A_401] {strides = array<i32>} : memref<128x32xf32, #tpu.memory_space<vmem>>, vector<1x16xf32>,
      %swap3A_403 = vector.shape_cast %swap3A_402 : vector<1x16xf32> to vector<16xf32>
      %swap3A_404 = vector.shape_cast %get3A_399 : vector<16xf32> to vector<1x16xf32>
      tpu.vector_store %arg10[%swap3A_400, %swap3A_401], %swap3A_404 {add = true, strides = array<i32>} : memref<128x32xf32, #tpu.memory_space<vmem>>, vector<1x16xf32>,
      %scan3A_405 = arith.constant 4 : i32
      %scan3A_406 = arith.addi %scan3A_308, %scan3A_405 : i32
      %mul3A_407 = arith.constant 1 : i32
      %mul3A_408 = arith.muli %scan3A_406, %mul3A_407 : i32
      %add3A_409 = arith.constant 0 : i32
      %add3A_410 = arith.addi %add3A_409, %mul3A_408 : i32
      %add3A_411 = arith.addi %rem3A_97, %add3A_410 : i32
      %get3A_412 = arith.index_cast %add3A_411 : i32 to index
      %get3A_413 = arith.constant 0 : index
      %get3A_414 = tpu.vector_load %arg7[%get3A_412, %get3A_413] {strides = array<i32>} : memref<328x32xf32, #tpu.memory_space<vmem>>, vector<1x16xf32>,
      %get3A_415 = vector.shape_cast %get3A_414 : vector<1x16xf32> to vector<16xf32>
      %swap3A_416 = arith.index_cast %add3A_410 : i32 to index
      %swap3A_417 = arith.constant 0 : index
      %swap3A_418 = tpu.vector_load %arg10[%swap3A_416, %swap3A_417] {strides = array<i32>} : memref<128x32xf32, #tpu.memory_space<vmem>>, vector<1x16xf32>,
      %swap3A_419 = vector.shape_cast %swap3A_418 : vector<1x16xf32> to vector<16xf32>
      %swap3A_420 = vector.shape_cast %get3A_415 : vector<16xf32> to vector<1x16xf32>
      tpu.vector_store %arg10[%swap3A_416, %swap3A_417], %swap3A_420 {add = true, strides = array<i32>} : memref<128x32xf32, #tpu.memory_space<vmem>>, vector<1x16xf32>,
      %get3A_421 = arith.index_cast %add3A_411 : i32 to index
      %get3A_422 = arith.constant 16 : index
      %get3A_423 = tpu.vector_load %arg7[%get3A_421, %get3A_422] {strides = array<i32>} : memref<328x32xf32, #tpu.memory_space<vmem>>, vector<1x16xf32>,
      %get3A_424 = vector.shape_cast %get3A_423 : vector<1x16xf32> to vector<16xf32>
      %swap3A_425 = arith.index_cast %add3A_410 : i32 to index
      %swap3A_426 = arith.constant 16 : index
      %swap3A_427 = tpu.vector_load %arg10[%swap3A_425, %swap3A_426] {strides = array<i32>} : memref<128x32xf32, #tpu.memory_space<vmem>>, vector<1x16xf32>,
      %swap3A_428 = vector.shape_cast %swap3A_427 : vector<1x16xf32> to vector<16xf32>
      %swap3A_429 = vector.shape_cast %get3A_424 : vector<16xf32> to vector<1x16xf32>
      tpu.vector_store %arg10[%swap3A_425, %swap3A_426], %swap3A_429 {add = true, strides = array<i32>} : memref<128x32xf32, #tpu.memory_space<vmem>>, vector<1x16xf32>,
      %scan3A_430 = arith.constant 5 : i32
      %scan3A_431 = arith.addi %scan3A_308, %scan3A_430 : i32
      %mul3A_432 = arith.constant 1 : i32
      %mul3A_433 = arith.muli %scan3A_431, %mul3A_432 : i32
      %add3A_434 = arith.constant 0 : i32
      %add3A_435 = arith.addi %add3A_434, %mul3A_433 : i32
      %add3A_436 = arith.addi %rem3A_97, %add3A_435 : i32
      %get3A_437 = arith.index_cast %add3A_436 : i32 to index
      %get3A_438 = arith.constant 0 : index
      %get3A_439 = tpu.vector_load %arg7[%get3A_437, %get3A_438] {strides = array<i32>} : memref<328x32xf32, #tpu.memory_space<vmem>>, vector<1x16xf32>,
      %get3A_440 = vector.shape_cast %get3A_439 : vector<1x16xf32> to vector<16xf32>
      %swap3A_441 = arith.index_cast %add3A_435 : i32 to index
      %swap3A_442 = arith.constant 0 : index
      %swap3A_443 = tpu.vector_load %arg10[%swap3A_441, %swap3A_442] {strides = array<i32>} : memref<128x32xf32, #tpu.memory_space<vmem>>, vector<1x16xf32>,
      %swap3A_444 = vector.shape_cast %swap3A_443 : vector<1x16xf32> to vector<16xf32>
      %swap3A_445 = vector.shape_cast %get3A_440 : vector<16xf32> to vector<1x16xf32>
      tpu.vector_store %arg10[%swap3A_441, %swap3A_442], %swap3A_445 {add = true, strides = array<i32>} : memref<128x32xf32, #tpu.memory_space<vmem>>, vector<1x16xf32>,
      %get3A_446 = arith.index_cast %add3A_436 : i32 to index
      %get3A_447 = arith.constant 16 : index
      %get3A_448 = tpu.vector_load %arg7[%get3A_446, %get3A_447] {strides = array<i32>} : memref<328x32xf32, #tpu.memory_space<vmem>>, vector<1x16xf32>,
      %get3A_449 = vector.shape_cast %get3A_448 : vector<1x16xf32> to vector<16xf32>
      %swap3A_450 = arith.index_cast %add3A_435 : i32 to index
      %swap3A_451 = arith.constant 16 : index
      %swap3A_452 = tpu.vector_load %arg10[%swap3A_450, %swap3A_451] {strides = array<i32>} : memref<128x32xf32, #tpu.memory_space<vmem>>, vector<1x16xf32>,
      %swap3A_453 = vector.shape_cast %swap3A_452 : vector<1x16xf32> to vector<16xf32>
      %swap3A_454 = vector.shape_cast %get3A_449 : vector<16xf32> to vector<1x16xf32>
      tpu.vector_store %arg10[%swap3A_450, %swap3A_451], %swap3A_454 {add = true, strides = array<i32>} : memref<128x32xf32, #tpu.memory_space<vmem>>, vector<1x16xf32>,
      %scan3A_455 = arith.constant 6 : i32
      %scan3A_456 = arith.addi %scan3A_308, %scan3A_455 : i32
      %mul3A_457 = arith.constant 1 : i32
      %mul3A_458 = arith.muli %scan3A_456, %mul3A_457 : i32
      %add3A_459 = arith.constant 0 : i32
      %add3A_460 = arith.addi %add3A_459, %mul3A_458 : i32
      %add3A_461 = arith.addi %rem3A_97, %add3A_460 : i32
      %get3A_462 = arith.index_cast %add3A_461 : i32 to index
      %get3A_463 = arith.constant 0 : index
      %get3A_464 = tpu.vector_load %arg7[%get3A_462, %get3A_463] {strides = array<i32>} : memref<328x32xf32, #tpu.memory_space<vmem>>, vector<1x16xf32>,
      %get3A_465 = vector.shape_cast %get3A_464 : vector<1x16xf32> to vector<16xf32>
      %swap3A_466 = arith.index_cast %add3A_460 : i32 to index
      %swap3A_467 = arith.constant 0 : index
      %swap3A_468 = tpu.vector_load %arg10[%swap3A_466, %swap3A_467] {strides = array<i32>} : memref<128x32xf32, #tpu.memory_space<vmem>>, vector<1x16xf32>,
      %swap3A_469 = vector.shape_cast %swap3A_468 : vector<1x16xf32> to vector<16xf32>
      %swap3A_470 = vector.shape_cast %get3A_465 : vector<16xf32> to vector<1x16xf32>
      tpu.vector_store %arg10[%swap3A_466, %swap3A_467], %swap3A_470 {add = true, strides = array<i32>} : memref<128x32xf32, #tpu.memory_space<vmem>>, vector<1x16xf32>,
      %get3A_471 = arith.index_cast %add3A_461 : i32 to index
      %get3A_472 = arith.constant 16 : index
      %get3A_473 = tpu.vector_load %arg7[%get3A_471, %get3A_472] {strides = array<i32>} : memref<328x32xf32, #tpu.memory_space<vmem>>, vector<1x16xf32>,
      %get3A_474 = vector.shape_cast %get3A_473 : vector<1x16xf32> to vector<16xf32>
      %swap3A_475 = arith.index_cast %add3A_460 : i32 to index
      %swap3A_476 = arith.constant 16 : index
      %swap3A_477 = tpu.vector_load %arg10[%swap3A_475, %swap3A_476] {strides = array<i32>} : memref<128x32xf32, #tpu.memory_space<vmem>>, vector<1x16xf32>,
      %swap3A_478 = vector.shape_cast %swap3A_477 : vector<1x16xf32> to vector<16xf32>
      %swap3A_479 = vector.shape_cast %get3A_474 : vector<16xf32> to vector<1x16xf32>
      tpu.vector_store %arg10[%swap3A_475, %swap3A_476], %swap3A_479 {add = true, strides = array<i32>} : memref<128x32xf32, #tpu.memory_space<vmem>>, vector<1x16xf32>,
      %scan3A_480 = arith.constant 7 : i32
      %scan3A_481 = arith.addi %scan3A_308, %scan3A_480 : i32
      %mul3A_482 = arith.constant 1 : i32
      %mul3A_483 = arith.muli %scan3A_481, %mul3A_482 : i32
      %add3A_484 = arith.constant 0 : i32
      %add3A_485 = arith.addi %add3A_484, %mul3A_483 : i32
      %add3A_486 = arith.addi %rem3A_97, %add3A_485 : i32
      %get3A_487 = arith.index_cast %add3A_486 : i32 to index
      %get3A_488 = arith.constant 0 : index
      %get3A_489 = tpu.vector_load %arg7[%get3A_487, %get3A_488] {strides = array<i32>} : memref<328x32xf32, #tpu.memory_space<vmem>>, vector<1x16xf32>,
      %get3A_490 = vector.shape_cast %get3A_489 : vector<1x16xf32> to vector<16xf32>
      %swap3A_491 = arith.index_cast %add3A_485 : i32 to index
      %swap3A_492 = arith.constant 0 : index
      %swap3A_493 = tpu.vector_load %arg10[%swap3A_491, %swap3A_492] {strides = array<i32>} : memref<128x32xf32, #tpu.memory_space<vmem>>, vector<1x16xf32>,
      %swap3A_494 = vector.shape_cast %swap3A_493 : vector<1x16xf32> to vector<16xf32>
      %swap3A_495 = vector.shape_cast %get3A_490 : vector<16xf32> to vector<1x16xf32>
      tpu.vector_store %arg10[%swap3A_491, %swap3A_492], %swap3A_495 {add = true, strides = array<i32>} : memref<128x32xf32, #tpu.memory_space<vmem>>, vector<1x16xf32>,
      %get3A_496 = arith.index_cast %add3A_486 : i32 to index
      %get3A_497 = arith.constant 16 : index
      %get3A_498 = tpu.vector_load %arg7[%get3A_496, %get3A_497] {strides = array<i32>} : memref<328x32xf32, #tpu.memory_space<vmem>>, vector<1x16xf32>,
      %get3A_499 = vector.shape_cast %get3A_498 : vector<1x16xf32> to vector<16xf32>
      %swap3A_500 = arith.index_cast %add3A_485 : i32 to index
      %swap3A_501 = arith.constant 16 : index
      %swap3A_502 = tpu.vector_load %arg10[%swap3A_500, %swap3A_501] {strides = array<i32>} : memref<128x32xf32, #tpu.memory_space<vmem>>, vector<1x16xf32>,
      %swap3A_503 = vector.shape_cast %swap3A_502 : vector<1x16xf32> to vector<16xf32>
      %swap3A_504 = vector.shape_cast %get3A_499 : vector<16xf32> to vector<1x16xf32>
      tpu.vector_store %arg10[%swap3A_500, %swap3A_501], %swap3A_504 {add = true, strides = array<i32>} : memref<128x32xf32, #tpu.memory_space<vmem>>, vector<1x16xf32>,
    }
    %scan3A_102 = arith.constant 128 : i32
    %add3A_103 = arith.constant 2 : i32
    %add3A_104 = arith.addi %mul3A_2, %add3A_103 : i32
    %mul3A_105 = arith.constant 128 : i32
    %mul3A_106 = arith.muli %add3A_104, %mul3A_105 : i32
    %dma_start3A_107 = arith.constant 0 : i32
    %dma_start3A_108 = tpu.memref_slice %arg5[%mul3A_106, %dma_start3A_107] : memref<819200x32xf32, #tpu.memory_space<hbm>> -> memref<128x32xf32, #tpu.memory_space<hbm>>
    %dma_start3A_109 = arith.constant 0 : i32
    %dma_start3A_110 = tpu.memref_slice %arg5[%mul3A_106, %dma_start3A_109] : memref<819200x32xf32, #tpu.memory_space<hbm>> -> memref<128x32xf32, #tpu.memory_space<hbm>>
    tpu.enqueue_dma source(%arg10 : memref<128x32xf32, #tpu.memory_space<vmem>>) target(%dma_start3A_110 : memref<128x32xf32, #tpu.memory_space<hbm>>) target_semaphore(%arg18 : memref<!tpu.dma_semaphore, #tpu.memory_space<semaphore_mem>>)
    %add3A_111 = arith.constant 1 : i32
    %add3A_112 = arith.addi %mul3A_2, %add3A_111 : i32
    %mul3A_113 = arith.constant 128 : i32
    %mul3A_114 = arith.muli %add3A_112, %mul3A_113 : i32
    %dma_wait3A_115 = arith.constant 0 : i32
    %dma_wait3A_116 = tpu.memref_slice %arg5[%mul3A_114, %dma_wait3A_115] : memref<819200x32xf32, #tpu.memory_space<hbm>> -> memref<128x32xf32, #tpu.memory_space<hbm>>
    %dma_wait3A_117 = arith.constant 0 : i32
    %dma_wait3A_118 = tpu.memref_slice %arg5[%mul3A_114, %dma_wait3A_117] : memref<819200x32xf32, #tpu.memory_space<hbm>> -> memref<128x32xf32, #tpu.memory_space<hbm>>
    tpu.wait_dma2 semaphore(%arg17 : memref<!tpu.dma_semaphore, #tpu.memory_space<semaphore_mem>>) src(%arg9 : memref<128x32xf32, #tpu.memory_space<vmem>>) dst(%dma_wait3A_118 : memref<128x32xf32, #tpu.memory_space<hbm>>)
    %dma_start3A_119 = arith.constant 5 : i32
    %dma_start3A_120 = arith.constant 0 : i32
    %dma_start3A_121 = tpu.memref_slice %arg6[%dma_start3A_119, %dma_start3A_120] : memref<200x128xi32, #tpu.memory_space<vmem>> -> memref<1x128xi32, #tpu.memory_space<vmem>>
    %dma_start3A_122 = tpu.memref_squeeze %dma_start3A_121 : memref<1x128xi32, #tpu.memory_space<vmem>> -> memref<128xi32, #tpu.memory_space<vmem>>
    %dma_start3A_123 = arith.constant 0 : i32
    %dma_start3A_124 = arith.constant 0 : i32
    %dma_start3A_125 = tpu.memref_slice %arg3[%dma_start3A_123, %dma_start3A_124] : memref<1000000x32xf32, #tpu.memory_space<hbm>> -> memref<1000000x32xf32, #tpu.memory_space<hbm>>
    tpu.enqueue_indirect_dma source(%dma_start3A_125 : memref<1000000x32xf32, #tpu.memory_space<hbm>>) target(%arg9 : memref<128x32xf32, #tpu.memory_space<vmem>>) offsets(%dma_start3A_122 : memref<128xi32, #tpu.memory_space<vmem>>) semaphore(%arg13 : memref<!tpu.dma_semaphore, #tpu.memory_space<semaphore_mem>>)
    %dma_wait3A_126 = arith.constant 3 : i32
    %dma_wait3A_127 = arith.constant 0 : i32
    %dma_wait3A_128 = tpu.memref_slice %arg6[%dma_wait3A_126, %dma_wait3A_127] : memref<200x128xi32, #tpu.memory_space<vmem>> -> memref<1x128xi32, #tpu.memory_space<vmem>>
    %dma_wait3A_129 = tpu.memref_squeeze %dma_wait3A_128 : memref<1x128xi32, #tpu.memory_space<vmem>> -> memref<128xi32, #tpu.memory_space<vmem>>
    %dma_wait3A_130 = arith.constant 0 : i32
    %dma_wait3A_131 = arith.constant 0 : i32
    %dma_wait3A_132 = tpu.memref_slice %arg3[%dma_wait3A_130, %dma_wait3A_131] : memref<1000000x32xf32, #tpu.memory_space<hbm>> -> memref<1000000x32xf32, #tpu.memory_space<hbm>>
    tpu.wait_indirect_dma semaphore(%arg15 : memref<!tpu.dma_semaphore, #tpu.memory_space<semaphore_mem>>) src(%dma_wait3A_132 : memref<1000000x32xf32, #tpu.memory_space<hbm>>) dst(%arg11 : memref<128x32xf32, #tpu.memory_space<vmem>>)
    %rem3A_133 = arith.constant 384 : i32
    %rem3A_134 = arith.constant 200 : i32
    %rem3A_135 = arith.remsi %rem3A_133, %rem3A_134 : i32
    %scan3A_136 = arith.constant 0 : i32
    %scan3A_137 = arith.constant 128 : i32
    %scan3A_138 = arith.addi %scan3A_136, %scan3A_137 : i32
    %scan3A_139 = arith.constant 8 : i32
    scf.for %scan3A_308 = %scan3A_136 to %scan3A_138 step %scan3A_139  : i32 {
      %mul3A_309 = arith.constant 1 : i32
      %mul3A_310 = arith.muli %scan3A_308, %mul3A_309 : i32
      %add3A_311 = arith.constant 0 : i32
      %add3A_312 = arith.addi %add3A_311, %mul3A_310 : i32
      %add3A_313 = arith.addi %rem3A_135, %add3A_312 : i32
      %get3A = arith.index_cast %add3A_313 : i32 to index
      %get3A_314 = arith.constant 0 : index
      %get3A_315 = tpu.vector_load %arg7[%get3A, %get3A_314] {strides = array<i32>} : memref<328x32xf32, #tpu.memory_space<vmem>>, vector<1x16xf32>,
      %get3A_316 = vector.shape_cast %get3A_315 : vector<1x16xf32> to vector<16xf32>
      %swap3A = arith.index_cast %add3A_312 : i32 to index
      %swap3A_317 = arith.constant 0 : index
      %swap3A_318 = tpu.vector_load %arg11[%swap3A, %swap3A_317] {strides = array<i32>} : memref<128x32xf32, #tpu.memory_space<vmem>>, vector<1x16xf32>,
      %swap3A_319 = vector.shape_cast %swap3A_318 : vector<1x16xf32> to vector<16xf32>
      %swap3A_320 = vector.shape_cast %get3A_316 : vector<16xf32> to vector<1x16xf32>
      tpu.vector_store %arg11[%swap3A, %swap3A_317], %swap3A_320 {add = true, strides = array<i32>} : memref<128x32xf32, #tpu.memory_space<vmem>>, vector<1x16xf32>,
      %get3A_321 = arith.index_cast %add3A_313 : i32 to index
      %get3A_322 = arith.constant 16 : index
      %get3A_323 = tpu.vector_load %arg7[%get3A_321, %get3A_322] {strides = array<i32>} : memref<328x32xf32, #tpu.memory_space<vmem>>, vector<1x16xf32>,
      %get3A_324 = vector.shape_cast %get3A_323 : vector<1x16xf32> to vector<16xf32>
      %swap3A_325 = arith.index_cast %add3A_312 : i32 to index
      %swap3A_326 = arith.constant 16 : index
      %swap3A_327 = tpu.vector_load %arg11[%swap3A_325, %swap3A_326] {strides = array<i32>} : memref<128x32xf32, #tpu.memory_space<vmem>>, vector<1x16xf32>,
      %swap3A_328 = vector.shape_cast %swap3A_327 : vector<1x16xf32> to vector<16xf32>
      %swap3A_329 = vector.shape_cast %get3A_324 : vector<16xf32> to vector<1x16xf32>
      tpu.vector_store %arg11[%swap3A_325, %swap3A_326], %swap3A_329 {add = true, strides = array<i32>} : memref<128x32xf32, #tpu.memory_space<vmem>>, vector<1x16xf32>,
      %scan3A_330 = arith.constant 1 : i32
      %scan3A_331 = arith.addi %scan3A_308, %scan3A_330 : i32
      %mul3A_332 = arith.constant 1 : i32
      %mul3A_333 = arith.muli %scan3A_331, %mul3A_332 : i32
      %add3A_334 = arith.constant 0 : i32
      %add3A_335 = arith.addi %add3A_334, %mul3A_333 : i32
      %add3A_336 = arith.addi %rem3A_135, %add3A_335 : i32
      %get3A_337 = arith.index_cast %add3A_336 : i32 to index
      %get3A_338 = arith.constant 0 : index
      %get3A_339 = tpu.vector_load %arg7[%get3A_337, %get3A_338] {strides = array<i32>} : memref<328x32xf32, #tpu.memory_space<vmem>>, vector<1x16xf32>,
      %get3A_340 = vector.shape_cast %get3A_339 : vector<1x16xf32> to vector<16xf32>
      %swap3A_341 = arith.index_cast %add3A_335 : i32 to index
      %swap3A_342 = arith.constant 0 : index
      %swap3A_343 = tpu.vector_load %arg11[%swap3A_341, %swap3A_342] {strides = array<i32>} : memref<128x32xf32, #tpu.memory_space<vmem>>, vector<1x16xf32>,
      %swap3A_344 = vector.shape_cast %swap3A_343 : vector<1x16xf32> to vector<16xf32>
      %swap3A_345 = vector.shape_cast %get3A_340 : vector<16xf32> to vector<1x16xf32>
      tpu.vector_store %arg11[%swap3A_341, %swap3A_342], %swap3A_345 {add = true, strides = array<i32>} : memref<128x32xf32, #tpu.memory_space<vmem>>, vector<1x16xf32>,
      %get3A_346 = arith.index_cast %add3A_336 : i32 to index
      %get3A_347 = arith.constant 16 : index
      %get3A_348 = tpu.vector_load %arg7[%get3A_346, %get3A_347] {strides = array<i32>} : memref<328x32xf32, #tpu.memory_space<vmem>>, vector<1x16xf32>,
      %get3A_349 = vector.shape_cast %get3A_348 : vector<1x16xf32> to vector<16xf32>
      %swap3A_350 = arith.index_cast %add3A_335 : i32 to index
      %swap3A_351 = arith.constant 16 : index
      %swap3A_352 = tpu.vector_load %arg11[%swap3A_350, %swap3A_351] {strides = array<i32>} : memref<128x32xf32, #tpu.memory_space<vmem>>, vector<1x16xf32>,
      %swap3A_353 = vector.shape_cast %swap3A_352 : vector<1x16xf32> to vector<16xf32>
      %swap3A_354 = vector.shape_cast %get3A_349 : vector<16xf32> to vector<1x16xf32>
      tpu.vector_store %arg11[%swap3A_350, %swap3A_351], %swap3A_354 {add = true, strides = array<i32>} : memref<128x32xf32, #tpu.memory_space<vmem>>, vector<1x16xf32>,
      %scan3A_355 = arith.constant 2 : i32
      %scan3A_356 = arith.addi %scan3A_308, %scan3A_355 : i32
      %mul3A_357 = arith.constant 1 : i32
      %mul3A_358 = arith.muli %scan3A_356, %mul3A_357 : i32
      %add3A_359 = arith.constant 0 : i32
      %add3A_360 = arith.addi %add3A_359, %mul3A_358 : i32
      %add3A_361 = arith.addi %rem3A_135, %add3A_360 : i32
      %get3A_362 = arith.index_cast %add3A_361 : i32 to index
      %get3A_363 = arith.constant 0 : index
      %get3A_364 = tpu.vector_load %arg7[%get3A_362, %get3A_363] {strides = array<i32>} : memref<328x32xf32, #tpu.memory_space<vmem>>, vector<1x16xf32>,
      %get3A_365 = vector.shape_cast %get3A_364 : vector<1x16xf32> to vector<16xf32>
      %swap3A_366 = arith.index_cast %add3A_360 : i32 to index
      %swap3A_367 = arith.constant 0 : index
      %swap3A_368 = tpu.vector_load %arg11[%swap3A_366, %swap3A_367] {strides = array<i32>} : memref<128x32xf32, #tpu.memory_space<vmem>>, vector<1x16xf32>,
      %swap3A_369 = vector.shape_cast %swap3A_368 : vector<1x16xf32> to vector<16xf32>
      %swap3A_370 = vector.shape_cast %get3A_365 : vector<16xf32> to vector<1x16xf32>
      tpu.vector_store %arg11[%swap3A_366, %swap3A_367], %swap3A_370 {add = true, strides = array<i32>} : memref<128x32xf32, #tpu.memory_space<vmem>>, vector<1x16xf32>,
      %get3A_371 = arith.index_cast %add3A_361 : i32 to index
      %get3A_372 = arith.constant 16 : index
      %get3A_373 = tpu.vector_load %arg7[%get3A_371, %get3A_372] {strides = array<i32>} : memref<328x32xf32, #tpu.memory_space<vmem>>, vector<1x16xf32>,
      %get3A_374 = vector.shape_cast %get3A_373 : vector<1x16xf32> to vector<16xf32>
      %swap3A_375 = arith.index_cast %add3A_360 : i32 to index
      %swap3A_376 = arith.constant 16 : index
      %swap3A_377 = tpu.vector_load %arg11[%swap3A_375, %swap3A_376] {strides = array<i32>} : memref<128x32xf32, #tpu.memory_space<vmem>>, vector<1x16xf32>,
      %swap3A_378 = vector.shape_cast %swap3A_377 : vector<1x16xf32> to vector<16xf32>
      %swap3A_379 = vector.shape_cast %get3A_374 : vector<16xf32> to vector<1x16xf32>
      tpu.vector_store %arg11[%swap3A_375, %swap3A_376], %swap3A_379 {add = true, strides = array<i32>} : memref<128x32xf32, #tpu.memory_space<vmem>>, vector<1x16xf32>,
      %scan3A_380 = arith.constant 3 : i32
      %scan3A_381 = arith.addi %scan3A_308, %scan3A_380 : i32
      %mul3A_382 = arith.constant 1 : i32
      %mul3A_383 = arith.muli %scan3A_381, %mul3A_382 : i32
      %add3A_384 = arith.constant 0 : i32
      %add3A_385 = arith.addi %add3A_384, %mul3A_383 : i32
      %add3A_386 = arith.addi %rem3A_135, %add3A_385 : i32
      %get3A_387 = arith.index_cast %add3A_386 : i32 to index
      %get3A_388 = arith.constant 0 : index
      %get3A_389 = tpu.vector_load %arg7[%get3A_387, %get3A_388] {strides = array<i32>} : memref<328x32xf32, #tpu.memory_space<vmem>>, vector<1x16xf32>,
      %get3A_390 = vector.shape_cast %get3A_389 : vector<1x16xf32> to vector<16xf32>
      %swap3A_391 = arith.index_cast %add3A_385 : i32 to index
      %swap3A_392 = arith.constant 0 : index
      %swap3A_393 = tpu.vector_load %arg11[%swap3A_391, %swap3A_392] {strides = array<i32>} : memref<128x32xf32, #tpu.memory_space<vmem>>, vector<1x16xf32>,
      %swap3A_394 = vector.shape_cast %swap3A_393 : vector<1x16xf32> to vector<16xf32>
      %swap3A_395 = vector.shape_cast %get3A_390 : vector<16xf32> to vector<1x16xf32>
      tpu.vector_store %arg11[%swap3A_391, %swap3A_392], %swap3A_395 {add = true, strides = array<i32>} : memref<128x32xf32, #tpu.memory_space<vmem>>, vector<1x16xf32>,
      %get3A_396 = arith.index_cast %add3A_386 : i32 to index
      %get3A_397 = arith.constant 16 : index
      %get3A_398 = tpu.vector_load %arg7[%get3A_396, %get3A_397] {strides = array<i32>} : memref<328x32xf32, #tpu.memory_space<vmem>>, vector<1x16xf32>,
      %get3A_399 = vector.shape_cast %get3A_398 : vector<1x16xf32> to vector<16xf32>
      %swap3A_400 = arith.index_cast %add3A_385 : i32 to index
      %swap3A_401 = arith.constant 16 : index
      %swap3A_402 = tpu.vector_load %arg11[%swap3A_400, %swap3A_401] {strides = array<i32>} : memref<128x32xf32, #tpu.memory_space<vmem>>, vector<1x16xf32>,
      %swap3A_403 = vector.shape_cast %swap3A_402 : vector<1x16xf32> to vector<16xf32>
      %swap3A_404 = vector.shape_cast %get3A_399 : vector<16xf32> to vector<1x16xf32>
      tpu.vector_store %arg11[%swap3A_400, %swap3A_401], %swap3A_404 {add = true, strides = array<i32>} : memref<128x32xf32, #tpu.memory_space<vmem>>, vector<1x16xf32>,
      %scan3A_405 = arith.constant 4 : i32
      %scan3A_406 = arith.addi %scan3A_308, %scan3A_405 : i32
      %mul3A_407 = arith.constant 1 : i32
      %mul3A_408 = arith.muli %scan3A_406, %mul3A_407 : i32
      %add3A_409 = arith.constant 0 : i32
      %add3A_410 = arith.addi %add3A_409, %mul3A_408 : i32
      %add3A_411 = arith.addi %rem3A_135, %add3A_410 : i32
      %get3A_412 = arith.index_cast %add3A_411 : i32 to index
      %get3A_413 = arith.constant 0 : index
      %get3A_414 = tpu.vector_load %arg7[%get3A_412, %get3A_413] {strides = array<i32>} : memref<328x32xf32, #tpu.memory_space<vmem>>, vector<1x16xf32>,
      %get3A_415 = vector.shape_cast %get3A_414 : vector<1x16xf32> to vector<16xf32>
      %swap3A_416 = arith.index_cast %add3A_410 : i32 to index
      %swap3A_417 = arith.constant 0 : index
      %swap3A_418 = tpu.vector_load %arg11[%swap3A_416, %swap3A_417] {strides = array<i32>} : memref<128x32xf32, #tpu.memory_space<vmem>>, vector<1x16xf32>,
      %swap3A_419 = vector.shape_cast %swap3A_418 : vector<1x16xf32> to vector<16xf32>
      %swap3A_420 = vector.shape_cast %get3A_415 : vector<16xf32> to vector<1x16xf32>
      tpu.vector_store %arg11[%swap3A_416, %swap3A_417], %swap3A_420 {add = true, strides = array<i32>} : memref<128x32xf32, #tpu.memory_space<vmem>>, vector<1x16xf32>,
      %get3A_421 = arith.index_cast %add3A_411 : i32 to index
      %get3A_422 = arith.constant 16 : index
      %get3A_423 = tpu.vector_load %arg7[%get3A_421, %get3A_422] {strides = array<i32>} : memref<328x32xf32, #tpu.memory_space<vmem>>, vector<1x16xf32>,
      %get3A_424 = vector.shape_cast %get3A_423 : vector<1x16xf32> to vector<16xf32>
      %swap3A_425 = arith.index_cast %add3A_410 : i32 to index
      %swap3A_426 = arith.constant 16 : index
      %swap3A_427 = tpu.vector_load %arg11[%swap3A_425, %swap3A_426] {strides = array<i32>} : memref<128x32xf32, #tpu.memory_space<vmem>>, vector<1x16xf32>,
      %swap3A_428 = vector.shape_cast %swap3A_427 : vector<1x16xf32> to vector<16xf32>
      %swap3A_429 = vector.shape_cast %get3A_424 : vector<16xf32> to vector<1x16xf32>
      tpu.vector_store %arg11[%swap3A_425, %swap3A_426], %swap3A_429 {add = true, strides = array<i32>} : memref<128x32xf32, #tpu.memory_space<vmem>>, vector<1x16xf32>,
      %scan3A_430 = arith.constant 5 : i32
      %scan3A_431 = arith.addi %scan3A_308, %scan3A_430 : i32
      %mul3A_432 = arith.constant 1 : i32
      %mul3A_433 = arith.muli %scan3A_431, %mul3A_432 : i32
      %add3A_434 = arith.constant 0 : i32
      %add3A_435 = arith.addi %add3A_434, %mul3A_433 : i32
      %add3A_436 = arith.addi %rem3A_135, %add3A_435 : i32
      %get3A_437 = arith.index_cast %add3A_436 : i32 to index
      %get3A_438 = arith.constant 0 : index
      %get3A_439 = tpu.vector_load %arg7[%get3A_437, %get3A_438] {strides = array<i32>} : memref<328x32xf32, #tpu.memory_space<vmem>>, vector<1x16xf32>,
      %get3A_440 = vector.shape_cast %get3A_439 : vector<1x16xf32> to vector<16xf32>
      %swap3A_441 = arith.index_cast %add3A_435 : i32 to index
      %swap3A_442 = arith.constant 0 : index
      %swap3A_443 = tpu.vector_load %arg11[%swap3A_441, %swap3A_442] {strides = array<i32>} : memref<128x32xf32, #tpu.memory_space<vmem>>, vector<1x16xf32>,
      %swap3A_444 = vector.shape_cast %swap3A_443 : vector<1x16xf32> to vector<16xf32>
      %swap3A_445 = vector.shape_cast %get3A_440 : vector<16xf32> to vector<1x16xf32>
      tpu.vector_store %arg11[%swap3A_441, %swap3A_442], %swap3A_445 {add = true, strides = array<i32>} : memref<128x32xf32, #tpu.memory_space<vmem>>, vector<1x16xf32>,
      %get3A_446 = arith.index_cast %add3A_436 : i32 to index
      %get3A_447 = arith.constant 16 : index
      %get3A_448 = tpu.vector_load %arg7[%get3A_446, %get3A_447] {strides = array<i32>} : memref<328x32xf32, #tpu.memory_space<vmem>>, vector<1x16xf32>,
      %get3A_449 = vector.shape_cast %get3A_448 : vector<1x16xf32> to vector<16xf32>
      %swap3A_450 = arith.index_cast %add3A_435 : i32 to index
      %swap3A_451 = arith.constant 16 : index
      %swap3A_452 = tpu.vector_load %arg11[%swap3A_450, %swap3A_451] {strides = array<i32>} : memref<128x32xf32, #tpu.memory_space<vmem>>, vector<1x16xf32>,
      %swap3A_453 = vector.shape_cast %swap3A_452 : vector<1x16xf32> to vector<16xf32>
      %swap3A_454 = vector.shape_cast %get3A_449 : vector<16xf32> to vector<1x16xf32>
      tpu.vector_store %arg11[%swap3A_450, %swap3A_451], %swap3A_454 {add = true, strides = array<i32>} : memref<128x32xf32, #tpu.memory_space<vmem>>, vector<1x16xf32>,
      %scan3A_455 = arith.constant 6 : i32
      %scan3A_456 = arith.addi %scan3A_308, %scan3A_455 : i32
      %mul3A_457 = arith.constant 1 : i32
      %mul3A_458 = arith.muli %scan3A_456, %mul3A_457 : i32
      %add3A_459 = arith.constant 0 : i32
      %add3A_460 = arith.addi %add3A_459, %mul3A_458 : i32
      %add3A_461 = arith.addi %rem3A_135, %add3A_460 : i32
      %get3A_462 = arith.index_cast %add3A_461 : i32 to index
      %get3A_463 = arith.constant 0 : index
      %get3A_464 = tpu.vector_load %arg7[%get3A_462, %get3A_463] {strides = array<i32>} : memref<328x32xf32, #tpu.memory_space<vmem>>, vector<1x16xf32>,
      %get3A_465 = vector.shape_cast %get3A_464 : vector<1x16xf32> to vector<16xf32>
      %swap3A_466 = arith.index_cast %add3A_460 : i32 to index
      %swap3A_467 = arith.constant 0 : index
      %swap3A_468 = tpu.vector_load %arg11[%swap3A_466, %swap3A_467] {strides = array<i32>} : memref<128x32xf32, #tpu.memory_space<vmem>>, vector<1x16xf32>,
      %swap3A_469 = vector.shape_cast %swap3A_468 : vector<1x16xf32> to vector<16xf32>
      %swap3A_470 = vector.shape_cast %get3A_465 : vector<16xf32> to vector<1x16xf32>
      tpu.vector_store %arg11[%swap3A_466, %swap3A_467], %swap3A_470 {add = true, strides = array<i32>} : memref<128x32xf32, #tpu.memory_space<vmem>>, vector<1x16xf32>,
      %get3A_471 = arith.index_cast %add3A_461 : i32 to index
      %get3A_472 = arith.constant 16 : index
      %get3A_473 = tpu.vector_load %arg7[%get3A_471, %get3A_472] {strides = array<i32>} : memref<328x32xf32, #tpu.memory_space<vmem>>, vector<1x16xf32>,
      %get3A_474 = vector.shape_cast %get3A_473 : vector<1x16xf32> to vector<16xf32>
      %swap3A_475 = arith.index_cast %add3A_460 : i32 to index
      %swap3A_476 = arith.constant 16 : index
      %swap3A_477 = tpu.vector_load %arg11[%swap3A_475, %swap3A_476] {strides = array<i32>} : memref<128x32xf32, #tpu.memory_space<vmem>>, vector<1x16xf32>,
      %swap3A_478 = vector.shape_cast %swap3A_477 : vector<1x16xf32> to vector<16xf32>
      %swap3A_479 = vector.shape_cast %get3A_474 : vector<16xf32> to vector<1x16xf32>
      tpu.vector_store %arg11[%swap3A_475, %swap3A_476], %swap3A_479 {add = true, strides = array<i32>} : memref<128x32xf32, #tpu.memory_space<vmem>>, vector<1x16xf32>,
      %scan3A_480 = arith.constant 7 : i32
      %scan3A_481 = arith.addi %scan3A_308, %scan3A_480 : i32
      %mul3A_482 = arith.constant 1 : i32
      %mul3A_483 = arith.muli %scan3A_481, %mul3A_482 : i32
      %add3A_484 = arith.constant 0 : i32
      %add3A_485 = arith.addi %add3A_484, %mul3A_483 : i32
      %add3A_486 = arith.addi %rem3A_135, %add3A_485 : i32
      %get3A_487 = arith.index_cast %add3A_486 : i32 to index
      %get3A_488 = arith.constant 0 : index
      %get3A_489 = tpu.vector_load %arg7[%get3A_487, %get3A_488] {strides = array<i32>} : memref<328x32xf32, #tpu.memory_space<vmem>>, vector<1x16xf32>,
      %get3A_490 = vector.shape_cast %get3A_489 : vector<1x16xf32> to vector<16xf32>
      %swap3A_491 = arith.index_cast %add3A_485 : i32 to index
      %swap3A_492 = arith.constant 0 : index
      %swap3A_493 = tpu.vector_load %arg11[%swap3A_491, %swap3A_492] {strides = array<i32>} : memref<128x32xf32, #tpu.memory_space<vmem>>, vector<1x16xf32>,
      %swap3A_494 = vector.shape_cast %swap3A_493 : vector<1x16xf32> to vector<16xf32>
      %swap3A_495 = vector.shape_cast %get3A_490 : vector<16xf32> to vector<1x16xf32>
      tpu.vector_store %arg11[%swap3A_491, %swap3A_492], %swap3A_495 {add = true, strides = array<i32>} : memref<128x32xf32, #tpu.memory_space<vmem>>, vector<1x16xf32>,
      %get3A_496 = arith.index_cast %add3A_486 : i32 to index
      %get3A_497 = arith.constant 16 : index
      %get3A_498 = tpu.vector_load %arg7[%get3A_496, %get3A_497] {strides = array<i32>} : memref<328x32xf32, #tpu.memory_space<vmem>>, vector<1x16xf32>,
      %get3A_499 = vector.shape_cast %get3A_498 : vector<1x16xf32> to vector<16xf32>
      %swap3A_500 = arith.index_cast %add3A_485 : i32 to index
      %swap3A_501 = arith.constant 16 : index
      %swap3A_502 = tpu.vector_load %arg11[%swap3A_500, %swap3A_501] {strides = array<i32>} : memref<128x32xf32, #tpu.memory_space<vmem>>, vector<1x16xf32>,
      %swap3A_503 = vector.shape_cast %swap3A_502 : vector<1x16xf32> to vector<16xf32>
      %swap3A_504 = vector.shape_cast %get3A_499 : vector<16xf32> to vector<1x16xf32>
      tpu.vector_store %arg11[%swap3A_500, %swap3A_501], %swap3A_504 {add = true, strides = array<i32>} : memref<128x32xf32, #tpu.memory_space<vmem>>, vector<1x16xf32>,
    }
    %scan3A_140 = arith.constant 128 : i32
    %add3A_141 = arith.constant 3 : i32
    %add3A_142 = arith.addi %mul3A_2, %add3A_141 : i32
    %mul3A_143 = arith.constant 128 : i32
    %mul3A_144 = arith.muli %add3A_142, %mul3A_143 : i32
    %dma_start3A_145 = arith.constant 0 : i32
    %dma_start3A_146 = tpu.memref_slice %arg5[%mul3A_144, %dma_start3A_145] : memref<819200x32xf32, #tpu.memory_space<hbm>> -> memref<128x32xf32, #tpu.memory_space<hbm>>
    %dma_start3A_147 = arith.constant 0 : i32
    %dma_start3A_148 = tpu.memref_slice %arg5[%mul3A_144, %dma_start3A_147] : memref<819200x32xf32, #tpu.memory_space<hbm>> -> memref<128x32xf32, #tpu.memory_space<hbm>>
    tpu.enqueue_dma source(%arg11 : memref<128x32xf32, #tpu.memory_space<vmem>>) target(%dma_start3A_148 : memref<128x32xf32, #tpu.memory_space<hbm>>) target_semaphore(%arg19 : memref<!tpu.dma_semaphore, #tpu.memory_space<semaphore_mem>>)
    %add3A_149 = arith.constant 2 : i32
    %add3A_150 = arith.addi %mul3A_2, %add3A_149 : i32
    %mul3A_151 = arith.constant 128 : i32
    %mul3A_152 = arith.muli %add3A_150, %mul3A_151 : i32
    %dma_wait3A_153 = arith.constant 0 : i32
    %dma_wait3A_154 = tpu.memref_slice %arg5[%mul3A_152, %dma_wait3A_153] : memref<819200x32xf32, #tpu.memory_space<hbm>> -> memref<128x32xf32, #tpu.memory_space<hbm>>
    %dma_wait3A_155 = arith.constant 0 : i32
    %dma_wait3A_156 = tpu.memref_slice %arg5[%mul3A_152, %dma_wait3A_155] : memref<819200x32xf32, #tpu.memory_space<hbm>> -> memref<128x32xf32, #tpu.memory_space<hbm>>
    tpu.wait_dma2 semaphore(%arg18 : memref<!tpu.dma_semaphore, #tpu.memory_space<semaphore_mem>>) src(%arg10 : memref<128x32xf32, #tpu.memory_space<vmem>>) dst(%dma_wait3A_156 : memref<128x32xf32, #tpu.memory_space<hbm>>)
    %dma_start3A_157 = arith.constant 6 : i32
    %dma_start3A_158 = arith.constant 0 : i32
    %dma_start3A_159 = tpu.memref_slice %arg6[%dma_start3A_157, %dma_start3A_158] : memref<200x128xi32, #tpu.memory_space<vmem>> -> memref<1x128xi32, #tpu.memory_space<vmem>>
    %dma_start3A_160 = tpu.memref_squeeze %dma_start3A_159 : memref<1x128xi32, #tpu.memory_space<vmem>> -> memref<128xi32, #tpu.memory_space<vmem>>
    %dma_start3A_161 = arith.constant 0 : i32
    %dma_start3A_162 = arith.constant 0 : i32
    %dma_start3A_163 = tpu.memref_slice %arg3[%dma_start3A_161, %dma_start3A_162] : memref<1000000x32xf32, #tpu.memory_space<hbm>> -> memref<1000000x32xf32, #tpu.memory_space<hbm>>
    tpu.enqueue_indirect_dma source(%dma_start3A_163 : memref<1000000x32xf32, #tpu.memory_space<hbm>>) target(%arg10 : memref<128x32xf32, #tpu.memory_space<vmem>>) offsets(%dma_start3A_160 : memref<128xi32, #tpu.memory_space<vmem>>) semaphore(%arg14 : memref<!tpu.dma_semaphore, #tpu.memory_space<semaphore_mem>>)
    %scan3A_164 = arith.constant 0 : i32
    %scan3A_165 = arith.constant 48 : i32
    %scan3A_166 = arith.addi %scan3A_164, %scan3A_165 : i32
    %scan3A_167 = arith.constant 1 : i32
    scf.for %scan3A_308 = %scan3A_164 to %scan3A_166 step %scan3A_167  : i32 {
      %mul3A_309 = arith.constant 1 : i32
      %mul3A_310 = arith.muli %scan3A_308, %mul3A_309 : i32
      %add3A_311 = arith.constant 1 : i32
      %add3A_312 = arith.addi %add3A_311, %mul3A_310 : i32
      %mul3A_313 = arith.constant 4 : i32
      %mul3A_314 = arith.muli %add3A_312, %mul3A_313 : i32
      %add3A_315 = arith.constant 0 : i32
      %add3A_316 = arith.addi %mul3A_314, %add3A_315 : i32
      %dma_wait3A_317 = arith.constant 0 : i32
      %dma_wait3A_318 = tpu.memref_slice %arg6[%add3A_316, %dma_wait3A_317] : memref<200x128xi32, #tpu.memory_space<vmem>> -> memref<1x128xi32, #tpu.memory_space<vmem>>
      %dma_wait3A_319 = tpu.memref_squeeze %dma_wait3A_318 : memref<1x128xi32, #tpu.memory_space<vmem>> -> memref<128xi32, #tpu.memory_space<vmem>>
      %dma_wait3A_320 = arith.constant 0 : i32
      %dma_wait3A_321 = arith.constant 0 : i32
      %dma_wait3A_322 = tpu.memref_slice %arg3[%dma_wait3A_320, %dma_wait3A_321] : memref<1000000x32xf32, #tpu.memory_space<hbm>> -> memref<1000000x32xf32, #tpu.memory_space<hbm>>
      tpu.wait_indirect_dma semaphore(%arg12 : memref<!tpu.dma_semaphore, #tpu.memory_space<semaphore_mem>>) src(%dma_wait3A_322 : memref<1000000x32xf32, #tpu.memory_space<hbm>>) dst(%arg8 : memref<128x32xf32, #tpu.memory_space<vmem>>)
      %mul3A_323 = arith.constant 128 : i32
      %mul3A_324 = arith.muli %add3A_316, %mul3A_323 : i32
      %rem3A_325 = arith.constant 200 : i32
      %rem3A_326 = arith.remsi %mul3A_324, %rem3A_325 : i32
      %scan3A_327 = arith.constant 0 : i32
      %scan3A_328 = arith.constant 128 : i32
      %scan3A_329 = arith.addi %scan3A_327, %scan3A_328 : i32
      %scan3A_330 = arith.constant 8 : i32
      scf.for %scan3A_492 = %scan3A_327 to %scan3A_329 step %scan3A_330  : i32 {
        %mul3A_493 = arith.constant 1 : i32
        %mul3A_494 = arith.muli %scan3A_492, %mul3A_493 : i32
        %add3A_495 = arith.constant 0 : i32
        %add3A_496 = arith.addi %add3A_495, %mul3A_494 : i32
        %add3A_497 = arith.addi %rem3A_326, %add3A_496 : i32
        %get3A = arith.index_cast %add3A_497 : i32 to index
        %get3A_498 = arith.constant 0 : index
        %get3A_499 = tpu.vector_load %arg7[%get3A, %get3A_498] {strides = array<i32>} : memref<328x32xf32, #tpu.memory_space<vmem>>, vector<1x16xf32>,
        %get3A_500 = vector.shape_cast %get3A_499 : vector<1x16xf32> to vector<16xf32>
        %swap3A = arith.index_cast %add3A_496 : i32 to index
        %swap3A_501 = arith.constant 0 : index
        %swap3A_502 = tpu.vector_load %arg8[%swap3A, %swap3A_501] {strides = array<i32>} : memref<128x32xf32, #tpu.memory_space<vmem>>, vector<1x16xf32>,
        %swap3A_503 = vector.shape_cast %swap3A_502 : vector<1x16xf32> to vector<16xf32>
        %swap3A_504 = vector.shape_cast %get3A_500 : vector<16xf32> to vector<1x16xf32>
        tpu.vector_store %arg8[%swap3A, %swap3A_501], %swap3A_504 {add = true, strides = array<i32>} : memref<128x32xf32, #tpu.memory_space<vmem>>, vector<1x16xf32>,
        %get3A_505 = arith.index_cast %add3A_497 : i32 to index
        %get3A_506 = arith.constant 16 : index
        %get3A_507 = tpu.vector_load %arg7[%get3A_505, %get3A_506] {strides = array<i32>} : memref<328x32xf32, #tpu.memory_space<vmem>>, vector<1x16xf32>,
        %get3A_508 = vector.shape_cast %get3A_507 : vector<1x16xf32> to vector<16xf32>
        %swap3A_509 = arith.index_cast %add3A_496 : i32 to index
        %swap3A_510 = arith.constant 16 : index
        %swap3A_511 = tpu.vector_load %arg8[%swap3A_509, %swap3A_510] {strides = array<i32>} : memref<128x32xf32, #tpu.memory_space<vmem>>, vector<1x16xf32>,
        %swap3A_512 = vector.shape_cast %swap3A_511 : vector<1x16xf32> to vector<16xf32>
        %swap3A_513 = vector.shape_cast %get3A_508 : vector<16xf32> to vector<1x16xf32>
        tpu.vector_store %arg8[%swap3A_509, %swap3A_510], %swap3A_513 {add = true, strides = array<i32>} : memref<128x32xf32, #tpu.memory_space<vmem>>, vector<1x16xf32>,
        %scan3A_514 = arith.constant 1 : i32
        %scan3A_515 = arith.addi %scan3A_492, %scan3A_514 : i32
        %mul3A_516 = arith.constant 1 : i32
        %mul3A_517 = arith.muli %scan3A_515, %mul3A_516 : i32
        %add3A_518 = arith.constant 0 : i32
        %add3A_519 = arith.addi %add3A_518, %mul3A_517 : i32
        %add3A_520 = arith.addi %rem3A_326, %add3A_519 : i32
        %get3A_521 = arith.index_cast %add3A_520 : i32 to index
        %get3A_522 = arith.constant 0 : index
        %get3A_523 = tpu.vector_load %arg7[%get3A_521, %get3A_522] {strides = array<i32>} : memref<328x32xf32, #tpu.memory_space<vmem>>, vector<1x16xf32>,
        %get3A_524 = vector.shape_cast %get3A_523 : vector<1x16xf32> to vector<16xf32>
        %swap3A_525 = arith.index_cast %add3A_519 : i32 to index
        %swap3A_526 = arith.constant 0 : index
        %swap3A_527 = tpu.vector_load %arg8[%swap3A_525, %swap3A_526] {strides = array<i32>} : memref<128x32xf32, #tpu.memory_space<vmem>>, vector<1x16xf32>,
        %swap3A_528 = vector.shape_cast %swap3A_527 : vector<1x16xf32> to vector<16xf32>
        %swap3A_529 = vector.shape_cast %get3A_524 : vector<16xf32> to vector<1x16xf32>
        tpu.vector_store %arg8[%swap3A_525, %swap3A_526], %swap3A_529 {add = true, strides = array<i32>} : memref<128x32xf32, #tpu.memory_space<vmem>>, vector<1x16xf32>,
        %get3A_530 = arith.index_cast %add3A_520 : i32 to index
        %get3A_531 = arith.constant 16 : index
        %get3A_532 = tpu.vector_load %arg7[%get3A_530, %get3A_531] {strides = array<i32>} : memref<328x32xf32, #tpu.memory_space<vmem>>, vector<1x16xf32>,
        %get3A_533 = vector.shape_cast %get3A_532 : vector<1x16xf32> to vector<16xf32>
        %swap3A_534 = arith.index_cast %add3A_519 : i32 to index
        %swap3A_535 = arith.constant 16 : index
        %swap3A_536 = tpu.vector_load %arg8[%swap3A_534, %swap3A_535] {strides = array<i32>} : memref<128x32xf32, #tpu.memory_space<vmem>>, vector<1x16xf32>,
        %swap3A_537 = vector.shape_cast %swap3A_536 : vector<1x16xf32> to vector<16xf32>
        %swap3A_538 = vector.shape_cast %get3A_533 : vector<16xf32> to vector<1x16xf32>
        tpu.vector_store %arg8[%swap3A_534, %swap3A_535], %swap3A_538 {add = true, strides = array<i32>} : memref<128x32xf32, #tpu.memory_space<vmem>>, vector<1x16xf32>,
        %scan3A_539 = arith.constant 2 : i32
        %scan3A_540 = arith.addi %scan3A_492, %scan3A_539 : i32
        %mul3A_541 = arith.constant 1 : i32
        %mul3A_542 = arith.muli %scan3A_540, %mul3A_541 : i32
        %add3A_543 = arith.constant 0 : i32
        %add3A_544 = arith.addi %add3A_543, %mul3A_542 : i32
        %add3A_545 = arith.addi %rem3A_326, %add3A_544 : i32
        %get3A_546 = arith.index_cast %add3A_545 : i32 to index
        %get3A_547 = arith.constant 0 : index
        %get3A_548 = tpu.vector_load %arg7[%get3A_546, %get3A_547] {strides = array<i32>} : memref<328x32xf32, #tpu.memory_space<vmem>>, vector<1x16xf32>,
        %get3A_549 = vector.shape_cast %get3A_548 : vector<1x16xf32> to vector<16xf32>
        %swap3A_550 = arith.index_cast %add3A_544 : i32 to index
        %swap3A_551 = arith.constant 0 : index
        %swap3A_552 = tpu.vector_load %arg8[%swap3A_550, %swap3A_551] {strides = array<i32>} : memref<128x32xf32, #tpu.memory_space<vmem>>, vector<1x16xf32>,
        %swap3A_553 = vector.shape_cast %swap3A_552 : vector<1x16xf32> to vector<16xf32>
        %swap3A_554 = vector.shape_cast %get3A_549 : vector<16xf32> to vector<1x16xf32>
        tpu.vector_store %arg8[%swap3A_550, %swap3A_551], %swap3A_554 {add = true, strides = array<i32>} : memref<128x32xf32, #tpu.memory_space<vmem>>, vector<1x16xf32>,
        %get3A_555 = arith.index_cast %add3A_545 : i32 to index
        %get3A_556 = arith.constant 16 : index
        %get3A_557 = tpu.vector_load %arg7[%get3A_555, %get3A_556] {strides = array<i32>} : memref<328x32xf32, #tpu.memory_space<vmem>>, vector<1x16xf32>,
        %get3A_558 = vector.shape_cast %get3A_557 : vector<1x16xf32> to vector<16xf32>
        %swap3A_559 = arith.index_cast %add3A_544 : i32 to index
        %swap3A_560 = arith.constant 16 : index
        %swap3A_561 = tpu.vector_load %arg8[%swap3A_559, %swap3A_560] {strides = array<i32>} : memref<128x32xf32, #tpu.memory_space<vmem>>, vector<1x16xf32>,
        %swap3A_562 = vector.shape_cast %swap3A_561 : vector<1x16xf32> to vector<16xf32>
        %swap3A_563 = vector.shape_cast %get3A_558 : vector<16xf32> to vector<1x16xf32>
        tpu.vector_store %arg8[%swap3A_559, %swap3A_560], %swap3A_563 {add = true, strides = array<i32>} : memref<128x32xf32, #tpu.memory_space<vmem>>, vector<1x16xf32>,
        %scan3A_564 = arith.constant 3 : i32
        %scan3A_565 = arith.addi %scan3A_492, %scan3A_564 : i32
        %mul3A_566 = arith.constant 1 : i32
        %mul3A_567 = arith.muli %scan3A_565, %mul3A_566 : i32
        %add3A_568 = arith.constant 0 : i32
        %add3A_569 = arith.addi %add3A_568, %mul3A_567 : i32
        %add3A_570 = arith.addi %rem3A_326, %add3A_569 : i32
        %get3A_571 = arith.index_cast %add3A_570 : i32 to index
        %get3A_572 = arith.constant 0 : index
        %get3A_573 = tpu.vector_load %arg7[%get3A_571, %get3A_572] {strides = array<i32>} : memref<328x32xf32, #tpu.memory_space<vmem>>, vector<1x16xf32>,
        %get3A_574 = vector.shape_cast %get3A_573 : vector<1x16xf32> to vector<16xf32>
        %swap3A_575 = arith.index_cast %add3A_569 : i32 to index
        %swap3A_576 = arith.constant 0 : index
        %swap3A_577 = tpu.vector_load %arg8[%swap3A_575, %swap3A_576] {strides = array<i32>} : memref<128x32xf32, #tpu.memory_space<vmem>>, vector<1x16xf32>,
        %swap3A_578 = vector.shape_cast %swap3A_577 : vector<1x16xf32> to vector<16xf32>
        %swap3A_579 = vector.shape_cast %get3A_574 : vector<16xf32> to vector<1x16xf32>
        tpu.vector_store %arg8[%swap3A_575, %swap3A_576], %swap3A_579 {add = true, strides = array<i32>} : memref<128x32xf32, #tpu.memory_space<vmem>>, vector<1x16xf32>,
        %get3A_580 = arith.index_cast %add3A_570 : i32 to index
        %get3A_581 = arith.constant 16 : index
        %get3A_582 = tpu.vector_load %arg7[%get3A_580, %get3A_581] {strides = array<i32>} : memref<328x32xf32, #tpu.memory_space<vmem>>, vector<1x16xf32>,
        %get3A_583 = vector.shape_cast %get3A_582 : vector<1x16xf32> to vector<16xf32>
        %swap3A_584 = arith.index_cast %add3A_569 : i32 to index
        %swap3A_585 = arith.constant 16 : index
        %swap3A_586 = tpu.vector_load %arg8[%swap3A_584, %swap3A_585] {strides = array<i32>} : memref<128x32xf32, #tpu.memory_space<vmem>>, vector<1x16xf32>,
        %swap3A_587 = vector.shape_cast %swap3A_586 : vector<1x16xf32> to vector<16xf32>
        %swap3A_588 = vector.shape_cast %get3A_583 : vector<16xf32> to vector<1x16xf32>
        tpu.vector_store %arg8[%swap3A_584, %swap3A_585], %swap3A_588 {add = true, strides = array<i32>} : memref<128x32xf32, #tpu.memory_space<vmem>>, vector<1x16xf32>,
        %scan3A_589 = arith.constant 4 : i32
        %scan3A_590 = arith.addi %scan3A_492, %scan3A_589 : i32
        %mul3A_591 = arith.constant 1 : i32
        %mul3A_592 = arith.muli %scan3A_590, %mul3A_591 : i32
        %add3A_593 = arith.constant 0 : i32
        %add3A_594 = arith.addi %add3A_593, %mul3A_592 : i32
        %add3A_595 = arith.addi %rem3A_326, %add3A_594 : i32
        %get3A_596 = arith.index_cast %add3A_595 : i32 to index
        %get3A_597 = arith.constant 0 : index
        %get3A_598 = tpu.vector_load %arg7[%get3A_596, %get3A_597] {strides = array<i32>} : memref<328x32xf32, #tpu.memory_space<vmem>>, vector<1x16xf32>,
        %get3A_599 = vector.shape_cast %get3A_598 : vector<1x16xf32> to vector<16xf32>
        %swap3A_600 = arith.index_cast %add3A_594 : i32 to index
        %swap3A_601 = arith.constant 0 : index
        %swap3A_602 = tpu.vector_load %arg8[%swap3A_600, %swap3A_601] {strides = array<i32>} : memref<128x32xf32, #tpu.memory_space<vmem>>, vector<1x16xf32>,
        %swap3A_603 = vector.shape_cast %swap3A_602 : vector<1x16xf32> to vector<16xf32>
        %swap3A_604 = vector.shape_cast %get3A_599 : vector<16xf32> to vector<1x16xf32>
        tpu.vector_store %arg8[%swap3A_600, %swap3A_601], %swap3A_604 {add = true, strides = array<i32>} : memref<128x32xf32, #tpu.memory_space<vmem>>, vector<1x16xf32>,
        %get3A_605 = arith.index_cast %add3A_595 : i32 to index
        %get3A_606 = arith.constant 16 : index
        %get3A_607 = tpu.vector_load %arg7[%get3A_605, %get3A_606] {strides = array<i32>} : memref<328x32xf32, #tpu.memory_space<vmem>>, vector<1x16xf32>,
        %get3A_608 = vector.shape_cast %get3A_607 : vector<1x16xf32> to vector<16xf32>
        %swap3A_609 = arith.index_cast %add3A_594 : i32 to index
        %swap3A_610 = arith.constant 16 : index
        %swap3A_611 = tpu.vector_load %arg8[%swap3A_609, %swap3A_610] {strides = array<i32>} : memref<128x32xf32, #tpu.memory_space<vmem>>, vector<1x16xf32>,
        %swap3A_612 = vector.shape_cast %swap3A_611 : vector<1x16xf32> to vector<16xf32>
        %swap3A_613 = vector.shape_cast %get3A_608 : vector<16xf32> to vector<1x16xf32>
        tpu.vector_store %arg8[%swap3A_609, %swap3A_610], %swap3A_613 {add = true, strides = array<i32>} : memref<128x32xf32, #tpu.memory_space<vmem>>, vector<1x16xf32>,
        %scan3A_614 = arith.constant 5 : i32
        %scan3A_615 = arith.addi %scan3A_492, %scan3A_614 : i32
        %mul3A_616 = arith.constant 1 : i32
        %mul3A_617 = arith.muli %scan3A_615, %mul3A_616 : i32
        %add3A_618 = arith.constant 0 : i32
        %add3A_619 = arith.addi %add3A_618, %mul3A_617 : i32
        %add3A_620 = arith.addi %rem3A_326, %add3A_619 : i32
        %get3A_621 = arith.index_cast %add3A_620 : i32 to index
        %get3A_622 = arith.constant 0 : index
        %get3A_623 = tpu.vector_load %arg7[%get3A_621, %get3A_622] {strides = array<i32>} : memref<328x32xf32, #tpu.memory_space<vmem>>, vector<1x16xf32>,
        %get3A_624 = vector.shape_cast %get3A_623 : vector<1x16xf32> to vector<16xf32>
        %swap3A_625 = arith.index_cast %add3A_619 : i32 to index
        %swap3A_626 = arith.constant 0 : index
        %swap3A_627 = tpu.vector_load %arg8[%swap3A_625, %swap3A_626] {strides = array<i32>} : memref<128x32xf32, #tpu.memory_space<vmem>>, vector<1x16xf32>,
        %swap3A_628 = vector.shape_cast %swap3A_627 : vector<1x16xf32> to vector<16xf32>
        %swap3A_629 = vector.shape_cast %get3A_624 : vector<16xf32> to vector<1x16xf32>
        tpu.vector_store %arg8[%swap3A_625, %swap3A_626], %swap3A_629 {add = true, strides = array<i32>} : memref<128x32xf32, #tpu.memory_space<vmem>>, vector<1x16xf32>,
        %get3A_630 = arith.index_cast %add3A_620 : i32 to index
        %get3A_631 = arith.constant 16 : index
        %get3A_632 = tpu.vector_load %arg7[%get3A_630, %get3A_631] {strides = array<i32>} : memref<328x32xf32, #tpu.memory_space<vmem>>, vector<1x16xf32>,
        %get3A_633 = vector.shape_cast %get3A_632 : vector<1x16xf32> to vector<16xf32>
        %swap3A_634 = arith.index_cast %add3A_619 : i32 to index
        %swap3A_635 = arith.constant 16 : index
        %swap3A_636 = tpu.vector_load %arg8[%swap3A_634, %swap3A_635] {strides = array<i32>} : memref<128x32xf32, #tpu.memory_space<vmem>>, vector<1x16xf32>,
        %swap3A_637 = vector.shape_cast %swap3A_636 : vector<1x16xf32> to vector<16xf32>
        %swap3A_638 = vector.shape_cast %get3A_633 : vector<16xf32> to vector<1x16xf32>
        tpu.vector_store %arg8[%swap3A_634, %swap3A_635], %swap3A_638 {add = true, strides = array<i32>} : memref<128x32xf32, #tpu.memory_space<vmem>>, vector<1x16xf32>,
        %scan3A_639 = arith.constant 6 : i32
        %scan3A_640 = arith.addi %scan3A_492, %scan3A_639 : i32
        %mul3A_641 = arith.constant 1 : i32
        %mul3A_642 = arith.muli %scan3A_640, %mul3A_641 : i32
        %add3A_643 = arith.constant 0 : i32
        %add3A_644 = arith.addi %add3A_643, %mul3A_642 : i32
        %add3A_645 = arith.addi %rem3A_326, %add3A_644 : i32
        %get3A_646 = arith.index_cast %add3A_645 : i32 to index
        %get3A_647 = arith.constant 0 : index
        %get3A_648 = tpu.vector_load %arg7[%get3A_646, %get3A_647] {strides = array<i32>} : memref<328x32xf32, #tpu.memory_space<vmem>>, vector<1x16xf32>,
        %get3A_649 = vector.shape_cast %get3A_648 : vector<1x16xf32> to vector<16xf32>
        %swap3A_650 = arith.index_cast %add3A_644 : i32 to index
        %swap3A_651 = arith.constant 0 : index
        %swap3A_652 = tpu.vector_load %arg8[%swap3A_650, %swap3A_651] {strides = array<i32>} : memref<128x32xf32, #tpu.memory_space<vmem>>, vector<1x16xf32>,
        %swap3A_653 = vector.shape_cast %swap3A_652 : vector<1x16xf32> to vector<16xf32>
        %swap3A_654 = vector.shape_cast %get3A_649 : vector<16xf32> to vector<1x16xf32>
        tpu.vector_store %arg8[%swap3A_650, %swap3A_651], %swap3A_654 {add = true, strides = array<i32>} : memref<128x32xf32, #tpu.memory_space<vmem>>, vector<1x16xf32>,
        %get3A_655 = arith.index_cast %add3A_645 : i32 to index
        %get3A_656 = arith.constant 16 : index
        %get3A_657 = tpu.vector_load %arg7[%get3A_655, %get3A_656] {strides = array<i32>} : memref<328x32xf32, #tpu.memory_space<vmem>>, vector<1x16xf32>,
        %get3A_658 = vector.shape_cast %get3A_657 : vector<1x16xf32> to vector<16xf32>
        %swap3A_659 = arith.index_cast %add3A_644 : i32 to index
        %swap3A_660 = arith.constant 16 : index
        %swap3A_661 = tpu.vector_load %arg8[%swap3A_659, %swap3A_660] {strides = array<i32>} : memref<128x32xf32, #tpu.memory_space<vmem>>, vector<1x16xf32>,
        %swap3A_662 = vector.shape_cast %swap3A_661 : vector<1x16xf32> to vector<16xf32>
        %swap3A_663 = vector.shape_cast %get3A_658 : vector<16xf32> to vector<1x16xf32>
        tpu.vector_store %arg8[%swap3A_659, %swap3A_660], %swap3A_663 {add = true, strides = array<i32>} : memref<128x32xf32, #tpu.memory_space<vmem>>, vector<1x16xf32>,
        %scan3A_664 = arith.constant 7 : i32
        %scan3A_665 = arith.addi %scan3A_492, %scan3A_664 : i32
        %mul3A_666 = arith.constant 1 : i32
        %mul3A_667 = arith.muli %scan3A_665, %mul3A_666 : i32
        %add3A_668 = arith.constant 0 : i32
        %add3A_669 = arith.addi %add3A_668, %mul3A_667 : i32
        %add3A_670 = arith.addi %rem3A_326, %add3A_669 : i32
        %get3A_671 = arith.index_cast %add3A_670 : i32 to index
        %get3A_672 = arith.constant 0 : index
        %get3A_673 = tpu.vector_load %arg7[%get3A_671, %get3A_672] {strides = array<i32>} : memref<328x32xf32, #tpu.memory_space<vmem>>, vector<1x16xf32>,
        %get3A_674 = vector.shape_cast %get3A_673 : vector<1x16xf32> to vector<16xf32>
        %swap3A_675 = arith.index_cast %add3A_669 : i32 to index
        %swap3A_676 = arith.constant 0 : index
        %swap3A_677 = tpu.vector_load %arg8[%swap3A_675, %swap3A_676] {strides = array<i32>} : memref<128x32xf32, #tpu.memory_space<vmem>>, vector<1x16xf32>,
        %swap3A_678 = vector.shape_cast %swap3A_677 : vector<1x16xf32> to vector<16xf32>
        %swap3A_679 = vector.shape_cast %get3A_674 : vector<16xf32> to vector<1x16xf32>
        tpu.vector_store %arg8[%swap3A_675, %swap3A_676], %swap3A_679 {add = true, strides = array<i32>} : memref<128x32xf32, #tpu.memory_space<vmem>>, vector<1x16xf32>,
        %get3A_680 = arith.index_cast %add3A_670 : i32 to index
        %get3A_681 = arith.constant 16 : index
        %get3A_682 = tpu.vector_load %arg7[%get3A_680, %get3A_681] {strides = array<i32>} : memref<328x32xf32, #tpu.memory_space<vmem>>, vector<1x16xf32>,
        %get3A_683 = vector.shape_cast %get3A_682 : vector<1x16xf32> to vector<16xf32>
        %swap3A_684 = arith.index_cast %add3A_669 : i32 to index
        %swap3A_685 = arith.constant 16 : index
        %swap3A_686 = tpu.vector_load %arg8[%swap3A_684, %swap3A_685] {strides = array<i32>} : memref<128x32xf32, #tpu.memory_space<vmem>>, vector<1x16xf32>,
        %swap3A_687 = vector.shape_cast %swap3A_686 : vector<1x16xf32> to vector<16xf32>
        %swap3A_688 = vector.shape_cast %get3A_683 : vector<16xf32> to vector<1x16xf32>
        tpu.vector_store %arg8[%swap3A_684, %swap3A_685], %swap3A_688 {add = true, strides = array<i32>} : memref<128x32xf32, #tpu.memory_space<vmem>>, vector<1x16xf32>,
      }
      %scan3A_331 = arith.constant 128 : i32
      %add3A_332 = arith.addi %mul3A_2, %add3A_316 : i32
      %mul3A_333 = arith.constant 128 : i32
      %mul3A_334 = arith.muli %add3A_332, %mul3A_333 : i32
      %dma_start3A_335 = arith.constant 0 : i32
      %dma_start3A_336 = tpu.memref_slice %arg5[%mul3A_334, %dma_start3A_335] : memref<819200x32xf32, #tpu.memory_space<hbm>> -> memref<128x32xf32, #tpu.memory_space<hbm>>
      %dma_start3A_337 = arith.constant 0 : i32
      %dma_start3A_338 = tpu.memref_slice %arg5[%mul3A_334, %dma_start3A_337] : memref<819200x32xf32, #tpu.memory_space<hbm>> -> memref<128x32xf32, #tpu.memory_space<hbm>>
      tpu.enqueue_dma source(%arg8 : memref<128x32xf32, #tpu.memory_space<vmem>>) target(%dma_start3A_338 : memref<128x32xf32, #tpu.memory_space<hbm>>) target_semaphore(%arg16 : memref<!tpu.dma_semaphore, #tpu.memory_space<semaphore_mem>>)
      %sub3A = arith.constant 1 : i32
      %sub3A_339 = arith.subi %add3A_316, %sub3A : i32
      %add3A_340 = arith.addi %mul3A_2, %sub3A_339 : i32
      %mul3A_341 = arith.constant 128 : i32
      %mul3A_342 = arith.muli %add3A_340, %mul3A_341 : i32
      %dma_wait3A_343 = arith.constant 0 : i32
      %dma_wait3A_344 = tpu.memref_slice %arg5[%mul3A_342, %dma_wait3A_343] : memref<819200x32xf32, #tpu.memory_space<hbm>> -> memref<128x32xf32, #tpu.memory_space<hbm>>
      %dma_wait3A_345 = arith.constant 0 : i32
      %dma_wait3A_346 = tpu.memref_slice %arg5[%mul3A_342, %dma_wait3A_345] : memref<819200x32xf32, #tpu.memory_space<hbm>> -> memref<128x32xf32, #tpu.memory_space<hbm>>
      tpu.wait_dma2 semaphore(%arg19 : memref<!tpu.dma_semaphore, #tpu.memory_space<semaphore_mem>>) src(%arg11 : memref<128x32xf32, #tpu.memory_space<vmem>>) dst(%dma_wait3A_346 : memref<128x32xf32, #tpu.memory_space<hbm>>)
      %sub3A_347 = arith.constant 1 : i32
      %sub3A_348 = arith.subi %add3A_316, %sub3A_347 : i32
      %add3A_349 = arith.constant 4 : i32
      %add3A_350 = arith.addi %sub3A_348, %add3A_349 : i32
      %dma_start3A_351 = arith.constant 0 : i32
      %dma_start3A_352 = tpu.memref_slice %arg6[%add3A_350, %dma_start3A_351] : memref<200x128xi32, #tpu.memory_space<vmem>> -> memref<1x128xi32, #tpu.memory_space<vmem>>
      %dma_start3A_353 = tpu.memref_squeeze %dma_start3A_352 : memref<1x128xi32, #tpu.memory_space<vmem>> -> memref<128xi32, #tpu.memory_space<vmem>>
      %dma_start3A_354 = arith.constant 0 : i32
      %dma_start3A_355 = arith.constant 0 : i32
      %dma_start3A_356 = tpu.memref_slice %arg3[%dma_start3A_354, %dma_start3A_355] : memref<1000000x32xf32, #tpu.memory_space<hbm>> -> memref<1000000x32xf32, #tpu.memory_space<hbm>>
      tpu.enqueue_indirect_dma source(%dma_start3A_356 : memref<1000000x32xf32, #tpu.memory_space<hbm>>) target(%arg11 : memref<128x32xf32, #tpu.memory_space<vmem>>) offsets(%dma_start3A_353 : memref<128xi32, #tpu.memory_space<vmem>>) semaphore(%arg15 : memref<!tpu.dma_semaphore, #tpu.memory_space<semaphore_mem>>)
      %mul3A_357 = arith.constant 4 : i32
      %mul3A_358 = arith.muli %add3A_312, %mul3A_357 : i32
      %add3A_359 = arith.constant 1 : i32
      %add3A_360 = arith.addi %mul3A_358, %add3A_359 : i32
      %dma_wait3A_361 = arith.constant 0 : i32
      %dma_wait3A_362 = tpu.memref_slice %arg6[%add3A_360, %dma_wait3A_361] : memref<200x128xi32, #tpu.memory_space<vmem>> -> memref<1x128xi32, #tpu.memory_space<vmem>>
      %dma_wait3A_363 = tpu.memref_squeeze %dma_wait3A_362 : memref<1x128xi32, #tpu.memory_space<vmem>> -> memref<128xi32, #tpu.memory_space<vmem>>
      %dma_wait3A_364 = arith.constant 0 : i32
      %dma_wait3A_365 = arith.constant 0 : i32
      %dma_wait3A_366 = tpu.memref_slice %arg3[%dma_wait3A_364, %dma_wait3A_365] : memref<1000000x32xf32, #tpu.memory_space<hbm>> -> memref<1000000x32xf32, #tpu.memory_space<hbm>>
      tpu.wait_indirect_dma semaphore(%arg13 : memref<!tpu.dma_semaphore, #tpu.memory_space<semaphore_mem>>) src(%dma_wait3A_366 : memref<1000000x32xf32, #tpu.memory_space<hbm>>) dst(%arg9 : memref<128x32xf32, #tpu.memory_space<vmem>>)
      %mul3A_367 = arith.constant 128 : i32
      %mul3A_368 = arith.muli %add3A_360, %mul3A_367 : i32
      %rem3A_369 = arith.constant 200 : i32
      %rem3A_370 = arith.remsi %mul3A_368, %rem3A_369 : i32
      %scan3A_371 = arith.constant 0 : i32
      %scan3A_372 = arith.constant 128 : i32
      %scan3A_373 = arith.addi %scan3A_371, %scan3A_372 : i32
      %scan3A_374 = arith.constant 8 : i32
      scf.for %scan3A_492 = %scan3A_371 to %scan3A_373 step %scan3A_374  : i32 {
        %mul3A_493 = arith.constant 1 : i32
        %mul3A_494 = arith.muli %scan3A_492, %mul3A_493 : i32
        %add3A_495 = arith.constant 0 : i32
        %add3A_496 = arith.addi %add3A_495, %mul3A_494 : i32
        %add3A_497 = arith.addi %rem3A_370, %add3A_496 : i32
        %get3A = arith.index_cast %add3A_497 : i32 to index
        %get3A_498 = arith.constant 0 : index
        %get3A_499 = tpu.vector_load %arg7[%get3A, %get3A_498] {strides = array<i32>} : memref<328x32xf32, #tpu.memory_space<vmem>>, vector<1x16xf32>,
        %get3A_500 = vector.shape_cast %get3A_499 : vector<1x16xf32> to vector<16xf32>
        %swap3A = arith.index_cast %add3A_496 : i32 to index
        %swap3A_501 = arith.constant 0 : index
        %swap3A_502 = tpu.vector_load %arg9[%swap3A, %swap3A_501] {strides = array<i32>} : memref<128x32xf32, #tpu.memory_space<vmem>>, vector<1x16xf32>,
        %swap3A_503 = vector.shape_cast %swap3A_502 : vector<1x16xf32> to vector<16xf32>
        %swap3A_504 = vector.shape_cast %get3A_500 : vector<16xf32> to vector<1x16xf32>
        tpu.vector_store %arg9[%swap3A, %swap3A_501], %swap3A_504 {add = true, strides = array<i32>} : memref<128x32xf32, #tpu.memory_space<vmem>>, vector<1x16xf32>,
        %get3A_505 = arith.index_cast %add3A_497 : i32 to index
        %get3A_506 = arith.constant 16 : index
        %get3A_507 = tpu.vector_load %arg7[%get3A_505, %get3A_506] {strides = array<i32>} : memref<328x32xf32, #tpu.memory_space<vmem>>, vector<1x16xf32>,
        %get3A_508 = vector.shape_cast %get3A_507 : vector<1x16xf32> to vector<16xf32>
        %swap3A_509 = arith.index_cast %add3A_496 : i32 to index
        %swap3A_510 = arith.constant 16 : index
        %swap3A_511 = tpu.vector_load %arg9[%swap3A_509, %swap3A_510] {strides = array<i32>} : memref<128x32xf32, #tpu.memory_space<vmem>>, vector<1x16xf32>,
        %swap3A_512 = vector.shape_cast %swap3A_511 : vector<1x16xf32> to vector<16xf32>
        %swap3A_513 = vector.shape_cast %get3A_508 : vector<16xf32> to vector<1x16xf32>
        tpu.vector_store %arg9[%swap3A_509, %swap3A_510], %swap3A_513 {add = true, strides = array<i32>} : memref<128x32xf32, #tpu.memory_space<vmem>>, vector<1x16xf32>,
        %scan3A_514 = arith.constant 1 : i32
        %scan3A_515 = arith.addi %scan3A_492, %scan3A_514 : i32
        %mul3A_516 = arith.constant 1 : i32
        %mul3A_517 = arith.muli %scan3A_515, %mul3A_516 : i32
        %add3A_518 = arith.constant 0 : i32
        %add3A_519 = arith.addi %add3A_518, %mul3A_517 : i32
        %add3A_520 = arith.addi %rem3A_370, %add3A_519 : i32
        %get3A_521 = arith.index_cast %add3A_520 : i32 to index
        %get3A_522 = arith.constant 0 : index
        %get3A_523 = tpu.vector_load %arg7[%get3A_521, %get3A_522] {strides = array<i32>} : memref<328x32xf32, #tpu.memory_space<vmem>>, vector<1x16xf32>,
        %get3A_524 = vector.shape_cast %get3A_523 : vector<1x16xf32> to vector<16xf32>
        %swap3A_525 = arith.index_cast %add3A_519 : i32 to index
        %swap3A_526 = arith.constant 0 : index
        %swap3A_527 = tpu.vector_load %arg9[%swap3A_525, %swap3A_526] {strides = array<i32>} : memref<128x32xf32, #tpu.memory_space<vmem>>, vector<1x16xf32>,
        %swap3A_528 = vector.shape_cast %swap3A_527 : vector<1x16xf32> to vector<16xf32>
        %swap3A_529 = vector.shape_cast %get3A_524 : vector<16xf32> to vector<1x16xf32>
        tpu.vector_store %arg9[%swap3A_525, %swap3A_526], %swap3A_529 {add = true, strides = array<i32>} : memref<128x32xf32, #tpu.memory_space<vmem>>, vector<1x16xf32>,
        %get3A_530 = arith.index_cast %add3A_520 : i32 to index
        %get3A_531 = arith.constant 16 : index
        %get3A_532 = tpu.vector_load %arg7[%get3A_530, %get3A_531] {strides = array<i32>} : memref<328x32xf32, #tpu.memory_space<vmem>>, vector<1x16xf32>,
        %get3A_533 = vector.shape_cast %get3A_532 : vector<1x16xf32> to vector<16xf32>
        %swap3A_534 = arith.index_cast %add3A_519 : i32 to index
        %swap3A_535 = arith.constant 16 : index
        %swap3A_536 = tpu.vector_load %arg9[%swap3A_534, %swap3A_535] {strides = array<i32>} : memref<128x32xf32, #tpu.memory_space<vmem>>, vector<1x16xf32>,
        %swap3A_537 = vector.shape_cast %swap3A_536 : vector<1x16xf32> to vector<16xf32>
        %swap3A_538 = vector.shape_cast %get3A_533 : vector<16xf32> to vector<1x16xf32>
        tpu.vector_store %arg9[%swap3A_534, %swap3A_535], %swap3A_538 {add = true, strides = array<i32>} : memref<128x32xf32, #tpu.memory_space<vmem>>, vector<1x16xf32>,
        %scan3A_539 = arith.constant 2 : i32
        %scan3A_540 = arith.addi %scan3A_492, %scan3A_539 : i32
        %mul3A_541 = arith.constant 1 : i32
        %mul3A_542 = arith.muli %scan3A_540, %mul3A_541 : i32
        %add3A_543 = arith.constant 0 : i32
        %add3A_544 = arith.addi %add3A_543, %mul3A_542 : i32
        %add3A_545 = arith.addi %rem3A_370, %add3A_544 : i32
        %get3A_546 = arith.index_cast %add3A_545 : i32 to index
        %get3A_547 = arith.constant 0 : index
        %get3A_548 = tpu.vector_load %arg7[%get3A_546, %get3A_547] {strides = array<i32>} : memref<328x32xf32, #tpu.memory_space<vmem>>, vector<1x16xf32>,
        %get3A_549 = vector.shape_cast %get3A_548 : vector<1x16xf32> to vector<16xf32>
        %swap3A_550 = arith.index_cast %add3A_544 : i32 to index
        %swap3A_551 = arith.constant 0 : index
        %swap3A_552 = tpu.vector_load %arg9[%swap3A_550, %swap3A_551] {strides = array<i32>} : memref<128x32xf32, #tpu.memory_space<vmem>>, vector<1x16xf32>,
        %swap3A_553 = vector.shape_cast %swap3A_552 : vector<1x16xf32> to vector<16xf32>
        %swap3A_554 = vector.shape_cast %get3A_549 : vector<16xf32> to vector<1x16xf32>
        tpu.vector_store %arg9[%swap3A_550, %swap3A_551], %swap3A_554 {add = true, strides = array<i32>} : memref<128x32xf32, #tpu.memory_space<vmem>>, vector<1x16xf32>,
        %get3A_555 = arith.index_cast %add3A_545 : i32 to index
        %get3A_556 = arith.constant 16 : index
        %get3A_557 = tpu.vector_load %arg7[%get3A_555, %get3A_556] {strides = array<i32>} : memref<328x32xf32, #tpu.memory_space<vmem>>, vector<1x16xf32>,
        %get3A_558 = vector.shape_cast %get3A_557 : vector<1x16xf32> to vector<16xf32>
        %swap3A_559 = arith.index_cast %add3A_544 : i32 to index
        %swap3A_560 = arith.constant 16 : index
        %swap3A_561 = tpu.vector_load %arg9[%swap3A_559, %swap3A_560] {strides = array<i32>} : memref<128x32xf32, #tpu.memory_space<vmem>>, vector<1x16xf32>,
        %swap3A_562 = vector.shape_cast %swap3A_561 : vector<1x16xf32> to vector<16xf32>
        %swap3A_563 = vector.shape_cast %get3A_558 : vector<16xf32> to vector<1x16xf32>
        tpu.vector_store %arg9[%swap3A_559, %swap3A_560], %swap3A_563 {add = true, strides = array<i32>} : memref<128x32xf32, #tpu.memory_space<vmem>>, vector<1x16xf32>,
        %scan3A_564 = arith.constant 3 : i32
        %scan3A_565 = arith.addi %scan3A_492, %scan3A_564 : i32
        %mul3A_566 = arith.constant 1 : i32
        %mul3A_567 = arith.muli %scan3A_565, %mul3A_566 : i32
        %add3A_568 = arith.constant 0 : i32
        %add3A_569 = arith.addi %add3A_568, %mul3A_567 : i32
        %add3A_570 = arith.addi %rem3A_370, %add3A_569 : i32
        %get3A_571 = arith.index_cast %add3A_570 : i32 to index
        %get3A_572 = arith.constant 0 : index
        %get3A_573 = tpu.vector_load %arg7[%get3A_571, %get3A_572] {strides = array<i32>} : memref<328x32xf32, #tpu.memory_space<vmem>>, vector<1x16xf32>,
        %get3A_574 = vector.shape_cast %get3A_573 : vector<1x16xf32> to vector<16xf32>
        %swap3A_575 = arith.index_cast %add3A_569 : i32 to index
        %swap3A_576 = arith.constant 0 : index
        %swap3A_577 = tpu.vector_load %arg9[%swap3A_575, %swap3A_576] {strides = array<i32>} : memref<128x32xf32, #tpu.memory_space<vmem>>, vector<1x16xf32>,
        %swap3A_578 = vector.shape_cast %swap3A_577 : vector<1x16xf32> to vector<16xf32>
        %swap3A_579 = vector.shape_cast %get3A_574 : vector<16xf32> to vector<1x16xf32>
        tpu.vector_store %arg9[%swap3A_575, %swap3A_576], %swap3A_579 {add = true, strides = array<i32>} : memref<128x32xf32, #tpu.memory_space<vmem>>, vector<1x16xf32>,
        %get3A_580 = arith.index_cast %add3A_570 : i32 to index
        %get3A_581 = arith.constant 16 : index
        %get3A_582 = tpu.vector_load %arg7[%get3A_580, %get3A_581] {strides = array<i32>} : memref<328x32xf32, #tpu.memory_space<vmem>>, vector<1x16xf32>,
        %get3A_583 = vector.shape_cast %get3A_582 : vector<1x16xf32> to vector<16xf32>
        %swap3A_584 = arith.index_cast %add3A_569 : i32 to index
        %swap3A_585 = arith.constant 16 : index
        %swap3A_586 = tpu.vector_load %arg9[%swap3A_584, %swap3A_585] {strides = array<i32>} : memref<128x32xf32, #tpu.memory_space<vmem>>, vector<1x16xf32>,
        %swap3A_587 = vector.shape_cast %swap3A_586 : vector<1x16xf32> to vector<16xf32>
        %swap3A_588 = vector.shape_cast %get3A_583 : vector<16xf32> to vector<1x16xf32>
        tpu.vector_store %arg9[%swap3A_584, %swap3A_585], %swap3A_588 {add = true, strides = array<i32>} : memref<128x32xf32, #tpu.memory_space<vmem>>, vector<1x16xf32>,
        %scan3A_589 = arith.constant 4 : i32
        %scan3A_590 = arith.addi %scan3A_492, %scan3A_589 : i32
        %mul3A_591 = arith.constant 1 : i32
        %mul3A_592 = arith.muli %scan3A_590, %mul3A_591 : i32
        %add3A_593 = arith.constant 0 : i32
        %add3A_594 = arith.addi %add3A_593, %mul3A_592 : i32
        %add3A_595 = arith.addi %rem3A_370, %add3A_594 : i32
        %get3A_596 = arith.index_cast %add3A_595 : i32 to index
        %get3A_597 = arith.constant 0 : index
        %get3A_598 = tpu.vector_load %arg7[%get3A_596, %get3A_597] {strides = array<i32>} : memref<328x32xf32, #tpu.memory_space<vmem>>, vector<1x16xf32>,
        %get3A_599 = vector.shape_cast %get3A_598 : vector<1x16xf32> to vector<16xf32>
        %swap3A_600 = arith.index_cast %add3A_594 : i32 to index
        %swap3A_601 = arith.constant 0 : index
        %swap3A_602 = tpu.vector_load %arg9[%swap3A_600, %swap3A_601] {strides = array<i32>} : memref<128x32xf32, #tpu.memory_space<vmem>>, vector<1x16xf32>,
        %swap3A_603 = vector.shape_cast %swap3A_602 : vector<1x16xf32> to vector<16xf32>
        %swap3A_604 = vector.shape_cast %get3A_599 : vector<16xf32> to vector<1x16xf32>
        tpu.vector_store %arg9[%swap3A_600, %swap3A_601], %swap3A_604 {add = true, strides = array<i32>} : memref<128x32xf32, #tpu.memory_space<vmem>>, vector<1x16xf32>,
        %get3A_605 = arith.index_cast %add3A_595 : i32 to index
        %get3A_606 = arith.constant 16 : index
        %get3A_607 = tpu.vector_load %arg7[%get3A_605, %get3A_606] {strides = array<i32>} : memref<328x32xf32, #tpu.memory_space<vmem>>, vector<1x16xf32>,
        %get3A_608 = vector.shape_cast %get3A_607 : vector<1x16xf32> to vector<16xf32>
        %swap3A_609 = arith.index_cast %add3A_594 : i32 to index
        %swap3A_610 = arith.constant 16 : index
        %swap3A_611 = tpu.vector_load %arg9[%swap3A_609, %swap3A_610] {strides = array<i32>} : memref<128x32xf32, #tpu.memory_space<vmem>>, vector<1x16xf32>,
        %swap3A_612 = vector.shape_cast %swap3A_611 : vector<1x16xf32> to vector<16xf32>
        %swap3A_613 = vector.shape_cast %get3A_608 : vector<16xf32> to vector<1x16xf32>
        tpu.vector_store %arg9[%swap3A_609, %swap3A_610], %swap3A_613 {add = true, strides = array<i32>} : memref<128x32xf32, #tpu.memory_space<vmem>>, vector<1x16xf32>,
        %scan3A_614 = arith.constant 5 : i32
        %scan3A_615 = arith.addi %scan3A_492, %scan3A_614 : i32
        %mul3A_616 = arith.constant 1 : i32
        %mul3A_617 = arith.muli %scan3A_615, %mul3A_616 : i32
        %add3A_618 = arith.constant 0 : i32
        %add3A_619 = arith.addi %add3A_618, %mul3A_617 : i32
        %add3A_620 = arith.addi %rem3A_370, %add3A_619 : i32
        %get3A_621 = arith.index_cast %add3A_620 : i32 to index
        %get3A_622 = arith.constant 0 : index
        %get3A_623 = tpu.vector_load %arg7[%get3A_621, %get3A_622] {strides = array<i32>} : memref<328x32xf32, #tpu.memory_space<vmem>>, vector<1x16xf32>,
        %get3A_624 = vector.shape_cast %get3A_623 : vector<1x16xf32> to vector<16xf32>
        %swap3A_625 = arith.index_cast %add3A_619 : i32 to index
        %swap3A_626 = arith.constant 0 : index
        %swap3A_627 = tpu.vector_load %arg9[%swap3A_625, %swap3A_626] {strides = array<i32>} : memref<128x32xf32, #tpu.memory_space<vmem>>, vector<1x16xf32>,
        %swap3A_628 = vector.shape_cast %swap3A_627 : vector<1x16xf32> to vector<16xf32>
        %swap3A_629 = vector.shape_cast %get3A_624 : vector<16xf32> to vector<1x16xf32>
        tpu.vector_store %arg9[%swap3A_625, %swap3A_626], %swap3A_629 {add = true, strides = array<i32>} : memref<128x32xf32, #tpu.memory_space<vmem>>, vector<1x16xf32>,
        %get3A_630 = arith.index_cast %add3A_620 : i32 to index
        %get3A_631 = arith.constant 16 : index
        %get3A_632 = tpu.vector_load %arg7[%get3A_630, %get3A_631] {strides = array<i32>} : memref<328x32xf32, #tpu.memory_space<vmem>>, vector<1x16xf32>,
        %get3A_633 = vector.shape_cast %get3A_632 : vector<1x16xf32> to vector<16xf32>
        %swap3A_634 = arith.index_cast %add3A_619 : i32 to index
        %swap3A_635 = arith.constant 16 : index
        %swap3A_636 = tpu.vector_load %arg9[%swap3A_634, %swap3A_635] {strides = array<i32>} : memref<128x32xf32, #tpu.memory_space<vmem>>, vector<1x16xf32>,
        %swap3A_637 = vector.shape_cast %swap3A_636 : vector<1x16xf32> to vector<16xf32>
        %swap3A_638 = vector.shape_cast %get3A_633 : vector<16xf32> to vector<1x16xf32>
        tpu.vector_store %arg9[%swap3A_634, %swap3A_635], %swap3A_638 {add = true, strides = array<i32>} : memref<128x32xf32, #tpu.memory_space<vmem>>, vector<1x16xf32>,
        %scan3A_639 = arith.constant 6 : i32
        %scan3A_640 = arith.addi %scan3A_492, %scan3A_639 : i32
        %mul3A_641 = arith.constant 1 : i32
        %mul3A_642 = arith.muli %scan3A_640, %mul3A_641 : i32
        %add3A_643 = arith.constant 0 : i32
        %add3A_644 = arith.addi %add3A_643, %mul3A_642 : i32
        %add3A_645 = arith.addi %rem3A_370, %add3A_644 : i32
        %get3A_646 = arith.index_cast %add3A_645 : i32 to index
        %get3A_647 = arith.constant 0 : index
        %get3A_648 = tpu.vector_load %arg7[%get3A_646, %get3A_647] {strides = array<i32>} : memref<328x32xf32, #tpu.memory_space<vmem>>, vector<1x16xf32>,
        %get3A_649 = vector.shape_cast %get3A_648 : vector<1x16xf32> to vector<16xf32>
        %swap3A_650 = arith.index_cast %add3A_644 : i32 to index
        %swap3A_651 = arith.constant 0 : index
        %swap3A_652 = tpu.vector_load %arg9[%swap3A_650, %swap3A_651] {strides = array<i32>} : memref<128x32xf32, #tpu.memory_space<vmem>>, vector<1x16xf32>,
        %swap3A_653 = vector.shape_cast %swap3A_652 : vector<1x16xf32> to vector<16xf32>
        %swap3A_654 = vector.shape_cast %get3A_649 : vector<16xf32> to vector<1x16xf32>
        tpu.vector_store %arg9[%swap3A_650, %swap3A_651], %swap3A_654 {add = true, strides = array<i32>} : memref<128x32xf32, #tpu.memory_space<vmem>>, vector<1x16xf32>,
        %get3A_655 = arith.index_cast %add3A_645 : i32 to index
        %get3A_656 = arith.constant 16 : index
        %get3A_657 = tpu.vector_load %arg7[%get3A_655, %get3A_656] {strides = array<i32>} : memref<328x32xf32, #tpu.memory_space<vmem>>, vector<1x16xf32>,
        %get3A_658 = vector.shape_cast %get3A_657 : vector<1x16xf32> to vector<16xf32>
        %swap3A_659 = arith.index_cast %add3A_644 : i32 to index
        %swap3A_660 = arith.constant 16 : index
        %swap3A_661 = tpu.vector_load %arg9[%swap3A_659, %swap3A_660] {strides = array<i32>} : memref<128x32xf32, #tpu.memory_space<vmem>>, vector<1x16xf32>,
        %swap3A_662 = vector.shape_cast %swap3A_661 : vector<1x16xf32> to vector<16xf32>
        %swap3A_663 = vector.shape_cast %get3A_658 : vector<16xf32> to vector<1x16xf32>
        tpu.vector_store %arg9[%swap3A_659, %swap3A_660], %swap3A_663 {add = true, strides = array<i32>} : memref<128x32xf32, #tpu.memory_space<vmem>>, vector<1x16xf32>,
        %scan3A_664 = arith.constant 7 : i32
        %scan3A_665 = arith.addi %scan3A_492, %scan3A_664 : i32
        %mul3A_666 = arith.constant 1 : i32
        %mul3A_667 = arith.muli %scan3A_665, %mul3A_666 : i32
        %add3A_668 = arith.constant 0 : i32
        %add3A_669 = arith.addi %add3A_668, %mul3A_667 : i32
        %add3A_670 = arith.addi %rem3A_370, %add3A_669 : i32
        %get3A_671 = arith.index_cast %add3A_670 : i32 to index
        %get3A_672 = arith.constant 0 : index
        %get3A_673 = tpu.vector_load %arg7[%get3A_671, %get3A_672] {strides = array<i32>} : memref<328x32xf32, #tpu.memory_space<vmem>>, vector<1x16xf32>,
        %get3A_674 = vector.shape_cast %get3A_673 : vector<1x16xf32> to vector<16xf32>
        %swap3A_675 = arith.index_cast %add3A_669 : i32 to index
        %swap3A_676 = arith.constant 0 : index
        %swap3A_677 = tpu.vector_load %arg9[%swap3A_675, %swap3A_676] {strides = array<i32>} : memref<128x32xf32, #tpu.memory_space<vmem>>, vector<1x16xf32>,
        %swap3A_678 = vector.shape_cast %swap3A_677 : vector<1x16xf32> to vector<16xf32>
        %swap3A_679 = vector.shape_cast %get3A_674 : vector<16xf32> to vector<1x16xf32>
        tpu.vector_store %arg9[%swap3A_675, %swap3A_676], %swap3A_679 {add = true, strides = array<i32>} : memref<128x32xf32, #tpu.memory_space<vmem>>, vector<1x16xf32>,
        %get3A_680 = arith.index_cast %add3A_670 : i32 to index
        %get3A_681 = arith.constant 16 : index
        %get3A_682 = tpu.vector_load %arg7[%get3A_680, %get3A_681] {strides = array<i32>} : memref<328x32xf32, #tpu.memory_space<vmem>>, vector<1x16xf32>,
        %get3A_683 = vector.shape_cast %get3A_682 : vector<1x16xf32> to vector<16xf32>
        %swap3A_684 = arith.index_cast %add3A_669 : i32 to index
        %swap3A_685 = arith.constant 16 : index
        %swap3A_686 = tpu.vector_load %arg9[%swap3A_684, %swap3A_685] {strides = array<i32>} : memref<128x32xf32, #tpu.memory_space<vmem>>, vector<1x16xf32>,
        %swap3A_687 = vector.shape_cast %swap3A_686 : vector<1x16xf32> to vector<16xf32>
        %swap3A_688 = vector.shape_cast %get3A_683 : vector<16xf32> to vector<1x16xf32>
        tpu.vector_store %arg9[%swap3A_684, %swap3A_685], %swap3A_688 {add = true, strides = array<i32>} : memref<128x32xf32, #tpu.memory_space<vmem>>, vector<1x16xf32>,
      }
      %scan3A_375 = arith.constant 128 : i32
      %add3A_376 = arith.addi %mul3A_2, %add3A_360 : i32
      %mul3A_377 = arith.constant 128 : i32
      %mul3A_378 = arith.muli %add3A_376, %mul3A_377 : i32
      %dma_start3A_379 = arith.constant 0 : i32
      %dma_start3A_380 = tpu.memref_slice %arg5[%mul3A_378, %dma_start3A_379] : memref<819200x32xf32, #tpu.memory_space<hbm>> -> memref<128x32xf32, #tpu.memory_space<hbm>>
      %dma_start3A_381 = arith.constant 0 : i32
      %dma_start3A_382 = tpu.memref_slice %arg5[%mul3A_378, %dma_start3A_381] : memref<819200x32xf32, #tpu.memory_space<hbm>> -> memref<128x32xf32, #tpu.memory_space<hbm>>
      tpu.enqueue_dma source(%arg9 : memref<128x32xf32, #tpu.memory_space<vmem>>) target(%dma_start3A_382 : memref<128x32xf32, #tpu.memory_space<hbm>>) target_semaphore(%arg17 : memref<!tpu.dma_semaphore, #tpu.memory_space<semaphore_mem>>)
      %sub3A_383 = arith.constant 1 : i32
      %sub3A_384 = arith.subi %add3A_360, %sub3A_383 : i32
      %add3A_385 = arith.addi %mul3A_2, %sub3A_384 : i32
      %mul3A_386 = arith.constant 128 : i32
      %mul3A_387 = arith.muli %add3A_385, %mul3A_386 : i32
      %dma_wait3A_388 = arith.constant 0 : i32
      %dma_wait3A_389 = tpu.memref_slice %arg5[%mul3A_387, %dma_wait3A_388] : memref<819200x32xf32, #tpu.memory_space<hbm>> -> memref<128x32xf32, #tpu.memory_space<hbm>>
      %dma_wait3A_390 = arith.constant 0 : i32
      %dma_wait3A_391 = tpu.memref_slice %arg5[%mul3A_387, %dma_wait3A_390] : memref<819200x32xf32, #tpu.memory_space<hbm>> -> memref<128x32xf32, #tpu.memory_space<hbm>>
      tpu.wait_dma2 semaphore(%arg16 : memref<!tpu.dma_semaphore, #tpu.memory_space<semaphore_mem>>) src(%arg8 : memref<128x32xf32, #tpu.memory_space<vmem>>) dst(%dma_wait3A_391 : memref<128x32xf32, #tpu.memory_space<hbm>>)
      %sub3A_392 = arith.constant 1 : i32
      %sub3A_393 = arith.subi %add3A_360, %sub3A_392 : i32
      %add3A_394 = arith.constant 4 : i32
      %add3A_395 = arith.addi %sub3A_393, %add3A_394 : i32
      %dma_start3A_396 = arith.constant 0 : i32
      %dma_start3A_397 = tpu.memref_slice %arg6[%add3A_395, %dma_start3A_396] : memref<200x128xi32, #tpu.memory_space<vmem>> -> memref<1x128xi32, #tpu.memory_space<vmem>>
      %dma_start3A_398 = tpu.memref_squeeze %dma_start3A_397 : memref<1x128xi32, #tpu.memory_space<vmem>> -> memref<128xi32, #tpu.memory_space<vmem>>
      %dma_start3A_399 = arith.constant 0 : i32
      %dma_start3A_400 = arith.constant 0 : i32
      %dma_start3A_401 = tpu.memref_slice %arg3[%dma_start3A_399, %dma_start3A_400] : memref<1000000x32xf32, #tpu.memory_space<hbm>> -> memref<1000000x32xf32, #tpu.memory_space<hbm>>
      tpu.enqueue_indirect_dma source(%dma_start3A_401 : memref<1000000x32xf32, #tpu.memory_space<hbm>>) target(%arg8 : memref<128x32xf32, #tpu.memory_space<vmem>>) offsets(%dma_start3A_398 : memref<128xi32, #tpu.memory_space<vmem>>) semaphore(%arg12 : memref<!tpu.dma_semaphore, #tpu.memory_space<semaphore_mem>>)
      %mul3A_402 = arith.constant 4 : i32
      %mul3A_403 = arith.muli %add3A_312, %mul3A_402 : i32
      %add3A_404 = arith.constant 2 : i32
      %add3A_405 = arith.addi %mul3A_403, %add3A_404 : i32
      %dma_wait3A_406 = arith.constant 0 : i32
      %dma_wait3A_407 = tpu.memref_slice %arg6[%add3A_405, %dma_wait3A_406] : memref<200x128xi32, #tpu.memory_space<vmem>> -> memref<1x128xi32, #tpu.memory_space<vmem>>
      %dma_wait3A_408 = tpu.memref_squeeze %dma_wait3A_407 : memref<1x128xi32, #tpu.memory_space<vmem>> -> memref<128xi32, #tpu.memory_space<vmem>>
      %dma_wait3A_409 = arith.constant 0 : i32
      %dma_wait3A_410 = arith.constant 0 : i32
      %dma_wait3A_411 = tpu.memref_slice %arg3[%dma_wait3A_409, %dma_wait3A_410] : memref<1000000x32xf32, #tpu.memory_space<hbm>> -> memref<1000000x32xf32, #tpu.memory_space<hbm>>
      tpu.wait_indirect_dma semaphore(%arg14 : memref<!tpu.dma_semaphore, #tpu.memory_space<semaphore_mem>>) src(%dma_wait3A_411 : memref<1000000x32xf32, #tpu.memory_space<hbm>>) dst(%arg10 : memref<128x32xf32, #tpu.memory_space<vmem>>)
      %mul3A_412 = arith.constant 128 : i32
      %mul3A_413 = arith.muli %add3A_405, %mul3A_412 : i32
      %rem3A_414 = arith.constant 200 : i32
      %rem3A_415 = arith.remsi %mul3A_413, %rem3A_414 : i32
      %scan3A_416 = arith.constant 0 : i32
      %scan3A_417 = arith.constant 128 : i32
      %scan3A_418 = arith.addi %scan3A_416, %scan3A_417 : i32
      %scan3A_419 = arith.constant 8 : i32
      scf.for %scan3A_492 = %scan3A_416 to %scan3A_418 step %scan3A_419  : i32 {
        %mul3A_493 = arith.constant 1 : i32
        %mul3A_494 = arith.muli %scan3A_492, %mul3A_493 : i32
        %add3A_495 = arith.constant 0 : i32
        %add3A_496 = arith.addi %add3A_495, %mul3A_494 : i32
        %add3A_497 = arith.addi %rem3A_415, %add3A_496 : i32
        %get3A = arith.index_cast %add3A_497 : i32 to index
        %get3A_498 = arith.constant 0 : index
        %get3A_499 = tpu.vector_load %arg7[%get3A, %get3A_498] {strides = array<i32>} : memref<328x32xf32, #tpu.memory_space<vmem>>, vector<1x16xf32>,
        %get3A_500 = vector.shape_cast %get3A_499 : vector<1x16xf32> to vector<16xf32>
        %swap3A = arith.index_cast %add3A_496 : i32 to index
        %swap3A_501 = arith.constant 0 : index
        %swap3A_502 = tpu.vector_load %arg10[%swap3A, %swap3A_501] {strides = array<i32>} : memref<128x32xf32, #tpu.memory_space<vmem>>, vector<1x16xf32>,
        %swap3A_503 = vector.shape_cast %swap3A_502 : vector<1x16xf32> to vector<16xf32>
        %swap3A_504 = vector.shape_cast %get3A_500 : vector<16xf32> to vector<1x16xf32>
        tpu.vector_store %arg10[%swap3A, %swap3A_501], %swap3A_504 {add = true, strides = array<i32>} : memref<128x32xf32, #tpu.memory_space<vmem>>, vector<1x16xf32>,
        %get3A_505 = arith.index_cast %add3A_497 : i32 to index
        %get3A_506 = arith.constant 16 : index
        %get3A_507 = tpu.vector_load %arg7[%get3A_505, %get3A_506] {strides = array<i32>} : memref<328x32xf32, #tpu.memory_space<vmem>>, vector<1x16xf32>,
        %get3A_508 = vector.shape_cast %get3A_507 : vector<1x16xf32> to vector<16xf32>
        %swap3A_509 = arith.index_cast %add3A_496 : i32 to index
        %swap3A_510 = arith.constant 16 : index
        %swap3A_511 = tpu.vector_load %arg10[%swap3A_509, %swap3A_510] {strides = array<i32>} : memref<128x32xf32, #tpu.memory_space<vmem>>, vector<1x16xf32>,
        %swap3A_512 = vector.shape_cast %swap3A_511 : vector<1x16xf32> to vector<16xf32>
        %swap3A_513 = vector.shape_cast %get3A_508 : vector<16xf32> to vector<1x16xf32>
        tpu.vector_store %arg10[%swap3A_509, %swap3A_510], %swap3A_513 {add = true, strides = array<i32>} : memref<128x32xf32, #tpu.memory_space<vmem>>, vector<1x16xf32>,
        %scan3A_514 = arith.constant 1 : i32
        %scan3A_515 = arith.addi %scan3A_492, %scan3A_514 : i32
        %mul3A_516 = arith.constant 1 : i32
        %mul3A_517 = arith.muli %scan3A_515, %mul3A_516 : i32
        %add3A_518 = arith.constant 0 : i32
        %add3A_519 = arith.addi %add3A_518, %mul3A_517 : i32
        %add3A_520 = arith.addi %rem3A_415, %add3A_519 : i32
        %get3A_521 = arith.index_cast %add3A_520 : i32 to index
        %get3A_522 = arith.constant 0 : index
        %get3A_523 = tpu.vector_load %arg7[%get3A_521, %get3A_522] {strides = array<i32>} : memref<328x32xf32, #tpu.memory_space<vmem>>, vector<1x16xf32>,
        %get3A_524 = vector.shape_cast %get3A_523 : vector<1x16xf32> to vector<16xf32>
        %swap3A_525 = arith.index_cast %add3A_519 : i32 to index
        %swap3A_526 = arith.constant 0 : index
        %swap3A_527 = tpu.vector_load %arg10[%swap3A_525, %swap3A_526] {strides = array<i32>} : memref<128x32xf32, #tpu.memory_space<vmem>>, vector<1x16xf32>,
        %swap3A_528 = vector.shape_cast %swap3A_527 : vector<1x16xf32> to vector<16xf32>
        %swap3A_529 = vector.shape_cast %get3A_524 : vector<16xf32> to vector<1x16xf32>
        tpu.vector_store %arg10[%swap3A_525, %swap3A_526], %swap3A_529 {add = true, strides = array<i32>} : memref<128x32xf32, #tpu.memory_space<vmem>>, vector<1x16xf32>,
        %get3A_530 = arith.index_cast %add3A_520 : i32 to index
        %get3A_531 = arith.constant 16 : index
        %get3A_532 = tpu.vector_load %arg7[%get3A_530, %get3A_531] {strides = array<i32>} : memref<328x32xf32, #tpu.memory_space<vmem>>, vector<1x16xf32>,
        %get3A_533 = vector.shape_cast %get3A_532 : vector<1x16xf32> to vector<16xf32>
        %swap3A_534 = arith.index_cast %add3A_519 : i32 to index
        %swap3A_535 = arith.constant 16 : index
        %swap3A_536 = tpu.vector_load %arg10[%swap3A_534, %swap3A_535] {strides = array<i32>} : memref<128x32xf32, #tpu.memory_space<vmem>>, vector<1x16xf32>,
        %swap3A_537 = vector.shape_cast %swap3A_536 : vector<1x16xf32> to vector<16xf32>
        %swap3A_538 = vector.shape_cast %get3A_533 : vector<16xf32> to vector<1x16xf32>
        tpu.vector_store %arg10[%swap3A_534, %swap3A_535], %swap3A_538 {add = true, strides = array<i32>} : memref<128x32xf32, #tpu.memory_space<vmem>>, vector<1x16xf32>,
        %scan3A_539 = arith.constant 2 : i32
        %scan3A_540 = arith.addi %scan3A_492, %scan3A_539 : i32
        %mul3A_541 = arith.constant 1 : i32
        %mul3A_542 = arith.muli %scan3A_540, %mul3A_541 : i32
        %add3A_543 = arith.constant 0 : i32
        %add3A_544 = arith.addi %add3A_543, %mul3A_542 : i32
        %add3A_545 = arith.addi %rem3A_415, %add3A_544 : i32
        %get3A_546 = arith.index_cast %add3A_545 : i32 to index
        %get3A_547 = arith.constant 0 : index
        %get3A_548 = tpu.vector_load %arg7[%get3A_546, %get3A_547] {strides = array<i32>} : memref<328x32xf32, #tpu.memory_space<vmem>>, vector<1x16xf32>,
        %get3A_549 = vector.shape_cast %get3A_548 : vector<1x16xf32> to vector<16xf32>
        %swap3A_550 = arith.index_cast %add3A_544 : i32 to index
        %swap3A_551 = arith.constant 0 : index
        %swap3A_552 = tpu.vector_load %arg10[%swap3A_550, %swap3A_551] {strides = array<i32>} : memref<128x32xf32, #tpu.memory_space<vmem>>, vector<1x16xf32>,
        %swap3A_553 = vector.shape_cast %swap3A_552 : vector<1x16xf32> to vector<16xf32>
        %swap3A_554 = vector.shape_cast %get3A_549 : vector<16xf32> to vector<1x16xf32>
        tpu.vector_store %arg10[%swap3A_550, %swap3A_551], %swap3A_554 {add = true, strides = array<i32>} : memref<128x32xf32, #tpu.memory_space<vmem>>, vector<1x16xf32>,
        %get3A_555 = arith.index_cast %add3A_545 : i32 to index
        %get3A_556 = arith.constant 16 : index
        %get3A_557 = tpu.vector_load %arg7[%get3A_555, %get3A_556] {strides = array<i32>} : memref<328x32xf32, #tpu.memory_space<vmem>>, vector<1x16xf32>,
        %get3A_558 = vector.shape_cast %get3A_557 : vector<1x16xf32> to vector<16xf32>
        %swap3A_559 = arith.index_cast %add3A_544 : i32 to index
        %swap3A_560 = arith.constant 16 : index
        %swap3A_561 = tpu.vector_load %arg10[%swap3A_559, %swap3A_560] {strides = array<i32>} : memref<128x32xf32, #tpu.memory_space<vmem>>, vector<1x16xf32>,
        %swap3A_562 = vector.shape_cast %swap3A_561 : vector<1x16xf32> to vector<16xf32>
        %swap3A_563 = vector.shape_cast %get3A_558 : vector<16xf32> to vector<1x16xf32>
        tpu.vector_store %arg10[%swap3A_559, %swap3A_560], %swap3A_563 {add = true, strides = array<i32>} : memref<128x32xf32, #tpu.memory_space<vmem>>, vector<1x16xf32>,
        %scan3A_564 = arith.constant 3 : i32
        %scan3A_565 = arith.addi %scan3A_492, %scan3A_564 : i32
        %mul3A_566 = arith.constant 1 : i32
        %mul3A_567 = arith.muli %scan3A_565, %mul3A_566 : i32
        %add3A_568 = arith.constant 0 : i32
        %add3A_569 = arith.addi %add3A_568, %mul3A_567 : i32
        %add3A_570 = arith.addi %rem3A_415, %add3A_569 : i32
        %get3A_571 = arith.index_cast %add3A_570 : i32 to index
        %get3A_572 = arith.constant 0 : index
        %get3A_573 = tpu.vector_load %arg7[%get3A_571, %get3A_572] {strides = array<i32>} : memref<328x32xf32, #tpu.memory_space<vmem>>, vector<1x16xf32>,
        %get3A_574 = vector.shape_cast %get3A_573 : vector<1x16xf32> to vector<16xf32>
        %swap3A_575 = arith.index_cast %add3A_569 : i32 to index
        %swap3A_576 = arith.constant 0 : index
        %swap3A_577 = tpu.vector_load %arg10[%swap3A_575, %swap3A_576] {strides = array<i32>} : memref<128x32xf32, #tpu.memory_space<vmem>>, vector<1x16xf32>,
        %swap3A_578 = vector.shape_cast %swap3A_577 : vector<1x16xf32> to vector<16xf32>
        %swap3A_579 = vector.shape_cast %get3A_574 : vector<16xf32> to vector<1x16xf32>
        tpu.vector_store %arg10[%swap3A_575, %swap3A_576], %swap3A_579 {add = true, strides = array<i32>} : memref<128x32xf32, #tpu.memory_space<vmem>>, vector<1x16xf32>,
        %get3A_580 = arith.index_cast %add3A_570 : i32 to index
        %get3A_581 = arith.constant 16 : index
        %get3A_582 = tpu.vector_load %arg7[%get3A_580, %get3A_581] {strides = array<i32>} : memref<328x32xf32, #tpu.memory_space<vmem>>, vector<1x16xf32>,
        %get3A_583 = vector.shape_cast %get3A_582 : vector<1x16xf32> to vector<16xf32>
        %swap3A_584 = arith.index_cast %add3A_569 : i32 to index
        %swap3A_585 = arith.constant 16 : index
        %swap3A_586 = tpu.vector_load %arg10[%swap3A_584, %swap3A_585] {strides = array<i32>} : memref<128x32xf32, #tpu.memory_space<vmem>>, vector<1x16xf32>,
        %swap3A_587 = vector.shape_cast %swap3A_586 : vector<1x16xf32> to vector<16xf32>
        %swap3A_588 = vector.shape_cast %get3A_583 : vector<16xf32> to vector<1x16xf32>
        tpu.vector_store %arg10[%swap3A_584, %swap3A_585], %swap3A_588 {add = true, strides = array<i32>} : memref<128x32xf32, #tpu.memory_space<vmem>>, vector<1x16xf32>,
        %scan3A_589 = arith.constant 4 : i32
        %scan3A_590 = arith.addi %scan3A_492, %scan3A_589 : i32
        %mul3A_591 = arith.constant 1 : i32
        %mul3A_592 = arith.muli %scan3A_590, %mul3A_591 : i32
        %add3A_593 = arith.constant 0 : i32
        %add3A_594 = arith.addi %add3A_593, %mul3A_592 : i32
        %add3A_595 = arith.addi %rem3A_415, %add3A_594 : i32
        %get3A_596 = arith.index_cast %add3A_595 : i32 to index
        %get3A_597 = arith.constant 0 : index
        %get3A_598 = tpu.vector_load %arg7[%get3A_596, %get3A_597] {strides = array<i32>} : memref<328x32xf32, #tpu.memory_space<vmem>>, vector<1x16xf32>,
        %get3A_599 = vector.shape_cast %get3A_598 : vector<1x16xf32> to vector<16xf32>
        %swap3A_600 = arith.index_cast %add3A_594 : i32 to index
        %swap3A_601 = arith.constant 0 : index
        %swap3A_602 = tpu.vector_load %arg10[%swap3A_600, %swap3A_601] {strides = array<i32>} : memref<128x32xf32, #tpu.memory_space<vmem>>, vector<1x16xf32>,
        %swap3A_603 = vector.shape_cast %swap3A_602 : vector<1x16xf32> to vector<16xf32>
        %swap3A_604 = vector.shape_cast %get3A_599 : vector<16xf32> to vector<1x16xf32>
        tpu.vector_store %arg10[%swap3A_600, %swap3A_601], %swap3A_604 {add = true, strides = array<i32>} : memref<128x32xf32, #tpu.memory_space<vmem>>, vector<1x16xf32>,
        %get3A_605 = arith.index_cast %add3A_595 : i32 to index
        %get3A_606 = arith.constant 16 : index
        %get3A_607 = tpu.vector_load %arg7[%get3A_605, %get3A_606] {strides = array<i32>} : memref<328x32xf32, #tpu.memory_space<vmem>>, vector<1x16xf32>,
        %get3A_608 = vector.shape_cast %get3A_607 : vector<1x16xf32> to vector<16xf32>
        %swap3A_609 = arith.index_cast %add3A_594 : i32 to index
        %swap3A_610 = arith.constant 16 : index
        %swap3A_611 = tpu.vector_load %arg10[%swap3A_609, %swap3A_610] {strides = array<i32>} : memref<128x32xf32, #tpu.memory_space<vmem>>, vector<1x16xf32>,
        %swap3A_612 = vector.shape_cast %swap3A_611 : vector<1x16xf32> to vector<16xf32>
        %swap3A_613 = vector.shape_cast %get3A_608 : vector<16xf32> to vector<1x16xf32>
        tpu.vector_store %arg10[%swap3A_609, %swap3A_610], %swap3A_613 {add = true, strides = array<i32>} : memref<128x32xf32, #tpu.memory_space<vmem>>, vector<1x16xf32>,
        %scan3A_614 = arith.constant 5 : i32
        %scan3A_615 = arith.addi %scan3A_492, %scan3A_614 : i32
        %mul3A_616 = arith.constant 1 : i32
        %mul3A_617 = arith.muli %scan3A_615, %mul3A_616 : i32
        %add3A_618 = arith.constant 0 : i32
        %add3A_619 = arith.addi %add3A_618, %mul3A_617 : i32
        %add3A_620 = arith.addi %rem3A_415, %add3A_619 : i32
        %get3A_621 = arith.index_cast %add3A_620 : i32 to index
        %get3A_622 = arith.constant 0 : index
        %get3A_623 = tpu.vector_load %arg7[%get3A_621, %get3A_622] {strides = array<i32>} : memref<328x32xf32, #tpu.memory_space<vmem>>, vector<1x16xf32>,
        %get3A_624 = vector.shape_cast %get3A_623 : vector<1x16xf32> to vector<16xf32>
        %swap3A_625 = arith.index_cast %add3A_619 : i32 to index
        %swap3A_626 = arith.constant 0 : index
        %swap3A_627 = tpu.vector_load %arg10[%swap3A_625, %swap3A_626] {strides = array<i32>} : memref<128x32xf32, #tpu.memory_space<vmem>>, vector<1x16xf32>,
        %swap3A_628 = vector.shape_cast %swap3A_627 : vector<1x16xf32> to vector<16xf32>
        %swap3A_629 = vector.shape_cast %get3A_624 : vector<16xf32> to vector<1x16xf32>
        tpu.vector_store %arg10[%swap3A_625, %swap3A_626], %swap3A_629 {add = true, strides = array<i32>} : memref<128x32xf32, #tpu.memory_space<vmem>>, vector<1x16xf32>,
        %get3A_630 = arith.index_cast %add3A_620 : i32 to index
        %get3A_631 = arith.constant 16 : index
        %get3A_632 = tpu.vector_load %arg7[%get3A_630, %get3A_631] {strides = array<i32>} : memref<328x32xf32, #tpu.memory_space<vmem>>, vector<1x16xf32>,
        %get3A_633 = vector.shape_cast %get3A_632 : vector<1x16xf32> to vector<16xf32>
        %swap3A_634 = arith.index_cast %add3A_619 : i32 to index
        %swap3A_635 = arith.constant 16 : index
        %swap3A_636 = tpu.vector_load %arg10[%swap3A_634, %swap3A_635] {strides = array<i32>} : memref<128x32xf32, #tpu.memory_space<vmem>>, vector<1x16xf32>,
        %swap3A_637 = vector.shape_cast %swap3A_636 : vector<1x16xf32> to vector<16xf32>
        %swap3A_638 = vector.shape_cast %get3A_633 : vector<16xf32> to vector<1x16xf32>
        tpu.vector_store %arg10[%swap3A_634, %swap3A_635], %swap3A_638 {add = true, strides = array<i32>} : memref<128x32xf32, #tpu.memory_space<vmem>>, vector<1x16xf32>,
        %scan3A_639 = arith.constant 6 : i32
        %scan3A_640 = arith.addi %scan3A_492, %scan3A_639 : i32
        %mul3A_641 = arith.constant 1 : i32
        %mul3A_642 = arith.muli %scan3A_640, %mul3A_641 : i32
        %add3A_643 = arith.constant 0 : i32
        %add3A_644 = arith.addi %add3A_643, %mul3A_642 : i32
        %add3A_645 = arith.addi %rem3A_415, %add3A_644 : i32
        %get3A_646 = arith.index_cast %add3A_645 : i32 to index
        %get3A_647 = arith.constant 0 : index
        %get3A_648 = tpu.vector_load %arg7[%get3A_646, %get3A_647] {strides = array<i32>} : memref<328x32xf32, #tpu.memory_space<vmem>>, vector<1x16xf32>,
        %get3A_649 = vector.shape_cast %get3A_648 : vector<1x16xf32> to vector<16xf32>
        %swap3A_650 = arith.index_cast %add3A_644 : i32 to index
        %swap3A_651 = arith.constant 0 : index
        %swap3A_652 = tpu.vector_load %arg10[%swap3A_650, %swap3A_651] {strides = array<i32>} : memref<128x32xf32, #tpu.memory_space<vmem>>, vector<1x16xf32>,
        %swap3A_653 = vector.shape_cast %swap3A_652 : vector<1x16xf32> to vector<16xf32>
        %swap3A_654 = vector.shape_cast %get3A_649 : vector<16xf32> to vector<1x16xf32>
        tpu.vector_store %arg10[%swap3A_650, %swap3A_651], %swap3A_654 {add = true, strides = array<i32>} : memref<128x32xf32, #tpu.memory_space<vmem>>, vector<1x16xf32>,
        %get3A_655 = arith.index_cast %add3A_645 : i32 to index
        %get3A_656 = arith.constant 16 : index
        %get3A_657 = tpu.vector_load %arg7[%get3A_655, %get3A_656] {strides = array<i32>} : memref<328x32xf32, #tpu.memory_space<vmem>>, vector<1x16xf32>,
        %get3A_658 = vector.shape_cast %get3A_657 : vector<1x16xf32> to vector<16xf32>
        %swap3A_659 = arith.index_cast %add3A_644 : i32 to index
        %swap3A_660 = arith.constant 16 : index
        %swap3A_661 = tpu.vector_load %arg10[%swap3A_659, %swap3A_660] {strides = array<i32>} : memref<128x32xf32, #tpu.memory_space<vmem>>, vector<1x16xf32>,
        %swap3A_662 = vector.shape_cast %swap3A_661 : vector<1x16xf32> to vector<16xf32>
        %swap3A_663 = vector.shape_cast %get3A_658 : vector<16xf32> to vector<1x16xf32>
        tpu.vector_store %arg10[%swap3A_659, %swap3A_660], %swap3A_663 {add = true, strides = array<i32>} : memref<128x32xf32, #tpu.memory_space<vmem>>, vector<1x16xf32>,
        %scan3A_664 = arith.constant 7 : i32
        %scan3A_665 = arith.addi %scan3A_492, %scan3A_664 : i32
        %mul3A_666 = arith.constant 1 : i32
        %mul3A_667 = arith.muli %scan3A_665, %mul3A_666 : i32
        %add3A_668 = arith.constant 0 : i32
        %add3A_669 = arith.addi %add3A_668, %mul3A_667 : i32
        %add3A_670 = arith.addi %rem3A_415, %add3A_669 : i32
        %get3A_671 = arith.index_cast %add3A_670 : i32 to index
        %get3A_672 = arith.constant 0 : index
        %get3A_673 = tpu.vector_load %arg7[%get3A_671, %get3A_672] {strides = array<i32>} : memref<328x32xf32, #tpu.memory_space<vmem>>, vector<1x16xf32>,
        %get3A_674 = vector.shape_cast %get3A_673 : vector<1x16xf32> to vector<16xf32>
        %swap3A_675 = arith.index_cast %add3A_669 : i32 to index
        %swap3A_676 = arith.constant 0 : index
        %swap3A_677 = tpu.vector_load %arg10[%swap3A_675, %swap3A_676] {strides = array<i32>} : memref<128x32xf32, #tpu.memory_space<vmem>>, vector<1x16xf32>,
        %swap3A_678 = vector.shape_cast %swap3A_677 : vector<1x16xf32> to vector<16xf32>
        %swap3A_679 = vector.shape_cast %get3A_674 : vector<16xf32> to vector<1x16xf32>
        tpu.vector_store %arg10[%swap3A_675, %swap3A_676], %swap3A_679 {add = true, strides = array<i32>} : memref<128x32xf32, #tpu.memory_space<vmem>>, vector<1x16xf32>,
        %get3A_680 = arith.index_cast %add3A_670 : i32 to index
        %get3A_681 = arith.constant 16 : index
        %get3A_682 = tpu.vector_load %arg7[%get3A_680, %get3A_681] {strides = array<i32>} : memref<328x32xf32, #tpu.memory_space<vmem>>, vector<1x16xf32>,
        %get3A_683 = vector.shape_cast %get3A_682 : vector<1x16xf32> to vector<16xf32>
        %swap3A_684 = arith.index_cast %add3A_669 : i32 to index
        %swap3A_685 = arith.constant 16 : index
        %swap3A_686 = tpu.vector_load %arg10[%swap3A_684, %swap3A_685] {strides = array<i32>} : memref<128x32xf32, #tpu.memory_space<vmem>>, vector<1x16xf32>,
        %swap3A_687 = vector.shape_cast %swap3A_686 : vector<1x16xf32> to vector<16xf32>
        %swap3A_688 = vector.shape_cast %get3A_683 : vector<16xf32> to vector<1x16xf32>
        tpu.vector_store %arg10[%swap3A_684, %swap3A_685], %swap3A_688 {add = true, strides = array<i32>} : memref<128x32xf32, #tpu.memory_space<vmem>>, vector<1x16xf32>,
      }
      %scan3A_420 = arith.constant 128 : i32
      %add3A_421 = arith.addi %mul3A_2, %add3A_405 : i32
      %mul3A_422 = arith.constant 128 : i32
      %mul3A_423 = arith.muli %add3A_421, %mul3A_422 : i32
      %dma_start3A_424 = arith.constant 0 : i32
      %dma_start3A_425 = tpu.memref_slice %arg5[%mul3A_423, %dma_start3A_424] : memref<819200x32xf32, #tpu.memory_space<hbm>> -> memref<128x32xf32, #tpu.memory_space<hbm>>
      %dma_start3A_426 = arith.constant 0 : i32
      %dma_start3A_427 = tpu.memref_slice %arg5[%mul3A_423, %dma_start3A_426] : memref<819200x32xf32, #tpu.memory_space<hbm>> -> memref<128x32xf32, #tpu.memory_space<hbm>>
      tpu.enqueue_dma source(%arg10 : memref<128x32xf32, #tpu.memory_space<vmem>>) target(%dma_start3A_427 : memref<128x32xf32, #tpu.memory_space<hbm>>) target_semaphore(%arg18 : memref<!tpu.dma_semaphore, #tpu.memory_space<semaphore_mem>>)
      %sub3A_428 = arith.constant 1 : i32
      %sub3A_429 = arith.subi %add3A_405, %sub3A_428 : i32
      %add3A_430 = arith.addi %mul3A_2, %sub3A_429 : i32
      %mul3A_431 = arith.constant 128 : i32
      %mul3A_432 = arith.muli %add3A_430, %mul3A_431 : i32
      %dma_wait3A_433 = arith.constant 0 : i32
      %dma_wait3A_434 = tpu.memref_slice %arg5[%mul3A_432, %dma_wait3A_433] : memref<819200x32xf32, #tpu.memory_space<hbm>> -> memref<128x32xf32, #tpu.memory_space<hbm>>
      %dma_wait3A_435 = arith.constant 0 : i32
      %dma_wait3A_436 = tpu.memref_slice %arg5[%mul3A_432, %dma_wait3A_435] : memref<819200x32xf32, #tpu.memory_space<hbm>> -> memref<128x32xf32, #tpu.memory_space<hbm>>
      tpu.wait_dma2 semaphore(%arg17 : memref<!tpu.dma_semaphore, #tpu.memory_space<semaphore_mem>>) src(%arg9 : memref<128x32xf32, #tpu.memory_space<vmem>>) dst(%dma_wait3A_436 : memref<128x32xf32, #tpu.memory_space<hbm>>)
      %sub3A_437 = arith.constant 1 : i32
      %sub3A_438 = arith.subi %add3A_405, %sub3A_437 : i32
      %add3A_439 = arith.constant 4 : i32
      %add3A_440 = arith.addi %sub3A_438, %add3A_439 : i32
      %dma_start3A_441 = arith.constant 0 : i32
      %dma_start3A_442 = tpu.memref_slice %arg6[%add3A_440, %dma_start3A_441] : memref<200x128xi32, #tpu.memory_space<vmem>> -> memref<1x128xi32, #tpu.memory_space<vmem>>
      %dma_start3A_443 = tpu.memref_squeeze %dma_start3A_442 : memref<1x128xi32, #tpu.memory_space<vmem>> -> memref<128xi32, #tpu.memory_space<vmem>>
      %dma_start3A_444 = arith.constant 0 : i32
      %dma_start3A_445 = arith.constant 0 : i32
      %dma_start3A_446 = tpu.memref_slice %arg3[%dma_start3A_444, %dma_start3A_445] : memref<1000000x32xf32, #tpu.memory_space<hbm>> -> memref<1000000x32xf32, #tpu.memory_space<hbm>>
      tpu.enqueue_indirect_dma source(%dma_start3A_446 : memref<1000000x32xf32, #tpu.memory_space<hbm>>) target(%arg9 : memref<128x32xf32, #tpu.memory_space<vmem>>) offsets(%dma_start3A_443 : memref<128xi32, #tpu.memory_space<vmem>>) semaphore(%arg13 : memref<!tpu.dma_semaphore, #tpu.memory_space<semaphore_mem>>)
      %mul3A_447 = arith.constant 4 : i32
      %mul3A_448 = arith.muli %add3A_312, %mul3A_447 : i32
      %add3A_449 = arith.constant 3 : i32
      %add3A_450 = arith.addi %mul3A_448, %add3A_449 : i32
      %dma_wait3A_451 = arith.constant 0 : i32
      %dma_wait3A_452 = tpu.memref_slice %arg6[%add3A_450, %dma_wait3A_451] : memref<200x128xi32, #tpu.memory_space<vmem>> -> memref<1x128xi32, #tpu.memory_space<vmem>>
      %dma_wait3A_453 = tpu.memref_squeeze %dma_wait3A_452 : memref<1x128xi32, #tpu.memory_space<vmem>> -> memref<128xi32, #tpu.memory_space<vmem>>
      %dma_wait3A_454 = arith.constant 0 : i32
      %dma_wait3A_455 = arith.constant 0 : i32
      %dma_wait3A_456 = tpu.memref_slice %arg3[%dma_wait3A_454, %dma_wait3A_455] : memref<1000000x32xf32, #tpu.memory_space<hbm>> -> memref<1000000x32xf32, #tpu.memory_space<hbm>>
      tpu.wait_indirect_dma semaphore(%arg15 : memref<!tpu.dma_semaphore, #tpu.memory_space<semaphore_mem>>) src(%dma_wait3A_456 : memref<1000000x32xf32, #tpu.memory_space<hbm>>) dst(%arg11 : memref<128x32xf32, #tpu.memory_space<vmem>>)
      %mul3A_457 = arith.constant 128 : i32
      %mul3A_458 = arith.muli %add3A_450, %mul3A_457 : i32
      %rem3A_459 = arith.constant 200 : i32
      %rem3A_460 = arith.remsi %mul3A_458, %rem3A_459 : i32
      %scan3A_461 = arith.constant 0 : i32
      %scan3A_462 = arith.constant 128 : i32
      %scan3A_463 = arith.addi %scan3A_461, %scan3A_462 : i32
      %scan3A_464 = arith.constant 8 : i32
      scf.for %scan3A_492 = %scan3A_461 to %scan3A_463 step %scan3A_464  : i32 {
        %mul3A_493 = arith.constant 1 : i32
        %mul3A_494 = arith.muli %scan3A_492, %mul3A_493 : i32
        %add3A_495 = arith.constant 0 : i32
        %add3A_496 = arith.addi %add3A_495, %mul3A_494 : i32
        %add3A_497 = arith.addi %rem3A_460, %add3A_496 : i32
        %get3A = arith.index_cast %add3A_497 : i32 to index
        %get3A_498 = arith.constant 0 : index
        %get3A_499 = tpu.vector_load %arg7[%get3A, %get3A_498] {strides = array<i32>} : memref<328x32xf32, #tpu.memory_space<vmem>>, vector<1x16xf32>,
        %get3A_500 = vector.shape_cast %get3A_499 : vector<1x16xf32> to vector<16xf32>
        %swap3A = arith.index_cast %add3A_496 : i32 to index
        %swap3A_501 = arith.constant 0 : index
        %swap3A_502 = tpu.vector_load %arg11[%swap3A, %swap3A_501] {strides = array<i32>} : memref<128x32xf32, #tpu.memory_space<vmem>>, vector<1x16xf32>,
        %swap3A_503 = vector.shape_cast %swap3A_502 : vector<1x16xf32> to vector<16xf32>
        %swap3A_504 = vector.shape_cast %get3A_500 : vector<16xf32> to vector<1x16xf32>
        tpu.vector_store %arg11[%swap3A, %swap3A_501], %swap3A_504 {add = true, strides = array<i32>} : memref<128x32xf32, #tpu.memory_space<vmem>>, vector<1x16xf32>,
        %get3A_505 = arith.index_cast %add3A_497 : i32 to index
        %get3A_506 = arith.constant 16 : index
        %get3A_507 = tpu.vector_load %arg7[%get3A_505, %get3A_506] {strides = array<i32>} : memref<328x32xf32, #tpu.memory_space<vmem>>, vector<1x16xf32>,
        %get3A_508 = vector.shape_cast %get3A_507 : vector<1x16xf32> to vector<16xf32>
        %swap3A_509 = arith.index_cast %add3A_496 : i32 to index
        %swap3A_510 = arith.constant 16 : index
        %swap3A_511 = tpu.vector_load %arg11[%swap3A_509, %swap3A_510] {strides = array<i32>} : memref<128x32xf32, #tpu.memory_space<vmem>>, vector<1x16xf32>,
        %swap3A_512 = vector.shape_cast %swap3A_511 : vector<1x16xf32> to vector<16xf32>
        %swap3A_513 = vector.shape_cast %get3A_508 : vector<16xf32> to vector<1x16xf32>
        tpu.vector_store %arg11[%swap3A_509, %swap3A_510], %swap3A_513 {add = true, strides = array<i32>} : memref<128x32xf32, #tpu.memory_space<vmem>>, vector<1x16xf32>,
        %scan3A_514 = arith.constant 1 : i32
        %scan3A_515 = arith.addi %scan3A_492, %scan3A_514 : i32
        %mul3A_516 = arith.constant 1 : i32
        %mul3A_517 = arith.muli %scan3A_515, %mul3A_516 : i32
        %add3A_518 = arith.constant 0 : i32
        %add3A_519 = arith.addi %add3A_518, %mul3A_517 : i32
        %add3A_520 = arith.addi %rem3A_460, %add3A_519 : i32
        %get3A_521 = arith.index_cast %add3A_520 : i32 to index
        %get3A_522 = arith.constant 0 : index
        %get3A_523 = tpu.vector_load %arg7[%get3A_521, %get3A_522] {strides = array<i32>} : memref<328x32xf32, #tpu.memory_space<vmem>>, vector<1x16xf32>,
        %get3A_524 = vector.shape_cast %get3A_523 : vector<1x16xf32> to vector<16xf32>
        %swap3A_525 = arith.index_cast %add3A_519 : i32 to index
        %swap3A_526 = arith.constant 0 : index
        %swap3A_527 = tpu.vector_load %arg11[%swap3A_525, %swap3A_526] {strides = array<i32>} : memref<128x32xf32, #tpu.memory_space<vmem>>, vector<1x16xf32>,
        %swap3A_528 = vector.shape_cast %swap3A_527 : vector<1x16xf32> to vector<16xf32>
        %swap3A_529 = vector.shape_cast %get3A_524 : vector<16xf32> to vector<1x16xf32>
        tpu.vector_store %arg11[%swap3A_525, %swap3A_526], %swap3A_529 {add = true, strides = array<i32>} : memref<128x32xf32, #tpu.memory_space<vmem>>, vector<1x16xf32>,
        %get3A_530 = arith.index_cast %add3A_520 : i32 to index
        %get3A_531 = arith.constant 16 : index
        %get3A_532 = tpu.vector_load %arg7[%get3A_530, %get3A_531] {strides = array<i32>} : memref<328x32xf32, #tpu.memory_space<vmem>>, vector<1x16xf32>,
        %get3A_533 = vector.shape_cast %get3A_532 : vector<1x16xf32> to vector<16xf32>
        %swap3A_534 = arith.index_cast %add3A_519 : i32 to index
        %swap3A_535 = arith.constant 16 : index
        %swap3A_536 = tpu.vector_load %arg11[%swap3A_534, %swap3A_535] {strides = array<i32>} : memref<128x32xf32, #tpu.memory_space<vmem>>, vector<1x16xf32>,
        %swap3A_537 = vector.shape_cast %swap3A_536 : vector<1x16xf32> to vector<16xf32>
        %swap3A_538 = vector.shape_cast %get3A_533 : vector<16xf32> to vector<1x16xf32>
        tpu.vector_store %arg11[%swap3A_534, %swap3A_535], %swap3A_538 {add = true, strides = array<i32>} : memref<128x32xf32, #tpu.memory_space<vmem>>, vector<1x16xf32>,
        %scan3A_539 = arith.constant 2 : i32
        %scan3A_540 = arith.addi %scan3A_492, %scan3A_539 : i32
        %mul3A_541 = arith.constant 1 : i32
        %mul3A_542 = arith.muli %scan3A_540, %mul3A_541 : i32
        %add3A_543 = arith.constant 0 : i32
        %add3A_544 = arith.addi %add3A_543, %mul3A_542 : i32
        %add3A_545 = arith.addi %rem3A_460, %add3A_544 : i32
        %get3A_546 = arith.index_cast %add3A_545 : i32 to index
        %get3A_547 = arith.constant 0 : index
        %get3A_548 = tpu.vector_load %arg7[%get3A_546, %get3A_547] {strides = array<i32>} : memref<328x32xf32, #tpu.memory_space<vmem>>, vector<1x16xf32>,
        %get3A_549 = vector.shape_cast %get3A_548 : vector<1x16xf32> to vector<16xf32>
        %swap3A_550 = arith.index_cast %add3A_544 : i32 to index
        %swap3A_551 = arith.constant 0 : index
        %swap3A_552 = tpu.vector_load %arg11[%swap3A_550, %swap3A_551] {strides = array<i32>} : memref<128x32xf32, #tpu.memory_space<vmem>>, vector<1x16xf32>,
        %swap3A_553 = vector.shape_cast %swap3A_552 : vector<1x16xf32> to vector<16xf32>
        %swap3A_554 = vector.shape_cast %get3A_549 : vector<16xf32> to vector<1x16xf32>
        tpu.vector_store %arg11[%swap3A_550, %swap3A_551], %swap3A_554 {add = true, strides = array<i32>} : memref<128x32xf32, #tpu.memory_space<vmem>>, vector<1x16xf32>,
        %get3A_555 = arith.index_cast %add3A_545 : i32 to index
        %get3A_556 = arith.constant 16 : index
        %get3A_557 = tpu.vector_load %arg7[%get3A_555, %get3A_556] {strides = array<i32>} : memref<328x32xf32, #tpu.memory_space<vmem>>, vector<1x16xf32>,
        %get3A_558 = vector.shape_cast %get3A_557 : vector<1x16xf32> to vector<16xf32>
        %swap3A_559 = arith.index_cast %add3A_544 : i32 to index
        %swap3A_560 = arith.constant 16 : index
        %swap3A_561 = tpu.vector_load %arg11[%swap3A_559, %swap3A_560] {strides = array<i32>} : memref<128x32xf32, #tpu.memory_space<vmem>>, vector<1x16xf32>,
        %swap3A_562 = vector.shape_cast %swap3A_561 : vector<1x16xf32> to vector<16xf32>
        %swap3A_563 = vector.shape_cast %get3A_558 : vector<16xf32> to vector<1x16xf32>
        tpu.vector_store %arg11[%swap3A_559, %swap3A_560], %swap3A_563 {add = true, strides = array<i32>} : memref<128x32xf32, #tpu.memory_space<vmem>>, vector<1x16xf32>,
        %scan3A_564 = arith.constant 3 : i32
        %scan3A_565 = arith.addi %scan3A_492, %scan3A_564 : i32
        %mul3A_566 = arith.constant 1 : i32
        %mul3A_567 = arith.muli %scan3A_565, %mul3A_566 : i32
        %add3A_568 = arith.constant 0 : i32
        %add3A_569 = arith.addi %add3A_568, %mul3A_567 : i32
        %add3A_570 = arith.addi %rem3A_460, %add3A_569 : i32
        %get3A_571 = arith.index_cast %add3A_570 : i32 to index
        %get3A_572 = arith.constant 0 : index
        %get3A_573 = tpu.vector_load %arg7[%get3A_571, %get3A_572] {strides = array<i32>} : memref<328x32xf32, #tpu.memory_space<vmem>>, vector<1x16xf32>,
        %get3A_574 = vector.shape_cast %get3A_573 : vector<1x16xf32> to vector<16xf32>
        %swap3A_575 = arith.index_cast %add3A_569 : i32 to index
        %swap3A_576 = arith.constant 0 : index
        %swap3A_577 = tpu.vector_load %arg11[%swap3A_575, %swap3A_576] {strides = array<i32>} : memref<128x32xf32, #tpu.memory_space<vmem>>, vector<1x16xf32>,
        %swap3A_578 = vector.shape_cast %swap3A_577 : vector<1x16xf32> to vector<16xf32>
        %swap3A_579 = vector.shape_cast %get3A_574 : vector<16xf32> to vector<1x16xf32>
        tpu.vector_store %arg11[%swap3A_575, %swap3A_576], %swap3A_579 {add = true, strides = array<i32>} : memref<128x32xf32, #tpu.memory_space<vmem>>, vector<1x16xf32>,
        %get3A_580 = arith.index_cast %add3A_570 : i32 to index
        %get3A_581 = arith.constant 16 : index
        %get3A_582 = tpu.vector_load %arg7[%get3A_580, %get3A_581] {strides = array<i32>} : memref<328x32xf32, #tpu.memory_space<vmem>>, vector<1x16xf32>,
        %get3A_583 = vector.shape_cast %get3A_582 : vector<1x16xf32> to vector<16xf32>
        %swap3A_584 = arith.index_cast %add3A_569 : i32 to index
        %swap3A_585 = arith.constant 16 : index
        %swap3A_586 = tpu.vector_load %arg11[%swap3A_584, %swap3A_585] {strides = array<i32>} : memref<128x32xf32, #tpu.memory_space<vmem>>, vector<1x16xf32>,
        %swap3A_587 = vector.shape_cast %swap3A_586 : vector<1x16xf32> to vector<16xf32>
        %swap3A_588 = vector.shape_cast %get3A_583 : vector<16xf32> to vector<1x16xf32>
        tpu.vector_store %arg11[%swap3A_584, %swap3A_585], %swap3A_588 {add = true, strides = array<i32>} : memref<128x32xf32, #tpu.memory_space<vmem>>, vector<1x16xf32>,
        %scan3A_589 = arith.constant 4 : i32
        %scan3A_590 = arith.addi %scan3A_492, %scan3A_589 : i32
        %mul3A_591 = arith.constant 1 : i32
        %mul3A_592 = arith.muli %scan3A_590, %mul3A_591 : i32
        %add3A_593 = arith.constant 0 : i32
        %add3A_594 = arith.addi %add3A_593, %mul3A_592 : i32
        %add3A_595 = arith.addi %rem3A_460, %add3A_594 : i32
        %get3A_596 = arith.index_cast %add3A_595 : i32 to index
        %get3A_597 = arith.constant 0 : index
        %get3A_598 = tpu.vector_load %arg7[%get3A_596, %get3A_597] {strides = array<i32>} : memref<328x32xf32, #tpu.memory_space<vmem>>, vector<1x16xf32>,
        %get3A_599 = vector.shape_cast %get3A_598 : vector<1x16xf32> to vector<16xf32>
        %swap3A_600 = arith.index_cast %add3A_594 : i32 to index
        %swap3A_601 = arith.constant 0 : index
        %swap3A_602 = tpu.vector_load %arg11[%swap3A_600, %swap3A_601] {strides = array<i32>} : memref<128x32xf32, #tpu.memory_space<vmem>>, vector<1x16xf32>,
        %swap3A_603 = vector.shape_cast %swap3A_602 : vector<1x16xf32> to vector<16xf32>
        %swap3A_604 = vector.shape_cast %get3A_599 : vector<16xf32> to vector<1x16xf32>
        tpu.vector_store %arg11[%swap3A_600, %swap3A_601], %swap3A_604 {add = true, strides = array<i32>} : memref<128x32xf32, #tpu.memory_space<vmem>>, vector<1x16xf32>,
        %get3A_605 = arith.index_cast %add3A_595 : i32 to index
        %get3A_606 = arith.constant 16 : index
        %get3A_607 = tpu.vector_load %arg7[%get3A_605, %get3A_606] {strides = array<i32>} : memref<328x32xf32, #tpu.memory_space<vmem>>, vector<1x16xf32>,
        %get3A_608 = vector.shape_cast %get3A_607 : vector<1x16xf32> to vector<16xf32>
        %swap3A_609 = arith.index_cast %add3A_594 : i32 to index
        %swap3A_610 = arith.constant 16 : index
        %swap3A_611 = tpu.vector_load %arg11[%swap3A_609, %swap3A_610] {strides = array<i32>} : memref<128x32xf32, #tpu.memory_space<vmem>>, vector<1x16xf32>,
        %swap3A_612 = vector.shape_cast %swap3A_611 : vector<1x16xf32> to vector<16xf32>
        %swap3A_613 = vector.shape_cast %get3A_608 : vector<16xf32> to vector<1x16xf32>
        tpu.vector_store %arg11[%swap3A_609, %swap3A_610], %swap3A_613 {add = true, strides = array<i32>} : memref<128x32xf32, #tpu.memory_space<vmem>>, vector<1x16xf32>,
        %scan3A_614 = arith.constant 5 : i32
        %scan3A_615 = arith.addi %scan3A_492, %scan3A_614 : i32
        %mul3A_616 = arith.constant 1 : i32
        %mul3A_617 = arith.muli %scan3A_615, %mul3A_616 : i32
        %add3A_618 = arith.constant 0 : i32
        %add3A_619 = arith.addi %add3A_618, %mul3A_617 : i32
        %add3A_620 = arith.addi %rem3A_460, %add3A_619 : i32
        %get3A_621 = arith.index_cast %add3A_620 : i32 to index
        %get3A_622 = arith.constant 0 : index
        %get3A_623 = tpu.vector_load %arg7[%get3A_621, %get3A_622] {strides = array<i32>} : memref<328x32xf32, #tpu.memory_space<vmem>>, vector<1x16xf32>,
        %get3A_624 = vector.shape_cast %get3A_623 : vector<1x16xf32> to vector<16xf32>
        %swap3A_625 = arith.index_cast %add3A_619 : i32 to index
        %swap3A_626 = arith.constant 0 : index
        %swap3A_627 = tpu.vector_load %arg11[%swap3A_625, %swap3A_626] {strides = array<i32>} : memref<128x32xf32, #tpu.memory_space<vmem>>, vector<1x16xf32>,
        %swap3A_628 = vector.shape_cast %swap3A_627 : vector<1x16xf32> to vector<16xf32>
        %swap3A_629 = vector.shape_cast %get3A_624 : vector<16xf32> to vector<1x16xf32>
        tpu.vector_store %arg11[%swap3A_625, %swap3A_626], %swap3A_629 {add = true, strides = array<i32>} : memref<128x32xf32, #tpu.memory_space<vmem>>, vector<1x16xf32>,
        %get3A_630 = arith.index_cast %add3A_620 : i32 to index
        %get3A_631 = arith.constant 16 : index
        %get3A_632 = tpu.vector_load %arg7[%get3A_630, %get3A_631] {strides = array<i32>} : memref<328x32xf32, #tpu.memory_space<vmem>>, vector<1x16xf32>,
        %get3A_633 = vector.shape_cast %get3A_632 : vector<1x16xf32> to vector<16xf32>
        %swap3A_634 = arith.index_cast %add3A_619 : i32 to index
        %swap3A_635 = arith.constant 16 : index
        %swap3A_636 = tpu.vector_load %arg11[%swap3A_634, %swap3A_635] {strides = array<i32>} : memref<128x32xf32, #tpu.memory_space<vmem>>, vector<1x16xf32>,
        %swap3A_637 = vector.shape_cast %swap3A_636 : vector<1x16xf32> to vector<16xf32>
        %swap3A_638 = vector.shape_cast %get3A_633 : vector<16xf32> to vector<1x16xf32>
        tpu.vector_store %arg11[%swap3A_634, %swap3A_635], %swap3A_638 {add = true, strides = array<i32>} : memref<128x32xf32, #tpu.memory_space<vmem>>, vector<1x16xf32>,
        %scan3A_639 = arith.constant 6 : i32
        %scan3A_640 = arith.addi %scan3A_492, %scan3A_639 : i32
        %mul3A_641 = arith.constant 1 : i32
        %mul3A_642 = arith.muli %scan3A_640, %mul3A_641 : i32
        %add3A_643 = arith.constant 0 : i32
        %add3A_644 = arith.addi %add3A_643, %mul3A_642 : i32
        %add3A_645 = arith.addi %rem3A_460, %add3A_644 : i32
        %get3A_646 = arith.index_cast %add3A_645 : i32 to index
        %get3A_647 = arith.constant 0 : index
        %get3A_648 = tpu.vector_load %arg7[%get3A_646, %get3A_647] {strides = array<i32>} : memref<328x32xf32, #tpu.memory_space<vmem>>, vector<1x16xf32>,
        %get3A_649 = vector.shape_cast %get3A_648 : vector<1x16xf32> to vector<16xf32>
        %swap3A_650 = arith.index_cast %add3A_644 : i32 to index
        %swap3A_651 = arith.constant 0 : index
        %swap3A_652 = tpu.vector_load %arg11[%swap3A_650, %swap3A_651] {strides = array<i32>} : memref<128x32xf32, #tpu.memory_space<vmem>>, vector<1x16xf32>,
        %swap3A_653 = vector.shape_cast %swap3A_652 : vector<1x16xf32> to vector<16xf32>
        %swap3A_654 = vector.shape_cast %get3A_649 : vector<16xf32> to vector<1x16xf32>
        tpu.vector_store %arg11[%swap3A_650, %swap3A_651], %swap3A_654 {add = true, strides = array<i32>} : memref<128x32xf32, #tpu.memory_space<vmem>>, vector<1x16xf32>,
        %get3A_655 = arith.index_cast %add3A_645 : i32 to index
        %get3A_656 = arith.constant 16 : index
        %get3A_657 = tpu.vector_load %arg7[%get3A_655, %get3A_656] {strides = array<i32>} : memref<328x32xf32, #tpu.memory_space<vmem>>, vector<1x16xf32>,
        %get3A_658 = vector.shape_cast %get3A_657 : vector<1x16xf32> to vector<16xf32>
        %swap3A_659 = arith.index_cast %add3A_644 : i32 to index
        %swap3A_660 = arith.constant 16 : index
        %swap3A_661 = tpu.vector_load %arg11[%swap3A_659, %swap3A_660] {strides = array<i32>} : memref<128x32xf32, #tpu.memory_space<vmem>>, vector<1x16xf32>,
        %swap3A_662 = vector.shape_cast %swap3A_661 : vector<1x16xf32> to vector<16xf32>
        %swap3A_663 = vector.shape_cast %get3A_658 : vector<16xf32> to vector<1x16xf32>
        tpu.vector_store %arg11[%swap3A_659, %swap3A_660], %swap3A_663 {add = true, strides = array<i32>} : memref<128x32xf32, #tpu.memory_space<vmem>>, vector<1x16xf32>,
        %scan3A_664 = arith.constant 7 : i32
        %scan3A_665 = arith.addi %scan3A_492, %scan3A_664 : i32
        %mul3A_666 = arith.constant 1 : i32
        %mul3A_667 = arith.muli %scan3A_665, %mul3A_666 : i32
        %add3A_668 = arith.constant 0 : i32
        %add3A_669 = arith.addi %add3A_668, %mul3A_667 : i32
        %add3A_670 = arith.addi %rem3A_460, %add3A_669 : i32
        %get3A_671 = arith.index_cast %add3A_670 : i32 to index
        %get3A_672 = arith.constant 0 : index
        %get3A_673 = tpu.vector_load %arg7[%get3A_671, %get3A_672] {strides = array<i32>} : memref<328x32xf32, #tpu.memory_space<vmem>>, vector<1x16xf32>,
        %get3A_674 = vector.shape_cast %get3A_673 : vector<1x16xf32> to vector<16xf32>
        %swap3A_675 = arith.index_cast %add3A_669 : i32 to index
        %swap3A_676 = arith.constant 0 : index
        %swap3A_677 = tpu.vector_load %arg11[%swap3A_675, %swap3A_676] {strides = array<i32>} : memref<128x32xf32, #tpu.memory_space<vmem>>, vector<1x16xf32>,
        %swap3A_678 = vector.shape_cast %swap3A_677 : vector<1x16xf32> to vector<16xf32>
        %swap3A_679 = vector.shape_cast %get3A_674 : vector<16xf32> to vector<1x16xf32>
        tpu.vector_store %arg11[%swap3A_675, %swap3A_676], %swap3A_679 {add = true, strides = array<i32>} : memref<128x32xf32, #tpu.memory_space<vmem>>, vector<1x16xf32>,
        %get3A_680 = arith.index_cast %add3A_670 : i32 to index
        %get3A_681 = arith.constant 16 : index
        %get3A_682 = tpu.vector_load %arg7[%get3A_680, %get3A_681] {strides = array<i32>} : memref<328x32xf32, #tpu.memory_space<vmem>>, vector<1x16xf32>,
        %get3A_683 = vector.shape_cast %get3A_682 : vector<1x16xf32> to vector<16xf32>
        %swap3A_684 = arith.index_cast %add3A_669 : i32 to index
        %swap3A_685 = arith.constant 16 : index
        %swap3A_686 = tpu.vector_load %arg11[%swap3A_684, %swap3A_685] {strides = array<i32>} : memref<128x32xf32, #tpu.memory_space<vmem>>, vector<1x16xf32>,
        %swap3A_687 = vector.shape_cast %swap3A_686 : vector<1x16xf32> to vector<16xf32>
        %swap3A_688 = vector.shape_cast %get3A_683 : vector<16xf32> to vector<1x16xf32>
        tpu.vector_store %arg11[%swap3A_684, %swap3A_685], %swap3A_688 {add = true, strides = array<i32>} : memref<128x32xf32, #tpu.memory_space<vmem>>, vector<1x16xf32>,
      }
      %scan3A_465 = arith.constant 128 : i32
      %add3A_466 = arith.addi %mul3A_2, %add3A_450 : i32
      %mul3A_467 = arith.constant 128 : i32
      %mul3A_468 = arith.muli %add3A_466, %mul3A_467 : i32
      %dma_start3A_469 = arith.constant 0 : i32
      %dma_start3A_470 = tpu.memref_slice %arg5[%mul3A_468, %dma_start3A_469] : memref<819200x32xf32, #tpu.memory_space<hbm>> -> memref<128x32xf32, #tpu.memory_space<hbm>>
      %dma_start3A_471 = arith.constant 0 : i32
      %dma_start3A_472 = tpu.memref_slice %arg5[%mul3A_468, %dma_start3A_471] : memref<819200x32xf32, #tpu.memory_space<hbm>> -> memref<128x32xf32, #tpu.memory_space<hbm>>
      tpu.enqueue_dma source(%arg11 : memref<128x32xf32, #tpu.memory_space<vmem>>) target(%dma_start3A_472 : memref<128x32xf32, #tpu.memory_space<hbm>>) target_semaphore(%arg19 : memref<!tpu.dma_semaphore, #tpu.memory_space<semaphore_mem>>)
      %sub3A_473 = arith.constant 1 : i32
      %sub3A_474 = arith.subi %add3A_450, %sub3A_473 : i32
      %add3A_475 = arith.addi %mul3A_2, %sub3A_474 : i32
      %mul3A_476 = arith.constant 128 : i32
      %mul3A_477 = arith.muli %add3A_475, %mul3A_476 : i32
      %dma_wait3A_478 = arith.constant 0 : i32
      %dma_wait3A_479 = tpu.memref_slice %arg5[%mul3A_477, %dma_wait3A_478] : memref<819200x32xf32, #tpu.memory_space<hbm>> -> memref<128x32xf32, #tpu.memory_space<hbm>>
      %dma_wait3A_480 = arith.constant 0 : i32
      %dma_wait3A_481 = tpu.memref_slice %arg5[%mul3A_477, %dma_wait3A_480] : memref<819200x32xf32, #tpu.memory_space<hbm>> -> memref<128x32xf32, #tpu.memory_space<hbm>>
      tpu.wait_dma2 semaphore(%arg18 : memref<!tpu.dma_semaphore, #tpu.memory_space<semaphore_mem>>) src(%arg10 : memref<128x32xf32, #tpu.memory_space<vmem>>) dst(%dma_wait3A_481 : memref<128x32xf32, #tpu.memory_space<hbm>>)
      %sub3A_482 = arith.constant 1 : i32
      %sub3A_483 = arith.subi %add3A_450, %sub3A_482 : i32
      %add3A_484 = arith.constant 4 : i32
      %add3A_485 = arith.addi %sub3A_483, %add3A_484 : i32
      %dma_start3A_486 = arith.constant 0 : i32
      %dma_start3A_487 = tpu.memref_slice %arg6[%add3A_485, %dma_start3A_486] : memref<200x128xi32, #tpu.memory_space<vmem>> -> memref<1x128xi32, #tpu.memory_space<vmem>>
      %dma_start3A_488 = tpu.memref_squeeze %dma_start3A_487 : memref<1x128xi32, #tpu.memory_space<vmem>> -> memref<128xi32, #tpu.memory_space<vmem>>
      %dma_start3A_489 = arith.constant 0 : i32
      %dma_start3A_490 = arith.constant 0 : i32
      %dma_start3A_491 = tpu.memref_slice %arg3[%dma_start3A_489, %dma_start3A_490] : memref<1000000x32xf32, #tpu.memory_space<hbm>> -> memref<1000000x32xf32, #tpu.memory_space<hbm>>
      tpu.enqueue_indirect_dma source(%dma_start3A_491 : memref<1000000x32xf32, #tpu.memory_space<hbm>>) target(%arg10 : memref<128x32xf32, #tpu.memory_space<vmem>>) offsets(%dma_start3A_488 : memref<128xi32, #tpu.memory_space<vmem>>) semaphore(%arg14 : memref<!tpu.dma_semaphore, #tpu.memory_space<semaphore_mem>>)
    }
    %scan3A_168 = arith.constant 48 : i32
    %dma_wait3A_169 = arith.constant 196 : i32
    %dma_wait3A_170 = arith.constant 0 : i32
    %dma_wait3A_171 = tpu.memref_slice %arg6[%dma_wait3A_169, %dma_wait3A_170] : memref<200x128xi32, #tpu.memory_space<vmem>> -> memref<1x128xi32, #tpu.memory_space<vmem>>
    %dma_wait3A_172 = tpu.memref_squeeze %dma_wait3A_171 : memref<1x128xi32, #tpu.memory_space<vmem>> -> memref<128xi32, #tpu.memory_space<vmem>>
    %dma_wait3A_173 = arith.constant 0 : i32
    %dma_wait3A_174 = arith.constant 0 : i32
    %dma_wait3A_175 = tpu.memref_slice %arg3[%dma_wait3A_173, %dma_wait3A_174] : memref<1000000x32xf32, #tpu.memory_space<hbm>> -> memref<1000000x32xf32, #tpu.memory_space<hbm>>
    tpu.wait_indirect_dma semaphore(%arg12 : memref<!tpu.dma_semaphore, #tpu.memory_space<semaphore_mem>>) src(%dma_wait3A_175 : memref<1000000x32xf32, #tpu.memory_space<hbm>>) dst(%arg8 : memref<128x32xf32, #tpu.memory_space<vmem>>)
    %rem3A_176 = arith.constant 25088 : i32
    %rem3A_177 = arith.constant 200 : i32
    %rem3A_178 = arith.remsi %rem3A_176, %rem3A_177 : i32
    %scan3A_179 = arith.constant 0 : i32
    %scan3A_180 = arith.constant 128 : i32
    %scan3A_181 = arith.addi %scan3A_179, %scan3A_180 : i32
    %scan3A_182 = arith.constant 8 : i32
    scf.for %scan3A_308 = %scan3A_179 to %scan3A_181 step %scan3A_182  : i32 {
      %mul3A_309 = arith.constant 1 : i32
      %mul3A_310 = arith.muli %scan3A_308, %mul3A_309 : i32
      %add3A_311 = arith.constant 0 : i32
      %add3A_312 = arith.addi %add3A_311, %mul3A_310 : i32
      %add3A_313 = arith.addi %rem3A_178, %add3A_312 : i32
      %get3A = arith.index_cast %add3A_313 : i32 to index
      %get3A_314 = arith.constant 0 : index
      %get3A_315 = tpu.vector_load %arg7[%get3A, %get3A_314] {strides = array<i32>} : memref<328x32xf32, #tpu.memory_space<vmem>>, vector<1x16xf32>,
      %get3A_316 = vector.shape_cast %get3A_315 : vector<1x16xf32> to vector<16xf32>
      %swap3A = arith.index_cast %add3A_312 : i32 to index
      %swap3A_317 = arith.constant 0 : index
      %swap3A_318 = tpu.vector_load %arg8[%swap3A, %swap3A_317] {strides = array<i32>} : memref<128x32xf32, #tpu.memory_space<vmem>>, vector<1x16xf32>,
      %swap3A_319 = vector.shape_cast %swap3A_318 : vector<1x16xf32> to vector<16xf32>
      %swap3A_320 = vector.shape_cast %get3A_316 : vector<16xf32> to vector<1x16xf32>
      tpu.vector_store %arg8[%swap3A, %swap3A_317], %swap3A_320 {add = true, strides = array<i32>} : memref<128x32xf32, #tpu.memory_space<vmem>>, vector<1x16xf32>,
      %get3A_321 = arith.index_cast %add3A_313 : i32 to index
      %get3A_322 = arith.constant 16 : index
      %get3A_323 = tpu.vector_load %arg7[%get3A_321, %get3A_322] {strides = array<i32>} : memref<328x32xf32, #tpu.memory_space<vmem>>, vector<1x16xf32>,
      %get3A_324 = vector.shape_cast %get3A_323 : vector<1x16xf32> to vector<16xf32>
      %swap3A_325 = arith.index_cast %add3A_312 : i32 to index
      %swap3A_326 = arith.constant 16 : index
      %swap3A_327 = tpu.vector_load %arg8[%swap3A_325, %swap3A_326] {strides = array<i32>} : memref<128x32xf32, #tpu.memory_space<vmem>>, vector<1x16xf32>,
      %swap3A_328 = vector.shape_cast %swap3A_327 : vector<1x16xf32> to vector<16xf32>
      %swap3A_329 = vector.shape_cast %get3A_324 : vector<16xf32> to vector<1x16xf32>
      tpu.vector_store %arg8[%swap3A_325, %swap3A_326], %swap3A_329 {add = true, strides = array<i32>} : memref<128x32xf32, #tpu.memory_space<vmem>>, vector<1x16xf32>,
      %scan3A_330 = arith.constant 1 : i32
      %scan3A_331 = arith.addi %scan3A_308, %scan3A_330 : i32
      %mul3A_332 = arith.constant 1 : i32
      %mul3A_333 = arith.muli %scan3A_331, %mul3A_332 : i32
      %add3A_334 = arith.constant 0 : i32
      %add3A_335 = arith.addi %add3A_334, %mul3A_333 : i32
      %add3A_336 = arith.addi %rem3A_178, %add3A_335 : i32
      %get3A_337 = arith.index_cast %add3A_336 : i32 to index
      %get3A_338 = arith.constant 0 : index
      %get3A_339 = tpu.vector_load %arg7[%get3A_337, %get3A_338] {strides = array<i32>} : memref<328x32xf32, #tpu.memory_space<vmem>>, vector<1x16xf32>,
      %get3A_340 = vector.shape_cast %get3A_339 : vector<1x16xf32> to vector<16xf32>
      %swap3A_341 = arith.index_cast %add3A_335 : i32 to index
      %swap3A_342 = arith.constant 0 : index
      %swap3A_343 = tpu.vector_load %arg8[%swap3A_341, %swap3A_342] {strides = array<i32>} : memref<128x32xf32, #tpu.memory_space<vmem>>, vector<1x16xf32>,
      %swap3A_344 = vector.shape_cast %swap3A_343 : vector<1x16xf32> to vector<16xf32>
      %swap3A_345 = vector.shape_cast %get3A_340 : vector<16xf32> to vector<1x16xf32>
      tpu.vector_store %arg8[%swap3A_341, %swap3A_342], %swap3A_345 {add = true, strides = array<i32>} : memref<128x32xf32, #tpu.memory_space<vmem>>, vector<1x16xf32>,
      %get3A_346 = arith.index_cast %add3A_336 : i32 to index
      %get3A_347 = arith.constant 16 : index
      %get3A_348 = tpu.vector_load %arg7[%get3A_346, %get3A_347] {strides = array<i32>} : memref<328x32xf32, #tpu.memory_space<vmem>>, vector<1x16xf32>,
      %get3A_349 = vector.shape_cast %get3A_348 : vector<1x16xf32> to vector<16xf32>
      %swap3A_350 = arith.index_cast %add3A_335 : i32 to index
      %swap3A_351 = arith.constant 16 : index
      %swap3A_352 = tpu.vector_load %arg8[%swap3A_350, %swap3A_351] {strides = array<i32>} : memref<128x32xf32, #tpu.memory_space<vmem>>, vector<1x16xf32>,
      %swap3A_353 = vector.shape_cast %swap3A_352 : vector<1x16xf32> to vector<16xf32>
      %swap3A_354 = vector.shape_cast %get3A_349 : vector<16xf32> to vector<1x16xf32>
      tpu.vector_store %arg8[%swap3A_350, %swap3A_351], %swap3A_354 {add = true, strides = array<i32>} : memref<128x32xf32, #tpu.memory_space<vmem>>, vector<1x16xf32>,
      %scan3A_355 = arith.constant 2 : i32
      %scan3A_356 = arith.addi %scan3A_308, %scan3A_355 : i32
      %mul3A_357 = arith.constant 1 : i32
      %mul3A_358 = arith.muli %scan3A_356, %mul3A_357 : i32
      %add3A_359 = arith.constant 0 : i32
      %add3A_360 = arith.addi %add3A_359, %mul3A_358 : i32
      %add3A_361 = arith.addi %rem3A_178, %add3A_360 : i32
      %get3A_362 = arith.index_cast %add3A_361 : i32 to index
      %get3A_363 = arith.constant 0 : index
      %get3A_364 = tpu.vector_load %arg7[%get3A_362, %get3A_363] {strides = array<i32>} : memref<328x32xf32, #tpu.memory_space<vmem>>, vector<1x16xf32>,
      %get3A_365 = vector.shape_cast %get3A_364 : vector<1x16xf32> to vector<16xf32>
      %swap3A_366 = arith.index_cast %add3A_360 : i32 to index
      %swap3A_367 = arith.constant 0 : index
      %swap3A_368 = tpu.vector_load %arg8[%swap3A_366, %swap3A_367] {strides = array<i32>} : memref<128x32xf32, #tpu.memory_space<vmem>>, vector<1x16xf32>,
      %swap3A_369 = vector.shape_cast %swap3A_368 : vector<1x16xf32> to vector<16xf32>
      %swap3A_370 = vector.shape_cast %get3A_365 : vector<16xf32> to vector<1x16xf32>
      tpu.vector_store %arg8[%swap3A_366, %swap3A_367], %swap3A_370 {add = true, strides = array<i32>} : memref<128x32xf32, #tpu.memory_space<vmem>>, vector<1x16xf32>,
      %get3A_371 = arith.index_cast %add3A_361 : i32 to index
      %get3A_372 = arith.constant 16 : index
      %get3A_373 = tpu.vector_load %arg7[%get3A_371, %get3A_372] {strides = array<i32>} : memref<328x32xf32, #tpu.memory_space<vmem>>, vector<1x16xf32>,
      %get3A_374 = vector.shape_cast %get3A_373 : vector<1x16xf32> to vector<16xf32>
      %swap3A_375 = arith.index_cast %add3A_360 : i32 to index
      %swap3A_376 = arith.constant 16 : index
      %swap3A_377 = tpu.vector_load %arg8[%swap3A_375, %swap3A_376] {strides = array<i32>} : memref<128x32xf32, #tpu.memory_space<vmem>>, vector<1x16xf32>,
      %swap3A_378 = vector.shape_cast %swap3A_377 : vector<1x16xf32> to vector<16xf32>
      %swap3A_379 = vector.shape_cast %get3A_374 : vector<16xf32> to vector<1x16xf32>
      tpu.vector_store %arg8[%swap3A_375, %swap3A_376], %swap3A_379 {add = true, strides = array<i32>} : memref<128x32xf32, #tpu.memory_space<vmem>>, vector<1x16xf32>,
      %scan3A_380 = arith.constant 3 : i32
      %scan3A_381 = arith.addi %scan3A_308, %scan3A_380 : i32
      %mul3A_382 = arith.constant 1 : i32
      %mul3A_383 = arith.muli %scan3A_381, %mul3A_382 : i32
      %add3A_384 = arith.constant 0 : i32
      %add3A_385 = arith.addi %add3A_384, %mul3A_383 : i32
      %add3A_386 = arith.addi %rem3A_178, %add3A_385 : i32
      %get3A_387 = arith.index_cast %add3A_386 : i32 to index
      %get3A_388 = arith.constant 0 : index
      %get3A_389 = tpu.vector_load %arg7[%get3A_387, %get3A_388] {strides = array<i32>} : memref<328x32xf32, #tpu.memory_space<vmem>>, vector<1x16xf32>,
      %get3A_390 = vector.shape_cast %get3A_389 : vector<1x16xf32> to vector<16xf32>
      %swap3A_391 = arith.index_cast %add3A_385 : i32 to index
      %swap3A_392 = arith.constant 0 : index
      %swap3A_393 = tpu.vector_load %arg8[%swap3A_391, %swap3A_392] {strides = array<i32>} : memref<128x32xf32, #tpu.memory_space<vmem>>, vector<1x16xf32>,
      %swap3A_394 = vector.shape_cast %swap3A_393 : vector<1x16xf32> to vector<16xf32>
      %swap3A_395 = vector.shape_cast %get3A_390 : vector<16xf32> to vector<1x16xf32>
      tpu.vector_store %arg8[%swap3A_391, %swap3A_392], %swap3A_395 {add = true, strides = array<i32>} : memref<128x32xf32, #tpu.memory_space<vmem>>, vector<1x16xf32>,
      %get3A_396 = arith.index_cast %add3A_386 : i32 to index
      %get3A_397 = arith.constant 16 : index
      %get3A_398 = tpu.vector_load %arg7[%get3A_396, %get3A_397] {strides = array<i32>} : memref<328x32xf32, #tpu.memory_space<vmem>>, vector<1x16xf32>,
      %get3A_399 = vector.shape_cast %get3A_398 : vector<1x16xf32> to vector<16xf32>
      %swap3A_400 = arith.index_cast %add3A_385 : i32 to index
      %swap3A_401 = arith.constant 16 : index
      %swap3A_402 = tpu.vector_load %arg8[%swap3A_400, %swap3A_401] {strides = array<i32>} : memref<128x32xf32, #tpu.memory_space<vmem>>, vector<1x16xf32>,
      %swap3A_403 = vector.shape_cast %swap3A_402 : vector<1x16xf32> to vector<16xf32>
      %swap3A_404 = vector.shape_cast %get3A_399 : vector<16xf32> to vector<1x16xf32>
      tpu.vector_store %arg8[%swap3A_400, %swap3A_401], %swap3A_404 {add = true, strides = array<i32>} : memref<128x32xf32, #tpu.memory_space<vmem>>, vector<1x16xf32>,
      %scan3A_405 = arith.constant 4 : i32
      %scan3A_406 = arith.addi %scan3A_308, %scan3A_405 : i32
      %mul3A_407 = arith.constant 1 : i32
      %mul3A_408 = arith.muli %scan3A_406, %mul3A_407 : i32
      %add3A_409 = arith.constant 0 : i32
      %add3A_410 = arith.addi %add3A_409, %mul3A_408 : i32
      %add3A_411 = arith.addi %rem3A_178, %add3A_410 : i32
      %get3A_412 = arith.index_cast %add3A_411 : i32 to index
      %get3A_413 = arith.constant 0 : index
      %get3A_414 = tpu.vector_load %arg7[%get3A_412, %get3A_413] {strides = array<i32>} : memref<328x32xf32, #tpu.memory_space<vmem>>, vector<1x16xf32>,
      %get3A_415 = vector.shape_cast %get3A_414 : vector<1x16xf32> to vector<16xf32>
      %swap3A_416 = arith.index_cast %add3A_410 : i32 to index
      %swap3A_417 = arith.constant 0 : index
      %swap3A_418 = tpu.vector_load %arg8[%swap3A_416, %swap3A_417] {strides = array<i32>} : memref<128x32xf32, #tpu.memory_space<vmem>>, vector<1x16xf32>,
      %swap3A_419 = vector.shape_cast %swap3A_418 : vector<1x16xf32> to vector<16xf32>
      %swap3A_420 = vector.shape_cast %get3A_415 : vector<16xf32> to vector<1x16xf32>
      tpu.vector_store %arg8[%swap3A_416, %swap3A_417], %swap3A_420 {add = true, strides = array<i32>} : memref<128x32xf32, #tpu.memory_space<vmem>>, vector<1x16xf32>,
      %get3A_421 = arith.index_cast %add3A_411 : i32 to index
      %get3A_422 = arith.constant 16 : index
      %get3A_423 = tpu.vector_load %arg7[%get3A_421, %get3A_422] {strides = array<i32>} : memref<328x32xf32, #tpu.memory_space<vmem>>, vector<1x16xf32>,
      %get3A_424 = vector.shape_cast %get3A_423 : vector<1x16xf32> to vector<16xf32>
      %swap3A_425 = arith.index_cast %add3A_410 : i32 to index
      %swap3A_426 = arith.constant 16 : index
      %swap3A_427 = tpu.vector_load %arg8[%swap3A_425, %swap3A_426] {strides = array<i32>} : memref<128x32xf32, #tpu.memory_space<vmem>>, vector<1x16xf32>,
      %swap3A_428 = vector.shape_cast %swap3A_427 : vector<1x16xf32> to vector<16xf32>
      %swap3A_429 = vector.shape_cast %get3A_424 : vector<16xf32> to vector<1x16xf32>
      tpu.vector_store %arg8[%swap3A_425, %swap3A_426], %swap3A_429 {add = true, strides = array<i32>} : memref<128x32xf32, #tpu.memory_space<vmem>>, vector<1x16xf32>,
      %scan3A_430 = arith.constant 5 : i32
      %scan3A_431 = arith.addi %scan3A_308, %scan3A_430 : i32
      %mul3A_432 = arith.constant 1 : i32
      %mul3A_433 = arith.muli %scan3A_431, %mul3A_432 : i32
      %add3A_434 = arith.constant 0 : i32
      %add3A_435 = arith.addi %add3A_434, %mul3A_433 : i32
      %add3A_436 = arith.addi %rem3A_178, %add3A_435 : i32
      %get3A_437 = arith.index_cast %add3A_436 : i32 to index
      %get3A_438 = arith.constant 0 : index
      %get3A_439 = tpu.vector_load %arg7[%get3A_437, %get3A_438] {strides = array<i32>} : memref<328x32xf32, #tpu.memory_space<vmem>>, vector<1x16xf32>,
      %get3A_440 = vector.shape_cast %get3A_439 : vector<1x16xf32> to vector<16xf32>
      %swap3A_441 = arith.index_cast %add3A_435 : i32 to index
      %swap3A_442 = arith.constant 0 : index
      %swap3A_443 = tpu.vector_load %arg8[%swap3A_441, %swap3A_442] {strides = array<i32>} : memref<128x32xf32, #tpu.memory_space<vmem>>, vector<1x16xf32>,
      %swap3A_444 = vector.shape_cast %swap3A_443 : vector<1x16xf32> to vector<16xf32>
      %swap3A_445 = vector.shape_cast %get3A_440 : vector<16xf32> to vector<1x16xf32>
      tpu.vector_store %arg8[%swap3A_441, %swap3A_442], %swap3A_445 {add = true, strides = array<i32>} : memref<128x32xf32, #tpu.memory_space<vmem>>, vector<1x16xf32>,
      %get3A_446 = arith.index_cast %add3A_436 : i32 to index
      %get3A_447 = arith.constant 16 : index
      %get3A_448 = tpu.vector_load %arg7[%get3A_446, %get3A_447] {strides = array<i32>} : memref<328x32xf32, #tpu.memory_space<vmem>>, vector<1x16xf32>,
      %get3A_449 = vector.shape_cast %get3A_448 : vector<1x16xf32> to vector<16xf32>
      %swap3A_450 = arith.index_cast %add3A_435 : i32 to index
      %swap3A_451 = arith.constant 16 : index
      %swap3A_452 = tpu.vector_load %arg8[%swap3A_450, %swap3A_451] {strides = array<i32>} : memref<128x32xf32, #tpu.memory_space<vmem>>, vector<1x16xf32>,
      %swap3A_453 = vector.shape_cast %swap3A_452 : vector<1x16xf32> to vector<16xf32>
      %swap3A_454 = vector.shape_cast %get3A_449 : vector<16xf32> to vector<1x16xf32>
      tpu.vector_store %arg8[%swap3A_450, %swap3A_451], %swap3A_454 {add = true, strides = array<i32>} : memref<128x32xf32, #tpu.memory_space<vmem>>, vector<1x16xf32>,
      %scan3A_455 = arith.constant 6 : i32
      %scan3A_456 = arith.addi %scan3A_308, %scan3A_455 : i32
      %mul3A_457 = arith.constant 1 : i32
      %mul3A_458 = arith.muli %scan3A_456, %mul3A_457 : i32
      %add3A_459 = arith.constant 0 : i32
      %add3A_460 = arith.addi %add3A_459, %mul3A_458 : i32
      %add3A_461 = arith.addi %rem3A_178, %add3A_460 : i32
      %get3A_462 = arith.index_cast %add3A_461 : i32 to index
      %get3A_463 = arith.constant 0 : index
      %get3A_464 = tpu.vector_load %arg7[%get3A_462, %get3A_463] {strides = array<i32>} : memref<328x32xf32, #tpu.memory_space<vmem>>, vector<1x16xf32>,
      %get3A_465 = vector.shape_cast %get3A_464 : vector<1x16xf32> to vector<16xf32>
      %swap3A_466 = arith.index_cast %add3A_460 : i32 to index
      %swap3A_467 = arith.constant 0 : index
      %swap3A_468 = tpu.vector_load %arg8[%swap3A_466, %swap3A_467] {strides = array<i32>} : memref<128x32xf32, #tpu.memory_space<vmem>>, vector<1x16xf32>,
      %swap3A_469 = vector.shape_cast %swap3A_468 : vector<1x16xf32> to vector<16xf32>
      %swap3A_470 = vector.shape_cast %get3A_465 : vector<16xf32> to vector<1x16xf32>
      tpu.vector_store %arg8[%swap3A_466, %swap3A_467], %swap3A_470 {add = true, strides = array<i32>} : memref<128x32xf32, #tpu.memory_space<vmem>>, vector<1x16xf32>,
      %get3A_471 = arith.index_cast %add3A_461 : i32 to index
      %get3A_472 = arith.constant 16 : index
      %get3A_473 = tpu.vector_load %arg7[%get3A_471, %get3A_472] {strides = array<i32>} : memref<328x32xf32, #tpu.memory_space<vmem>>, vector<1x16xf32>,
      %get3A_474 = vector.shape_cast %get3A_473 : vector<1x16xf32> to vector<16xf32>
      %swap3A_475 = arith.index_cast %add3A_460 : i32 to index
      %swap3A_476 = arith.constant 16 : index
      %swap3A_477 = tpu.vector_load %arg8[%swap3A_475, %swap3A_476] {strides = array<i32>} : memref<128x32xf32, #tpu.memory_space<vmem>>, vector<1x16xf32>,
      %swap3A_478 = vector.shape_cast %swap3A_477 : vector<1x16xf32> to vector<16xf32>
      %swap3A_479 = vector.shape_cast %get3A_474 : vector<16xf32> to vector<1x16xf32>
      tpu.vector_store %arg8[%swap3A_475, %swap3A_476], %swap3A_479 {add = true, strides = array<i32>} : memref<128x32xf32, #tpu.memory_space<vmem>>, vector<1x16xf32>,
      %scan3A_480 = arith.constant 7 : i32
      %scan3A_481 = arith.addi %scan3A_308, %scan3A_480 : i32
      %mul3A_482 = arith.constant 1 : i32
      %mul3A_483 = arith.muli %scan3A_481, %mul3A_482 : i32
      %add3A_484 = arith.constant 0 : i32
      %add3A_485 = arith.addi %add3A_484, %mul3A_483 : i32
      %add3A_486 = arith.addi %rem3A_178, %add3A_485 : i32
      %get3A_487 = arith.index_cast %add3A_486 : i32 to index
      %get3A_488 = arith.constant 0 : index
      %get3A_489 = tpu.vector_load %arg7[%get3A_487, %get3A_488] {strides = array<i32>} : memref<328x32xf32, #tpu.memory_space<vmem>>, vector<1x16xf32>,
      %get3A_490 = vector.shape_cast %get3A_489 : vector<1x16xf32> to vector<16xf32>
      %swap3A_491 = arith.index_cast %add3A_485 : i32 to index
      %swap3A_492 = arith.constant 0 : index
      %swap3A_493 = tpu.vector_load %arg8[%swap3A_491, %swap3A_492] {strides = array<i32>} : memref<128x32xf32, #tpu.memory_space<vmem>>, vector<1x16xf32>,
      %swap3A_494 = vector.shape_cast %swap3A_493 : vector<1x16xf32> to vector<16xf32>
      %swap3A_495 = vector.shape_cast %get3A_490 : vector<16xf32> to vector<1x16xf32>
      tpu.vector_store %arg8[%swap3A_491, %swap3A_492], %swap3A_495 {add = true, strides = array<i32>} : memref<128x32xf32, #tpu.memory_space<vmem>>, vector<1x16xf32>,
      %get3A_496 = arith.index_cast %add3A_486 : i32 to index
      %get3A_497 = arith.constant 16 : index
      %get3A_498 = tpu.vector_load %arg7[%get3A_496, %get3A_497] {strides = array<i32>} : memref<328x32xf32, #tpu.memory_space<vmem>>, vector<1x16xf32>,
      %get3A_499 = vector.shape_cast %get3A_498 : vector<1x16xf32> to vector<16xf32>
      %swap3A_500 = arith.index_cast %add3A_485 : i32 to index
      %swap3A_501 = arith.constant 16 : index
      %swap3A_502 = tpu.vector_load %arg8[%swap3A_500, %swap3A_501] {strides = array<i32>} : memref<128x32xf32, #tpu.memory_space<vmem>>, vector<1x16xf32>,
      %swap3A_503 = vector.shape_cast %swap3A_502 : vector<1x16xf32> to vector<16xf32>
      %swap3A_504 = vector.shape_cast %get3A_499 : vector<16xf32> to vector<1x16xf32>
      tpu.vector_store %arg8[%swap3A_500, %swap3A_501], %swap3A_504 {add = true, strides = array<i32>} : memref<128x32xf32, #tpu.memory_space<vmem>>, vector<1x16xf32>,
    }
    %scan3A_183 = arith.constant 128 : i32
    %add3A_184 = arith.constant 196 : i32
    %add3A_185 = arith.addi %mul3A_2, %add3A_184 : i32
    %mul3A_186 = arith.constant 128 : i32
    %mul3A_187 = arith.muli %add3A_185, %mul3A_186 : i32
    %dma_start3A_188 = arith.constant 0 : i32
    %dma_start3A_189 = tpu.memref_slice %arg5[%mul3A_187, %dma_start3A_188] : memref<819200x32xf32, #tpu.memory_space<hbm>> -> memref<128x32xf32, #tpu.memory_space<hbm>>
    %dma_start3A_190 = arith.constant 0 : i32
    %dma_start3A_191 = tpu.memref_slice %arg5[%mul3A_187, %dma_start3A_190] : memref<819200x32xf32, #tpu.memory_space<hbm>> -> memref<128x32xf32, #tpu.memory_space<hbm>>
    tpu.enqueue_dma source(%arg8 : memref<128x32xf32, #tpu.memory_space<vmem>>) target(%dma_start3A_191 : memref<128x32xf32, #tpu.memory_space<hbm>>) target_semaphore(%arg16 : memref<!tpu.dma_semaphore, #tpu.memory_space<semaphore_mem>>)
    %add3A_192 = arith.constant 195 : i32
    %add3A_193 = arith.addi %mul3A_2, %add3A_192 : i32
    %mul3A_194 = arith.constant 128 : i32
    %mul3A_195 = arith.muli %add3A_193, %mul3A_194 : i32
    %dma_wait3A_196 = arith.constant 0 : i32
    %dma_wait3A_197 = tpu.memref_slice %arg5[%mul3A_195, %dma_wait3A_196] : memref<819200x32xf32, #tpu.memory_space<hbm>> -> memref<128x32xf32, #tpu.memory_space<hbm>>
    %dma_wait3A_198 = arith.constant 0 : i32
    %dma_wait3A_199 = tpu.memref_slice %arg5[%mul3A_195, %dma_wait3A_198] : memref<819200x32xf32, #tpu.memory_space<hbm>> -> memref<128x32xf32, #tpu.memory_space<hbm>>
    tpu.wait_dma2 semaphore(%arg19 : memref<!tpu.dma_semaphore, #tpu.memory_space<semaphore_mem>>) src(%arg11 : memref<128x32xf32, #tpu.memory_space<vmem>>) dst(%dma_wait3A_199 : memref<128x32xf32, #tpu.memory_space<hbm>>)
    %dma_start3A_200 = arith.constant 199 : i32
    %dma_start3A_201 = arith.constant 0 : i32
    %dma_start3A_202 = tpu.memref_slice %arg6[%dma_start3A_200, %dma_start3A_201] : memref<200x128xi32, #tpu.memory_space<vmem>> -> memref<1x128xi32, #tpu.memory_space<vmem>>
    %dma_start3A_203 = tpu.memref_squeeze %dma_start3A_202 : memref<1x128xi32, #tpu.memory_space<vmem>> -> memref<128xi32, #tpu.memory_space<vmem>>
    %dma_start3A_204 = arith.constant 0 : i32
    %dma_start3A_205 = arith.constant 0 : i32
    %dma_start3A_206 = tpu.memref_slice %arg3[%dma_start3A_204, %dma_start3A_205] : memref<1000000x32xf32, #tpu.memory_space<hbm>> -> memref<1000000x32xf32, #tpu.memory_space<hbm>>
    tpu.enqueue_indirect_dma source(%dma_start3A_206 : memref<1000000x32xf32, #tpu.memory_space<hbm>>) target(%arg11 : memref<128x32xf32, #tpu.memory_space<vmem>>) offsets(%dma_start3A_203 : memref<128xi32, #tpu.memory_space<vmem>>) semaphore(%arg15 : memref<!tpu.dma_semaphore, #tpu.memory_space<semaphore_mem>>)
    %dma_wait3A_207 = arith.constant 197 : i32
    %dma_wait3A_208 = arith.constant 0 : i32
    %dma_wait3A_209 = tpu.memref_slice %arg6[%dma_wait3A_207, %dma_wait3A_208] : memref<200x128xi32, #tpu.memory_space<vmem>> -> memref<1x128xi32, #tpu.memory_space<vmem>>
    %dma_wait3A_210 = tpu.memref_squeeze %dma_wait3A_209 : memref<1x128xi32, #tpu.memory_space<vmem>> -> memref<128xi32, #tpu.memory_space<vmem>>
    %dma_wait3A_211 = arith.constant 0 : i32
    %dma_wait3A_212 = arith.constant 0 : i32
    %dma_wait3A_213 = tpu.memref_slice %arg3[%dma_wait3A_211, %dma_wait3A_212] : memref<1000000x32xf32, #tpu.memory_space<hbm>> -> memref<1000000x32xf32, #tpu.memory_space<hbm>>
    tpu.wait_indirect_dma semaphore(%arg13 : memref<!tpu.dma_semaphore, #tpu.memory_space<semaphore_mem>>) src(%dma_wait3A_213 : memref<1000000x32xf32, #tpu.memory_space<hbm>>) dst(%arg9 : memref<128x32xf32, #tpu.memory_space<vmem>>)
    %rem3A_214 = arith.constant 25216 : i32
    %rem3A_215 = arith.constant 200 : i32
    %rem3A_216 = arith.remsi %rem3A_214, %rem3A_215 : i32
    %scan3A_217 = arith.constant 0 : i32
    %scan3A_218 = arith.constant 128 : i32
    %scan3A_219 = arith.addi %scan3A_217, %scan3A_218 : i32
    %scan3A_220 = arith.constant 8 : i32
    scf.for %scan3A_308 = %scan3A_217 to %scan3A_219 step %scan3A_220  : i32 {
      %mul3A_309 = arith.constant 1 : i32
      %mul3A_310 = arith.muli %scan3A_308, %mul3A_309 : i32
      %add3A_311 = arith.constant 0 : i32
      %add3A_312 = arith.addi %add3A_311, %mul3A_310 : i32
      %add3A_313 = arith.addi %rem3A_216, %add3A_312 : i32
      %get3A = arith.index_cast %add3A_313 : i32 to index
      %get3A_314 = arith.constant 0 : index
      %get3A_315 = tpu.vector_load %arg7[%get3A, %get3A_314] {strides = array<i32>} : memref<328x32xf32, #tpu.memory_space<vmem>>, vector<1x16xf32>,
      %get3A_316 = vector.shape_cast %get3A_315 : vector<1x16xf32> to vector<16xf32>
      %swap3A = arith.index_cast %add3A_312 : i32 to index
      %swap3A_317 = arith.constant 0 : index
      %swap3A_318 = tpu.vector_load %arg9[%swap3A, %swap3A_317] {strides = array<i32>} : memref<128x32xf32, #tpu.memory_space<vmem>>, vector<1x16xf32>,
      %swap3A_319 = vector.shape_cast %swap3A_318 : vector<1x16xf32> to vector<16xf32>
      %swap3A_320 = vector.shape_cast %get3A_316 : vector<16xf32> to vector<1x16xf32>
      tpu.vector_store %arg9[%swap3A, %swap3A_317], %swap3A_320 {add = true, strides = array<i32>} : memref<128x32xf32, #tpu.memory_space<vmem>>, vector<1x16xf32>,
      %get3A_321 = arith.index_cast %add3A_313 : i32 to index
      %get3A_322 = arith.constant 16 : index
      %get3A_323 = tpu.vector_load %arg7[%get3A_321, %get3A_322] {strides = array<i32>} : memref<328x32xf32, #tpu.memory_space<vmem>>, vector<1x16xf32>,
      %get3A_324 = vector.shape_cast %get3A_323 : vector<1x16xf32> to vector<16xf32>
      %swap3A_325 = arith.index_cast %add3A_312 : i32 to index
      %swap3A_326 = arith.constant 16 : index
      %swap3A_327 = tpu.vector_load %arg9[%swap3A_325, %swap3A_326] {strides = array<i32>} : memref<128x32xf32, #tpu.memory_space<vmem>>, vector<1x16xf32>,
      %swap3A_328 = vector.shape_cast %swap3A_327 : vector<1x16xf32> to vector<16xf32>
      %swap3A_329 = vector.shape_cast %get3A_324 : vector<16xf32> to vector<1x16xf32>
      tpu.vector_store %arg9[%swap3A_325, %swap3A_326], %swap3A_329 {add = true, strides = array<i32>} : memref<128x32xf32, #tpu.memory_space<vmem>>, vector<1x16xf32>,
      %scan3A_330 = arith.constant 1 : i32
      %scan3A_331 = arith.addi %scan3A_308, %scan3A_330 : i32
      %mul3A_332 = arith.constant 1 : i32
      %mul3A_333 = arith.muli %scan3A_331, %mul3A_332 : i32
      %add3A_334 = arith.constant 0 : i32
      %add3A_335 = arith.addi %add3A_334, %mul3A_333 : i32
      %add3A_336 = arith.addi %rem3A_216, %add3A_335 : i32
      %get3A_337 = arith.index_cast %add3A_336 : i32 to index
      %get3A_338 = arith.constant 0 : index
      %get3A_339 = tpu.vector_load %arg7[%get3A_337, %get3A_338] {strides = array<i32>} : memref<328x32xf32, #tpu.memory_space<vmem>>, vector<1x16xf32>,
      %get3A_340 = vector.shape_cast %get3A_339 : vector<1x16xf32> to vector<16xf32>
      %swap3A_341 = arith.index_cast %add3A_335 : i32 to index
      %swap3A_342 = arith.constant 0 : index
      %swap3A_343 = tpu.vector_load %arg9[%swap3A_341, %swap3A_342] {strides = array<i32>} : memref<128x32xf32, #tpu.memory_space<vmem>>, vector<1x16xf32>,
      %swap3A_344 = vector.shape_cast %swap3A_343 : vector<1x16xf32> to vector<16xf32>
      %swap3A_345 = vector.shape_cast %get3A_340 : vector<16xf32> to vector<1x16xf32>
      tpu.vector_store %arg9[%swap3A_341, %swap3A_342], %swap3A_345 {add = true, strides = array<i32>} : memref<128x32xf32, #tpu.memory_space<vmem>>, vector<1x16xf32>,
      %get3A_346 = arith.index_cast %add3A_336 : i32 to index
      %get3A_347 = arith.constant 16 : index
      %get3A_348 = tpu.vector_load %arg7[%get3A_346, %get3A_347] {strides = array<i32>} : memref<328x32xf32, #tpu.memory_space<vmem>>, vector<1x16xf32>,
      %get3A_349 = vector.shape_cast %get3A_348 : vector<1x16xf32> to vector<16xf32>
      %swap3A_350 = arith.index_cast %add3A_335 : i32 to index
      %swap3A_351 = arith.constant 16 : index
      %swap3A_352 = tpu.vector_load %arg9[%swap3A_350, %swap3A_351] {strides = array<i32>} : memref<128x32xf32, #tpu.memory_space<vmem>>, vector<1x16xf32>,
      %swap3A_353 = vector.shape_cast %swap3A_352 : vector<1x16xf32> to vector<16xf32>
      %swap3A_354 = vector.shape_cast %get3A_349 : vector<16xf32> to vector<1x16xf32>
      tpu.vector_store %arg9[%swap3A_350, %swap3A_351], %swap3A_354 {add = true, strides = array<i32>} : memref<128x32xf32, #tpu.memory_space<vmem>>, vector<1x16xf32>,
      %scan3A_355 = arith.constant 2 : i32
      %scan3A_356 = arith.addi %scan3A_308, %scan3A_355 : i32
      %mul3A_357 = arith.constant 1 : i32
      %mul3A_358 = arith.muli %scan3A_356, %mul3A_357 : i32
      %add3A_359 = arith.constant 0 : i32
      %add3A_360 = arith.addi %add3A_359, %mul3A_358 : i32
      %add3A_361 = arith.addi %rem3A_216, %add3A_360 : i32
      %get3A_362 = arith.index_cast %add3A_361 : i32 to index
      %get3A_363 = arith.constant 0 : index
      %get3A_364 = tpu.vector_load %arg7[%get3A_362, %get3A_363] {strides = array<i32>} : memref<328x32xf32, #tpu.memory_space<vmem>>, vector<1x16xf32>,
      %get3A_365 = vector.shape_cast %get3A_364 : vector<1x16xf32> to vector<16xf32>
      %swap3A_366 = arith.index_cast %add3A_360 : i32 to index
      %swap3A_367 = arith.constant 0 : index
      %swap3A_368 = tpu.vector_load %arg9[%swap3A_366, %swap3A_367] {strides = array<i32>} : memref<128x32xf32, #tpu.memory_space<vmem>>, vector<1x16xf32>,
      %swap3A_369 = vector.shape_cast %swap3A_368 : vector<1x16xf32> to vector<16xf32>
      %swap3A_370 = vector.shape_cast %get3A_365 : vector<16xf32> to vector<1x16xf32>
      tpu.vector_store %arg9[%swap3A_366, %swap3A_367], %swap3A_370 {add = true, strides = array<i32>} : memref<128x32xf32, #tpu.memory_space<vmem>>, vector<1x16xf32>,
      %get3A_371 = arith.index_cast %add3A_361 : i32 to index
      %get3A_372 = arith.constant 16 : index
      %get3A_373 = tpu.vector_load %arg7[%get3A_371, %get3A_372] {strides = array<i32>} : memref<328x32xf32, #tpu.memory_space<vmem>>, vector<1x16xf32>,
      %get3A_374 = vector.shape_cast %get3A_373 : vector<1x16xf32> to vector<16xf32>
      %swap3A_375 = arith.index_cast %add3A_360 : i32 to index
      %swap3A_376 = arith.constant 16 : index
      %swap3A_377 = tpu.vector_load %arg9[%swap3A_375, %swap3A_376] {strides = array<i32>} : memref<128x32xf32, #tpu.memory_space<vmem>>, vector<1x16xf32>,
      %swap3A_378 = vector.shape_cast %swap3A_377 : vector<1x16xf32> to vector<16xf32>
      %swap3A_379 = vector.shape_cast %get3A_374 : vector<16xf32> to vector<1x16xf32>
      tpu.vector_store %arg9[%swap3A_375, %swap3A_376], %swap3A_379 {add = true, strides = array<i32>} : memref<128x32xf32, #tpu.memory_space<vmem>>, vector<1x16xf32>,
      %scan3A_380 = arith.constant 3 : i32
      %scan3A_381 = arith.addi %scan3A_308, %scan3A_380 : i32
      %mul3A_382 = arith.constant 1 : i32
      %mul3A_383 = arith.muli %scan3A_381, %mul3A_382 : i32
      %add3A_384 = arith.constant 0 : i32
      %add3A_385 = arith.addi %add3A_384, %mul3A_383 : i32
      %add3A_386 = arith.addi %rem3A_216, %add3A_385 : i32
      %get3A_387 = arith.index_cast %add3A_386 : i32 to index
      %get3A_388 = arith.constant 0 : index
      %get3A_389 = tpu.vector_load %arg7[%get3A_387, %get3A_388] {strides = array<i32>} : memref<328x32xf32, #tpu.memory_space<vmem>>, vector<1x16xf32>,
      %get3A_390 = vector.shape_cast %get3A_389 : vector<1x16xf32> to vector<16xf32>
      %swap3A_391 = arith.index_cast %add3A_385 : i32 to index
      %swap3A_392 = arith.constant 0 : index
      %swap3A_393 = tpu.vector_load %arg9[%swap3A_391, %swap3A_392] {strides = array<i32>} : memref<128x32xf32, #tpu.memory_space<vmem>>, vector<1x16xf32>,
      %swap3A_394 = vector.shape_cast %swap3A_393 : vector<1x16xf32> to vector<16xf32>
      %swap3A_395 = vector.shape_cast %get3A_390 : vector<16xf32> to vector<1x16xf32>
      tpu.vector_store %arg9[%swap3A_391, %swap3A_392], %swap3A_395 {add = true, strides = array<i32>} : memref<128x32xf32, #tpu.memory_space<vmem>>, vector<1x16xf32>,
      %get3A_396 = arith.index_cast %add3A_386 : i32 to index
      %get3A_397 = arith.constant 16 : index
      %get3A_398 = tpu.vector_load %arg7[%get3A_396, %get3A_397] {strides = array<i32>} : memref<328x32xf32, #tpu.memory_space<vmem>>, vector<1x16xf32>,
      %get3A_399 = vector.shape_cast %get3A_398 : vector<1x16xf32> to vector<16xf32>
      %swap3A_400 = arith.index_cast %add3A_385 : i32 to index
      %swap3A_401 = arith.constant 16 : index
      %swap3A_402 = tpu.vector_load %arg9[%swap3A_400, %swap3A_401] {strides = array<i32>} : memref<128x32xf32, #tpu.memory_space<vmem>>, vector<1x16xf32>,
      %swap3A_403 = vector.shape_cast %swap3A_402 : vector<1x16xf32> to vector<16xf32>
      %swap3A_404 = vector.shape_cast %get3A_399 : vector<16xf32> to vector<1x16xf32>
      tpu.vector_store %arg9[%swap3A_400, %swap3A_401], %swap3A_404 {add = true, strides = array<i32>} : memref<128x32xf32, #tpu.memory_space<vmem>>, vector<1x16xf32>,
      %scan3A_405 = arith.constant 4 : i32
      %scan3A_406 = arith.addi %scan3A_308, %scan3A_405 : i32
      %mul3A_407 = arith.constant 1 : i32
      %mul3A_408 = arith.muli %scan3A_406, %mul3A_407 : i32
      %add3A_409 = arith.constant 0 : i32
      %add3A_410 = arith.addi %add3A_409, %mul3A_408 : i32
      %add3A_411 = arith.addi %rem3A_216, %add3A_410 : i32
      %get3A_412 = arith.index_cast %add3A_411 : i32 to index
      %get3A_413 = arith.constant 0 : index
      %get3A_414 = tpu.vector_load %arg7[%get3A_412, %get3A_413] {strides = array<i32>} : memref<328x32xf32, #tpu.memory_space<vmem>>, vector<1x16xf32>,
      %get3A_415 = vector.shape_cast %get3A_414 : vector<1x16xf32> to vector<16xf32>
      %swap3A_416 = arith.index_cast %add3A_410 : i32 to index
      %swap3A_417 = arith.constant 0 : index
      %swap3A_418 = tpu.vector_load %arg9[%swap3A_416, %swap3A_417] {strides = array<i32>} : memref<128x32xf32, #tpu.memory_space<vmem>>, vector<1x16xf32>,
      %swap3A_419 = vector.shape_cast %swap3A_418 : vector<1x16xf32> to vector<16xf32>
      %swap3A_420 = vector.shape_cast %get3A_415 : vector<16xf32> to vector<1x16xf32>
      tpu.vector_store %arg9[%swap3A_416, %swap3A_417], %swap3A_420 {add = true, strides = array<i32>} : memref<128x32xf32, #tpu.memory_space<vmem>>, vector<1x16xf32>,
      %get3A_421 = arith.index_cast %add3A_411 : i32 to index
      %get3A_422 = arith.constant 16 : index
      %get3A_423 = tpu.vector_load %arg7[%get3A_421, %get3A_422] {strides = array<i32>} : memref<328x32xf32, #tpu.memory_space<vmem>>, vector<1x16xf32>,
      %get3A_424 = vector.shape_cast %get3A_423 : vector<1x16xf32> to vector<16xf32>
      %swap3A_425 = arith.index_cast %add3A_410 : i32 to index
      %swap3A_426 = arith.constant 16 : index
      %swap3A_427 = tpu.vector_load %arg9[%swap3A_425, %swap3A_426] {strides = array<i32>} : memref<128x32xf32, #tpu.memory_space<vmem>>, vector<1x16xf32>,
      %swap3A_428 = vector.shape_cast %swap3A_427 : vector<1x16xf32> to vector<16xf32>
      %swap3A_429 = vector.shape_cast %get3A_424 : vector<16xf32> to vector<1x16xf32>
      tpu.vector_store %arg9[%swap3A_425, %swap3A_426], %swap3A_429 {add = true, strides = array<i32>} : memref<128x32xf32, #tpu.memory_space<vmem>>, vector<1x16xf32>,
      %scan3A_430 = arith.constant 5 : i32
      %scan3A_431 = arith.addi %scan3A_308, %scan3A_430 : i32
      %mul3A_432 = arith.constant 1 : i32
      %mul3A_433 = arith.muli %scan3A_431, %mul3A_432 : i32
      %add3A_434 = arith.constant 0 : i32
      %add3A_435 = arith.addi %add3A_434, %mul3A_433 : i32
      %add3A_436 = arith.addi %rem3A_216, %add3A_435 : i32
      %get3A_437 = arith.index_cast %add3A_436 : i32 to index
      %get3A_438 = arith.constant 0 : index
      %get3A_439 = tpu.vector_load %arg7[%get3A_437, %get3A_438] {strides = array<i32>} : memref<328x32xf32, #tpu.memory_space<vmem>>, vector<1x16xf32>,
      %get3A_440 = vector.shape_cast %get3A_439 : vector<1x16xf32> to vector<16xf32>
      %swap3A_441 = arith.index_cast %add3A_435 : i32 to index
      %swap3A_442 = arith.constant 0 : index
      %swap3A_443 = tpu.vector_load %arg9[%swap3A_441, %swap3A_442] {strides = array<i32>} : memref<128x32xf32, #tpu.memory_space<vmem>>, vector<1x16xf32>,
      %swap3A_444 = vector.shape_cast %swap3A_443 : vector<1x16xf32> to vector<16xf32>
      %swap3A_445 = vector.shape_cast %get3A_440 : vector<16xf32> to vector<1x16xf32>
      tpu.vector_store %arg9[%swap3A_441, %swap3A_442], %swap3A_445 {add = true, strides = array<i32>} : memref<128x32xf32, #tpu.memory_space<vmem>>, vector<1x16xf32>,
      %get3A_446 = arith.index_cast %add3A_436 : i32 to index
      %get3A_447 = arith.constant 16 : index
      %get3A_448 = tpu.vector_load %arg7[%get3A_446, %get3A_447] {strides = array<i32>} : memref<328x32xf32, #tpu.memory_space<vmem>>, vector<1x16xf32>,
      %get3A_449 = vector.shape_cast %get3A_448 : vector<1x16xf32> to vector<16xf32>
      %swap3A_450 = arith.index_cast %add3A_435 : i32 to index
      %swap3A_451 = arith.constant 16 : index
      %swap3A_452 = tpu.vector_load %arg9[%swap3A_450, %swap3A_451] {strides = array<i32>} : memref<128x32xf32, #tpu.memory_space<vmem>>, vector<1x16xf32>,
      %swap3A_453 = vector.shape_cast %swap3A_452 : vector<1x16xf32> to vector<16xf32>
      %swap3A_454 = vector.shape_cast %get3A_449 : vector<16xf32> to vector<1x16xf32>
      tpu.vector_store %arg9[%swap3A_450, %swap3A_451], %swap3A_454 {add = true, strides = array<i32>} : memref<128x32xf32, #tpu.memory_space<vmem>>, vector<1x16xf32>,
      %scan3A_455 = arith.constant 6 : i32
      %scan3A_456 = arith.addi %scan3A_308, %scan3A_455 : i32
      %mul3A_457 = arith.constant 1 : i32
      %mul3A_458 = arith.muli %scan3A_456, %mul3A_457 : i32
      %add3A_459 = arith.constant 0 : i32
      %add3A_460 = arith.addi %add3A_459, %mul3A_458 : i32
      %add3A_461 = arith.addi %rem3A_216, %add3A_460 : i32
      %get3A_462 = arith.index_cast %add3A_461 : i32 to index
      %get3A_463 = arith.constant 0 : index
      %get3A_464 = tpu.vector_load %arg7[%get3A_462, %get3A_463] {strides = array<i32>} : memref<328x32xf32, #tpu.memory_space<vmem>>, vector<1x16xf32>,
      %get3A_465 = vector.shape_cast %get3A_464 : vector<1x16xf32> to vector<16xf32>
      %swap3A_466 = arith.index_cast %add3A_460 : i32 to index
      %swap3A_467 = arith.constant 0 : index
      %swap3A_468 = tpu.vector_load %arg9[%swap3A_466, %swap3A_467] {strides = array<i32>} : memref<128x32xf32, #tpu.memory_space<vmem>>, vector<1x16xf32>,
      %swap3A_469 = vector.shape_cast %swap3A_468 : vector<1x16xf32> to vector<16xf32>
      %swap3A_470 = vector.shape_cast %get3A_465 : vector<16xf32> to vector<1x16xf32>
      tpu.vector_store %arg9[%swap3A_466, %swap3A_467], %swap3A_470 {add = true, strides = array<i32>} : memref<128x32xf32, #tpu.memory_space<vmem>>, vector<1x16xf32>,
      %get3A_471 = arith.index_cast %add3A_461 : i32 to index
      %get3A_472 = arith.constant 16 : index
      %get3A_473 = tpu.vector_load %arg7[%get3A_471, %get3A_472] {strides = array<i32>} : memref<328x32xf32, #tpu.memory_space<vmem>>, vector<1x16xf32>,
      %get3A_474 = vector.shape_cast %get3A_473 : vector<1x16xf32> to vector<16xf32>
      %swap3A_475 = arith.index_cast %add3A_460 : i32 to index
      %swap3A_476 = arith.constant 16 : index
      %swap3A_477 = tpu.vector_load %arg9[%swap3A_475, %swap3A_476] {strides = array<i32>} : memref<128x32xf32, #tpu.memory_space<vmem>>, vector<1x16xf32>,
      %swap3A_478 = vector.shape_cast %swap3A_477 : vector<1x16xf32> to vector<16xf32>
      %swap3A_479 = vector.shape_cast %get3A_474 : vector<16xf32> to vector<1x16xf32>
      tpu.vector_store %arg9[%swap3A_475, %swap3A_476], %swap3A_479 {add = true, strides = array<i32>} : memref<128x32xf32, #tpu.memory_space<vmem>>, vector<1x16xf32>,
      %scan3A_480 = arith.constant 7 : i32
      %scan3A_481 = arith.addi %scan3A_308, %scan3A_480 : i32
      %mul3A_482 = arith.constant 1 : i32
      %mul3A_483 = arith.muli %scan3A_481, %mul3A_482 : i32
      %add3A_484 = arith.constant 0 : i32
      %add3A_485 = arith.addi %add3A_484, %mul3A_483 : i32
      %add3A_486 = arith.addi %rem3A_216, %add3A_485 : i32
      %get3A_487 = arith.index_cast %add3A_486 : i32 to index
      %get3A_488 = arith.constant 0 : index
      %get3A_489 = tpu.vector_load %arg7[%get3A_487, %get3A_488] {strides = array<i32>} : memref<328x32xf32, #tpu.memory_space<vmem>>, vector<1x16xf32>,
      %get3A_490 = vector.shape_cast %get3A_489 : vector<1x16xf32> to vector<16xf32>
      %swap3A_491 = arith.index_cast %add3A_485 : i32 to index
      %swap3A_492 = arith.constant 0 : index
      %swap3A_493 = tpu.vector_load %arg9[%swap3A_491, %swap3A_492] {strides = array<i32>} : memref<128x32xf32, #tpu.memory_space<vmem>>, vector<1x16xf32>,
      %swap3A_494 = vector.shape_cast %swap3A_493 : vector<1x16xf32> to vector<16xf32>
      %swap3A_495 = vector.shape_cast %get3A_490 : vector<16xf32> to vector<1x16xf32>
      tpu.vector_store %arg9[%swap3A_491, %swap3A_492], %swap3A_495 {add = true, strides = array<i32>} : memref<128x32xf32, #tpu.memory_space<vmem>>, vector<1x16xf32>,
      %get3A_496 = arith.index_cast %add3A_486 : i32 to index
      %get3A_497 = arith.constant 16 : index
      %get3A_498 = tpu.vector_load %arg7[%get3A_496, %get3A_497] {strides = array<i32>} : memref<328x32xf32, #tpu.memory_space<vmem>>, vector<1x16xf32>,
      %get3A_499 = vector.shape_cast %get3A_498 : vector<1x16xf32> to vector<16xf32>
      %swap3A_500 = arith.index_cast %add3A_485 : i32 to index
      %swap3A_501 = arith.constant 16 : index
      %swap3A_502 = tpu.vector_load %arg9[%swap3A_500, %swap3A_501] {strides = array<i32>} : memref<128x32xf32, #tpu.memory_space<vmem>>, vector<1x16xf32>,
      %swap3A_503 = vector.shape_cast %swap3A_502 : vector<1x16xf32> to vector<16xf32>
      %swap3A_504 = vector.shape_cast %get3A_499 : vector<16xf32> to vector<1x16xf32>
      tpu.vector_store %arg9[%swap3A_500, %swap3A_501], %swap3A_504 {add = true, strides = array<i32>} : memref<128x32xf32, #tpu.memory_space<vmem>>, vector<1x16xf32>,
    }
    %scan3A_221 = arith.constant 128 : i32
    %add3A_222 = arith.constant 197 : i32
    %add3A_223 = arith.addi %mul3A_2, %add3A_222 : i32
    %mul3A_224 = arith.constant 128 : i32
    %mul3A_225 = arith.muli %add3A_223, %mul3A_224 : i32
    %dma_start3A_226 = arith.constant 0 : i32
    %dma_start3A_227 = tpu.memref_slice %arg5[%mul3A_225, %dma_start3A_226] : memref<819200x32xf32, #tpu.memory_space<hbm>> -> memref<128x32xf32, #tpu.memory_space<hbm>>
    %dma_start3A_228 = arith.constant 0 : i32
    %dma_start3A_229 = tpu.memref_slice %arg5[%mul3A_225, %dma_start3A_228] : memref<819200x32xf32, #tpu.memory_space<hbm>> -> memref<128x32xf32, #tpu.memory_space<hbm>>
    tpu.enqueue_dma source(%arg9 : memref<128x32xf32, #tpu.memory_space<vmem>>) target(%dma_start3A_229 : memref<128x32xf32, #tpu.memory_space<hbm>>) target_semaphore(%arg17 : memref<!tpu.dma_semaphore, #tpu.memory_space<semaphore_mem>>)
    %dma_wait3A_230 = arith.constant 198 : i32
    %dma_wait3A_231 = arith.constant 0 : i32
    %dma_wait3A_232 = tpu.memref_slice %arg6[%dma_wait3A_230, %dma_wait3A_231] : memref<200x128xi32, #tpu.memory_space<vmem>> -> memref<1x128xi32, #tpu.memory_space<vmem>>
    %dma_wait3A_233 = tpu.memref_squeeze %dma_wait3A_232 : memref<1x128xi32, #tpu.memory_space<vmem>> -> memref<128xi32, #tpu.memory_space<vmem>>
    %dma_wait3A_234 = arith.constant 0 : i32
    %dma_wait3A_235 = arith.constant 0 : i32
    %dma_wait3A_236 = tpu.memref_slice %arg3[%dma_wait3A_234, %dma_wait3A_235] : memref<1000000x32xf32, #tpu.memory_space<hbm>> -> memref<1000000x32xf32, #tpu.memory_space<hbm>>
    tpu.wait_indirect_dma semaphore(%arg14 : memref<!tpu.dma_semaphore, #tpu.memory_space<semaphore_mem>>) src(%dma_wait3A_236 : memref<1000000x32xf32, #tpu.memory_space<hbm>>) dst(%arg10 : memref<128x32xf32, #tpu.memory_space<vmem>>)
    %rem3A_237 = arith.constant 25344 : i32
    %rem3A_238 = arith.constant 200 : i32
    %rem3A_239 = arith.remsi %rem3A_237, %rem3A_238 : i32
    %scan3A_240 = arith.constant 0 : i32
    %scan3A_241 = arith.constant 128 : i32
    %scan3A_242 = arith.addi %scan3A_240, %scan3A_241 : i32
    %scan3A_243 = arith.constant 8 : i32
    scf.for %scan3A_308 = %scan3A_240 to %scan3A_242 step %scan3A_243  : i32 {
      %mul3A_309 = arith.constant 1 : i32
      %mul3A_310 = arith.muli %scan3A_308, %mul3A_309 : i32
      %add3A_311 = arith.constant 0 : i32
      %add3A_312 = arith.addi %add3A_311, %mul3A_310 : i32
      %add3A_313 = arith.addi %rem3A_239, %add3A_312 : i32
      %get3A = arith.index_cast %add3A_313 : i32 to index
      %get3A_314 = arith.constant 0 : index
      %get3A_315 = tpu.vector_load %arg7[%get3A, %get3A_314] {strides = array<i32>} : memref<328x32xf32, #tpu.memory_space<vmem>>, vector<1x16xf32>,
      %get3A_316 = vector.shape_cast %get3A_315 : vector<1x16xf32> to vector<16xf32>
      %swap3A = arith.index_cast %add3A_312 : i32 to index
      %swap3A_317 = arith.constant 0 : index
      %swap3A_318 = tpu.vector_load %arg10[%swap3A, %swap3A_317] {strides = array<i32>} : memref<128x32xf32, #tpu.memory_space<vmem>>, vector<1x16xf32>,
      %swap3A_319 = vector.shape_cast %swap3A_318 : vector<1x16xf32> to vector<16xf32>
      %swap3A_320 = vector.shape_cast %get3A_316 : vector<16xf32> to vector<1x16xf32>
      tpu.vector_store %arg10[%swap3A, %swap3A_317], %swap3A_320 {add = true, strides = array<i32>} : memref<128x32xf32, #tpu.memory_space<vmem>>, vector<1x16xf32>,
      %get3A_321 = arith.index_cast %add3A_313 : i32 to index
      %get3A_322 = arith.constant 16 : index
      %get3A_323 = tpu.vector_load %arg7[%get3A_321, %get3A_322] {strides = array<i32>} : memref<328x32xf32, #tpu.memory_space<vmem>>, vector<1x16xf32>,
      %get3A_324 = vector.shape_cast %get3A_323 : vector<1x16xf32> to vector<16xf32>
      %swap3A_325 = arith.index_cast %add3A_312 : i32 to index
      %swap3A_326 = arith.constant 16 : index
      %swap3A_327 = tpu.vector_load %arg10[%swap3A_325, %swap3A_326] {strides = array<i32>} : memref<128x32xf32, #tpu.memory_space<vmem>>, vector<1x16xf32>,
      %swap3A_328 = vector.shape_cast %swap3A_327 : vector<1x16xf32> to vector<16xf32>
      %swap3A_329 = vector.shape_cast %get3A_324 : vector<16xf32> to vector<1x16xf32>
      tpu.vector_store %arg10[%swap3A_325, %swap3A_326], %swap3A_329 {add = true, strides = array<i32>} : memref<128x32xf32, #tpu.memory_space<vmem>>, vector<1x16xf32>,
      %scan3A_330 = arith.constant 1 : i32
      %scan3A_331 = arith.addi %scan3A_308, %scan3A_330 : i32
      %mul3A_332 = arith.constant 1 : i32
      %mul3A_333 = arith.muli %scan3A_331, %mul3A_332 : i32
      %add3A_334 = arith.constant 0 : i32
      %add3A_335 = arith.addi %add3A_334, %mul3A_333 : i32
      %add3A_336 = arith.addi %rem3A_239, %add3A_335 : i32
      %get3A_337 = arith.index_cast %add3A_336 : i32 to index
      %get3A_338 = arith.constant 0 : index
      %get3A_339 = tpu.vector_load %arg7[%get3A_337, %get3A_338] {strides = array<i32>} : memref<328x32xf32, #tpu.memory_space<vmem>>, vector<1x16xf32>,
      %get3A_340 = vector.shape_cast %get3A_339 : vector<1x16xf32> to vector<16xf32>
      %swap3A_341 = arith.index_cast %add3A_335 : i32 to index
      %swap3A_342 = arith.constant 0 : index
      %swap3A_343 = tpu.vector_load %arg10[%swap3A_341, %swap3A_342] {strides = array<i32>} : memref<128x32xf32, #tpu.memory_space<vmem>>, vector<1x16xf32>,
      %swap3A_344 = vector.shape_cast %swap3A_343 : vector<1x16xf32> to vector<16xf32>
      %swap3A_345 = vector.shape_cast %get3A_340 : vector<16xf32> to vector<1x16xf32>
      tpu.vector_store %arg10[%swap3A_341, %swap3A_342], %swap3A_345 {add = true, strides = array<i32>} : memref<128x32xf32, #tpu.memory_space<vmem>>, vector<1x16xf32>,
      %get3A_346 = arith.index_cast %add3A_336 : i32 to index
      %get3A_347 = arith.constant 16 : index
      %get3A_348 = tpu.vector_load %arg7[%get3A_346, %get3A_347] {strides = array<i32>} : memref<328x32xf32, #tpu.memory_space<vmem>>, vector<1x16xf32>,
      %get3A_349 = vector.shape_cast %get3A_348 : vector<1x16xf32> to vector<16xf32>
      %swap3A_350 = arith.index_cast %add3A_335 : i32 to index
      %swap3A_351 = arith.constant 16 : index
      %swap3A_352 = tpu.vector_load %arg10[%swap3A_350, %swap3A_351] {strides = array<i32>} : memref<128x32xf32, #tpu.memory_space<vmem>>, vector<1x16xf32>,
      %swap3A_353 = vector.shape_cast %swap3A_352 : vector<1x16xf32> to vector<16xf32>
      %swap3A_354 = vector.shape_cast %get3A_349 : vector<16xf32> to vector<1x16xf32>
      tpu.vector_store %arg10[%swap3A_350, %swap3A_351], %swap3A_354 {add = true, strides = array<i32>} : memref<128x32xf32, #tpu.memory_space<vmem>>, vector<1x16xf32>,
      %scan3A_355 = arith.constant 2 : i32
      %scan3A_356 = arith.addi %scan3A_308, %scan3A_355 : i32
      %mul3A_357 = arith.constant 1 : i32
      %mul3A_358 = arith.muli %scan3A_356, %mul3A_357 : i32
      %add3A_359 = arith.constant 0 : i32
      %add3A_360 = arith.addi %add3A_359, %mul3A_358 : i32
      %add3A_361 = arith.addi %rem3A_239, %add3A_360 : i32
      %get3A_362 = arith.index_cast %add3A_361 : i32 to index
      %get3A_363 = arith.constant 0 : index
      %get3A_364 = tpu.vector_load %arg7[%get3A_362, %get3A_363] {strides = array<i32>} : memref<328x32xf32, #tpu.memory_space<vmem>>, vector<1x16xf32>,
      %get3A_365 = vector.shape_cast %get3A_364 : vector<1x16xf32> to vector<16xf32>
      %swap3A_366 = arith.index_cast %add3A_360 : i32 to index
      %swap3A_367 = arith.constant 0 : index
      %swap3A_368 = tpu.vector_load %arg10[%swap3A_366, %swap3A_367] {strides = array<i32>} : memref<128x32xf32, #tpu.memory_space<vmem>>, vector<1x16xf32>,
      %swap3A_369 = vector.shape_cast %swap3A_368 : vector<1x16xf32> to vector<16xf32>
      %swap3A_370 = vector.shape_cast %get3A_365 : vector<16xf32> to vector<1x16xf32>
      tpu.vector_store %arg10[%swap3A_366, %swap3A_367], %swap3A_370 {add = true, strides = array<i32>} : memref<128x32xf32, #tpu.memory_space<vmem>>, vector<1x16xf32>,
      %get3A_371 = arith.index_cast %add3A_361 : i32 to index
      %get3A_372 = arith.constant 16 : index
      %get3A_373 = tpu.vector_load %arg7[%get3A_371, %get3A_372] {strides = array<i32>} : memref<328x32xf32, #tpu.memory_space<vmem>>, vector<1x16xf32>,
      %get3A_374 = vector.shape_cast %get3A_373 : vector<1x16xf32> to vector<16xf32>
      %swap3A_375 = arith.index_cast %add3A_360 : i32 to index
      %swap3A_376 = arith.constant 16 : index
      %swap3A_377 = tpu.vector_load %arg10[%swap3A_375, %swap3A_376] {strides = array<i32>} : memref<128x32xf32, #tpu.memory_space<vmem>>, vector<1x16xf32>,
      %swap3A_378 = vector.shape_cast %swap3A_377 : vector<1x16xf32> to vector<16xf32>
      %swap3A_379 = vector.shape_cast %get3A_374 : vector<16xf32> to vector<1x16xf32>
      tpu.vector_store %arg10[%swap3A_375, %swap3A_376], %swap3A_379 {add = true, strides = array<i32>} : memref<128x32xf32, #tpu.memory_space<vmem>>, vector<1x16xf32>,
      %scan3A_380 = arith.constant 3 : i32
      %scan3A_381 = arith.addi %scan3A_308, %scan3A_380 : i32
      %mul3A_382 = arith.constant 1 : i32
      %mul3A_383 = arith.muli %scan3A_381, %mul3A_382 : i32
      %add3A_384 = arith.constant 0 : i32
      %add3A_385 = arith.addi %add3A_384, %mul3A_383 : i32
      %add3A_386 = arith.addi %rem3A_239, %add3A_385 : i32
      %get3A_387 = arith.index_cast %add3A_386 : i32 to index
      %get3A_388 = arith.constant 0 : index
      %get3A_389 = tpu.vector_load %arg7[%get3A_387, %get3A_388] {strides = array<i32>} : memref<328x32xf32, #tpu.memory_space<vmem>>, vector<1x16xf32>,
      %get3A_390 = vector.shape_cast %get3A_389 : vector<1x16xf32> to vector<16xf32>
      %swap3A_391 = arith.index_cast %add3A_385 : i32 to index
      %swap3A_392 = arith.constant 0 : index
      %swap3A_393 = tpu.vector_load %arg10[%swap3A_391, %swap3A_392] {strides = array<i32>} : memref<128x32xf32, #tpu.memory_space<vmem>>, vector<1x16xf32>,
      %swap3A_394 = vector.shape_cast %swap3A_393 : vector<1x16xf32> to vector<16xf32>
      %swap3A_395 = vector.shape_cast %get3A_390 : vector<16xf32> to vector<1x16xf32>
      tpu.vector_store %arg10[%swap3A_391, %swap3A_392], %swap3A_395 {add = true, strides = array<i32>} : memref<128x32xf32, #tpu.memory_space<vmem>>, vector<1x16xf32>,
      %get3A_396 = arith.index_cast %add3A_386 : i32 to index
      %get3A_397 = arith.constant 16 : index
      %get3A_398 = tpu.vector_load %arg7[%get3A_396, %get3A_397] {strides = array<i32>} : memref<328x32xf32, #tpu.memory_space<vmem>>, vector<1x16xf32>,
      %get3A_399 = vector.shape_cast %get3A_398 : vector<1x16xf32> to vector<16xf32>
      %swap3A_400 = arith.index_cast %add3A_385 : i32 to index
      %swap3A_401 = arith.constant 16 : index
      %swap3A_402 = tpu.vector_load %arg10[%swap3A_400, %swap3A_401] {strides = array<i32>} : memref<128x32xf32, #tpu.memory_space<vmem>>, vector<1x16xf32>,
      %swap3A_403 = vector.shape_cast %swap3A_402 : vector<1x16xf32> to vector<16xf32>
      %swap3A_404 = vector.shape_cast %get3A_399 : vector<16xf32> to vector<1x16xf32>
      tpu.vector_store %arg10[%swap3A_400, %swap3A_401], %swap3A_404 {add = true, strides = array<i32>} : memref<128x32xf32, #tpu.memory_space<vmem>>, vector<1x16xf32>,
      %scan3A_405 = arith.constant 4 : i32
      %scan3A_406 = arith.addi %scan3A_308, %scan3A_405 : i32
      %mul3A_407 = arith.constant 1 : i32
      %mul3A_408 = arith.muli %scan3A_406, %mul3A_407 : i32
      %add3A_409 = arith.constant 0 : i32
      %add3A_410 = arith.addi %add3A_409, %mul3A_408 : i32
      %add3A_411 = arith.addi %rem3A_239, %add3A_410 : i32
      %get3A_412 = arith.index_cast %add3A_411 : i32 to index
      %get3A_413 = arith.constant 0 : index
      %get3A_414 = tpu.vector_load %arg7[%get3A_412, %get3A_413] {strides = array<i32>} : memref<328x32xf32, #tpu.memory_space<vmem>>, vector<1x16xf32>,
      %get3A_415 = vector.shape_cast %get3A_414 : vector<1x16xf32> to vector<16xf32>
      %swap3A_416 = arith.index_cast %add3A_410 : i32 to index
      %swap3A_417 = arith.constant 0 : index
      %swap3A_418 = tpu.vector_load %arg10[%swap3A_416, %swap3A_417] {strides = array<i32>} : memref<128x32xf32, #tpu.memory_space<vmem>>, vector<1x16xf32>,
      %swap3A_419 = vector.shape_cast %swap3A_418 : vector<1x16xf32> to vector<16xf32>
      %swap3A_420 = vector.shape_cast %get3A_415 : vector<16xf32> to vector<1x16xf32>
      tpu.vector_store %arg10[%swap3A_416, %swap3A_417], %swap3A_420 {add = true, strides = array<i32>} : memref<128x32xf32, #tpu.memory_space<vmem>>, vector<1x16xf32>,
      %get3A_421 = arith.index_cast %add3A_411 : i32 to index
      %get3A_422 = arith.constant 16 : index
      %get3A_423 = tpu.vector_load %arg7[%get3A_421, %get3A_422] {strides = array<i32>} : memref<328x32xf32, #tpu.memory_space<vmem>>, vector<1x16xf32>,
      %get3A_424 = vector.shape_cast %get3A_423 : vector<1x16xf32> to vector<16xf32>
      %swap3A_425 = arith.index_cast %add3A_410 : i32 to index
      %swap3A_426 = arith.constant 16 : index
      %swap3A_427 = tpu.vector_load %arg10[%swap3A_425, %swap3A_426] {strides = array<i32>} : memref<128x32xf32, #tpu.memory_space<vmem>>, vector<1x16xf32>,
      %swap3A_428 = vector.shape_cast %swap3A_427 : vector<1x16xf32> to vector<16xf32>
      %swap3A_429 = vector.shape_cast %get3A_424 : vector<16xf32> to vector<1x16xf32>
      tpu.vector_store %arg10[%swap3A_425, %swap3A_426], %swap3A_429 {add = true, strides = array<i32>} : memref<128x32xf32, #tpu.memory_space<vmem>>, vector<1x16xf32>,
      %scan3A_430 = arith.constant 5 : i32
      %scan3A_431 = arith.addi %scan3A_308, %scan3A_430 : i32
      %mul3A_432 = arith.constant 1 : i32
      %mul3A_433 = arith.muli %scan3A_431, %mul3A_432 : i32
      %add3A_434 = arith.constant 0 : i32
      %add3A_435 = arith.addi %add3A_434, %mul3A_433 : i32
      %add3A_436 = arith.addi %rem3A_239, %add3A_435 : i32
      %get3A_437 = arith.index_cast %add3A_436 : i32 to index
      %get3A_438 = arith.constant 0 : index
      %get3A_439 = tpu.vector_load %arg7[%get3A_437, %get3A_438] {strides = array<i32>} : memref<328x32xf32, #tpu.memory_space<vmem>>, vector<1x16xf32>,
      %get3A_440 = vector.shape_cast %get3A_439 : vector<1x16xf32> to vector<16xf32>
      %swap3A_441 = arith.index_cast %add3A_435 : i32 to index
      %swap3A_442 = arith.constant 0 : index
      %swap3A_443 = tpu.vector_load %arg10[%swap3A_441, %swap3A_442] {strides = array<i32>} : memref<128x32xf32, #tpu.memory_space<vmem>>, vector<1x16xf32>,
      %swap3A_444 = vector.shape_cast %swap3A_443 : vector<1x16xf32> to vector<16xf32>
      %swap3A_445 = vector.shape_cast %get3A_440 : vector<16xf32> to vector<1x16xf32>
      tpu.vector_store %arg10[%swap3A_441, %swap3A_442], %swap3A_445 {add = true, strides = array<i32>} : memref<128x32xf32, #tpu.memory_space<vmem>>, vector<1x16xf32>,
      %get3A_446 = arith.index_cast %add3A_436 : i32 to index
      %get3A_447 = arith.constant 16 : index
      %get3A_448 = tpu.vector_load %arg7[%get3A_446, %get3A_447] {strides = array<i32>} : memref<328x32xf32, #tpu.memory_space<vmem>>, vector<1x16xf32>,
      %get3A_449 = vector.shape_cast %get3A_448 : vector<1x16xf32> to vector<16xf32>
      %swap3A_450 = arith.index_cast %add3A_435 : i32 to index
      %swap3A_451 = arith.constant 16 : index
      %swap3A_452 = tpu.vector_load %arg10[%swap3A_450, %swap3A_451] {strides = array<i32>} : memref<128x32xf32, #tpu.memory_space<vmem>>, vector<1x16xf32>,
      %swap3A_453 = vector.shape_cast %swap3A_452 : vector<1x16xf32> to vector<16xf32>
      %swap3A_454 = vector.shape_cast %get3A_449 : vector<16xf32> to vector<1x16xf32>
      tpu.vector_store %arg10[%swap3A_450, %swap3A_451], %swap3A_454 {add = true, strides = array<i32>} : memref<128x32xf32, #tpu.memory_space<vmem>>, vector<1x16xf32>,
      %scan3A_455 = arith.constant 6 : i32
      %scan3A_456 = arith.addi %scan3A_308, %scan3A_455 : i32
      %mul3A_457 = arith.constant 1 : i32
      %mul3A_458 = arith.muli %scan3A_456, %mul3A_457 : i32
      %add3A_459 = arith.constant 0 : i32
      %add3A_460 = arith.addi %add3A_459, %mul3A_458 : i32
      %add3A_461 = arith.addi %rem3A_239, %add3A_460 : i32
      %get3A_462 = arith.index_cast %add3A_461 : i32 to index
      %get3A_463 = arith.constant 0 : index
      %get3A_464 = tpu.vector_load %arg7[%get3A_462, %get3A_463] {strides = array<i32>} : memref<328x32xf32, #tpu.memory_space<vmem>>, vector<1x16xf32>,
      %get3A_465 = vector.shape_cast %get3A_464 : vector<1x16xf32> to vector<16xf32>
      %swap3A_466 = arith.index_cast %add3A_460 : i32 to index
      %swap3A_467 = arith.constant 0 : index
      %swap3A_468 = tpu.vector_load %arg10[%swap3A_466, %swap3A_467] {strides = array<i32>} : memref<128x32xf32, #tpu.memory_space<vmem>>, vector<1x16xf32>,
      %swap3A_469 = vector.shape_cast %swap3A_468 : vector<1x16xf32> to vector<16xf32>
      %swap3A_470 = vector.shape_cast %get3A_465 : vector<16xf32> to vector<1x16xf32>
      tpu.vector_store %arg10[%swap3A_466, %swap3A_467], %swap3A_470 {add = true, strides = array<i32>} : memref<128x32xf32, #tpu.memory_space<vmem>>, vector<1x16xf32>,
      %get3A_471 = arith.index_cast %add3A_461 : i32 to index
      %get3A_472 = arith.constant 16 : index
      %get3A_473 = tpu.vector_load %arg7[%get3A_471, %get3A_472] {strides = array<i32>} : memref<328x32xf32, #tpu.memory_space<vmem>>, vector<1x16xf32>,
      %get3A_474 = vector.shape_cast %get3A_473 : vector<1x16xf32> to vector<16xf32>
      %swap3A_475 = arith.index_cast %add3A_460 : i32 to index
      %swap3A_476 = arith.constant 16 : index
      %swap3A_477 = tpu.vector_load %arg10[%swap3A_475, %swap3A_476] {strides = array<i32>} : memref<128x32xf32, #tpu.memory_space<vmem>>, vector<1x16xf32>,
      %swap3A_478 = vector.shape_cast %swap3A_477 : vector<1x16xf32> to vector<16xf32>
      %swap3A_479 = vector.shape_cast %get3A_474 : vector<16xf32> to vector<1x16xf32>
      tpu.vector_store %arg10[%swap3A_475, %swap3A_476], %swap3A_479 {add = true, strides = array<i32>} : memref<128x32xf32, #tpu.memory_space<vmem>>, vector<1x16xf32>,
      %scan3A_480 = arith.constant 7 : i32
      %scan3A_481 = arith.addi %scan3A_308, %scan3A_480 : i32
      %mul3A_482 = arith.constant 1 : i32
      %mul3A_483 = arith.muli %scan3A_481, %mul3A_482 : i32
      %add3A_484 = arith.constant 0 : i32
      %add3A_485 = arith.addi %add3A_484, %mul3A_483 : i32
      %add3A_486 = arith.addi %rem3A_239, %add3A_485 : i32
      %get3A_487 = arith.index_cast %add3A_486 : i32 to index
      %get3A_488 = arith.constant 0 : index
      %get3A_489 = tpu.vector_load %arg7[%get3A_487, %get3A_488] {strides = array<i32>} : memref<328x32xf32, #tpu.memory_space<vmem>>, vector<1x16xf32>,
      %get3A_490 = vector.shape_cast %get3A_489 : vector<1x16xf32> to vector<16xf32>
      %swap3A_491 = arith.index_cast %add3A_485 : i32 to index
      %swap3A_492 = arith.constant 0 : index
      %swap3A_493 = tpu.vector_load %arg10[%swap3A_491, %swap3A_492] {strides = array<i32>} : memref<128x32xf32, #tpu.memory_space<vmem>>, vector<1x16xf32>,
      %swap3A_494 = vector.shape_cast %swap3A_493 : vector<1x16xf32> to vector<16xf32>
      %swap3A_495 = vector.shape_cast %get3A_490 : vector<16xf32> to vector<1x16xf32>
      tpu.vector_store %arg10[%swap3A_491, %swap3A_492], %swap3A_495 {add = true, strides = array<i32>} : memref<128x32xf32, #tpu.memory_space<vmem>>, vector<1x16xf32>,
      %get3A_496 = arith.index_cast %add3A_486 : i32 to index
      %get3A_497 = arith.constant 16 : index
      %get3A_498 = tpu.vector_load %arg7[%get3A_496, %get3A_497] {strides = array<i32>} : memref<328x32xf32, #tpu.memory_space<vmem>>, vector<1x16xf32>,
      %get3A_499 = vector.shape_cast %get3A_498 : vector<1x16xf32> to vector<16xf32>
      %swap3A_500 = arith.index_cast %add3A_485 : i32 to index
      %swap3A_501 = arith.constant 16 : index
      %swap3A_502 = tpu.vector_load %arg10[%swap3A_500, %swap3A_501] {strides = array<i32>} : memref<128x32xf32, #tpu.memory_space<vmem>>, vector<1x16xf32>,
      %swap3A_503 = vector.shape_cast %swap3A_502 : vector<1x16xf32> to vector<16xf32>
      %swap3A_504 = vector.shape_cast %get3A_499 : vector<16xf32> to vector<1x16xf32>
      tpu.vector_store %arg10[%swap3A_500, %swap3A_501], %swap3A_504 {add = true, strides = array<i32>} : memref<128x32xf32, #tpu.memory_space<vmem>>, vector<1x16xf32>,
    }
    %scan3A_244 = arith.constant 128 : i32
    %add3A_245 = arith.constant 198 : i32
    %add3A_246 = arith.addi %mul3A_2, %add3A_245 : i32
    %mul3A_247 = arith.constant 128 : i32
    %mul3A_248 = arith.muli %add3A_246, %mul3A_247 : i32
    %dma_start3A_249 = arith.constant 0 : i32
    %dma_start3A_250 = tpu.memref_slice %arg5[%mul3A_248, %dma_start3A_249] : memref<819200x32xf32, #tpu.memory_space<hbm>> -> memref<128x32xf32, #tpu.memory_space<hbm>>
    %dma_start3A_251 = arith.constant 0 : i32
    %dma_start3A_252 = tpu.memref_slice %arg5[%mul3A_248, %dma_start3A_251] : memref<819200x32xf32, #tpu.memory_space<hbm>> -> memref<128x32xf32, #tpu.memory_space<hbm>>
    tpu.enqueue_dma source(%arg10 : memref<128x32xf32, #tpu.memory_space<vmem>>) target(%dma_start3A_252 : memref<128x32xf32, #tpu.memory_space<hbm>>) target_semaphore(%arg18 : memref<!tpu.dma_semaphore, #tpu.memory_space<semaphore_mem>>)
    %dma_wait3A_253 = arith.constant 199 : i32
    %dma_wait3A_254 = arith.constant 0 : i32
    %dma_wait3A_255 = tpu.memref_slice %arg6[%dma_wait3A_253, %dma_wait3A_254] : memref<200x128xi32, #tpu.memory_space<vmem>> -> memref<1x128xi32, #tpu.memory_space<vmem>>
    %dma_wait3A_256 = tpu.memref_squeeze %dma_wait3A_255 : memref<1x128xi32, #tpu.memory_space<vmem>> -> memref<128xi32, #tpu.memory_space<vmem>>
    %dma_wait3A_257 = arith.constant 0 : i32
    %dma_wait3A_258 = arith.constant 0 : i32
    %dma_wait3A_259 = tpu.memref_slice %arg3[%dma_wait3A_257, %dma_wait3A_258] : memref<1000000x32xf32, #tpu.memory_space<hbm>> -> memref<1000000x32xf32, #tpu.memory_space<hbm>>
    tpu.wait_indirect_dma semaphore(%arg15 : memref<!tpu.dma_semaphore, #tpu.memory_space<semaphore_mem>>) src(%dma_wait3A_259 : memref<1000000x32xf32, #tpu.memory_space<hbm>>) dst(%arg11 : memref<128x32xf32, #tpu.memory_space<vmem>>)
    %rem3A_260 = arith.constant 25472 : i32
    %rem3A_261 = arith.constant 200 : i32
    %rem3A_262 = arith.remsi %rem3A_260, %rem3A_261 : i32
    %scan3A_263 = arith.constant 0 : i32
    %scan3A_264 = arith.constant 128 : i32
    %scan3A_265 = arith.addi %scan3A_263, %scan3A_264 : i32
    %scan3A_266 = arith.constant 8 : i32
    scf.for %scan3A_308 = %scan3A_263 to %scan3A_265 step %scan3A_266  : i32 {
      %mul3A_309 = arith.constant 1 : i32
      %mul3A_310 = arith.muli %scan3A_308, %mul3A_309 : i32
      %add3A_311 = arith.constant 0 : i32
      %add3A_312 = arith.addi %add3A_311, %mul3A_310 : i32
      %add3A_313 = arith.addi %rem3A_262, %add3A_312 : i32
      %get3A = arith.index_cast %add3A_313 : i32 to index
      %get3A_314 = arith.constant 0 : index
      %get3A_315 = tpu.vector_load %arg7[%get3A, %get3A_314] {strides = array<i32>} : memref<328x32xf32, #tpu.memory_space<vmem>>, vector<1x16xf32>,
      %get3A_316 = vector.shape_cast %get3A_315 : vector<1x16xf32> to vector<16xf32>
      %swap3A = arith.index_cast %add3A_312 : i32 to index
      %swap3A_317 = arith.constant 0 : index
      %swap3A_318 = tpu.vector_load %arg11[%swap3A, %swap3A_317] {strides = array<i32>} : memref<128x32xf32, #tpu.memory_space<vmem>>, vector<1x16xf32>,
      %swap3A_319 = vector.shape_cast %swap3A_318 : vector<1x16xf32> to vector<16xf32>
      %swap3A_320 = vector.shape_cast %get3A_316 : vector<16xf32> to vector<1x16xf32>
      tpu.vector_store %arg11[%swap3A, %swap3A_317], %swap3A_320 {add = true, strides = array<i32>} : memref<128x32xf32, #tpu.memory_space<vmem>>, vector<1x16xf32>,
      %get3A_321 = arith.index_cast %add3A_313 : i32 to index
      %get3A_322 = arith.constant 16 : index
      %get3A_323 = tpu.vector_load %arg7[%get3A_321, %get3A_322] {strides = array<i32>} : memref<328x32xf32, #tpu.memory_space<vmem>>, vector<1x16xf32>,
      %get3A_324 = vector.shape_cast %get3A_323 : vector<1x16xf32> to vector<16xf32>
      %swap3A_325 = arith.index_cast %add3A_312 : i32 to index
      %swap3A_326 = arith.constant 16 : index
      %swap3A_327 = tpu.vector_load %arg11[%swap3A_325, %swap3A_326] {strides = array<i32>} : memref<128x32xf32, #tpu.memory_space<vmem>>, vector<1x16xf32>,
      %swap3A_328 = vector.shape_cast %swap3A_327 : vector<1x16xf32> to vector<16xf32>
      %swap3A_329 = vector.shape_cast %get3A_324 : vector<16xf32> to vector<1x16xf32>
      tpu.vector_store %arg11[%swap3A_325, %swap3A_326], %swap3A_329 {add = true, strides = array<i32>} : memref<128x32xf32, #tpu.memory_space<vmem>>, vector<1x16xf32>,
      %scan3A_330 = arith.constant 1 : i32
      %scan3A_331 = arith.addi %scan3A_308, %scan3A_330 : i32
      %mul3A_332 = arith.constant 1 : i32
      %mul3A_333 = arith.muli %scan3A_331, %mul3A_332 : i32
      %add3A_334 = arith.constant 0 : i32
      %add3A_335 = arith.addi %add3A_334, %mul3A_333 : i32
      %add3A_336 = arith.addi %rem3A_262, %add3A_335 : i32
      %get3A_337 = arith.index_cast %add3A_336 : i32 to index
      %get3A_338 = arith.constant 0 : index
      %get3A_339 = tpu.vector_load %arg7[%get3A_337, %get3A_338] {strides = array<i32>} : memref<328x32xf32, #tpu.memory_space<vmem>>, vector<1x16xf32>,
      %get3A_340 = vector.shape_cast %get3A_339 : vector<1x16xf32> to vector<16xf32>
      %swap3A_341 = arith.index_cast %add3A_335 : i32 to index
      %swap3A_342 = arith.constant 0 : index
      %swap3A_343 = tpu.vector_load %arg11[%swap3A_341, %swap3A_342] {strides = array<i32>} : memref<128x32xf32, #tpu.memory_space<vmem>>, vector<1x16xf32>,
      %swap3A_344 = vector.shape_cast %swap3A_343 : vector<1x16xf32> to vector<16xf32>
      %swap3A_345 = vector.shape_cast %get3A_340 : vector<16xf32> to vector<1x16xf32>
      tpu.vector_store %arg11[%swap3A_341, %swap3A_342], %swap3A_345 {add = true, strides = array<i32>} : memref<128x32xf32, #tpu.memory_space<vmem>>, vector<1x16xf32>,
      %get3A_346 = arith.index_cast %add3A_336 : i32 to index
      %get3A_347 = arith.constant 16 : index
      %get3A_348 = tpu.vector_load %arg7[%get3A_346, %get3A_347] {strides = array<i32>} : memref<328x32xf32, #tpu.memory_space<vmem>>, vector<1x16xf32>,
      %get3A_349 = vector.shape_cast %get3A_348 : vector<1x16xf32> to vector<16xf32>
      %swap3A_350 = arith.index_cast %add3A_335 : i32 to index
      %swap3A_351 = arith.constant 16 : index
      %swap3A_352 = tpu.vector_load %arg11[%swap3A_350, %swap3A_351] {strides = array<i32>} : memref<128x32xf32, #tpu.memory_space<vmem>>, vector<1x16xf32>,
      %swap3A_353 = vector.shape_cast %swap3A_352 : vector<1x16xf32> to vector<16xf32>
      %swap3A_354 = vector.shape_cast %get3A_349 : vector<16xf32> to vector<1x16xf32>
      tpu.vector_store %arg11[%swap3A_350, %swap3A_351], %swap3A_354 {add = true, strides = array<i32>} : memref<128x32xf32, #tpu.memory_space<vmem>>, vector<1x16xf32>,
      %scan3A_355 = arith.constant 2 : i32
      %scan3A_356 = arith.addi %scan3A_308, %scan3A_355 : i32
      %mul3A_357 = arith.constant 1 : i32
      %mul3A_358 = arith.muli %scan3A_356, %mul3A_357 : i32
      %add3A_359 = arith.constant 0 : i32
      %add3A_360 = arith.addi %add3A_359, %mul3A_358 : i32
      %add3A_361 = arith.addi %rem3A_262, %add3A_360 : i32
      %get3A_362 = arith.index_cast %add3A_361 : i32 to index
      %get3A_363 = arith.constant 0 : index
      %get3A_364 = tpu.vector_load %arg7[%get3A_362, %get3A_363] {strides = array<i32>} : memref<328x32xf32, #tpu.memory_space<vmem>>, vector<1x16xf32>,
      %get3A_365 = vector.shape_cast %get3A_364 : vector<1x16xf32> to vector<16xf32>
      %swap3A_366 = arith.index_cast %add3A_360 : i32 to index
      %swap3A_367 = arith.constant 0 : index
      %swap3A_368 = tpu.vector_load %arg11[%swap3A_366, %swap3A_367] {strides = array<i32>} : memref<128x32xf32, #tpu.memory_space<vmem>>, vector<1x16xf32>,
      %swap3A_369 = vector.shape_cast %swap3A_368 : vector<1x16xf32> to vector<16xf32>
      %swap3A_370 = vector.shape_cast %get3A_365 : vector<16xf32> to vector<1x16xf32>
      tpu.vector_store %arg11[%swap3A_366, %swap3A_367], %swap3A_370 {add = true, strides = array<i32>} : memref<128x32xf32, #tpu.memory_space<vmem>>, vector<1x16xf32>,
      %get3A_371 = arith.index_cast %add3A_361 : i32 to index
      %get3A_372 = arith.constant 16 : index
      %get3A_373 = tpu.vector_load %arg7[%get3A_371, %get3A_372] {strides = array<i32>} : memref<328x32xf32, #tpu.memory_space<vmem>>, vector<1x16xf32>,
      %get3A_374 = vector.shape_cast %get3A_373 : vector<1x16xf32> to vector<16xf32>
      %swap3A_375 = arith.index_cast %add3A_360 : i32 to index
      %swap3A_376 = arith.constant 16 : index
      %swap3A_377 = tpu.vector_load %arg11[%swap3A_375, %swap3A_376] {strides = array<i32>} : memref<128x32xf32, #tpu.memory_space<vmem>>, vector<1x16xf32>,
      %swap3A_378 = vector.shape_cast %swap3A_377 : vector<1x16xf32> to vector<16xf32>
      %swap3A_379 = vector.shape_cast %get3A_374 : vector<16xf32> to vector<1x16xf32>
      tpu.vector_store %arg11[%swap3A_375, %swap3A_376], %swap3A_379 {add = true, strides = array<i32>} : memref<128x32xf32, #tpu.memory_space<vmem>>, vector<1x16xf32>,
      %scan3A_380 = arith.constant 3 : i32
      %scan3A_381 = arith.addi %scan3A_308, %scan3A_380 : i32
      %mul3A_382 = arith.constant 1 : i32
      %mul3A_383 = arith.muli %scan3A_381, %mul3A_382 : i32
      %add3A_384 = arith.constant 0 : i32
      %add3A_385 = arith.addi %add3A_384, %mul3A_383 : i32
      %add3A_386 = arith.addi %rem3A_262, %add3A_385 : i32
      %get3A_387 = arith.index_cast %add3A_386 : i32 to index
      %get3A_388 = arith.constant 0 : index
      %get3A_389 = tpu.vector_load %arg7[%get3A_387, %get3A_388] {strides = array<i32>} : memref<328x32xf32, #tpu.memory_space<vmem>>, vector<1x16xf32>,
      %get3A_390 = vector.shape_cast %get3A_389 : vector<1x16xf32> to vector<16xf32>
      %swap3A_391 = arith.index_cast %add3A_385 : i32 to index
      %swap3A_392 = arith.constant 0 : index
      %swap3A_393 = tpu.vector_load %arg11[%swap3A_391, %swap3A_392] {strides = array<i32>} : memref<128x32xf32, #tpu.memory_space<vmem>>, vector<1x16xf32>,
      %swap3A_394 = vector.shape_cast %swap3A_393 : vector<1x16xf32> to vector<16xf32>
      %swap3A_395 = vector.shape_cast %get3A_390 : vector<16xf32> to vector<1x16xf32>
      tpu.vector_store %arg11[%swap3A_391, %swap3A_392], %swap3A_395 {add = true, strides = array<i32>} : memref<128x32xf32, #tpu.memory_space<vmem>>, vector<1x16xf32>,
      %get3A_396 = arith.index_cast %add3A_386 : i32 to index
      %get3A_397 = arith.constant 16 : index
      %get3A_398 = tpu.vector_load %arg7[%get3A_396, %get3A_397] {strides = array<i32>} : memref<328x32xf32, #tpu.memory_space<vmem>>, vector<1x16xf32>,
      %get3A_399 = vector.shape_cast %get3A_398 : vector<1x16xf32> to vector<16xf32>
      %swap3A_400 = arith.index_cast %add3A_385 : i32 to index
      %swap3A_401 = arith.constant 16 : index
      %swap3A_402 = tpu.vector_load %arg11[%swap3A_400, %swap3A_401] {strides = array<i32>} : memref<128x32xf32, #tpu.memory_space<vmem>>, vector<1x16xf32>,
      %swap3A_403 = vector.shape_cast %swap3A_402 : vector<1x16xf32> to vector<16xf32>
      %swap3A_404 = vector.shape_cast %get3A_399 : vector<16xf32> to vector<1x16xf32>
      tpu.vector_store %arg11[%swap3A_400, %swap3A_401], %swap3A_404 {add = true, strides = array<i32>} : memref<128x32xf32, #tpu.memory_space<vmem>>, vector<1x16xf32>,
      %scan3A_405 = arith.constant 4 : i32
      %scan3A_406 = arith.addi %scan3A_308, %scan3A_405 : i32
      %mul3A_407 = arith.constant 1 : i32
      %mul3A_408 = arith.muli %scan3A_406, %mul3A_407 : i32
      %add3A_409 = arith.constant 0 : i32
      %add3A_410 = arith.addi %add3A_409, %mul3A_408 : i32
      %add3A_411 = arith.addi %rem3A_262, %add3A_410 : i32
      %get3A_412 = arith.index_cast %add3A_411 : i32 to index
      %get3A_413 = arith.constant 0 : index
      %get3A_414 = tpu.vector_load %arg7[%get3A_412, %get3A_413] {strides = array<i32>} : memref<328x32xf32, #tpu.memory_space<vmem>>, vector<1x16xf32>,
      %get3A_415 = vector.shape_cast %get3A_414 : vector<1x16xf32> to vector<16xf32>
      %swap3A_416 = arith.index_cast %add3A_410 : i32 to index
      %swap3A_417 = arith.constant 0 : index
      %swap3A_418 = tpu.vector_load %arg11[%swap3A_416, %swap3A_417] {strides = array<i32>} : memref<128x32xf32, #tpu.memory_space<vmem>>, vector<1x16xf32>,
      %swap3A_419 = vector.shape_cast %swap3A_418 : vector<1x16xf32> to vector<16xf32>
      %swap3A_420 = vector.shape_cast %get3A_415 : vector<16xf32> to vector<1x16xf32>
      tpu.vector_store %arg11[%swap3A_416, %swap3A_417], %swap3A_420 {add = true, strides = array<i32>} : memref<128x32xf32, #tpu.memory_space<vmem>>, vector<1x16xf32>,
      %get3A_421 = arith.index_cast %add3A_411 : i32 to index
      %get3A_422 = arith.constant 16 : index
      %get3A_423 = tpu.vector_load %arg7[%get3A_421, %get3A_422] {strides = array<i32>} : memref<328x32xf32, #tpu.memory_space<vmem>>, vector<1x16xf32>,
      %get3A_424 = vector.shape_cast %get3A_423 : vector<1x16xf32> to vector<16xf32>
      %swap3A_425 = arith.index_cast %add3A_410 : i32 to index
      %swap3A_426 = arith.constant 16 : index
      %swap3A_427 = tpu.vector_load %arg11[%swap3A_425, %swap3A_426] {strides = array<i32>} : memref<128x32xf32, #tpu.memory_space<vmem>>, vector<1x16xf32>,
      %swap3A_428 = vector.shape_cast %swap3A_427 : vector<1x16xf32> to vector<16xf32>
      %swap3A_429 = vector.shape_cast %get3A_424 : vector<16xf32> to vector<1x16xf32>
      tpu.vector_store %arg11[%swap3A_425, %swap3A_426], %swap3A_429 {add = true, strides = array<i32>} : memref<128x32xf32, #tpu.memory_space<vmem>>, vector<1x16xf32>,
      %scan3A_430 = arith.constant 5 : i32
      %scan3A_431 = arith.addi %scan3A_308, %scan3A_430 : i32
      %mul3A_432 = arith.constant 1 : i32
      %mul3A_433 = arith.muli %scan3A_431, %mul3A_432 : i32
      %add3A_434 = arith.constant 0 : i32
      %add3A_435 = arith.addi %add3A_434, %mul3A_433 : i32
      %add3A_436 = arith.addi %rem3A_262, %add3A_435 : i32
      %get3A_437 = arith.index_cast %add3A_436 : i32 to index
      %get3A_438 = arith.constant 0 : index
      %get3A_439 = tpu.vector_load %arg7[%get3A_437, %get3A_438] {strides = array<i32>} : memref<328x32xf32, #tpu.memory_space<vmem>>, vector<1x16xf32>,
      %get3A_440 = vector.shape_cast %get3A_439 : vector<1x16xf32> to vector<16xf32>
      %swap3A_441 = arith.index_cast %add3A_435 : i32 to index
      %swap3A_442 = arith.constant 0 : index
      %swap3A_443 = tpu.vector_load %arg11[%swap3A_441, %swap3A_442] {strides = array<i32>} : memref<128x32xf32, #tpu.memory_space<vmem>>, vector<1x16xf32>,
      %swap3A_444 = vector.shape_cast %swap3A_443 : vector<1x16xf32> to vector<16xf32>
      %swap3A_445 = vector.shape_cast %get3A_440 : vector<16xf32> to vector<1x16xf32>
      tpu.vector_store %arg11[%swap3A_441, %swap3A_442], %swap3A_445 {add = true, strides = array<i32>} : memref<128x32xf32, #tpu.memory_space<vmem>>, vector<1x16xf32>,
      %get3A_446 = arith.index_cast %add3A_436 : i32 to index
      %get3A_447 = arith.constant 16 : index
      %get3A_448 = tpu.vector_load %arg7[%get3A_446, %get3A_447] {strides = array<i32>} : memref<328x32xf32, #tpu.memory_space<vmem>>, vector<1x16xf32>,
      %get3A_449 = vector.shape_cast %get3A_448 : vector<1x16xf32> to vector<16xf32>
      %swap3A_450 = arith.index_cast %add3A_435 : i32 to index
      %swap3A_451 = arith.constant 16 : index
      %swap3A_452 = tpu.vector_load %arg11[%swap3A_450, %swap3A_451] {strides = array<i32>} : memref<128x32xf32, #tpu.memory_space<vmem>>, vector<1x16xf32>,
      %swap3A_453 = vector.shape_cast %swap3A_452 : vector<1x16xf32> to vector<16xf32>
      %swap3A_454 = vector.shape_cast %get3A_449 : vector<16xf32> to vector<1x16xf32>
      tpu.vector_store %arg11[%swap3A_450, %swap3A_451], %swap3A_454 {add = true, strides = array<i32>} : memref<128x32xf32, #tpu.memory_space<vmem>>, vector<1x16xf32>,
      %scan3A_455 = arith.constant 6 : i32
      %scan3A_456 = arith.addi %scan3A_308, %scan3A_455 : i32
      %mul3A_457 = arith.constant 1 : i32
      %mul3A_458 = arith.muli %scan3A_456, %mul3A_457 : i32
      %add3A_459 = arith.constant 0 : i32
      %add3A_460 = arith.addi %add3A_459, %mul3A_458 : i32
      %add3A_461 = arith.addi %rem3A_262, %add3A_460 : i32
      %get3A_462 = arith.index_cast %add3A_461 : i32 to index
      %get3A_463 = arith.constant 0 : index
      %get3A_464 = tpu.vector_load %arg7[%get3A_462, %get3A_463] {strides = array<i32>} : memref<328x32xf32, #tpu.memory_space<vmem>>, vector<1x16xf32>,
      %get3A_465 = vector.shape_cast %get3A_464 : vector<1x16xf32> to vector<16xf32>
      %swap3A_466 = arith.index_cast %add3A_460 : i32 to index
      %swap3A_467 = arith.constant 0 : index
      %swap3A_468 = tpu.vector_load %arg11[%swap3A_466, %swap3A_467] {strides = array<i32>} : memref<128x32xf32, #tpu.memory_space<vmem>>, vector<1x16xf32>,
      %swap3A_469 = vector.shape_cast %swap3A_468 : vector<1x16xf32> to vector<16xf32>
      %swap3A_470 = vector.shape_cast %get3A_465 : vector<16xf32> to vector<1x16xf32>
      tpu.vector_store %arg11[%swap3A_466, %swap3A_467], %swap3A_470 {add = true, strides = array<i32>} : memref<128x32xf32, #tpu.memory_space<vmem>>, vector<1x16xf32>,
      %get3A_471 = arith.index_cast %add3A_461 : i32 to index
      %get3A_472 = arith.constant 16 : index
      %get3A_473 = tpu.vector_load %arg7[%get3A_471, %get3A_472] {strides = array<i32>} : memref<328x32xf32, #tpu.memory_space<vmem>>, vector<1x16xf32>,
      %get3A_474 = vector.shape_cast %get3A_473 : vector<1x16xf32> to vector<16xf32>
      %swap3A_475 = arith.index_cast %add3A_460 : i32 to index
      %swap3A_476 = arith.constant 16 : index
      %swap3A_477 = tpu.vector_load %arg11[%swap3A_475, %swap3A_476] {strides = array<i32>} : memref<128x32xf32, #tpu.memory_space<vmem>>, vector<1x16xf32>,
      %swap3A_478 = vector.shape_cast %swap3A_477 : vector<1x16xf32> to vector<16xf32>
      %swap3A_479 = vector.shape_cast %get3A_474 : vector<16xf32> to vector<1x16xf32>
      tpu.vector_store %arg11[%swap3A_475, %swap3A_476], %swap3A_479 {add = true, strides = array<i32>} : memref<128x32xf32, #tpu.memory_space<vmem>>, vector<1x16xf32>,
      %scan3A_480 = arith.constant 7 : i32
      %scan3A_481 = arith.addi %scan3A_308, %scan3A_480 : i32
      %mul3A_482 = arith.constant 1 : i32
      %mul3A_483 = arith.muli %scan3A_481, %mul3A_482 : i32
      %add3A_484 = arith.constant 0 : i32
      %add3A_485 = arith.addi %add3A_484, %mul3A_483 : i32
      %add3A_486 = arith.addi %rem3A_262, %add3A_485 : i32
      %get3A_487 = arith.index_cast %add3A_486 : i32 to index
      %get3A_488 = arith.constant 0 : index
      %get3A_489 = tpu.vector_load %arg7[%get3A_487, %get3A_488] {strides = array<i32>} : memref<328x32xf32, #tpu.memory_space<vmem>>, vector<1x16xf32>,
      %get3A_490 = vector.shape_cast %get3A_489 : vector<1x16xf32> to vector<16xf32>
      %swap3A_491 = arith.index_cast %add3A_485 : i32 to index
      %swap3A_492 = arith.constant 0 : index
      %swap3A_493 = tpu.vector_load %arg11[%swap3A_491, %swap3A_492] {strides = array<i32>} : memref<128x32xf32, #tpu.memory_space<vmem>>, vector<1x16xf32>,
      %swap3A_494 = vector.shape_cast %swap3A_493 : vector<1x16xf32> to vector<16xf32>
      %swap3A_495 = vector.shape_cast %get3A_490 : vector<16xf32> to vector<1x16xf32>
      tpu.vector_store %arg11[%swap3A_491, %swap3A_492], %swap3A_495 {add = true, strides = array<i32>} : memref<128x32xf32, #tpu.memory_space<vmem>>, vector<1x16xf32>,
      %get3A_496 = arith.index_cast %add3A_486 : i32 to index
      %get3A_497 = arith.constant 16 : index
      %get3A_498 = tpu.vector_load %arg7[%get3A_496, %get3A_497] {strides = array<i32>} : memref<328x32xf32, #tpu.memory_space<vmem>>, vector<1x16xf32>,
      %get3A_499 = vector.shape_cast %get3A_498 : vector<1x16xf32> to vector<16xf32>
      %swap3A_500 = arith.index_cast %add3A_485 : i32 to index
      %swap3A_501 = arith.constant 16 : index
      %swap3A_502 = tpu.vector_load %arg11[%swap3A_500, %swap3A_501] {strides = array<i32>} : memref<128x32xf32, #tpu.memory_space<vmem>>, vector<1x16xf32>,
      %swap3A_503 = vector.shape_cast %swap3A_502 : vector<1x16xf32> to vector<16xf32>
      %swap3A_504 = vector.shape_cast %get3A_499 : vector<16xf32> to vector<1x16xf32>
      tpu.vector_store %arg11[%swap3A_500, %swap3A_501], %swap3A_504 {add = true, strides = array<i32>} : memref<128x32xf32, #tpu.memory_space<vmem>>, vector<1x16xf32>,
    }
    %scan3A_267 = arith.constant 128 : i32
    %add3A_268 = arith.constant 199 : i32
    %add3A_269 = arith.addi %mul3A_2, %add3A_268 : i32
    %mul3A_270 = arith.constant 128 : i32
    %mul3A_271 = arith.muli %add3A_269, %mul3A_270 : i32
    %dma_start3A_272 = arith.constant 0 : i32
    %dma_start3A_273 = tpu.memref_slice %arg5[%mul3A_271, %dma_start3A_272] : memref<819200x32xf32, #tpu.memory_space<hbm>> -> memref<128x32xf32, #tpu.memory_space<hbm>>
    %dma_start3A_274 = arith.constant 0 : i32
    %dma_start3A_275 = tpu.memref_slice %arg5[%mul3A_271, %dma_start3A_274] : memref<819200x32xf32, #tpu.memory_space<hbm>> -> memref<128x32xf32, #tpu.memory_space<hbm>>
    tpu.enqueue_dma source(%arg11 : memref<128x32xf32, #tpu.memory_space<vmem>>) target(%dma_start3A_275 : memref<128x32xf32, #tpu.memory_space<hbm>>) target_semaphore(%arg19 : memref<!tpu.dma_semaphore, #tpu.memory_space<semaphore_mem>>)
    %add3A_276 = arith.constant 196 : i32
    %add3A_277 = arith.addi %mul3A_2, %add3A_276 : i32
    %mul3A_278 = arith.constant 128 : i32
    %mul3A_279 = arith.muli %add3A_277, %mul3A_278 : i32
    %dma_wait3A_280 = arith.constant 0 : i32
    %dma_wait3A_281 = tpu.memref_slice %arg5[%mul3A_279, %dma_wait3A_280] : memref<819200x32xf32, #tpu.memory_space<hbm>> -> memref<128x32xf32, #tpu.memory_space<hbm>>
    %dma_wait3A_282 = arith.constant 0 : i32
    %dma_wait3A_283 = tpu.memref_slice %arg5[%mul3A_279, %dma_wait3A_282] : memref<819200x32xf32, #tpu.memory_space<hbm>> -> memref<128x32xf32, #tpu.memory_space<hbm>>
    tpu.wait_dma2 semaphore(%arg16 : memref<!tpu.dma_semaphore, #tpu.memory_space<semaphore_mem>>) src(%arg8 : memref<128x32xf32, #tpu.memory_space<vmem>>) dst(%dma_wait3A_283 : memref<128x32xf32, #tpu.memory_space<hbm>>)
    %add3A_284 = arith.constant 197 : i32
    %add3A_285 = arith.addi %mul3A_2, %add3A_284 : i32
    %mul3A_286 = arith.constant 128 : i32
    %mul3A_287 = arith.muli %add3A_285, %mul3A_286 : i32
    %dma_wait3A_288 = arith.constant 0 : i32
    %dma_wait3A_289 = tpu.memref_slice %arg5[%mul3A_287, %dma_wait3A_288] : memref<819200x32xf32, #tpu.memory_space<hbm>> -> memref<128x32xf32, #tpu.memory_space<hbm>>
    %dma_wait3A_290 = arith.constant 0 : i32
    %dma_wait3A_291 = tpu.memref_slice %arg5[%mul3A_287, %dma_wait3A_290] : memref<819200x32xf32, #tpu.memory_space<hbm>> -> memref<128x32xf32, #tpu.memory_space<hbm>>
    tpu.wait_dma2 semaphore(%arg17 : memref<!tpu.dma_semaphore, #tpu.memory_space<semaphore_mem>>) src(%arg9 : memref<128x32xf32, #tpu.memory_space<vmem>>) dst(%dma_wait3A_291 : memref<128x32xf32, #tpu.memory_space<hbm>>)
    %add3A_292 = arith.constant 198 : i32
    %add3A_293 = arith.addi %mul3A_2, %add3A_292 : i32
    %mul3A_294 = arith.constant 128 : i32
    %mul3A_295 = arith.muli %add3A_293, %mul3A_294 : i32
    %dma_wait3A_296 = arith.constant 0 : i32
    %dma_wait3A_297 = tpu.memref_slice %arg5[%mul3A_295, %dma_wait3A_296] : memref<819200x32xf32, #tpu.memory_space<hbm>> -> memref<128x32xf32, #tpu.memory_space<hbm>>
    %dma_wait3A_298 = arith.constant 0 : i32
    %dma_wait3A_299 = tpu.memref_slice %arg5[%mul3A_295, %dma_wait3A_298] : memref<819200x32xf32, #tpu.memory_space<hbm>> -> memref<128x32xf32, #tpu.memory_space<hbm>>
    tpu.wait_dma2 semaphore(%arg18 : memref<!tpu.dma_semaphore, #tpu.memory_space<semaphore_mem>>) src(%arg10 : memref<128x32xf32, #tpu.memory_space<vmem>>) dst(%dma_wait3A_299 : memref<128x32xf32, #tpu.memory_space<hbm>>)
    %add3A_300 = arith.constant 199 : i32
    %add3A_301 = arith.addi %mul3A_2, %add3A_300 : i32
    %mul3A_302 = arith.constant 128 : i32
    %mul3A_303 = arith.muli %add3A_301, %mul3A_302 : i32
    %dma_wait3A_304 = arith.constant 0 : i32
    %dma_wait3A_305 = tpu.memref_slice %arg5[%mul3A_303, %dma_wait3A_304] : memref<819200x32xf32, #tpu.memory_space<hbm>> -> memref<128x32xf32, #tpu.memory_space<hbm>>
    %dma_wait3A_306 = arith.constant 0 : i32
    %dma_wait3A_307 = tpu.memref_slice %arg5[%mul3A_303, %dma_wait3A_306] : memref<819200x32xf32, #tpu.memory_space<hbm>> -> memref<128x32xf32, #tpu.memory_space<hbm>>
    tpu.wait_dma2 semaphore(%arg19 : memref<!tpu.dma_semaphore, #tpu.memory_space<semaphore_mem>>) src(%arg11 : memref<128x32xf32, #tpu.memory_space<vmem>>) dst(%dma_wait3A_307 : memref<128x32xf32, #tpu.memory_space<hbm>>)
    return
  }
}

</mosaic_0001>

<sc_bundles>
// kernel: _tok_pos_embed.3.cloned.1.call-start
scs
__scs_entry_jumppad:
0x0: {  	(pc) =	sbr.rel $0x88, $3  }
0x1: {  	(tag) =	ssettag $0x0;
	lr =	simm.s32 $0x1  }
0x2: {  	[smem:$0x3F9E] =	sst lr;
	_ =	strace $0xD0000000  }
0x3: {  	_ = 	snop  }
0x4: {  	_ = 	snop  }
0x5: {  	_ = 	snop  }
0x6: {  	_ = 	snop  }
0x7: {  	_ = 	snop  }
__scs_overlays_trampoline_lowered:
0x8: {  	[smem:$0x3FAD] =	sst s0  }
0x9: {  	[smem:$0x3FAE] =	sst s1  }
0xa: {  	[smem:$0x3FAF] =	sst s2  }
0xb: {  	[smem:$0x3FB0] =	sst s3  }
0xc: {  	[smem:$0x3FB1] =	sst s4  }
0xd: {  	[smem:$0x3FB2] =	sst s5  }
0xe: {  	[smem:$0x3FB3] =	sst s6  }
0xf: {  	[smem:$0x3FB4] =	sst s7  }
0x10: {  	[smem:$0x3FB5] =	sst s8  }
0x11: {  	[smem:$0x3FB6] =	sst s9;
	s0 =	simm.s32 @!p0 $0x0  }
0x12: {  	s1 =	sld [smem:$0x3F9C];
	s0 =	simm.s32 @p0 $0x1  }
0x13: {  	[smem:$0x3FB7] =	sst s0;
	s0 =	simm.s32 @!p1 $0x0  }
0x14: {  	s2 =	sld [smem:$0x3F9B];
	s0 =	simm.s32 @p1 $0x1  }
0x15: {  	[smem:$0x3FB8] =	sst s0;
	s0 =	simm.s32 @!p2 $0x0  }
0x16: {  	s3 =	sld [smem:$0x3FDB];
	s0 =	simm.s32 @p2 $0x1  }
0x17: {  	s4 =	simm.s32 $0x1BF5;
	[smem:$0x3FBA] =	sst s0  }
0x18: {  	s0 =	sld [smem:$0x3F9D];
	_ =	swait.ge [sflag:s4], $0x0  }
0x19: {  	s7 =	sld [smem:$0x3F9E]  }
0x1a: {  	s8 =	sadd.s32 $0xFFFFE003, lr  }
0x1b: {  	s9 =	sadd.s32 $0xFFFFFEF7, lr;
	s5 =	simm.s32 $0xFFFFFFFF;
	p2 =	slt.u32 s8, $0xFFFFF086  }
0x1c: {  	p1 =	slt.u32 s9, $0xF7A;
	s5 =	simm.s32 @!p2 $0x0  }
0x1d: {  	s5 =	simm.s32 @p1 $0x1;
	p0 =	seq.s32 s7, s2  }
0x1e: {  	s7 =	smul.u32 @!p0 $0xF7A, s2;
	p2 =	seq.s32 @!p0 s5, $0x0  }
0x1f: {  	s9 =	smul.u32 $0xF7A, s1;
	s8 =	simm.s32 @!p0 $0x1BF5;
	p2 =	por !p2, p0  }
0x20: {  	[sflag:s8] =	ssyncset.s32 @!p0 $0xFFFFF086;
	s6 =	sadd.s32 @!p0 s3, s7;
	s7 =	simm.s32 @!p0 $0x108  }
0x21: {  	s3 =	sadd.s32 s3, s9;
	s6 =	sadd.s32 @!p0 $0x88, s6;
	s7 =	simm.s32 @p2 $0x1082  }
0x22: {  	[simem:s7], [sflag:s8] =	dma.local @!p0 [hbm:s6], $0xF7A  }
0x23: {  	s9 =	sor.u32 $0xD0000000, s2;
	s6 =	simm.s32 $0x108;
	_ =	swait.ge @!p0 [sflag:s8], $0x0  }
0x24: {  	s3 =	sadd.s32 $0x88, s3;
	s6 =	simm.s32 @!p1 $0x1082;
	[sflag:s4] =	ssyncset.s32 $0xFFFFF086  }
0x25: {  	[simem:s6], [sflag:s4] =	dma.local [hbm:s3], $0xF7A  }
0x26: {  	[smem:$0x3F9E] =	sst s1;
	(tag) =	ssettag s2;
	_ =	strace s9  }
0x27: {  	s1 =	sld [smem:$0x3FAE]  }
0x28: {  	s2 =	sld [smem:$0x3FAF]  }
0x29: {  	s4 =	sld [smem:$0x3FB1]  }
0x2a: {  	p0 =	seq.s32 s5, $0x0;
	s5 =	sld [smem:$0x3FB2]  }
0x2b: {  	s6 =	sld [smem:$0x3FB3]  }
0x2c: {  	s7 =	sld [smem:$0x3FB4]  }
0x2d: {  	s3 =	simm.s32 $0x108;
	s8 =	sld [smem:$0x3FB5]  }
0x2e: {  	s3 =	simm.s32 @!p0 $0x1082;
	s9 =	sld [smem:$0x3FB6]  }
0x2f: {  	lr =	sadd.s32 s0, s3;
	s0 =	sld [smem:$0x3FAD]  }
0x30: {  	s3 =	sld [smem:$0x3FB0]  }
0x31: {  	[smem:$0x3FB9] =	sst s10  }
0x32: {  	s10 =	sld [smem:$0x3FB7];
	_ =	sdelay $0x3  }
0x33: {  	p0 =	seq.s32 s10, $0x1;
	s10 =	sld [smem:$0x3FB9];
	_ =	sdelay $0x3  }
0x34: {  	[smem:$0x3FB9] =	sst s10  }
0x35: {  	s10 =	sld [smem:$0x3FB8];
	_ =	sdelay $0x3  }
0x36: {  	p1 =	seq.s32 s10, $0x1;
	s10 =	sld [smem:$0x3FB9];
	_ =	sdelay $0x3  }
0x37: {  	[smem:$0x3FB9] =	sst s10  }
0x38: {  	s10 =	sld [smem:$0x3FBA]  }
0x39: {  	_ = 	snop;
	(pc) =	sbr.ind lr, $3  }
0x3a: {  	_ = 	snop  }
0x3b: {  	_ = 	snop  }
0x3c: {  	p2 =	seq.s32 s10, $0x1;
	s10 =	sld [smem:$0x3FB9]  }
0x3d: {  	_ =	shalt  }
0x3e: {  	_ =	shalt  }
0x3f: {  	_ =	shalt  }
0x40: {  	_ =	shalt  }
0x41: {  	_ =	shalt  }
0x42: {  	_ =	shalt  }
0x43: {  	_ =	shalt  }
0x44: {  	_ =	shalt  }
0x45: {  	_ =	shalt  }
0x46: {  	_ =	shalt  }
0x47: {  	_ =	shalt  }
0x48: {  	_ =	shalt  }
0x49: {  	_ =	shalt  }
0x4a: {  	_ =	shalt  }
0x4b: {  	_ =	shalt  }
0x4c: {  	_ =	shalt  }
0x4d: {  	_ =	shalt  }
0x4e: {  	_ =	shalt  }
0x4f: {  	_ =	shalt  }
0x50: {  	_ =	shalt  }
0x51: {  	_ =	shalt  }
0x52: {  	_ =	shalt  }
0x53: {  	_ =	shalt  }
0x54: {  	_ =	shalt  }
0x55: {  	_ =	shalt  }
0x56: {  	_ =	shalt  }
0x57: {  	_ =	shalt  }
0x58: {  	_ =	shalt  }
0x59: {  	_ =	shalt  }
0x5a: {  	_ =	shalt  }
0x5b: {  	_ =	shalt  }
0x5c: {  	_ =	shalt  }
0x5d: {  	_ =	shalt  }
0x5e: {  	_ =	shalt  }
0x5f: {  	_ =	shalt  }
0x60: {  	_ =	shalt  }
0x61: {  	_ =	shalt  }
0x62: {  	_ =	shalt  }
0x63: {  	_ =	shalt  }
0x64: {  	_ =	shalt  }
0x65: {  	_ =	shalt  }
0x66: {  	_ =	shalt  }
0x67: {  	_ =	shalt  }
0x68: {  	_ =	shalt  }
0x69: {  	_ =	shalt  }
0x6a: {  	_ =	shalt  }
0x6b: {  	_ =	shalt  }
0x6c: {  	_ =	shalt  }
0x6d: {  	_ =	shalt  }
0x6e: {  	_ =	shalt  }
0x6f: {  	_ =	shalt  }
0x70: {  	_ =	shalt  }
0x71: {  	_ =	shalt  }
0x72: {  	_ =	shalt  }
0x73: {  	_ =	shalt  }
0x74: {  	_ =	shalt  }
0x75: {  	_ =	shalt  }
0x76: {  	_ =	shalt  }
0x77: {  	_ =	shalt  }
0x78: {  	_ =	shalt  }
0x79: {  	_ =	shalt  }
0x7a: {  	_ =	shalt  }
0x7b: {  	_ =	shalt  }
0x7c: {  	_ =	shalt  }
0x7d: {  	_ =	shalt  }
0x7e: {  	_ =	shalt  }
0x7f: {  	_ =	shalt  }
0x80: {  	_ =	shalt  }
0x81: {  	_ =	shalt  }
0x82: {  	_ =	shalt  }
0x83: {  	_ =	shalt  }
0x84: {  	_ =	shalt  }
0x85: {  	_ =	shalt  }
0x86: {  	_ =	shalt  }
0x87: {  	_ =	shalt  }
.Lfunc_end0:
.L_simem_size_0:
called_computation.1_lowered:
.L_overlay_start_0:
0x88: {  	s2 =	sld [smem:$0x3FD9]  }
0x89: {  	s3 =	sld [smem:$0x3FFE];
	_ =	sdelay $0x1  }
0x8a: {  	s1 =	srdreg.scid  }
0x8b: {  	s0 =	sand.u32 $0x1, s1  }
0x8c: {  	s17 =	sshll.u32 s0, $0xA;
	s2 =	sadd.s32 s3, s2  }
0x8d: {  	s2 =	sadd.s32 s2, s17  }
0x8e: {  	[smem:$0x3FC5] =	sst s2  }
0x8f: {  	_ = 	snop  }
0x90: {  	s2 =	sld [smem:$0x3FC9]  }
0x91: {  	s18 =	sld [smem:$0x3FD0];
	(tm) =	ssettm $0x1  }
0x92: {  	s4 =	sld [smem:$0x3FFB];
	_ =	sdelay $0x3  }
0x93: {  	_ =	strace s4  }
0x94: {  	s4 =	sld [smem:$0x3FFC];
	_ =	sdelay $0x3  }
0x95: {  	_ =	strace s4  }
0x96: {  	s4 =	sld [smem:$0x3FFD];
	_ =	sdelay $0x3  }
0x97: {  	_ =	strace s4  }
0x98: {  	_ =	strace $0x8FFFFFFF  }
0x99: {  	s19 =	sld [smem:$0x3FDB];
	_ =	sdelay $0x1  }
0x9a: {  	s5 =	simm.s32 $_scs_section_size  }
0x9b: {  	s6 =	simm.s32 $_size__tile_overlayer_lowered;
	s7 =	simm.s32 $_tile_overlayer_lowered  }
0x9c: {  	s22 =	simm.s32 $0x1BFF;
	s21 =	sshll.u32 s7, $0x1;
	s4 =	sadd.s32 s5, s19  }
0x9d: {  	s8 =	simm.s32 $0x0;
	s20 =	sshll.u32 s6, $0x1;
	s6 =	sadd.s32 s21, s4  }
0x9e: {  	[timem:s8], [sflag:s22] =	dma.local [hbm:s6], s20  }
0x9f: {  	_ =	swait.ge [sflag:s22], s20  }
0xa0: {  	s5 =	ssub.s32 $0x0, s20;
	[sflag:s22] =	ssyncset.done $0x0  }
0xa1: {  	[sflag:s22] =	ssyncadd.s32 s5;
	_ =	sdelay $0x1  }
0xa2: {  	s23 =	simm.s32 $0x1B8B  }
0xa3: {  	_ =	swait.ge [sflag:s23], $0x1  }
0xa4: {  	[sflag:s23] =	ssyncset.done $0x0  }
0xa5: {  	s25 =	simm.s32 $0x1B8E;
	s24 =	sld [smem:$0x3FFE];
	[sflag:s23] =	ssyncadd.s32 $0xFFFFFFFF  }
0xa6: {  	s26 =	simm.s32 $execute0_lowered;
	[smem:$0x3FD2] =	sst s25  }
0xa7: {  	s6 =	sshll.u32 s26, $0x1;
	_ =	strace $0x80000046;
	[dreg:$0x1] =	wrdreg $0xFFFFFFFF  }
0xa8: {  	s28 =	simm.s32 $_size_execute0_lowered;
	s4 =	sadd.s32 s4, s6;
	[dreg:$0x0] =	wrdreg $0x0  }
0xa9: {  	s6 =	sshll.u32 s28, $0x1;
	[dreg:$0x2] =	wrdreg s4  }
0xaa: {  	[dreg:$0x3] =	wrdreg s6  }
0xab: {  	[dreg:$0x4] =	wrdreg $0xC0  }
0xac: {  	_ =	task [dreg:s8], $0x5FFFF  }
0xad: {  	[dreg:$0x1] =	wrdreg $0xFFFFFFFF  }
0xae: {  	[dreg:$0x0] =	wrdreg $0x60  }
0xaf: {  	[dreg:$0x2] =	wrdreg s2  }
0xb0: {  	[dreg:$0x3] =	wrdreg s24  }
0xb1: {  	[dreg:$0x4] =	wrdreg s18  }
0xb2: {  	[dreg:$0x5] =	wrdreg $0x9  }
0xb3: {  	_ =	task.clear_ibuf [dreg:s8], $0x6FFFF;
	_ =	strace $0x90000046  }
0xb4: {  	s29 =	simm.s32 $0x9;
	_ =	strace $0x80000048  }
0xb5: {  	_ =	swait.ge [sflag:s29], $0x1  }
0xb6: {  	[sflag:s29] =	ssyncadd.s32 $0xFFFFFFFF  }
0xb7: {  	_ =	strace $0x90000048  }
0xb8: {  	_ =	sfence  }
0xb9: {  	s30 =	sld [smem:$0x0];
	_ =	sdelay $0x2  }
0xba: {  	s31 =	sshll.u32 s1, $0xD;
	s1 =	sshrl.u32 s1, $0x2  }
0xbb: {  	s3 =	sand.u32 $0x4000, s31;
	s1 =	sadd.s32 s1, s30  }
0xbc: {  	s0 =	sor.u32 s3, s0;
	s1 =	sshll.u32 s1, $0x11  }
0xbd: {  	s0 =	sor.u32 s1, s0  }
0xbe: {  	s0 =	sadd.s32 $0x8F2B, s0  }
0xbf: {  	[sflag:s0] =	ssyncadd.remote.s32 $0x1  }
0xc0: {  	_ =	sfence.sel $0xFFFF  }
0xc1: {  	[dreg:$0x0] =	wrdreg $0xFFFFFFFF;
	(pc) =	sbr.abs _section_cstart, $3  }
0xc2: {  	[dreg:$0x1] =	wrdreg $0xFFFFFFFF  }
0xc3: {  	_ =	task.clear_ibuf [dreg:s8], $0x2FFFF;
	_ =	strace $0x9FFFFFFF  }
0xc4: {  	(tm) =	ssettm $0x7FFFFFFF  }
0xc5: {  	_ =	shalt  }
tec
execute0_lowered:
.L_overlay_start_1:
0x0: {  	(tag) =	ssettag $0x1  }
0x1: {  	s0 =	rddreg [dreg:$0x0]  }
0x2: {  	s1 =	rddreg [dreg:$0x1];
	s3 =	srdreg.scid  }
0x3: {  	s4 =	stileid.u32;
	s2 =	rddreg [dreg:$0x2]  }
0x4: {  	s15 =	simm.s32 $0x0;
	s28 =	simm.s32 $0x2;
	s29 =	simm.s32 $0x5  }
0x5: {  	s31 =	simm.s32 $0x3;
	s3 =	sand.u32 $0x1, s3;
	s4 =	sshll.u32 s4, $0x1  }
0x6: {  	s18 =	simm.s32 $0x4;
	[smem:$0x7FF] =	sst s15;
	s5 =	sor.u32 s3, s4  }
0x7: {  	_ =	strace $0x80000047;
	s3 =	ssub.s32 $0x2, s3;
	s7 =	smul.u32 $0xC80, s5  }
0x8: {  	s4 =	sadd.s32 $0xF42E00, s1;
	s1 =	sadd.s32 $0xA00, s1;
	s8 =	smul.u32 $0x19000, s5  }
0x9: {  	s6 =	sshrl.u32 s3, $0x1;
	[dreg:$0x4] =	wrdreg s1;
	s0 =	sadd.s32 s0, s7  }
0xa: {  	s19 =	ssub.s32 s3, s6;
	s20 =	sadd.s32 s2, s8;
	[dreg:$0x5] =	wrdreg s0  }
0xb: {  	s9 =	smul.u32 $0xC8000, s5;
	s30 =	smax.u32 s19, $0x1;
	[dreg:$0x6] =	wrdreg s20  }
0xc: {  	s1 =	simm.s32 $0x6;
	s22 =	sadd.s32 $0x200, s20;
	[dreg:$0xe] =	wrdreg s30  }
0xd: {  	s21 =	sshrl.u32 s9, $0x3;
	s23 =	sadd.s32 $0x400, s20;
	[dreg:$0x7] =	wrdreg s22  }
0xe: {  	s0 =	sadd.s32 s2, s21;
	s3 =	sadd.s32 $0x600, s20;
	[dreg:$0x8] =	wrdreg s23  }
0xf: {  	s6 =	smul.u32 $0xC8, s5;
	[dreg:$0x9] =	wrdreg s3;
	s24 =	sadd.s32 $0x18800, s0  }
0x10: {  	s19 =	simm.s32 $0x80;
	s25 =	sadd.s32 $0x18A00, s0;
	[dreg:$0xa] =	wrdreg s24  }
0x11: {  	s21 =	simm.s32 $0x8D00;
	s26 =	sadd.s32 $0x18C00, s0;
	[dreg:$0xb] =	wrdreg s25  }
0x12: {  	s0 =	sadd.s32 $0x18E00, s0;
	s23 =	simm.s32 $0xAD00;
	[dreg:$0xc] =	wrdreg s26  }
0x13: {  	s22 =	simm.s32 $0x7;
	s3 =	simm.s32 $0x0;
	[dreg:$0xd] =	wrdreg s0  }
0x14: {  	s25 =	simm.s32 $0xBD00;
	s26 =	simm.s32 $0x1;
	s24 =	simm.s32 $0x8  }
.LBB2_1:
0x15: {  	[dreg:$0xf] =	wrdreg s3  }
0x16: {  	s0 =	rddreg [dreg:$0x5];
	s14 =	simm.s32 $0x9  }
0x17: {  	[tilespmem:s15], [sflag:$0x9] =	stream.linear.gather [hbm4b:s0+s15], $0x6400, $0x38;
	[tilespmem:$0xCD00] =	vst v63  }
0x18: {  	_ =	swait.ge [sflag:s14], $0x6400  }
0x19: {  	[sflag:s14] =	ssyncset.done $0x0  }
0x1a: {  	s5 =	simm.s32 $0x6400;
	s16 =	rddreg [dreg:$0x4];
	[sflag:s14] =	ssyncadd.s32 $0xFFFF9C00  }
0x1b: {  	[tilespmem:s5], [sflag:$0x9] =	stream.linear.gather [hbm4b:s16+s15], $0x2900, $0x38;
	[tilespmem:$0xCD00] =	vst v63  }
0x1c: {  	_ =	swait.ge [sflag:s14], $0x2900  }
0x1d: {  	[sflag:s14] =	ssyncset.done $0x0  }
0x1e: {  	[sflag:s14] =	ssyncadd.s32 $0xFFFFD700  }
0x1f: {  	[tilespmem:s21], [sflag:$0x1] =	stream.indirect.gather [hbm4b:s4+s19], $0x20, s15, s19, $0xb8;
	[tilespmem:$0xCD00] =	vst v63  }
0x20: {  	s17 =	simm.s32 $0x9D00  }
0x21: {  	[tilespmem:s17], [sflag:$0x2] =	stream.indirect.gather [hbm4b:s4+s19], $0x20, s19, s19, $0xb8;
	[tilespmem:$0xCD00] =	vst v63  }
0x22: {  	s20 =	simm.s32 $0x100  }
0x23: {  	[tilespmem:s23], [sflag:$0x3] =	stream.indirect.gather [hbm4b:s4+s19], $0x20, s20, s19, $0xb8;
	[tilespmem:$0xCD00] =	vst v63  }
0x24: {  	s30 =	simm.s32 $0x180  }
0x25: {  	[tilespmem:s25], [sflag:$0x4] =	stream.indirect.gather [hbm4b:s4+s19], $0x20, s30, s19, $0xb8;
	[tilespmem:$0xCD00] =	vst v63  }
0x26: {  	_ =	swait.ge [sflag:s26], $0x1000  }
0x27: {  	[sflag:s26] =	ssyncset.done $0x0  }
0x28: {  	s0 =	simm.s32 $0x0;
	[sflag:s26] =	ssyncadd.s32 $0xFFFFF000  }
0x29: {  	v0 =	vld [tilespmem:s0+$0x64F0]  }
0x2a: {  	v1 =	vld [tilespmem:s0+$0x6400]  }
0x2b: {  	v2 =	vld [tilespmem:s0+$0x6410]  }
0x2c: {  	v3 =	vld [tilespmem:s0+$0x6420]  }
0x2d: {  	v4 =	vld [tilespmem:s0+$0x6430]  }
0x2e: {  	v5 =	vld [tilespmem:s0+$0x6440]  }
0x2f: {  	v6 =	vld [tilespmem:s0+$0x6450]  }
0x30: {  	v7 =	vld [tilespmem:s0+$0x6460]  }
0x31: {  	v8 =	vld [tilespmem:s0+$0x6470]  }
0x32: {  	v9 =	vld [tilespmem:s0+$0x6480]  }
0x33: {  	v10 =	vld [tilespmem:s0+$0x6490]  }
0x34: {  	v11 =	vld [tilespmem:s0+$0x64A0]  }
0x35: {  	v12 =	vld [tilespmem:s0+$0x64B0]  }
0x36: {  	v13 =	vld [tilespmem:s0+$0x64C0]  }
0x37: {  	v14 =	vld [tilespmem:s0+$0x64D0]  }
0x38: {  	[tilespmem:s0+$0x8DF0] =	vst.add.f32.msk $0xffff, v0  }
0x39: {  	v0 =	vld [tilespmem:s0+$0x64E0]  }
0x3a: {  	[tilespmem:s0+$0x8D00] =	vst.add.f32.msk $0xffff, v1  }
0x3b: {  	[tilespmem:s0+$0x8D10] =	vst.add.f32.msk $0xffff, v2  }
0x3c: {  	[tilespmem:s0+$0x8D20] =	vst.add.f32.msk $0xffff, v3  }
0x3d: {  	[tilespmem:s0+$0x8D30] =	vst.add.f32.msk $0xffff, v4  }
0x3e: {  	[tilespmem:s0+$0x8D40] =	vst.add.f32.msk $0xffff, v5  }
0x3f: {  	[tilespmem:s0+$0x8D50] =	vst.add.f32.msk $0xffff, v6  }
0x40: {  	[tilespmem:s0+$0x8D60] =	vst.add.f32.msk $0xffff, v7  }
0x41: {  	[tilespmem:s0+$0x8D70] =	vst.add.f32.msk $0xffff, v8  }
0x42: {  	[tilespmem:s0+$0x8D80] =	vst.add.f32.msk $0xffff, v9  }
0x43: {  	[tilespmem:s0+$0x8D90] =	vst.add.f32.msk $0xffff, v10  }
0x44: {  	[tilespmem:s0+$0x8DA0] =	vst.add.f32.msk $0xffff, v11  }
0x45: {  	[tilespmem:s0+$0x8DB0] =	vst.add.f32.msk $0xffff, v12  }
0x46: {  	[tilespmem:s0+$0x8DC0] =	vst.add.f32.msk $0xffff, v13  }
0x47: {  	s3 =	simm.s32 $0x0;
	s5 =	simm.s32 $0x400;
	[tilespmem:s0+$0x8DD0] =	vst.add.f32.msk $0xffff, v14  }
.LBB2_2:
0x48: {  	s3 =	sadd.s32 $0x8, s3;
	[tilespmem:s0+$0x8DE0] =	vst.add.f32.msk $0xffff, v0;
	s0 =	sshra.s32 s5, $0x2  }
0x49: {  	v0 =	vld [tilespmem:s0+$0x64F0];
	p0 =	slt.u32 s3, $0x78  }
0x4a: {  	v1 =	vld [tilespmem:s0+$0x6400]  }
0x4b: {  	v2 =	vld [tilespmem:s0+$0x6410]  }
0x4c: {  	v3 =	vld [tilespmem:s0+$0x6420]  }
0x4d: {  	v4 =	vld [tilespmem:s0+$0x6430]  }
0x4e: {  	[tilespmem:s0+$0x8DF0] =	vst.add.f32.msk $0xffff, v0  }
0x4f: {  	v5 =	vld [tilespmem:s0+$0x6440]  }
0x50: {  	v6 =	vld [tilespmem:s0+$0x6450]  }
0x51: {  	v7 =	vld [tilespmem:s0+$0x6460]  }
0x52: {  	v8 =	vld [tilespmem:s0+$0x6470]  }
0x53: {  	v9 =	vld [tilespmem:s0+$0x6480]  }
0x54: {  	v10 =	vld [tilespmem:s0+$0x6490]  }
0x55: {  	v11 =	vld [tilespmem:s0+$0x64A0]  }
0x56: {  	v12 =	vld [tilespmem:s0+$0x64B0]  }
0x57: {  	v13 =	vld [tilespmem:s0+$0x64C0]  }
0x58: {  	v14 =	vld [tilespmem:s0+$0x64D0]  }
0x59: {  	v0 =	vld [tilespmem:s0+$0x64E0]  }
0x5a: {  	[tilespmem:s0+$0x8D00] =	vst.add.f32.msk $0xffff, v1  }
0x5b: {  	[tilespmem:s0+$0x8D10] =	vst.add.f32.msk $0xffff, v2  }
0x5c: {  	[tilespmem:s0+$0x8D20] =	vst.add.f32.msk $0xffff, v3  }
0x5d: {  	[tilespmem:s0+$0x8D30] =	vst.add.f32.msk $0xffff, v4  }
0x5e: {  	[tilespmem:s0+$0x8D40] =	vst.add.f32.msk $0xffff, v5  }
0x5f: {  	[tilespmem:s0+$0x8D50] =	vst.add.f32.msk $0xffff, v6  }
0x60: {  	[tilespmem:s0+$0x8D60] =	vst.add.f32.msk $0xffff, v7  }
0x61: {  	[tilespmem:s0+$0x8D70] =	vst.add.f32.msk $0xffff, v8  }
0x62: {  	[tilespmem:s0+$0x8D80] =	vst.add.f32.msk $0xffff, v9  }
.Ltmp0:
0x63: {  	[tilespmem:s0+$0x8D90] =	vst.add.f32.msk $0xffff, v10;
	(pc) =	sbr.rel @p0 .LBB2_2-.Ltmp0, $4  }
0x64: {  	[tilespmem:s0+$0x8DA0] =	vst.add.f32.msk $0xffff, v11  }
0x65: {  	[tilespmem:s0+$0x8DB0] =	vst.add.f32.msk $0xffff, v12  }
0x66: {  	[tilespmem:s0+$0x8DC0] =	vst.add.f32.msk $0xffff, v13  }
0x67: {  	s5 =	sadd.s32 $0x400, s5;
	[tilespmem:s0+$0x8DD0] =	vst.add.f32.msk $0xffff, v14  }
0x68: {  	[tilespmem:s0+$0x8DE0] =	vst.add.f32.msk $0xffff, v0;
	s30 =	simm.s32 $0x0;
	s3 =	rddreg [dreg:$0x6]  }
0x69: {  	[hbm4b:s3+s30] =	stream.linear.scatter [tilespmem:s21], [sflag:$0x5], $0x1000, $0x38;
	[tilespmem:$0xCD00] =	vst v63  }
0x6a: {  	_ =	swait.ge [sflag:s28], $0x1000  }
0x6b: {  	[sflag:s28] =	ssyncset.done $0x0  }
0x6c: {  	s0 =	simm.s32 $0x0;
	[sflag:s28] =	ssyncadd.s32 $0xFFFFF000  }
0x6d: {  	v0 =	vld [tilespmem:s0+$0x74F0]  }
0x6e: {  	v1 =	vld [tilespmem:s0+$0x7400]  }
0x6f: {  	v2 =	vld [tilespmem:s0+$0x7410]  }
0x70: {  	v3 =	vld [tilespmem:s0+$0x7420]  }
0x71: {  	v4 =	vld [tilespmem:s0+$0x7430]  }
0x72: {  	v5 =	vld [tilespmem:s0+$0x7440]  }
0x73: {  	v6 =	vld [tilespmem:s0+$0x7450]  }
0x74: {  	v7 =	vld [tilespmem:s0+$0x7460]  }
0x75: {  	v8 =	vld [tilespmem:s0+$0x7470]  }
0x76: {  	v9 =	vld [tilespmem:s0+$0x7480]  }
0x77: {  	v10 =	vld [tilespmem:s0+$0x7490]  }
0x78: {  	v11 =	vld [tilespmem:s0+$0x74A0]  }
0x79: {  	v12 =	vld [tilespmem:s0+$0x74B0]  }
0x7a: {  	v13 =	vld [tilespmem:s0+$0x74C0]  }
0x7b: {  	v14 =	vld [tilespmem:s0+$0x74D0]  }
0x7c: {  	[tilespmem:s0+$0x9DF0] =	vst.add.f32.msk $0xffff, v0  }
0x7d: {  	v0 =	vld [tilespmem:s0+$0x74E0]  }
0x7e: {  	[tilespmem:s0+$0x9D00] =	vst.add.f32.msk $0xffff, v1  }
0x7f: {  	[tilespmem:s0+$0x9D10] =	vst.add.f32.msk $0xffff, v2  }
0x80: {  	[tilespmem:s0+$0x9D20] =	vst.add.f32.msk $0xffff, v3  }
0x81: {  	[tilespmem:s0+$0x9D30] =	vst.add.f32.msk $0xffff, v4  }
0x82: {  	[tilespmem:s0+$0x9D40] =	vst.add.f32.msk $0xffff, v5  }
0x83: {  	[tilespmem:s0+$0x9D50] =	vst.add.f32.msk $0xffff, v6  }
0x84: {  	[tilespmem:s0+$0x9D60] =	vst.add.f32.msk $0xffff, v7  }
0x85: {  	[tilespmem:s0+$0x9D70] =	vst.add.f32.msk $0xffff, v8  }
0x86: {  	[tilespmem:s0+$0x9D80] =	vst.add.f32.msk $0xffff, v9  }
0x87: {  	[tilespmem:s0+$0x9D90] =	vst.add.f32.msk $0xffff, v10  }
0x88: {  	[tilespmem:s0+$0x9DA0] =	vst.add.f32.msk $0xffff, v11  }
0x89: {  	[tilespmem:s0+$0x9DB0] =	vst.add.f32.msk $0xffff, v12  }
0x8a: {  	[tilespmem:s0+$0x9DC0] =	vst.add.f32.msk $0xffff, v13  }
0x8b: {  	s5 =	simm.s32 $0x400;
	s3 =	simm.s32 $0x0;
	[tilespmem:s0+$0x9DD0] =	vst.add.f32.msk $0xffff, v14  }
.LBB2_4:
0x8c: {  	s3 =	sadd.s32 $0x8, s3;
	[tilespmem:s0+$0x9DE0] =	vst.add.f32.msk $0xffff, v0;
	s0 =	sshra.s32 s5, $0x2  }
0x8d: {  	v0 =	vld [tilespmem:s0+$0x74F0];
	p0 =	slt.u32 s3, $0x78  }
0x8e: {  	v1 =	vld [tilespmem:s0+$0x7400]  }
0x8f: {  	v2 =	vld [tilespmem:s0+$0x7410]  }
0x90: {  	v3 =	vld [tilespmem:s0+$0x7420]  }
0x91: {  	v4 =	vld [tilespmem:s0+$0x7430]  }
0x92: {  	[tilespmem:s0+$0x9DF0] =	vst.add.f32.msk $0xffff, v0  }
0x93: {  	v5 =	vld [tilespmem:s0+$0x7440]  }
0x94: {  	v6 =	vld [tilespmem:s0+$0x7450]  }
0x95: {  	v7 =	vld [tilespmem:s0+$0x7460]  }
0x96: {  	v8 =	vld [tilespmem:s0+$0x7470]  }
0x97: {  	v9 =	vld [tilespmem:s0+$0x7480]  }
0x98: {  	v10 =	vld [tilespmem:s0+$0x7490]  }
0x99: {  	v11 =	vld [tilespmem:s0+$0x74A0]  }
0x9a: {  	v12 =	vld [tilespmem:s0+$0x74B0]  }
0x9b: {  	v13 =	vld [tilespmem:s0+$0x74C0]  }
0x9c: {  	v14 =	vld [tilespmem:s0+$0x74D0]  }
0x9d: {  	v0 =	vld [tilespmem:s0+$0x74E0]  }
0x9e: {  	[tilespmem:s0+$0x9D00] =	vst.add.f32.msk $0xffff, v1  }
0x9f: {  	[tilespmem:s0+$0x9D10] =	vst.add.f32.msk $0xffff, v2  }
0xa0: {  	[tilespmem:s0+$0x9D20] =	vst.add.f32.msk $0xffff, v3  }
0xa1: {  	[tilespmem:s0+$0x9D30] =	vst.add.f32.msk $0xffff, v4  }
0xa2: {  	[tilespmem:s0+$0x9D40] =	vst.add.f32.msk $0xffff, v5  }
0xa3: {  	[tilespmem:s0+$0x9D50] =	vst.add.f32.msk $0xffff, v6  }
0xa4: {  	[tilespmem:s0+$0x9D60] =	vst.add.f32.msk $0xffff, v7  }
0xa5: {  	[tilespmem:s0+$0x9D70] =	vst.add.f32.msk $0xffff, v8  }
0xa6: {  	[tilespmem:s0+$0x9D80] =	vst.add.f32.msk $0xffff, v9  }
.Ltmp1:
0xa7: {  	[tilespmem:s0+$0x9D90] =	vst.add.f32.msk $0xffff, v10;
	(pc) =	sbr.rel @p0 .LBB2_4-.Ltmp1, $4  }
0xa8: {  	[tilespmem:s0+$0x9DA0] =	vst.add.f32.msk $0xffff, v11  }
0xa9: {  	[tilespmem:s0+$0x9DB0] =	vst.add.f32.msk $0xffff, v12  }
0xaa: {  	[tilespmem:s0+$0x9DC0] =	vst.add.f32.msk $0xffff, v13  }
0xab: {  	s5 =	sadd.s32 $0x400, s5;
	[tilespmem:s0+$0x9DD0] =	vst.add.f32.msk $0xffff, v14  }
0xac: {  	[tilespmem:s0+$0x9DE0] =	vst.add.f32.msk $0xffff, v0;
	s20 =	simm.s32 $0x0;
	s3 =	rddreg [dreg:$0x7];
	s5 =	simm.s32 $0x9D00  }
0xad: {  	[hbm4b:s3+s20] =	stream.linear.scatter [tilespmem:s5], [sflag:$0x6], $0x1000, $0x38;
	[tilespmem:$0xCD00] =	vst v63  }
0xae: {  	_ =	swait.ge [sflag:s29], $0x1000  }
0xaf: {  	[sflag:s29] =	ssyncset.done $0x0  }
0xb0: {  	s30 =	simm.s32 $0x200;
	[sflag:s29] =	ssyncadd.s32 $0xFFFFF000  }
0xb1: {  	[tilespmem:s21], [sflag:$0x1] =	stream.indirect.gather [hbm4b:s4+s19], $0x20, s30, s19, $0xb8;
	[tilespmem:$0xCD00] =	vst v63  }
0xb2: {  	_ =	swait.ge [sflag:s31], $0x1000  }
0xb3: {  	[sflag:s31] =	ssyncset.done $0x0  }
0xb4: {  	s0 =	simm.s32 $0x0;
	[sflag:s31] =	ssyncadd.s32 $0xFFFFF000  }
0xb5: {  	v0 =	vld [tilespmem:s0+$0x6BF0]  }
0xb6: {  	v1 =	vld [tilespmem:s0+$0x6B00]  }
0xb7: {  	v2 =	vld [tilespmem:s0+$0x6B10]  }
0xb8: {  	v3 =	vld [tilespmem:s0+$0x6B20]  }
0xb9: {  	v4 =	vld [tilespmem:s0+$0x6B30]  }
0xba: {  	v5 =	vld [tilespmem:s0+$0x6B40]  }
0xbb: {  	v6 =	vld [tilespmem:s0+$0x6B50]  }
0xbc: {  	v7 =	vld [tilespmem:s0+$0x6B60]  }
0xbd: {  	v8 =	vld [tilespmem:s0+$0x6B70]  }
0xbe: {  	v9 =	vld [tilespmem:s0+$0x6B80]  }
0xbf: {  	v10 =	vld [tilespmem:s0+$0x6B90]  }
0xc0: {  	v11 =	vld [tilespmem:s0+$0x6BA0]  }
0xc1: {  	v12 =	vld [tilespmem:s0+$0x6BB0]  }
0xc2: {  	v13 =	vld [tilespmem:s0+$0x6BC0]  }
0xc3: {  	v14 =	vld [tilespmem:s0+$0x6BD0]  }
0xc4: {  	[tilespmem:s0+$0xADF0] =	vst.add.f32.msk $0xffff, v0  }
0xc5: {  	v0 =	vld [tilespmem:s0+$0x6BE0]  }
0xc6: {  	[tilespmem:s0+$0xAD00] =	vst.add.f32.msk $0xffff, v1  }
0xc7: {  	[tilespmem:s0+$0xAD10] =	vst.add.f32.msk $0xffff, v2  }
0xc8: {  	[tilespmem:s0+$0xAD20] =	vst.add.f32.msk $0xffff, v3  }
0xc9: {  	[tilespmem:s0+$0xAD30] =	vst.add.f32.msk $0xffff, v4  }
0xca: {  	[tilespmem:s0+$0xAD40] =	vst.add.f32.msk $0xffff, v5  }
0xcb: {  	[tilespmem:s0+$0xAD50] =	vst.add.f32.msk $0xffff, v6  }
0xcc: {  	[tilespmem:s0+$0xAD60] =	vst.add.f32.msk $0xffff, v7  }
0xcd: {  	[tilespmem:s0+$0xAD70] =	vst.add.f32.msk $0xffff, v8  }
0xce: {  	[tilespmem:s0+$0xAD80] =	vst.add.f32.msk $0xffff, v9  }
0xcf: {  	[tilespmem:s0+$0xAD90] =	vst.add.f32.msk $0xffff, v10  }
0xd0: {  	[tilespmem:s0+$0xADA0] =	vst.add.f32.msk $0xffff, v11  }
0xd1: {  	[tilespmem:s0+$0xADB0] =	vst.add.f32.msk $0xffff, v12  }
0xd2: {  	[tilespmem:s0+$0xADC0] =	vst.add.f32.msk $0xffff, v13  }
0xd3: {  	s3 =	simm.s32 $0x0;
	s5 =	simm.s32 $0x400;
	[tilespmem:s0+$0xADD0] =	vst.add.f32.msk $0xffff, v14  }
.LBB2_6:
0xd4: {  	s3 =	sadd.s32 $0x8, s3;
	[tilespmem:s0+$0xADE0] =	vst.add.f32.msk $0xffff, v0;
	s0 =	sshra.s32 s5, $0x2  }
0xd5: {  	v0 =	vld [tilespmem:s0+$0x6BF0];
	p0 =	slt.u32 s3, $0x78  }
0xd6: {  	v1 =	vld [tilespmem:s0+$0x6B00]  }
0xd7: {  	v2 =	vld [tilespmem:s0+$0x6B10]  }
0xd8: {  	v3 =	vld [tilespmem:s0+$0x6B20]  }
0xd9: {  	v4 =	vld [tilespmem:s0+$0x6B30]  }
0xda: {  	[tilespmem:s0+$0xADF0] =	vst.add.f32.msk $0xffff, v0  }
0xdb: {  	v5 =	vld [tilespmem:s0+$0x6B40]  }
0xdc: {  	v6 =	vld [tilespmem:s0+$0x6B50]  }
0xdd: {  	v7 =	vld [tilespmem:s0+$0x6B60]  }
0xde: {  	v8 =	vld [tilespmem:s0+$0x6B70]  }
0xdf: {  	v9 =	vld [tilespmem:s0+$0x6B80]  }
0xe0: {  	v10 =	vld [tilespmem:s0+$0x6B90]  }
0xe1: {  	v11 =	vld [tilespmem:s0+$0x6BA0]  }
0xe2: {  	v12 =	vld [tilespmem:s0+$0x6BB0]  }
0xe3: {  	v13 =	vld [tilespmem:s0+$0x6BC0]  }
0xe4: {  	v14 =	vld [tilespmem:s0+$0x6BD0]  }
0xe5: {  	v0 =	vld [tilespmem:s0+$0x6BE0]  }
0xe6: {  	[tilespmem:s0+$0xAD00] =	vst.add.f32.msk $0xffff, v1  }
0xe7: {  	[tilespmem:s0+$0xAD10] =	vst.add.f32.msk $0xffff, v2  }
0xe8: {  	[tilespmem:s0+$0xAD20] =	vst.add.f32.msk $0xffff, v3  }
0xe9: {  	[tilespmem:s0+$0xAD30] =	vst.add.f32.msk $0xffff, v4  }
0xea: {  	[tilespmem:s0+$0xAD40] =	vst.add.f32.msk $0xffff, v5  }
0xeb: {  	[tilespmem:s0+$0xAD50] =	vst.add.f32.msk $0xffff, v6  }
0xec: {  	[tilespmem:s0+$0xAD60] =	vst.add.f32.msk $0xffff, v7  }
0xed: {  	[tilespmem:s0+$0xAD70] =	vst.add.f32.msk $0xffff, v8  }
0xee: {  	[tilespmem:s0+$0xAD80] =	vst.add.f32.msk $0xffff, v9  }
.Ltmp2:
0xef: {  	[tilespmem:s0+$0xAD90] =	vst.add.f32.msk $0xffff, v10;
	(pc) =	sbr.rel @p0 .LBB2_6-.Ltmp2, $4  }
0xf0: {  	[tilespmem:s0+$0xADA0] =	vst.add.f32.msk $0xffff, v11  }
0xf1: {  	[tilespmem:s0+$0xADB0] =	vst.add.f32.msk $0xffff, v12  }
0xf2: {  	[tilespmem:s0+$0xADC0] =	vst.add.f32.msk $0xffff, v13  }
0xf3: {  	s5 =	sadd.s32 $0x400, s5;
	[tilespmem:s0+$0xADD0] =	vst.add.f32.msk $0xffff, v14  }
0xf4: {  	[tilespmem:s0+$0xADE0] =	vst.add.f32.msk $0xffff, v0;
	s17 =	simm.s32 $0x0;
	s3 =	rddreg [dreg:$0x8]  }
0xf5: {  	[hbm4b:s3+s17] =	stream.linear.scatter [tilespmem:s23], [sflag:$0x7], $0x1000, $0x38;
	[tilespmem:$0xCD00] =	vst v63  }
0xf6: {  	_ =	swait.ge [sflag:s1], $0x1000  }
0xf7: {  	[sflag:s1] =	ssyncset.done $0x0  }
0xf8: {  	s20 =	simm.s32 $0x9D00;
	s30 =	simm.s32 $0x280;
	[sflag:s1] =	ssyncadd.s32 $0xFFFFF000  }
0xf9: {  	[tilespmem:s20], [sflag:$0x2] =	stream.indirect.gather [hbm4b:s4+s19], $0x20, s30, s19, $0xb8;
	[tilespmem:$0xCD00] =	vst v63  }
0xfa: {  	_ =	swait.ge [sflag:s18], $0x1000  }
0xfb: {  	[sflag:s18] =	ssyncset.done $0x0  }
0xfc: {  	s0 =	simm.s32 $0x0;
	[sflag:s18] =	ssyncadd.s32 $0xFFFFF000  }
0xfd: {  	v0 =	vld [tilespmem:s0+$0x7BF0]  }
0xfe: {  	v1 =	vld [tilespmem:s0+$0x7B00]  }
0xff: {  	v2 =	vld [tilespmem:s0+$0x7B10]  }
0x100: {  	v3 =	vld [tilespmem:s0+$0x7B20]  }
0x101: {  	v4 =	vld [tilespmem:s0+$0x7B30]  }
0x102: {  	v5 =	vld [tilespmem:s0+$0x7B40]  }
0x103: {  	v6 =	vld [tilespmem:s0+$0x7B50]  }
0x104: {  	v7 =	vld [tilespmem:s0+$0x7B60]  }
0x105: {  	v8 =	vld [tilespmem:s0+$0x7B70]  }
0x106: {  	v9 =	vld [tilespmem:s0+$0x7B80]  }
0x107: {  	v10 =	vld [tilespmem:s0+$0x7B90]  }
0x108: {  	v11 =	vld [tilespmem:s0+$0x7BA0]  }
0x109: {  	v12 =	vld [tilespmem:s0+$0x7BB0]  }
0x10a: {  	v13 =	vld [tilespmem:s0+$0x7BC0]  }
0x10b: {  	v14 =	vld [tilespmem:s0+$0x7BD0]  }
0x10c: {  	[tilespmem:s0+$0xBDF0] =	vst.add.f32.msk $0xffff, v0  }
0x10d: {  	v0 =	vld [tilespmem:s0+$0x7BE0]  }
0x10e: {  	[tilespmem:s0+$0xBD00] =	vst.add.f32.msk $0xffff, v1  }
0x10f: {  	[tilespmem:s0+$0xBD10] =	vst.add.f32.msk $0xffff, v2  }
0x110: {  	[tilespmem:s0+$0xBD20] =	vst.add.f32.msk $0xffff, v3  }
0x111: {  	[tilespmem:s0+$0xBD30] =	vst.add.f32.msk $0xffff, v4  }
0x112: {  	[tilespmem:s0+$0xBD40] =	vst.add.f32.msk $0xffff, v5  }
0x113: {  	[tilespmem:s0+$0xBD50] =	vst.add.f32.msk $0xffff, v6  }
0x114: {  	[tilespmem:s0+$0xBD60] =	vst.add.f32.msk $0xffff, v7  }
0x115: {  	[tilespmem:s0+$0xBD70] =	vst.add.f32.msk $0xffff, v8  }
0x116: {  	[tilespmem:s0+$0xBD80] =	vst.add.f32.msk $0xffff, v9  }
0x117: {  	[tilespmem:s0+$0xBD90] =	vst.add.f32.msk $0xffff, v10  }
0x118: {  	[tilespmem:s0+$0xBDA0] =	vst.add.f32.msk $0xffff, v11  }
0x119: {  	[tilespmem:s0+$0xBDB0] =	vst.add.f32.msk $0xffff, v12  }
0x11a: {  	[tilespmem:s0+$0xBDC0] =	vst.add.f32.msk $0xffff, v13  }
0x11b: {  	s5 =	simm.s32 $0x400;
	s3 =	simm.s32 $0x0;
	[tilespmem:s0+$0xBDD0] =	vst.add.f32.msk $0xffff, v14  }
.LBB2_8:
0x11c: {  	s3 =	sadd.s32 $0x8, s3;
	[tilespmem:s0+$0xBDE0] =	vst.add.f32.msk $0xffff, v0;
	s0 =	sshra.s32 s5, $0x2  }
0x11d: {  	v0 =	vld [tilespmem:s0+$0x7BF0];
	p0 =	slt.u32 s3, $0x78  }
0x11e: {  	v1 =	vld [tilespmem:s0+$0x7B00]  }
0x11f: {  	v2 =	vld [tilespmem:s0+$0x7B10]  }
0x120: {  	v3 =	vld [tilespmem:s0+$0x7B20]  }
0x121: {  	v4 =	vld [tilespmem:s0+$0x7B30]  }
0x122: {  	[tilespmem:s0+$0xBDF0] =	vst.add.f32.msk $0xffff, v0  }
0x123: {  	v5 =	vld [tilespmem:s0+$0x7B40]  }
0x124: {  	v6 =	vld [tilespmem:s0+$0x7B50]  }
0x125: {  	v7 =	vld [tilespmem:s0+$0x7B60]  }
0x126: {  	v8 =	vld [tilespmem:s0+$0x7B70]  }
0x127: {  	v9 =	vld [tilespmem:s0+$0x7B80]  }
0x128: {  	v10 =	vld [tilespmem:s0+$0x7B90]  }
0x129: {  	v11 =	vld [tilespmem:s0+$0x7BA0]  }
0x12a: {  	v12 =	vld [tilespmem:s0+$0x7BB0]  }
0x12b: {  	v13 =	vld [tilespmem:s0+$0x7BC0]  }
0x12c: {  	v14 =	vld [tilespmem:s0+$0x7BD0]  }
0x12d: {  	v0 =	vld [tilespmem:s0+$0x7BE0]  }
0x12e: {  	[tilespmem:s0+$0xBD00] =	vst.add.f32.msk $0xffff, v1  }
0x12f: {  	[tilespmem:s0+$0xBD10] =	vst.add.f32.msk $0xffff, v2  }
0x130: {  	[tilespmem:s0+$0xBD20] =	vst.add.f32.msk $0xffff, v3  }
0x131: {  	[tilespmem:s0+$0xBD30] =	vst.add.f32.msk $0xffff, v4  }
0x132: {  	[tilespmem:s0+$0xBD40] =	vst.add.f32.msk $0xffff, v5  }
0x133: {  	[tilespmem:s0+$0xBD50] =	vst.add.f32.msk $0xffff, v6  }
0x134: {  	[tilespmem:s0+$0xBD60] =	vst.add.f32.msk $0xffff, v7  }
0x135: {  	[tilespmem:s0+$0xBD70] =	vst.add.f32.msk $0xffff, v8  }
0x136: {  	[tilespmem:s0+$0xBD80] =	vst.add.f32.msk $0xffff, v9  }
.Ltmp3:
0x137: {  	[tilespmem:s0+$0xBD90] =	vst.add.f32.msk $0xffff, v10;
	(pc) =	sbr.rel @p0 .LBB2_8-.Ltmp3, $4  }
0x138: {  	[tilespmem:s0+$0xBDA0] =	vst.add.f32.msk $0xffff, v11  }
0x139: {  	[tilespmem:s0+$0xBDB0] =	vst.add.f32.msk $0xffff, v12  }
0x13a: {  	[tilespmem:s0+$0xBDC0] =	vst.add.f32.msk $0xffff, v13  }
0x13b: {  	s5 =	sadd.s32 $0x400, s5;
	[tilespmem:s0+$0xBDD0] =	vst.add.f32.msk $0xffff, v14  }
0x13c: {  	s30 =	simm.s32 $0x0  }
0x13d: {  	[tilespmem:s0+$0xBDE0] =	vst.add.f32.msk $0xffff, v0;
	s20 =	rddreg [dreg:$0x9];
	s5 =	simm.s32 $0x300;
	s7 =	simm.s32 $0xA400  }
0x13e: {  	[hbm4b:s20+s30] =	stream.linear.scatter [tilespmem:s25], [sflag:$0x8], $0x1000, $0x38;
	[tilespmem:$0xCD00] =	vst v63  }
0x13f: {  	s9 =	simm.s32 $0x200;
	s10 =	simm.s32 $0xB400;
	_ =	swait.ge [sflag:s22], $0x1000  }
0x140: {  	s11 =	simm.s32 $0x280;
	s12 =	simm.s32 $0xC400;
	[sflag:s22] =	ssyncset.done $0x0  }
0x141: {  	s13 =	simm.s32 $0xD400;
	s14 =	simm.s32 $0x380;
	[sflag:s22] =	ssyncadd.s32 $0xFFFFF000  }
0x142: {  	[tilespmem:s23], [sflag:$0x3] =	stream.indirect.gather [hbm4b:s4+s19], $0x20, s5, s19, $0xb8;
	[tilespmem:$0xCD00] =	vst v63  }
.LBB2_10:
0x143: {  	s0 =	smulhi.u32 $0x51EB851F, s9;
	_ =	sdelay $0x1  }
0x144: {  	s0 =	sshrl.u32 s0, $0x6  }
0x145: {  	s0 =	smul.u32 $0xFFFF9C00, s0;
	_ =	sdelay $0x1  }
0x146: {  	s0 =	sshra.s32 s0, $0x2  }
0x147: {  	s0 =	sadd.s32 s0, s7  }
0x148: {  	v0 =	vmov s0;
	_ =	sdelay $0x1  }
0x149: {  	_ =	swait.ge [sflag:s26], $0x1000  }
0x14a: {  	[sflag:s26] =	ssyncset.done $0x0  }
0x14b: {  	s8 =	simm.s32 $0x0;
	[sflag:s26] =	ssyncadd.s32 $0xFFFFF000  }
0x14c: {  	v1 =	vld.idx.msk [tilespmem:v0+s8+$0x0 ss:$0x1], $0xffff;
	_ =	sdelay $0x4  }
0x14d: {  	[tilespmem:s8+$0x8D00] =	vst.add.f32.msk $0xffff, v1  }
0x14e: {  	v1 =	vld.idx.msk [tilespmem:v0+s8+$0x10 ss:$0x1], $0xffff;
	_ =	sdelay $0x4  }
0x14f: {  	[tilespmem:s8+$0x8D10] =	vst.add.f32.msk $0xffff, v1  }
0x150: {  	v1 =	vld.idx.msk [tilespmem:v0+s8+$0x20 ss:$0x1], $0xffff;
	_ =	sdelay $0x4  }
0x151: {  	[tilespmem:s8+$0x8D20] =	vst.add.f32.msk $0xffff, v1  }
0x152: {  	v1 =	vld.idx.msk [tilespmem:v0+s8+$0x30 ss:$0x1], $0xffff;
	_ =	sdelay $0x4  }
0x153: {  	[tilespmem:s8+$0x8D30] =	vst.add.f32.msk $0xffff, v1  }
0x154: {  	v1 =	vld.idx.msk [tilespmem:v0+s8+$0x40 ss:$0x1], $0xffff;
	_ =	sdelay $0x4  }
0x155: {  	[tilespmem:s8+$0x8D40] =	vst.add.f32.msk $0xffff, v1  }
0x156: {  	v1 =	vld.idx.msk [tilespmem:v0+s8+$0x50 ss:$0x1], $0xffff;
	_ =	sdelay $0x4  }
0x157: {  	[tilespmem:s8+$0x8D50] =	vst.add.f32.msk $0xffff, v1  }
0x158: {  	v1 =	vld.idx.msk [tilespmem:v0+s8+$0x60 ss:$0x1], $0xffff;
	_ =	sdelay $0x4  }
0x159: {  	[tilespmem:s8+$0x8D60] =	vst.add.f32.msk $0xffff, v1  }
0x15a: {  	v1 =	vld.idx.msk [tilespmem:v0+s8+$0x70 ss:$0x1], $0xffff;
	_ =	sdelay $0x4  }
0x15b: {  	[tilespmem:s8+$0x8D70] =	vst.add.f32.msk $0xffff, v1  }
0x15c: {  	v1 =	vld.idx.msk [tilespmem:v0+s8+$0x80 ss:$0x1], $0xffff;
	_ =	sdelay $0x4  }
0x15d: {  	[tilespmem:s8+$0x8D80] =	vst.add.f32.msk $0xffff, v1  }
0x15e: {  	v1 =	vld.idx.msk [tilespmem:v0+s8+$0x90 ss:$0x1], $0xffff;
	_ =	sdelay $0x4  }
0x15f: {  	[tilespmem:s8+$0x8D90] =	vst.add.f32.msk $0xffff, v1  }
0x160: {  	v1 =	vld.idx.msk [tilespmem:v0+s8+$0xA0 ss:$0x1], $0xffff;
	_ =	sdelay $0x4  }
0x161: {  	[tilespmem:s8+$0x8DA0] =	vst.add.f32.msk $0xffff, v1  }
0x162: {  	v1 =	vld.idx.msk [tilespmem:v0+s8+$0xB0 ss:$0x1], $0xffff;
	_ =	sdelay $0x4  }
0x163: {  	[tilespmem:s8+$0x8DB0] =	vst.add.f32.msk $0xffff, v1  }
0x164: {  	v1 =	vld.idx.msk [tilespmem:v0+s8+$0xC0 ss:$0x1], $0xffff;
	_ =	sdelay $0x4  }
0x165: {  	[tilespmem:s8+$0x8DC0] =	vst.add.f32.msk $0xffff, v1  }
0x166: {  	v1 =	vld.idx.msk [tilespmem:v0+s8+$0xD0 ss:$0x1], $0xffff;
	_ =	sdelay $0x4  }
0x167: {  	[tilespmem:s8+$0x8DD0] =	vst.add.f32.msk $0xffff, v1  }
0x168: {  	v1 =	vld.idx.msk [tilespmem:v0+s8+$0xE0 ss:$0x1], $0xffff;
	_ =	sdelay $0x1  }
0x169: {  	s3 =	smulhi.u32 $0x51EB851F, s5  }
0x16a: {  	s15 =	smulhi.u32 $0x51EB851F, s11  }
0x16b: {  	s20 =	smulhi.u32 $0x51EB851F, s14;
	s3 =	sshrl.u32 s3, $0x6  }
0x16c: {  	s15 =	sshrl.u32 s15, $0x6;
	s3 =	smul.u32 $0xFFFF9C00, s3;
	[tilespmem:s8+$0x8DE0] =	vst.add.f32.msk $0xffff, v1  }
0x16d: {  	s15 =	smul.u32 $0xFFFF9C00, s15;
	s0 =	sshrl.u32 s20, $0x6;
	v1 =	vld.idx.msk [tilespmem:v0+s8+$0xF0 ss:$0x1], $0xffff  }
0x16e: {  	s0 =	smul.u32 $0xFFFF9C00, s0  }
0x16f: {  	s30 =	sadd.s32 $0x1, s30;
	s3 =	sshra.s32 s3, $0x2;
	s15 =	sshra.s32 s15, $0x2  }
0x170: {  	s17 =	sadd.s32 s3, s12;
	s3 =	sadd.s32 s15, s10;
	s0 =	sshra.s32 s0, $0x2  }
0x171: {  	s15 =	simm.s32 $0x400;
	s16 =	sadd.s32 s0, s13;
	s0 =	simm.s32 $0x0  }
.LBB2_11:
0x172: {  	s0 =	sadd.s32 $0x8, s0;
	[tilespmem:s8+$0x8DF0] =	vst.add.f32.msk $0xffff, v1;
	s8 =	sshra.s32 s15, $0x2  }
0x173: {  	v1 =	vld.idx.msk [tilespmem:v0+s8+$0x0 ss:$0x1], $0xffff;
	p0 =	slt.u32 s0, $0x78;
	_ =	sdelay $0x5  }
0x174: {  	[tilespmem:s8+$0x8D00] =	vst.add.f32.msk $0xffff, v1  }
0x175: {  	v1 =	vld.idx.msk [tilespmem:v0+s8+$0x10 ss:$0x1], $0xffff;
	_ =	sdelay $0x5  }
0x176: {  	[tilespmem:s8+$0x8D10] =	vst.add.f32.msk $0xffff, v1  }
0x177: {  	v1 =	vld.idx.msk [tilespmem:v0+s8+$0x20 ss:$0x1], $0xffff;
	_ =	sdelay $0x5  }
0x178: {  	[tilespmem:s8+$0x8D20] =	vst.add.f32.msk $0xffff, v1  }
0x179: {  	v1 =	vld.idx.msk [tilespmem:v0+s8+$0x30 ss:$0x1], $0xffff;
	_ =	sdelay $0x5  }
0x17a: {  	[tilespmem:s8+$0x8D30] =	vst.add.f32.msk $0xffff, v1  }
0x17b: {  	v1 =	vld.idx.msk [tilespmem:v0+s8+$0x40 ss:$0x1], $0xffff;
	_ =	sdelay $0x5  }
0x17c: {  	[tilespmem:s8+$0x8D40] =	vst.add.f32.msk $0xffff, v1  }
0x17d: {  	v1 =	vld.idx.msk [tilespmem:v0+s8+$0x50 ss:$0x1], $0xffff;
	_ =	sdelay $0x5  }
0x17e: {  	[tilespmem:s8+$0x8D50] =	vst.add.f32.msk $0xffff, v1  }
0x17f: {  	v1 =	vld.idx.msk [tilespmem:v0+s8+$0x60 ss:$0x1], $0xffff;
	_ =	sdelay $0x5  }
0x180: {  	[tilespmem:s8+$0x8D60] =	vst.add.f32.msk $0xffff, v1  }
0x181: {  	v1 =	vld.idx.msk [tilespmem:v0+s8+$0x70 ss:$0x1], $0xffff;
	_ =	sdelay $0x5  }
0x182: {  	[tilespmem:s8+$0x8D70] =	vst.add.f32.msk $0xffff, v1  }
0x183: {  	v1 =	vld.idx.msk [tilespmem:v0+s8+$0x80 ss:$0x1], $0xffff;
	_ =	sdelay $0x5  }
0x184: {  	[tilespmem:s8+$0x8D80] =	vst.add.f32.msk $0xffff, v1  }
0x185: {  	v1 =	vld.idx.msk [tilespmem:v0+s8+$0x90 ss:$0x1], $0xffff;
	_ =	sdelay $0x5  }
0x186: {  	[tilespmem:s8+$0x8D90] =	vst.add.f32.msk $0xffff, v1  }
0x187: {  	v1 =	vld.idx.msk [tilespmem:v0+s8+$0xA0 ss:$0x1], $0xffff;
	_ =	sdelay $0x5  }
0x188: {  	[tilespmem:s8+$0x8DA0] =	vst.add.f32.msk $0xffff, v1  }
0x189: {  	v1 =	vld.idx.msk [tilespmem:v0+s8+$0xB0 ss:$0x1], $0xffff;
	_ =	sdelay $0x5  }
0x18a: {  	[tilespmem:s8+$0x8DB0] =	vst.add.f32.msk $0xffff, v1  }
0x18b: {  	v1 =	vld.idx.msk [tilespmem:v0+s8+$0xC0 ss:$0x1], $0xffff;
	_ =	sdelay $0x5  }
0x18c: {  	[tilespmem:s8+$0x8DC0] =	vst.add.f32.msk $0xffff, v1  }
0x18d: {  	v1 =	vld.idx.msk [tilespmem:v0+s8+$0xD0 ss:$0x1], $0xffff;
	_ =	sdelay $0x5  }
0x18e: {  	[tilespmem:s8+$0x8DD0] =	vst.add.f32.msk $0xffff, v1  }
0x18f: {  	v1 =	vld.idx.msk [tilespmem:v0+s8+$0xE0 ss:$0x1], $0xffff;
	_ =	sdelay $0x5  }
0x190: {  	[tilespmem:s8+$0x8DE0] =	vst.add.f32.msk $0xffff, v1  }
0x191: {  	v1 =	vld.idx.msk [tilespmem:v0+s8+$0xF0 ss:$0x1], $0xffff  }
.Ltmp4:
0x192: {  	(pc) =	sbr.rel @p0 .LBB2_11-.Ltmp4, $2  }
0x193: {  	_ =	sdelay $0x2  }
0x194: {  	s15 =	sadd.s32 $0x400, s15  }
0x195: {  	s0 =	sshll.u32 s30, $0x2  }
0x196: {  	s15 =	sadd.s32 s6, s0  }
0x197: {  	s15 =	sshll.u32 s15, $0x9  }
0x198: {  	s15 =	sand.u32 $0x1FFFF800, s15  }
0x199: {  	[tilespmem:s8+$0x8DF0] =	vst.add.f32.msk $0xffff, v1;
	s20 =	simm.s32 $0x0;
	s15 =	sadd.s32 s2, s15  }
0x19a: {  	[hbm4b:s15+s20] =	stream.linear.scatter [tilespmem:s21], [sflag:$0x5], $0x1000, $0x38;
	[tilespmem:$0xCD00] =	vst v63  }
0x19b: {  	_ =	swait.ge [sflag:s24], $0x1000  }
0x19c: {  	s15 =	sshllo.u32 s30, $0x2;
	[sflag:s24] =	ssyncset.done $0x0  }
0x19d: {  	v0 =	vmov s3;
	s21 =	sshll.u32 s15, $0x7;
	[sflag:s24] =	ssyncadd.s32 $0xFFFFF000  }
0x19e: {  	[tilespmem:s25], [sflag:$0x4] =	stream.indirect.gather [hbm4b:s4+s19], $0x20, s21, s19, $0xb8;
	[tilespmem:$0xCD00] =	vst v63  }
0x19f: {  	_ =	swait.ge [sflag:s28], $0x1000  }
0x1a0: {  	[sflag:s28] =	ssyncset.done $0x0  }
0x1a1: {  	s8 =	simm.s32 $0x0;
	[sflag:s28] =	ssyncadd.s32 $0xFFFFF000  }
0x1a2: {  	v1 =	vld.idx.msk [tilespmem:v0+s8+$0x0 ss:$0x1], $0xffff;
	_ =	sdelay $0x4  }
0x1a3: {  	[tilespmem:s8+$0x9D00] =	vst.add.f32.msk $0xffff, v1  }
0x1a4: {  	v1 =	vld.idx.msk [tilespmem:v0+s8+$0x10 ss:$0x1], $0xffff;
	_ =	sdelay $0x4  }
0x1a5: {  	[tilespmem:s8+$0x9D10] =	vst.add.f32.msk $0xffff, v1  }
0x1a6: {  	v1 =	vld.idx.msk [tilespmem:v0+s8+$0x20 ss:$0x1], $0xffff;
	_ =	sdelay $0x4  }
0x1a7: {  	[tilespmem:s8+$0x9D20] =	vst.add.f32.msk $0xffff, v1  }
0x1a8: {  	v1 =	vld.idx.msk [tilespmem:v0+s8+$0x30 ss:$0x1], $0xffff;
	_ =	sdelay $0x4  }
0x1a9: {  	[tilespmem:s8+$0x9D30] =	vst.add.f32.msk $0xffff, v1  }
0x1aa: {  	v1 =	vld.idx.msk [tilespmem:v0+s8+$0x40 ss:$0x1], $0xffff;
	_ =	sdelay $0x4  }
0x1ab: {  	[tilespmem:s8+$0x9D40] =	vst.add.f32.msk $0xffff, v1  }
0x1ac: {  	v1 =	vld.idx.msk [tilespmem:v0+s8+$0x50 ss:$0x1], $0xffff;
	_ =	sdelay $0x4  }
0x1ad: {  	[tilespmem:s8+$0x9D50] =	vst.add.f32.msk $0xffff, v1  }
0x1ae: {  	v1 =	vld.idx.msk [tilespmem:v0+s8+$0x60 ss:$0x1], $0xffff;
	_ =	sdelay $0x4  }
0x1af: {  	[tilespmem:s8+$0x9D60] =	vst.add.f32.msk $0xffff, v1  }
0x1b0: {  	v1 =	vld.idx.msk [tilespmem:v0+s8+$0x70 ss:$0x1], $0xffff;
	_ =	sdelay $0x4  }
0x1b1: {  	[tilespmem:s8+$0x9D70] =	vst.add.f32.msk $0xffff, v1  }
0x1b2: {  	v1 =	vld.idx.msk [tilespmem:v0+s8+$0x80 ss:$0x1], $0xffff;
	_ =	sdelay $0x4  }
0x1b3: {  	[tilespmem:s8+$0x9D80] =	vst.add.f32.msk $0xffff, v1  }
0x1b4: {  	v1 =	vld.idx.msk [tilespmem:v0+s8+$0x90 ss:$0x1], $0xffff;
	_ =	sdelay $0x4  }
0x1b5: {  	[tilespmem:s8+$0x9D90] =	vst.add.f32.msk $0xffff, v1  }
0x1b6: {  	v1 =	vld.idx.msk [tilespmem:v0+s8+$0xA0 ss:$0x1], $0xffff;
	_ =	sdelay $0x4  }
0x1b7: {  	[tilespmem:s8+$0x9DA0] =	vst.add.f32.msk $0xffff, v1  }
0x1b8: {  	v1 =	vld.idx.msk [tilespmem:v0+s8+$0xB0 ss:$0x1], $0xffff;
	_ =	sdelay $0x4  }
0x1b9: {  	[tilespmem:s8+$0x9DB0] =	vst.add.f32.msk $0xffff, v1  }
0x1ba: {  	v1 =	vld.idx.msk [tilespmem:v0+s8+$0xC0 ss:$0x1], $0xffff;
	_ =	sdelay $0x4  }
0x1bb: {  	[tilespmem:s8+$0x9DC0] =	vst.add.f32.msk $0xffff, v1  }
0x1bc: {  	v1 =	vld.idx.msk [tilespmem:v0+s8+$0xD0 ss:$0x1], $0xffff;
	_ =	sdelay $0x4  }
0x1bd: {  	[tilespmem:s8+$0x9DD0] =	vst.add.f32.msk $0xffff, v1  }
0x1be: {  	v1 =	vld.idx.msk [tilespmem:v0+s8+$0xE0 ss:$0x1], $0xffff;
	_ =	sdelay $0x4  }
0x1bf: {  	[tilespmem:s8+$0x9DE0] =	vst.add.f32.msk $0xffff, v1  }
0x1c0: {  	v1 =	vld.idx.msk [tilespmem:v0+s8+$0xF0 ss:$0x1], $0xffff;
	_ =	sdelay $0x3  }
0x1c1: {  	s3 =	sor.u32 $0x1, s0;
	s20 =	simm.s32 $0x0;
	s21 =	simm.s32 $0x400  }
.LBB2_13:
0x1c2: {  	s20 =	sadd.s32 $0x8, s20;
	[tilespmem:s8+$0x9DF0] =	vst.add.f32.msk $0xffff, v1;
	s8 =	sshra.s32 s21, $0x2  }
0x1c3: {  	v1 =	vld.idx.msk [tilespmem:v0+s8+$0x0 ss:$0x1], $0xffff;
	p0 =	slt.u32 s20, $0x78;
	_ =	sdelay $0x5  }
0x1c4: {  	[tilespmem:s8+$0x9D00] =	vst.add.f32.msk $0xffff, v1  }
0x1c5: {  	v1 =	vld.idx.msk [tilespmem:v0+s8+$0x10 ss:$0x1], $0xffff;
	_ =	sdelay $0x5  }
0x1c6: {  	[tilespmem:s8+$0x9D10] =	vst.add.f32.msk $0xffff, v1  }
0x1c7: {  	v1 =	vld.idx.msk [tilespmem:v0+s8+$0x20 ss:$0x1], $0xffff;
	_ =	sdelay $0x5  }
0x1c8: {  	[tilespmem:s8+$0x9D20] =	vst.add.f32.msk $0xffff, v1  }
0x1c9: {  	v1 =	vld.idx.msk [tilespmem:v0+s8+$0x30 ss:$0x1], $0xffff;
	_ =	sdelay $0x5  }
0x1ca: {  	[tilespmem:s8+$0x9D30] =	vst.add.f32.msk $0xffff, v1  }
0x1cb: {  	v1 =	vld.idx.msk [tilespmem:v0+s8+$0x40 ss:$0x1], $0xffff;
	_ =	sdelay $0x5  }
0x1cc: {  	[tilespmem:s8+$0x9D40] =	vst.add.f32.msk $0xffff, v1  }
0x1cd: {  	v1 =	vld.idx.msk [tilespmem:v0+s8+$0x50 ss:$0x1], $0xffff;
	_ =	sdelay $0x5  }
0x1ce: {  	[tilespmem:s8+$0x9D50] =	vst.add.f32.msk $0xffff, v1  }
0x1cf: {  	v1 =	vld.idx.msk [tilespmem:v0+s8+$0x60 ss:$0x1], $0xffff;
	_ =	sdelay $0x5  }
0x1d0: {  	[tilespmem:s8+$0x9D60] =	vst.add.f32.msk $0xffff, v1  }
0x1d1: {  	v1 =	vld.idx.msk [tilespmem:v0+s8+$0x70 ss:$0x1], $0xffff;
	_ =	sdelay $0x5  }
0x1d2: {  	[tilespmem:s8+$0x9D70] =	vst.add.f32.msk $0xffff, v1  }
0x1d3: {  	v1 =	vld.idx.msk [tilespmem:v0+s8+$0x80 ss:$0x1], $0xffff;
	_ =	sdelay $0x5  }
0x1d4: {  	[tilespmem:s8+$0x9D80] =	vst.add.f32.msk $0xffff, v1  }
0x1d5: {  	v1 =	vld.idx.msk [tilespmem:v0+s8+$0x90 ss:$0x1], $0xffff;
	_ =	sdelay $0x5  }
0x1d6: {  	[tilespmem:s8+$0x9D90] =	vst.add.f32.msk $0xffff, v1  }
0x1d7: {  	v1 =	vld.idx.msk [tilespmem:v0+s8+$0xA0 ss:$0x1], $0xffff;
	_ =	sdelay $0x5  }
0x1d8: {  	[tilespmem:s8+$0x9DA0] =	vst.add.f32.msk $0xffff, v1  }
0x1d9: {  	v1 =	vld.idx.msk [tilespmem:v0+s8+$0xB0 ss:$0x1], $0xffff;
	_ =	sdelay $0x5  }
0x1da: {  	[tilespmem:s8+$0x9DB0] =	vst.add.f32.msk $0xffff, v1  }
0x1db: {  	v1 =	vld.idx.msk [tilespmem:v0+s8+$0xC0 ss:$0x1], $0xffff;
	_ =	sdelay $0x5  }
0x1dc: {  	[tilespmem:s8+$0x9DC0] =	vst.add.f32.msk $0xffff, v1  }
0x1dd: {  	v1 =	vld.idx.msk [tilespmem:v0+s8+$0xD0 ss:$0x1], $0xffff;
	_ =	sdelay $0x5  }
0x1de: {  	[tilespmem:s8+$0x9DD0] =	vst.add.f32.msk $0xffff, v1  }
0x1df: {  	v1 =	vld.idx.msk [tilespmem:v0+s8+$0xE0 ss:$0x1], $0xffff;
	_ =	sdelay $0x5  }
0x1e0: {  	[tilespmem:s8+$0x9DE0] =	vst.add.f32.msk $0xffff, v1  }
0x1e1: {  	v1 =	vld.idx.msk [tilespmem:v0+s8+$0xF0 ss:$0x1], $0xffff  }
.Ltmp5:
0x1e2: {  	(pc) =	sbr.rel @p0 .LBB2_13-.Ltmp5, $2  }
0x1e3: {  	_ =	sdelay $0x2  }
0x1e4: {  	s21 =	sadd.s32 $0x400, s21  }
0x1e5: {  	s3 =	sadd.s32 s6, s3  }
0x1e6: {  	s3 =	sshll.u32 s3, $0x9  }
0x1e7: {  	s3 =	sand.u32 $0x1FFFFA00, s3  }
0x1e8: {  	[tilespmem:s8+$0x9DF0] =	vst.add.f32.msk $0xffff, v1;
	s21 =	simm.s32 $0x0;
	s20 =	simm.s32 $0x9D00;
	s3 =	sadd.s32 s2, s3  }
0x1e9: {  	[hbm4b:s3+s21] =	stream.linear.scatter [tilespmem:s20], [sflag:$0x6], $0x1000, $0x38;
	[tilespmem:$0xCD00] =	vst v63  }
0x1ea: {  	s21 =	sshll.u32 s30, $0x9;
	_ =	swait.ge [sflag:s29], $0x1000  }
0x1eb: {  	s8 =	sand.u32 $0x3FFFFE00, s21;
	[sflag:s29] =	ssyncset.done $0x0  }
0x1ec: {  	v0 =	vmov s17;
	s21 =	simm.s32 $0x8D00;
	s3 =	sadd.s32 $0x200, s8;
	[sflag:s29] =	ssyncadd.s32 $0xFFFFF000  }
0x1ed: {  	[tilespmem:s21], [sflag:$0x1] =	stream.indirect.gather [hbm4b:s4+s19], $0x20, s3, s19, $0xb8;
	[tilespmem:$0xCD00] =	vst v63  }
0x1ee: {  	_ =	swait.ge [sflag:s31], $0x1000  }
0x1ef: {  	[sflag:s31] =	ssyncset.done $0x0  }
0x1f0: {  	s17 =	simm.s32 $0x0;
	[sflag:s31] =	ssyncadd.s32 $0xFFFFF000  }
0x1f1: {  	v1 =	vld.idx.msk [tilespmem:v0+s17+$0x0 ss:$0x1], $0xffff;
	_ =	sdelay $0x4  }
0x1f2: {  	[tilespmem:s17+$0xAD00] =	vst.add.f32.msk $0xffff, v1  }
0x1f3: {  	v1 =	vld.idx.msk [tilespmem:v0+s17+$0x10 ss:$0x1], $0xffff;
	_ =	sdelay $0x4  }
0x1f4: {  	[tilespmem:s17+$0xAD10] =	vst.add.f32.msk $0xffff, v1  }
0x1f5: {  	v1 =	vld.idx.msk [tilespmem:v0+s17+$0x20 ss:$0x1], $0xffff;
	_ =	sdelay $0x4  }
0x1f6: {  	[tilespmem:s17+$0xAD20] =	vst.add.f32.msk $0xffff, v1  }
0x1f7: {  	v1 =	vld.idx.msk [tilespmem:v0+s17+$0x30 ss:$0x1], $0xffff;
	_ =	sdelay $0x4  }
0x1f8: {  	[tilespmem:s17+$0xAD30] =	vst.add.f32.msk $0xffff, v1  }
0x1f9: {  	v1 =	vld.idx.msk [tilespmem:v0+s17+$0x40 ss:$0x1], $0xffff;
	_ =	sdelay $0x4  }
0x1fa: {  	[tilespmem:s17+$0xAD40] =	vst.add.f32.msk $0xffff, v1  }
0x1fb: {  	v1 =	vld.idx.msk [tilespmem:v0+s17+$0x50 ss:$0x1], $0xffff;
	_ =	sdelay $0x4  }
0x1fc: {  	[tilespmem:s17+$0xAD50] =	vst.add.f32.msk $0xffff, v1  }
0x1fd: {  	v1 =	vld.idx.msk [tilespmem:v0+s17+$0x60 ss:$0x1], $0xffff;
	_ =	sdelay $0x4  }
0x1fe: {  	[tilespmem:s17+$0xAD60] =	vst.add.f32.msk $0xffff, v1  }
0x1ff: {  	v1 =	vld.idx.msk [tilespmem:v0+s17+$0x70 ss:$0x1], $0xffff;
	_ =	sdelay $0x4  }
0x200: {  	[tilespmem:s17+$0xAD70] =	vst.add.f32.msk $0xffff, v1  }
0x201: {  	v1 =	vld.idx.msk [tilespmem:v0+s17+$0x80 ss:$0x1], $0xffff;
	_ =	sdelay $0x4  }
0x202: {  	[tilespmem:s17+$0xAD80] =	vst.add.f32.msk $0xffff, v1  }
0x203: {  	v1 =	vld.idx.msk [tilespmem:v0+s17+$0x90 ss:$0x1], $0xffff;
	_ =	sdelay $0x4  }
0x204: {  	[tilespmem:s17+$0xAD90] =	vst.add.f32.msk $0xffff, v1  }
0x205: {  	v1 =	vld.idx.msk [tilespmem:v0+s17+$0xA0 ss:$0x1], $0xffff;
	_ =	sdelay $0x4  }
0x206: {  	[tilespmem:s17+$0xADA0] =	vst.add.f32.msk $0xffff, v1  }
0x207: {  	v1 =	vld.idx.msk [tilespmem:v0+s17+$0xB0 ss:$0x1], $0xffff;
	_ =	sdelay $0x4  }
0x208: {  	[tilespmem:s17+$0xADB0] =	vst.add.f32.msk $0xffff, v1  }
0x209: {  	v1 =	vld.idx.msk [tilespmem:v0+s17+$0xC0 ss:$0x1], $0xffff;
	_ =	sdelay $0x4  }
0x20a: {  	[tilespmem:s17+$0xADC0] =	vst.add.f32.msk $0xffff, v1  }
0x20b: {  	v1 =	vld.idx.msk [tilespmem:v0+s17+$0xD0 ss:$0x1], $0xffff;
	_ =	sdelay $0x4  }
0x20c: {  	[tilespmem:s17+$0xADD0] =	vst.add.f32.msk $0xffff, v1  }
0x20d: {  	v1 =	vld.idx.msk [tilespmem:v0+s17+$0xE0 ss:$0x1], $0xffff;
	_ =	sdelay $0x4  }
0x20e: {  	[tilespmem:s17+$0xADE0] =	vst.add.f32.msk $0xffff, v1  }
0x20f: {  	v1 =	vld.idx.msk [tilespmem:v0+s17+$0xF0 ss:$0x1], $0xffff;
	_ =	sdelay $0x3  }
0x210: {  	s0 =	sor.u32 $0x2, s0;
	s20 =	simm.s32 $0x400;
	s3 =	simm.s32 $0x0  }
.LBB2_15:
0x211: {  	s3 =	sadd.s32 $0x8, s3;
	[tilespmem:s17+$0xADF0] =	vst.add.f32.msk $0xffff, v1;
	s17 =	sshra.s32 s20, $0x2  }
0x212: {  	v1 =	vld.idx.msk [tilespmem:v0+s17+$0x0 ss:$0x1], $0xffff;
	p0 =	slt.u32 s3, $0x78;
	_ =	sdelay $0x5  }
0x213: {  	[tilespmem:s17+$0xAD00] =	vst.add.f32.msk $0xffff, v1  }
0x214: {  	v1 =	vld.idx.msk [tilespmem:v0+s17+$0x10 ss:$0x1], $0xffff;
	_ =	sdelay $0x5  }
0x215: {  	[tilespmem:s17+$0xAD10] =	vst.add.f32.msk $0xffff, v1  }
0x216: {  	v1 =	vld.idx.msk [tilespmem:v0+s17+$0x20 ss:$0x1], $0xffff;
	_ =	sdelay $0x5  }
0x217: {  	[tilespmem:s17+$0xAD20] =	vst.add.f32.msk $0xffff, v1  }
0x218: {  	v1 =	vld.idx.msk [tilespmem:v0+s17+$0x30 ss:$0x1], $0xffff;
	_ =	sdelay $0x5  }
0x219: {  	[tilespmem:s17+$0xAD30] =	vst.add.f32.msk $0xffff, v1  }
0x21a: {  	v1 =	vld.idx.msk [tilespmem:v0+s17+$0x40 ss:$0x1], $0xffff;
	_ =	sdelay $0x5  }
0x21b: {  	[tilespmem:s17+$0xAD40] =	vst.add.f32.msk $0xffff, v1  }
0x21c: {  	v1 =	vld.idx.msk [tilespmem:v0+s17+$0x50 ss:$0x1], $0xffff;
	_ =	sdelay $0x5  }
0x21d: {  	[tilespmem:s17+$0xAD50] =	vst.add.f32.msk $0xffff, v1  }
0x21e: {  	v1 =	vld.idx.msk [tilespmem:v0+s17+$0x60 ss:$0x1], $0xffff;
	_ =	sdelay $0x5  }
0x21f: {  	[tilespmem:s17+$0xAD60] =	vst.add.f32.msk $0xffff, v1  }
0x220: {  	v1 =	vld.idx.msk [tilespmem:v0+s17+$0x70 ss:$0x1], $0xffff;
	_ =	sdelay $0x5  }
0x221: {  	[tilespmem:s17+$0xAD70] =	vst.add.f32.msk $0xffff, v1  }
0x222: {  	v1 =	vld.idx.msk [tilespmem:v0+s17+$0x80 ss:$0x1], $0xffff;
	_ =	sdelay $0x5  }
0x223: {  	[tilespmem:s17+$0xAD80] =	vst.add.f32.msk $0xffff, v1  }
0x224: {  	v1 =	vld.idx.msk [tilespmem:v0+s17+$0x90 ss:$0x1], $0xffff;
	_ =	sdelay $0x5  }
0x225: {  	[tilespmem:s17+$0xAD90] =	vst.add.f32.msk $0xffff, v1  }
0x226: {  	v1 =	vld.idx.msk [tilespmem:v0+s17+$0xA0 ss:$0x1], $0xffff;
	_ =	sdelay $0x5  }
0x227: {  	[tilespmem:s17+$0xADA0] =	vst.add.f32.msk $0xffff, v1  }
0x228: {  	v1 =	vld.idx.msk [tilespmem:v0+s17+$0xB0 ss:$0x1], $0xffff;
	_ =	sdelay $0x5  }
0x229: {  	[tilespmem:s17+$0xADB0] =	vst.add.f32.msk $0xffff, v1  }
0x22a: {  	v1 =	vld.idx.msk [tilespmem:v0+s17+$0xC0 ss:$0x1], $0xffff;
	_ =	sdelay $0x5  }
0x22b: {  	[tilespmem:s17+$0xADC0] =	vst.add.f32.msk $0xffff, v1  }
0x22c: {  	v1 =	vld.idx.msk [tilespmem:v0+s17+$0xD0 ss:$0x1], $0xffff;
	_ =	sdelay $0x5  }
0x22d: {  	[tilespmem:s17+$0xADD0] =	vst.add.f32.msk $0xffff, v1  }
0x22e: {  	v1 =	vld.idx.msk [tilespmem:v0+s17+$0xE0 ss:$0x1], $0xffff;
	_ =	sdelay $0x5  }
0x22f: {  	[tilespmem:s17+$0xADE0] =	vst.add.f32.msk $0xffff, v1  }
0x230: {  	v1 =	vld.idx.msk [tilespmem:v0+s17+$0xF0 ss:$0x1], $0xffff  }
.Ltmp6:
0x231: {  	(pc) =	sbr.rel @p0 .LBB2_15-.Ltmp6, $2  }
0x232: {  	_ =	sdelay $0x2  }
0x233: {  	s20 =	sadd.s32 $0x400, s20  }
0x234: {  	s0 =	sadd.s32 s6, s0  }
0x235: {  	s0 =	sshll.u32 s0, $0x9  }
0x236: {  	s0 =	sand.u32 $0x1FFFFC00, s0  }
0x237: {  	[tilespmem:s17+$0xADF0] =	vst.add.f32.msk $0xffff, v1;
	s3 =	simm.s32 $0x0;
	s0 =	sadd.s32 s2, s0  }
0x238: {  	[hbm4b:s0+s3] =	stream.linear.scatter [tilespmem:s23], [sflag:$0x7], $0x1000, $0x38;
	[tilespmem:$0xCD00] =	vst v63  }
0x239: {  	_ =	swait.ge [sflag:s1], $0x1000  }
0x23a: {  	[sflag:s1] =	ssyncset.done $0x0  }
0x23b: {  	s17 =	sadd.s32 $0x280, s8;
	v0 =	vmov s16;
	s20 =	simm.s32 $0x9D00;
	[sflag:s1] =	ssyncadd.s32 $0xFFFFF000  }
0x23c: {  	[tilespmem:s20], [sflag:$0x2] =	stream.indirect.gather [hbm4b:s4+s19], $0x20, s17, s19, $0xb8;
	[tilespmem:$0xCD00] =	vst v63  }
0x23d: {  	_ =	swait.ge [sflag:s18], $0x1000  }
0x23e: {  	[sflag:s18] =	ssyncset.done $0x0  }
0x23f: {  	s0 =	simm.s32 $0x0;
	[sflag:s18] =	ssyncadd.s32 $0xFFFFF000  }
0x240: {  	v1 =	vld.idx.msk [tilespmem:v0+s0+$0x0 ss:$0x1], $0xffff;
	_ =	sdelay $0x4  }
0x241: {  	[tilespmem:s0+$0xBD00] =	vst.add.f32.msk $0xffff, v1  }
0x242: {  	v1 =	vld.idx.msk [tilespmem:v0+s0+$0x10 ss:$0x1], $0xffff;
	_ =	sdelay $0x4  }
0x243: {  	[tilespmem:s0+$0xBD10] =	vst.add.f32.msk $0xffff, v1  }
0x244: {  	v1 =	vld.idx.msk [tilespmem:v0+s0+$0x20 ss:$0x1], $0xffff;
	_ =	sdelay $0x4  }
0x245: {  	[tilespmem:s0+$0xBD20] =	vst.add.f32.msk $0xffff, v1  }
0x246: {  	v1 =	vld.idx.msk [tilespmem:v0+s0+$0x30 ss:$0x1], $0xffff;
	_ =	sdelay $0x4  }
0x247: {  	[tilespmem:s0+$0xBD30] =	vst.add.f32.msk $0xffff, v1  }
0x248: {  	v1 =	vld.idx.msk [tilespmem:v0+s0+$0x40 ss:$0x1], $0xffff;
	_ =	sdelay $0x4  }
0x249: {  	[tilespmem:s0+$0xBD40] =	vst.add.f32.msk $0xffff, v1  }
0x24a: {  	v1 =	vld.idx.msk [tilespmem:v0+s0+$0x50 ss:$0x1], $0xffff;
	_ =	sdelay $0x4  }
0x24b: {  	[tilespmem:s0+$0xBD50] =	vst.add.f32.msk $0xffff, v1  }
0x24c: {  	v1 =	vld.idx.msk [tilespmem:v0+s0+$0x60 ss:$0x1], $0xffff;
	_ =	sdelay $0x4  }
0x24d: {  	[tilespmem:s0+$0xBD60] =	vst.add.f32.msk $0xffff, v1  }
0x24e: {  	v1 =	vld.idx.msk [tilespmem:v0+s0+$0x70 ss:$0x1], $0xffff;
	_ =	sdelay $0x4  }
0x24f: {  	[tilespmem:s0+$0xBD70] =	vst.add.f32.msk $0xffff, v1  }
0x250: {  	v1 =	vld.idx.msk [tilespmem:v0+s0+$0x80 ss:$0x1], $0xffff;
	_ =	sdelay $0x4  }
0x251: {  	[tilespmem:s0+$0xBD80] =	vst.add.f32.msk $0xffff, v1  }
0x252: {  	v1 =	vld.idx.msk [tilespmem:v0+s0+$0x90 ss:$0x1], $0xffff;
	_ =	sdelay $0x4  }
0x253: {  	[tilespmem:s0+$0xBD90] =	vst.add.f32.msk $0xffff, v1  }
0x254: {  	v1 =	vld.idx.msk [tilespmem:v0+s0+$0xA0 ss:$0x1], $0xffff;
	_ =	sdelay $0x4  }
0x255: {  	[tilespmem:s0+$0xBDA0] =	vst.add.f32.msk $0xffff, v1  }
0x256: {  	v1 =	vld.idx.msk [tilespmem:v0+s0+$0xB0 ss:$0x1], $0xffff;
	_ =	sdelay $0x4  }
0x257: {  	[tilespmem:s0+$0xBDB0] =	vst.add.f32.msk $0xffff, v1  }
0x258: {  	v1 =	vld.idx.msk [tilespmem:v0+s0+$0xC0 ss:$0x1], $0xffff;
	_ =	sdelay $0x4  }
0x259: {  	[tilespmem:s0+$0xBDC0] =	vst.add.f32.msk $0xffff, v1  }
0x25a: {  	v1 =	vld.idx.msk [tilespmem:v0+s0+$0xD0 ss:$0x1], $0xffff;
	_ =	sdelay $0x4  }
0x25b: {  	[tilespmem:s0+$0xBDD0] =	vst.add.f32.msk $0xffff, v1  }
0x25c: {  	v1 =	vld.idx.msk [tilespmem:v0+s0+$0xE0 ss:$0x1], $0xffff;
	_ =	sdelay $0x4  }
0x25d: {  	[tilespmem:s0+$0xBDE0] =	vst.add.f32.msk $0xffff, v1  }
0x25e: {  	v1 =	vld.idx.msk [tilespmem:v0+s0+$0xF0 ss:$0x1], $0xffff;
	_ =	sdelay $0x3  }
0x25f: {  	s16 =	simm.s32 $0x400;
	s3 =	simm.s32 $0x0  }
.LBB2_17:
0x260: {  	s3 =	sadd.s32 $0x8, s3;
	[tilespmem:s0+$0xBDF0] =	vst.add.f32.msk $0xffff, v1;
	s0 =	sshra.s32 s16, $0x2  }
0x261: {  	v1 =	vld.idx.msk [tilespmem:v0+s0+$0x0 ss:$0x1], $0xffff;
	p0 =	slt.u32 s3, $0x78;
	_ =	sdelay $0x5  }
0x262: {  	[tilespmem:s0+$0xBD00] =	vst.add.f32.msk $0xffff, v1  }
0x263: {  	v1 =	vld.idx.msk [tilespmem:v0+s0+$0x10 ss:$0x1], $0xffff;
	_ =	sdelay $0x5  }
0x264: {  	[tilespmem:s0+$0xBD10] =	vst.add.f32.msk $0xffff, v1  }
0x265: {  	v1 =	vld.idx.msk [tilespmem:v0+s0+$0x20 ss:$0x1], $0xffff;
	_ =	sdelay $0x5  }
0x266: {  	[tilespmem:s0+$0xBD20] =	vst.add.f32.msk $0xffff, v1  }
0x267: {  	v1 =	vld.idx.msk [tilespmem:v0+s0+$0x30 ss:$0x1], $0xffff;
	_ =	sdelay $0x5  }
0x268: {  	[tilespmem:s0+$0xBD30] =	vst.add.f32.msk $0xffff, v1  }
0x269: {  	v1 =	vld.idx.msk [tilespmem:v0+s0+$0x40 ss:$0x1], $0xffff;
	_ =	sdelay $0x5  }
0x26a: {  	[tilespmem:s0+$0xBD40] =	vst.add.f32.msk $0xffff, v1  }
0x26b: {  	v1 =	vld.idx.msk [tilespmem:v0+s0+$0x50 ss:$0x1], $0xffff;
	_ =	sdelay $0x5  }
0x26c: {  	[tilespmem:s0+$0xBD50] =	vst.add.f32.msk $0xffff, v1  }
0x26d: {  	v1 =	vld.idx.msk [tilespmem:v0+s0+$0x60 ss:$0x1], $0xffff;
	_ =	sdelay $0x5  }
0x26e: {  	[tilespmem:s0+$0xBD60] =	vst.add.f32.msk $0xffff, v1  }
0x26f: {  	v1 =	vld.idx.msk [tilespmem:v0+s0+$0x70 ss:$0x1], $0xffff;
	_ =	sdelay $0x5  }
0x270: {  	[tilespmem:s0+$0xBD70] =	vst.add.f32.msk $0xffff, v1  }
0x271: {  	v1 =	vld.idx.msk [tilespmem:v0+s0+$0x80 ss:$0x1], $0xffff;
	_ =	sdelay $0x5  }
0x272: {  	[tilespmem:s0+$0xBD80] =	vst.add.f32.msk $0xffff, v1  }
0x273: {  	v1 =	vld.idx.msk [tilespmem:v0+s0+$0x90 ss:$0x1], $0xffff;
	_ =	sdelay $0x5  }
0x274: {  	[tilespmem:s0+$0xBD90] =	vst.add.f32.msk $0xffff, v1  }
0x275: {  	v1 =	vld.idx.msk [tilespmem:v0+s0+$0xA0 ss:$0x1], $0xffff;
	_ =	sdelay $0x5  }
0x276: {  	[tilespmem:s0+$0xBDA0] =	vst.add.f32.msk $0xffff, v1  }
0x277: {  	v1 =	vld.idx.msk [tilespmem:v0+s0+$0xB0 ss:$0x1], $0xffff;
	_ =	sdelay $0x5  }
0x278: {  	[tilespmem:s0+$0xBDB0] =	vst.add.f32.msk $0xffff, v1  }
0x279: {  	v1 =	vld.idx.msk [tilespmem:v0+s0+$0xC0 ss:$0x1], $0xffff;
	_ =	sdelay $0x5  }
0x27a: {  	[tilespmem:s0+$0xBDC0] =	vst.add.f32.msk $0xffff, v1  }
0x27b: {  	v1 =	vld.idx.msk [tilespmem:v0+s0+$0xD0 ss:$0x1], $0xffff;
	_ =	sdelay $0x5  }
0x27c: {  	[tilespmem:s0+$0xBDD0] =	vst.add.f32.msk $0xffff, v1  }
0x27d: {  	v1 =	vld.idx.msk [tilespmem:v0+s0+$0xE0 ss:$0x1], $0xffff;
	_ =	sdelay $0x5  }
0x27e: {  	[tilespmem:s0+$0xBDE0] =	vst.add.f32.msk $0xffff, v1  }
0x27f: {  	v1 =	vld.idx.msk [tilespmem:v0+s0+$0xF0 ss:$0x1], $0xffff  }
.Ltmp7:
0x280: {  	(pc) =	sbr.rel @p0 .LBB2_17-.Ltmp7, $2  }
0x281: {  	_ =	sdelay $0x2  }
0x282: {  	s16 =	sadd.s32 $0x400, s16  }
0x283: {  	s3 =	sadd.s32 s6, s15  }
0x284: {  	s3 =	sshll.u32 s3, $0x9  }
0x285: {  	s15 =	simm.s32 $0x0;
	s3 =	sand.u32 $0x1FFFFE00, s3  }
0x286: {  	[tilespmem:s0+$0xBDF0] =	vst.add.f32.msk $0xffff, v1;
	s20 =	sadd.s32 $0x300, s8;
	p0 =	sne.s32 s30, $0x30;
	s17 =	sadd.s32 s2, s3  }
0x287: {  	[hbm4b:s17+s15] =	stream.linear.scatter [tilespmem:s25], [sflag:$0x8], $0x1000, $0x38;
	[tilespmem:$0xCD00] =	vst v63  }
.Ltmp8:
0x288: {  	s7 =	sadd.s32 $0x4000, s7;
	s9 =	sadd.s32 $0x200, s9;
	(pc) =	sbr.rel @p0 .LBB2_10-.Ltmp8, $4  }
0x289: {  	s10 =	sadd.s32 $0x4000, s10;
	s11 =	sadd.s32 $0x200, s11;
	_ =	swait.ge [sflag:s22], $0x1000  }
0x28a: {  	s12 =	sadd.s32 $0x4000, s12;
	s5 =	sadd.s32 $0x200, s5;
	[sflag:s22] =	ssyncset.done $0x0  }
0x28b: {  	s13 =	sadd.s32 $0x4000, s13;
	s14 =	sadd.s32 $0x200, s14;
	[sflag:s22] =	ssyncadd.s32 $0xFFFFF000  }
0x28c: {  	[tilespmem:s23], [sflag:$0x3] =	stream.indirect.gather [hbm4b:s4+s19], $0x20, s20, s19, $0xb8;
	[tilespmem:$0xCD00] =	vst v63  }
0x28d: {  	_ =	swait.ge [sflag:s26], $0x1000  }
0x28e: {  	[sflag:s26] =	ssyncset.done $0x0  }
0x28f: {  	s0 =	simm.s32 $0x0;
	[sflag:s26] =	ssyncadd.s32 $0xFFFFF000  }
0x290: {  	v0 =	vld [tilespmem:s0+$0x6FF0]  }
0x291: {  	v1 =	vld [tilespmem:s0+$0x6F00]  }
0x292: {  	v2 =	vld [tilespmem:s0+$0x6F10]  }
0x293: {  	v3 =	vld [tilespmem:s0+$0x6F20]  }
0x294: {  	v4 =	vld [tilespmem:s0+$0x6F30]  }
0x295: {  	v5 =	vld [tilespmem:s0+$0x6F40]  }
0x296: {  	v6 =	vld [tilespmem:s0+$0x6F50]  }
0x297: {  	v7 =	vld [tilespmem:s0+$0x6F60]  }
0x298: {  	v8 =	vld [tilespmem:s0+$0x6F70]  }
0x299: {  	v9 =	vld [tilespmem:s0+$0x6F80]  }
0x29a: {  	v10 =	vld [tilespmem:s0+$0x6F90]  }
0x29b: {  	v11 =	vld [tilespmem:s0+$0x6FA0]  }
0x29c: {  	v12 =	vld [tilespmem:s0+$0x6FB0]  }
0x29d: {  	v13 =	vld [tilespmem:s0+$0x6FC0]  }
0x29e: {  	v14 =	vld [tilespmem:s0+$0x6FD0]  }
0x29f: {  	[tilespmem:s0+$0x8DF0] =	vst.add.f32.msk $0xffff, v0  }
0x2a0: {  	v0 =	vld [tilespmem:s0+$0x6FE0]  }
0x2a1: {  	[tilespmem:s0+$0x8D00] =	vst.add.f32.msk $0xffff, v1  }
0x2a2: {  	[tilespmem:s0+$0x8D10] =	vst.add.f32.msk $0xffff, v2  }
0x2a3: {  	[tilespmem:s0+$0x8D20] =	vst.add.f32.msk $0xffff, v3  }
0x2a4: {  	[tilespmem:s0+$0x8D30] =	vst.add.f32.msk $0xffff, v4  }
0x2a5: {  	[tilespmem:s0+$0x8D40] =	vst.add.f32.msk $0xffff, v5  }
0x2a6: {  	[tilespmem:s0+$0x8D50] =	vst.add.f32.msk $0xffff, v6  }
0x2a7: {  	[tilespmem:s0+$0x8D60] =	vst.add.f32.msk $0xffff, v7  }
0x2a8: {  	[tilespmem:s0+$0x8D70] =	vst.add.f32.msk $0xffff, v8  }
0x2a9: {  	[tilespmem:s0+$0x8D80] =	vst.add.f32.msk $0xffff, v9  }
0x2aa: {  	[tilespmem:s0+$0x8D90] =	vst.add.f32.msk $0xffff, v10  }
0x2ab: {  	[tilespmem:s0+$0x8DA0] =	vst.add.f32.msk $0xffff, v11  }
0x2ac: {  	[tilespmem:s0+$0x8DB0] =	vst.add.f32.msk $0xffff, v12  }
0x2ad: {  	[tilespmem:s0+$0x8DC0] =	vst.add.f32.msk $0xffff, v13  }
0x2ae: {  	s3 =	simm.s32 $0x0;
	s5 =	simm.s32 $0x400;
	[tilespmem:s0+$0x8DD0] =	vst.add.f32.msk $0xffff, v14  }
.LBB2_20:
0x2af: {  	s3 =	sadd.s32 $0x8, s3;
	[tilespmem:s0+$0x8DE0] =	vst.add.f32.msk $0xffff, v0;
	s0 =	sshra.s32 s5, $0x2  }
0x2b0: {  	v0 =	vld [tilespmem:s0+$0x6FF0];
	p0 =	slt.u32 s3, $0x78  }
0x2b1: {  	v1 =	vld [tilespmem:s0+$0x6F00]  }
0x2b2: {  	v2 =	vld [tilespmem:s0+$0x6F10]  }
0x2b3: {  	v3 =	vld [tilespmem:s0+$0x6F20]  }
0x2b4: {  	v4 =	vld [tilespmem:s0+$0x6F30]  }
0x2b5: {  	[tilespmem:s0+$0x8DF0] =	vst.add.f32.msk $0xffff, v0  }
0x2b6: {  	v5 =	vld [tilespmem:s0+$0x6F40]  }
0x2b7: {  	v6 =	vld [tilespmem:s0+$0x6F50]  }
0x2b8: {  	v7 =	vld [tilespmem:s0+$0x6F60]  }
0x2b9: {  	v8 =	vld [tilespmem:s0+$0x6F70]  }
0x2ba: {  	v9 =	vld [tilespmem:s0+$0x6F80]  }
0x2bb: {  	v10 =	vld [tilespmem:s0+$0x6F90]  }
0x2bc: {  	v11 =	vld [tilespmem:s0+$0x6FA0]  }
0x2bd: {  	v12 =	vld [tilespmem:s0+$0x6FB0]  }
0x2be: {  	v13 =	vld [tilespmem:s0+$0x6FC0]  }
0x2bf: {  	v14 =	vld [tilespmem:s0+$0x6FD0]  }
0x2c0: {  	v0 =	vld [tilespmem:s0+$0x6FE0]  }
0x2c1: {  	[tilespmem:s0+$0x8D00] =	vst.add.f32.msk $0xffff, v1  }
0x2c2: {  	[tilespmem:s0+$0x8D10] =	vst.add.f32.msk $0xffff, v2  }
0x2c3: {  	[tilespmem:s0+$0x8D20] =	vst.add.f32.msk $0xffff, v3  }
0x2c4: {  	[tilespmem:s0+$0x8D30] =	vst.add.f32.msk $0xffff, v4  }
0x2c5: {  	[tilespmem:s0+$0x8D40] =	vst.add.f32.msk $0xffff, v5  }
0x2c6: {  	[tilespmem:s0+$0x8D50] =	vst.add.f32.msk $0xffff, v6  }
0x2c7: {  	[tilespmem:s0+$0x8D60] =	vst.add.f32.msk $0xffff, v7  }
0x2c8: {  	[tilespmem:s0+$0x8D70] =	vst.add.f32.msk $0xffff, v8  }
0x2c9: {  	[tilespmem:s0+$0x8D80] =	vst.add.f32.msk $0xffff, v9  }
.Ltmp9:
0x2ca: {  	[tilespmem:s0+$0x8D90] =	vst.add.f32.msk $0xffff, v10;
	(pc) =	sbr.rel @p0 .LBB2_20-.Ltmp9, $4  }
0x2cb: {  	[tilespmem:s0+$0x8DA0] =	vst.add.f32.msk $0xffff, v11  }
0x2cc: {  	[tilespmem:s0+$0x8DB0] =	vst.add.f32.msk $0xffff, v12  }
0x2cd: {  	[tilespmem:s0+$0x8DC0] =	vst.add.f32.msk $0xffff, v13  }
0x2ce: {  	s5 =	sadd.s32 $0x400, s5;
	[tilespmem:s0+$0x8DD0] =	vst.add.f32.msk $0xffff, v14  }
0x2cf: {  	[tilespmem:s0+$0x8DE0] =	vst.add.f32.msk $0xffff, v0;
	s20 =	simm.s32 $0x0;
	s3 =	rddreg [dreg:$0xa]  }
0x2d0: {  	[hbm4b:s3+s20] =	stream.linear.scatter [tilespmem:s21], [sflag:$0x5], $0x1000, $0x38;
	[tilespmem:$0xCD00] =	vst v63  }
0x2d1: {  	_ =	swait.ge [sflag:s24], $0x1000  }
0x2d2: {  	[sflag:s24] =	ssyncset.done $0x0  }
0x2d3: {  	s30 =	simm.s32 $0x6380;
	[sflag:s24] =	ssyncadd.s32 $0xFFFFF000  }
0x2d4: {  	[tilespmem:s25], [sflag:$0x4] =	stream.indirect.gather [hbm4b:s4+s19], $0x20, s30, s19, $0xb8;
	[tilespmem:$0xCD00] =	vst v63  }
0x2d5: {  	_ =	swait.ge [sflag:s28], $0x1000  }
0x2d6: {  	[sflag:s28] =	ssyncset.done $0x0  }
0x2d7: {  	s0 =	simm.s32 $0x0;
	[sflag:s28] =	ssyncadd.s32 $0xFFFFF000  }
0x2d8: {  	v0 =	vld [tilespmem:s0+$0x66F0]  }
0x2d9: {  	v1 =	vld [tilespmem:s0+$0x6600]  }
0x2da: {  	v2 =	vld [tilespmem:s0+$0x6610]  }
0x2db: {  	v3 =	vld [tilespmem:s0+$0x6620]  }
0x2dc: {  	v4 =	vld [tilespmem:s0+$0x6630]  }
0x2dd: {  	v5 =	vld [tilespmem:s0+$0x6640]  }
0x2de: {  	v6 =	vld [tilespmem:s0+$0x6650]  }
0x2df: {  	v7 =	vld [tilespmem:s0+$0x6660]  }
0x2e0: {  	v8 =	vld [tilespmem:s0+$0x6670]  }
0x2e1: {  	v9 =	vld [tilespmem:s0+$0x6680]  }
0x2e2: {  	v10 =	vld [tilespmem:s0+$0x6690]  }
0x2e3: {  	v11 =	vld [tilespmem:s0+$0x66A0]  }
0x2e4: {  	v12 =	vld [tilespmem:s0+$0x66B0]  }
0x2e5: {  	v13 =	vld [tilespmem:s0+$0x66C0]  }
0x2e6: {  	v14 =	vld [tilespmem:s0+$0x66D0]  }
0x2e7: {  	[tilespmem:s0+$0x9DF0] =	vst.add.f32.msk $0xffff, v0  }
0x2e8: {  	v0 =	vld [tilespmem:s0+$0x66E0]  }
0x2e9: {  	[tilespmem:s0+$0x9D00] =	vst.add.f32.msk $0xffff, v1  }
0x2ea: {  	[tilespmem:s0+$0x9D10] =	vst.add.f32.msk $0xffff, v2  }
0x2eb: {  	[tilespmem:s0+$0x9D20] =	vst.add.f32.msk $0xffff, v3  }
0x2ec: {  	[tilespmem:s0+$0x9D30] =	vst.add.f32.msk $0xffff, v4  }
0x2ed: {  	[tilespmem:s0+$0x9D40] =	vst.add.f32.msk $0xffff, v5  }
0x2ee: {  	[tilespmem:s0+$0x9D50] =	vst.add.f32.msk $0xffff, v6  }
0x2ef: {  	[tilespmem:s0+$0x9D60] =	vst.add.f32.msk $0xffff, v7  }
0x2f0: {  	[tilespmem:s0+$0x9D70] =	vst.add.f32.msk $0xffff, v8  }
0x2f1: {  	[tilespmem:s0+$0x9D80] =	vst.add.f32.msk $0xffff, v9  }
0x2f2: {  	[tilespmem:s0+$0x9D90] =	vst.add.f32.msk $0xffff, v10  }
0x2f3: {  	[tilespmem:s0+$0x9DA0] =	vst.add.f32.msk $0xffff, v11  }
0x2f4: {  	[tilespmem:s0+$0x9DB0] =	vst.add.f32.msk $0xffff, v12  }
0x2f5: {  	[tilespmem:s0+$0x9DC0] =	vst.add.f32.msk $0xffff, v13  }
0x2f6: {  	s5 =	simm.s32 $0x400;
	s3 =	simm.s32 $0x0;
	[tilespmem:s0+$0x9DD0] =	vst.add.f32.msk $0xffff, v14  }
.LBB2_22:
0x2f7: {  	s3 =	sadd.s32 $0x8, s3;
	[tilespmem:s0+$0x9DE0] =	vst.add.f32.msk $0xffff, v0;
	s0 =	sshra.s32 s5, $0x2  }
0x2f8: {  	v0 =	vld [tilespmem:s0+$0x66F0];
	p0 =	slt.u32 s3, $0x78  }
0x2f9: {  	v1 =	vld [tilespmem:s0+$0x6600]  }
0x2fa: {  	v2 =	vld [tilespmem:s0+$0x6610]  }
0x2fb: {  	v3 =	vld [tilespmem:s0+$0x6620]  }
0x2fc: {  	v4 =	vld [tilespmem:s0+$0x6630]  }
0x2fd: {  	[tilespmem:s0+$0x9DF0] =	vst.add.f32.msk $0xffff, v0  }
0x2fe: {  	v5 =	vld [tilespmem:s0+$0x6640]  }
0x2ff: {  	v6 =	vld [tilespmem:s0+$0x6650]  }
0x300: {  	v7 =	vld [tilespmem:s0+$0x6660]  }
0x301: {  	v8 =	vld [tilespmem:s0+$0x6670]  }
0x302: {  	v9 =	vld [tilespmem:s0+$0x6680]  }
0x303: {  	v10 =	vld [tilespmem:s0+$0x6690]  }
0x304: {  	v11 =	vld [tilespmem:s0+$0x66A0]  }
0x305: {  	v12 =	vld [tilespmem:s0+$0x66B0]  }
0x306: {  	v13 =	vld [tilespmem:s0+$0x66C0]  }
0x307: {  	v14 =	vld [tilespmem:s0+$0x66D0]  }
0x308: {  	v0 =	vld [tilespmem:s0+$0x66E0]  }
0x309: {  	[tilespmem:s0+$0x9D00] =	vst.add.f32.msk $0xffff, v1  }
0x30a: {  	[tilespmem:s0+$0x9D10] =	vst.add.f32.msk $0xffff, v2  }
0x30b: {  	[tilespmem:s0+$0x9D20] =	vst.add.f32.msk $0xffff, v3  }
0x30c: {  	[tilespmem:s0+$0x9D30] =	vst.add.f32.msk $0xffff, v4  }
0x30d: {  	[tilespmem:s0+$0x9D40] =	vst.add.f32.msk $0xffff, v5  }
0x30e: {  	[tilespmem:s0+$0x9D50] =	vst.add.f32.msk $0xffff, v6  }
0x30f: {  	[tilespmem:s0+$0x9D60] =	vst.add.f32.msk $0xffff, v7  }
0x310: {  	[tilespmem:s0+$0x9D70] =	vst.add.f32.msk $0xffff, v8  }
0x311: {  	[tilespmem:s0+$0x9D80] =	vst.add.f32.msk $0xffff, v9  }
.Ltmp10:
0x312: {  	[tilespmem:s0+$0x9D90] =	vst.add.f32.msk $0xffff, v10;
	(pc) =	sbr.rel @p0 .LBB2_22-.Ltmp10, $4  }
0x313: {  	[tilespmem:s0+$0x9DA0] =	vst.add.f32.msk $0xffff, v11  }
0x314: {  	[tilespmem:s0+$0x9DB0] =	vst.add.f32.msk $0xffff, v12  }
0x315: {  	[tilespmem:s0+$0x9DC0] =	vst.add.f32.msk $0xffff, v13  }
0x316: {  	s5 =	sadd.s32 $0x400, s5;
	[tilespmem:s0+$0x9DD0] =	vst.add.f32.msk $0xffff, v14  }
0x317: {  	[tilespmem:s0+$0x9DE0] =	vst.add.f32.msk $0xffff, v0;
	s30 =	simm.s32 $0x0;
	s3 =	rddreg [dreg:$0xb];
	s5 =	simm.s32 $0x9D00  }
0x318: {  	[hbm4b:s3+s30] =	stream.linear.scatter [tilespmem:s5], [sflag:$0x6], $0x1000, $0x38;
	[tilespmem:$0xCD00] =	vst v63  }
0x319: {  	_ =	swait.ge [sflag:s31], $0x1000  }
0x31a: {  	[sflag:s31] =	ssyncset.done $0x0  }
0x31b: {  	s0 =	simm.s32 $0x0;
	[sflag:s31] =	ssyncadd.s32 $0xFFFFF000  }
0x31c: {  	v0 =	vld [tilespmem:s0+$0x76F0]  }
0x31d: {  	v1 =	vld [tilespmem:s0+$0x7600]  }
0x31e: {  	v2 =	vld [tilespmem:s0+$0x7610]  }
0x31f: {  	v3 =	vld [tilespmem:s0+$0x7620]  }
0x320: {  	v4 =	vld [tilespmem:s0+$0x7630]  }
0x321: {  	v5 =	vld [tilespmem:s0+$0x7640]  }
0x322: {  	v6 =	vld [tilespmem:s0+$0x7650]  }
0x323: {  	v7 =	vld [tilespmem:s0+$0x7660]  }
0x324: {  	v8 =	vld [tilespmem:s0+$0x7670]  }
0x325: {  	v9 =	vld [tilespmem:s0+$0x7680]  }
0x326: {  	v10 =	vld [tilespmem:s0+$0x7690]  }
0x327: {  	v11 =	vld [tilespmem:s0+$0x76A0]  }
0x328: {  	v12 =	vld [tilespmem:s0+$0x76B0]  }
0x329: {  	v13 =	vld [tilespmem:s0+$0x76C0]  }
0x32a: {  	v14 =	vld [tilespmem:s0+$0x76D0]  }
0x32b: {  	[tilespmem:s0+$0xADF0] =	vst.add.f32.msk $0xffff, v0  }
0x32c: {  	v0 =	vld [tilespmem:s0+$0x76E0]  }
0x32d: {  	[tilespmem:s0+$0xAD00] =	vst.add.f32.msk $0xffff, v1  }
0x32e: {  	[tilespmem:s0+$0xAD10] =	vst.add.f32.msk $0xffff, v2  }
0x32f: {  	[tilespmem:s0+$0xAD20] =	vst.add.f32.msk $0xffff, v3  }
0x330: {  	[tilespmem:s0+$0xAD30] =	vst.add.f32.msk $0xffff, v4  }
0x331: {  	[tilespmem:s0+$0xAD40] =	vst.add.f32.msk $0xffff, v5  }
0x332: {  	[tilespmem:s0+$0xAD50] =	vst.add.f32.msk $0xffff, v6  }
0x333: {  	[tilespmem:s0+$0xAD60] =	vst.add.f32.msk $0xffff, v7  }
0x334: {  	[tilespmem:s0+$0xAD70] =	vst.add.f32.msk $0xffff, v8  }
0x335: {  	[tilespmem:s0+$0xAD80] =	vst.add.f32.msk $0xffff, v9  }
0x336: {  	[tilespmem:s0+$0xAD90] =	vst.add.f32.msk $0xffff, v10  }
0x337: {  	[tilespmem:s0+$0xADA0] =	vst.add.f32.msk $0xffff, v11  }
0x338: {  	[tilespmem:s0+$0xADB0] =	vst.add.f32.msk $0xffff, v12  }
0x339: {  	[tilespmem:s0+$0xADC0] =	vst.add.f32.msk $0xffff, v13  }
0x33a: {  	s3 =	simm.s32 $0x0;
	s5 =	simm.s32 $0x400;
	[tilespmem:s0+$0xADD0] =	vst.add.f32.msk $0xffff, v14  }
.LBB2_24:
0x33b: {  	s3 =	sadd.s32 $0x8, s3;
	[tilespmem:s0+$0xADE0] =	vst.add.f32.msk $0xffff, v0;
	s0 =	sshra.s32 s5, $0x2  }
0x33c: {  	v0 =	vld [tilespmem:s0+$0x76F0];
	p0 =	slt.u32 s3, $0x78  }
0x33d: {  	v1 =	vld [tilespmem:s0+$0x7600]  }
0x33e: {  	v2 =	vld [tilespmem:s0+$0x7610]  }
0x33f: {  	v3 =	vld [tilespmem:s0+$0x7620]  }
0x340: {  	v4 =	vld [tilespmem:s0+$0x7630]  }
0x341: {  	[tilespmem:s0+$0xADF0] =	vst.add.f32.msk $0xffff, v0  }
0x342: {  	v5 =	vld [tilespmem:s0+$0x7640]  }
0x343: {  	v6 =	vld [tilespmem:s0+$0x7650]  }
0x344: {  	v7 =	vld [tilespmem:s0+$0x7660]  }
0x345: {  	v8 =	vld [tilespmem:s0+$0x7670]  }
0x346: {  	v9 =	vld [tilespmem:s0+$0x7680]  }
0x347: {  	v10 =	vld [tilespmem:s0+$0x7690]  }
0x348: {  	v11 =	vld [tilespmem:s0+$0x76A0]  }
0x349: {  	v12 =	vld [tilespmem:s0+$0x76B0]  }
0x34a: {  	v13 =	vld [tilespmem:s0+$0x76C0]  }
0x34b: {  	v14 =	vld [tilespmem:s0+$0x76D0]  }
0x34c: {  	v0 =	vld [tilespmem:s0+$0x76E0]  }
0x34d: {  	[tilespmem:s0+$0xAD00] =	vst.add.f32.msk $0xffff, v1  }
0x34e: {  	[tilespmem:s0+$0xAD10] =	vst.add.f32.msk $0xffff, v2  }
0x34f: {  	[tilespmem:s0+$0xAD20] =	vst.add.f32.msk $0xffff, v3  }
0x350: {  	[tilespmem:s0+$0xAD30] =	vst.add.f32.msk $0xffff, v4  }
0x351: {  	[tilespmem:s0+$0xAD40] =	vst.add.f32.msk $0xffff, v5  }
0x352: {  	[tilespmem:s0+$0xAD50] =	vst.add.f32.msk $0xffff, v6  }
0x353: {  	[tilespmem:s0+$0xAD60] =	vst.add.f32.msk $0xffff, v7  }
0x354: {  	[tilespmem:s0+$0xAD70] =	vst.add.f32.msk $0xffff, v8  }
0x355: {  	[tilespmem:s0+$0xAD80] =	vst.add.f32.msk $0xffff, v9  }
.Ltmp11:
0x356: {  	[tilespmem:s0+$0xAD90] =	vst.add.f32.msk $0xffff, v10;
	(pc) =	sbr.rel @p0 .LBB2_24-.Ltmp11, $4  }
0x357: {  	[tilespmem:s0+$0xADA0] =	vst.add.f32.msk $0xffff, v11  }
0x358: {  	[tilespmem:s0+$0xADB0] =	vst.add.f32.msk $0xffff, v12  }
0x359: {  	[tilespmem:s0+$0xADC0] =	vst.add.f32.msk $0xffff, v13  }
0x35a: {  	s5 =	sadd.s32 $0x400, s5;
	[tilespmem:s0+$0xADD0] =	vst.add.f32.msk $0xffff, v14  }
0x35b: {  	[tilespmem:s0+$0xADE0] =	vst.add.f32.msk $0xffff, v0;
	s30 =	simm.s32 $0x0;
	s3 =	rddreg [dreg:$0xc]  }
0x35c: {  	[hbm4b:s3+s30] =	stream.linear.scatter [tilespmem:s23], [sflag:$0x7], $0x1000, $0x38;
	[tilespmem:$0xCD00] =	vst v63  }
0x35d: {  	_ =	swait.ge [sflag:s18], $0x1000  }
0x35e: {  	[sflag:s18] =	ssyncset.done $0x0  }
0x35f: {  	s0 =	simm.s32 $0x0;
	[sflag:s18] =	ssyncadd.s32 $0xFFFFF000  }
0x360: {  	v0 =	vld [tilespmem:s0+$0x6DF0]  }
0x361: {  	v1 =	vld [tilespmem:s0+$0x6D00]  }
0x362: {  	v2 =	vld [tilespmem:s0+$0x6D10]  }
0x363: {  	v3 =	vld [tilespmem:s0+$0x6D20]  }
0x364: {  	v4 =	vld [tilespmem:s0+$0x6D30]  }
0x365: {  	v5 =	vld [tilespmem:s0+$0x6D40]  }
0x366: {  	v6 =	vld [tilespmem:s0+$0x6D50]  }
0x367: {  	v7 =	vld [tilespmem:s0+$0x6D60]  }
0x368: {  	v8 =	vld [tilespmem:s0+$0x6D70]  }
0x369: {  	v9 =	vld [tilespmem:s0+$0x6D80]  }
0x36a: {  	v10 =	vld [tilespmem:s0+$0x6D90]  }
0x36b: {  	v11 =	vld [tilespmem:s0+$0x6DA0]  }
0x36c: {  	v12 =	vld [tilespmem:s0+$0x6DB0]  }
0x36d: {  	v13 =	vld [tilespmem:s0+$0x6DC0]  }
0x36e: {  	v14 =	vld [tilespmem:s0+$0x6DD0]  }
0x36f: {  	[tilespmem:s0+$0xBDF0] =	vst.add.f32.msk $0xffff, v0  }
0x370: {  	v0 =	vld [tilespmem:s0+$0x6DE0]  }
0x371: {  	[tilespmem:s0+$0xBD00] =	vst.add.f32.msk $0xffff, v1  }
0x372: {  	[tilespmem:s0+$0xBD10] =	vst.add.f32.msk $0xffff, v2  }
0x373: {  	[tilespmem:s0+$0xBD20] =	vst.add.f32.msk $0xffff, v3  }
0x374: {  	[tilespmem:s0+$0xBD30] =	vst.add.f32.msk $0xffff, v4  }
0x375: {  	[tilespmem:s0+$0xBD40] =	vst.add.f32.msk $0xffff, v5  }
0x376: {  	[tilespmem:s0+$0xBD50] =	vst.add.f32.msk $0xffff, v6  }
0x377: {  	[tilespmem:s0+$0xBD60] =	vst.add.f32.msk $0xffff, v7  }
0x378: {  	[tilespmem:s0+$0xBD70] =	vst.add.f32.msk $0xffff, v8  }
0x379: {  	[tilespmem:s0+$0xBD80] =	vst.add.f32.msk $0xffff, v9  }
0x37a: {  	[tilespmem:s0+$0xBD90] =	vst.add.f32.msk $0xffff, v10  }
0x37b: {  	[tilespmem:s0+$0xBDA0] =	vst.add.f32.msk $0xffff, v11  }
0x37c: {  	[tilespmem:s0+$0xBDB0] =	vst.add.f32.msk $0xffff, v12  }
0x37d: {  	[tilespmem:s0+$0xBDC0] =	vst.add.f32.msk $0xffff, v13  }
0x37e: {  	s5 =	simm.s32 $0x400;
	s3 =	simm.s32 $0x0;
	[tilespmem:s0+$0xBDD0] =	vst.add.f32.msk $0xffff, v14  }
.LBB2_26:
0x37f: {  	s3 =	sadd.s32 $0x8, s3;
	[tilespmem:s0+$0xBDE0] =	vst.add.f32.msk $0xffff, v0;
	s0 =	sshra.s32 s5, $0x2  }
0x380: {  	v0 =	vld [tilespmem:s0+$0x6DF0];
	p0 =	slt.u32 s3, $0x78  }
0x381: {  	v1 =	vld [tilespmem:s0+$0x6D00]  }
0x382: {  	v2 =	vld [tilespmem:s0+$0x6D10]  }
0x383: {  	v3 =	vld [tilespmem:s0+$0x6D20]  }
0x384: {  	v4 =	vld [tilespmem:s0+$0x6D30]  }
0x385: {  	[tilespmem:s0+$0xBDF0] =	vst.add.f32.msk $0xffff, v0  }
0x386: {  	v5 =	vld [tilespmem:s0+$0x6D40]  }
0x387: {  	v6 =	vld [tilespmem:s0+$0x6D50]  }
0x388: {  	v7 =	vld [tilespmem:s0+$0x6D60]  }
0x389: {  	v8 =	vld [tilespmem:s0+$0x6D70]  }
0x38a: {  	v9 =	vld [tilespmem:s0+$0x6D80]  }
0x38b: {  	v10 =	vld [tilespmem:s0+$0x6D90]  }
0x38c: {  	v11 =	vld [tilespmem:s0+$0x6DA0]  }
0x38d: {  	v12 =	vld [tilespmem:s0+$0x6DB0]  }
0x38e: {  	v13 =	vld [tilespmem:s0+$0x6DC0]  }
0x38f: {  	v14 =	vld [tilespmem:s0+$0x6DD0]  }
0x390: {  	v0 =	vld [tilespmem:s0+$0x6DE0]  }
0x391: {  	[tilespmem:s0+$0xBD00] =	vst.add.f32.msk $0xffff, v1  }
0x392: {  	[tilespmem:s0+$0xBD10] =	vst.add.f32.msk $0xffff, v2  }
0x393: {  	[tilespmem:s0+$0xBD20] =	vst.add.f32.msk $0xffff, v3  }
0x394: {  	[tilespmem:s0+$0xBD30] =	vst.add.f32.msk $0xffff, v4  }
0x395: {  	[tilespmem:s0+$0xBD40] =	vst.add.f32.msk $0xffff, v5  }
0x396: {  	[tilespmem:s0+$0xBD50] =	vst.add.f32.msk $0xffff, v6  }
0x397: {  	[tilespmem:s0+$0xBD60] =	vst.add.f32.msk $0xffff, v7  }
0x398: {  	[tilespmem:s0+$0xBD70] =	vst.add.f32.msk $0xffff, v8  }
0x399: {  	[tilespmem:s0+$0xBD80] =	vst.add.f32.msk $0xffff, v9  }
.Ltmp12:
0x39a: {  	[tilespmem:s0+$0xBD90] =	vst.add.f32.msk $0xffff, v10;
	(pc) =	sbr.rel @p0 .LBB2_26-.Ltmp12, $4  }
0x39b: {  	[tilespmem:s0+$0xBDA0] =	vst.add.f32.msk $0xffff, v11  }
0x39c: {  	[tilespmem:s0+$0xBDB0] =	vst.add.f32.msk $0xffff, v12  }
0x39d: {  	[tilespmem:s0+$0xBDC0] =	vst.add.f32.msk $0xffff, v13  }
0x39e: {  	s5 =	sadd.s32 $0x400, s5;
	[tilespmem:s0+$0xBDD0] =	vst.add.f32.msk $0xffff, v14  }
0x39f: {  	[tilespmem:s0+$0xBDE0] =	vst.add.f32.msk $0xffff, v0;
	s20 =	rddreg [dreg:$0xd]  }
0x3a0: {  	[hbm4b:s20+s15] =	stream.linear.scatter [tilespmem:s25], [sflag:$0x8], $0x1000, $0x38;
	[tilespmem:$0xCD00] =	vst v63  }
0x3a1: {  	_ =	swait.ge [sflag:s29], $0x1000  }
0x3a2: {  	[sflag:s29] =	ssyncset.done $0x0  }
0x3a3: {  	[sflag:s29] =	ssyncadd.s32 $0xFFFFF000  }
0x3a4: {  	_ =	swait.ge [sflag:s1], $0x1000  }
0x3a5: {  	[sflag:s1] =	ssyncset.done $0x0  }
0x3a6: {  	[sflag:s1] =	ssyncadd.s32 $0xFFFFF000  }
0x3a7: {  	_ =	swait.ge [sflag:s22], $0x1000  }
0x3a8: {  	[sflag:s22] =	ssyncset.done $0x0  }
0x3a9: {  	[sflag:s22] =	ssyncadd.s32 $0xFFFFF000  }
0x3aa: {  	_ =	swait.ge [sflag:s24], $0x1000  }
0x3ab: {  	s3 =	rddreg [dreg:$0xf]  }
0x3ac: {  	s30 =	rddreg [dreg:$0xe];
	s3 =	sadd.s32 $0x1, s3  }
0x3ad: {  	p0 =	sne.s32 s3, s30  }
.Ltmp13:
0x3ae: {  	_ = 	snop;
	(pc) =	sbr.rel @p0 .LBB2_1-.Ltmp13, $3  }
0x3af: {  	_ =	sdelay $0x1  }
0x3b0: {  	[sflag:s24] =	ssyncset.done $0x0  }
0x3b1: {  	[sflag:s24] =	ssyncadd.s32 $0xFFFFF000  }
0x3b2: {  	_ =	sfence.sel $0x180000  }
0x3b3: {  	[bflag:$0x0] =	sbarrier.arrive $0xFFFF  }
0x3b4: {  	_ =	strace $0x90000047  }
0x3b5: {  	s0 =	stileid.u32;
	[bflag:$0x2] =	sbarrier.arrive $0xFFFF  }
0x3b6: {  	p0 =	sne.s32 s0, $0x0;
	s0 =	rddreg [dreg:$0x3]  }
0x3b7: {  	s0 =	sadd.s32 @!p0 $0x100000, s0  }
0x3b8: {  	[sflag:s0] =	ssyncadd.tile.s32 @!p0 $0x1;
	_ =	shalt  }
.Lfunc_end2:
_tile_overlayer_lowered:
.L_overlay_start_2:
0x3b9: {  	(tag) =	ssettag $0x2  }
0x3ba: {  	s0 =	rddreg [dreg:$0x0];
	s2 =	stileid.u32  }
0x3bb: {  	s1 =	rddreg [dreg:$0x1];
	p0 =	sne.s32 s2, $0x0  }
0x3bc: {  	s3 =	rddreg [dreg:$0x2];
	[bflag:$0x3] =	sbarrier.arrive $0xFFFF;
	s2 =	simm.s32 @!p0 $0x1C09  }
0x3bd: {  	[timem:s3], [sflag:s2] =	dma.local @!p0 [hbm:s0], s1  }
0x3be: {  	s0 =	simm.s32 @!p0 $0x9  }
0x3bf: {  	_ =	swait.ge @!p0 [sflag:s0], s1  }
0x3c0: {  	s1 =	ssub.s32 @!p0 $0x0, s1;
	[sflag:s0] =	ssyncset.done @!p0 $0x0  }
0x3c1: {  	[sflag:s0] =	ssyncadd.s32 @!p0 s1  }
0x3c2: {  	[bflag:$0x3] =	sbarrier.arrive $0xFFFF  }
0x3c3: {  	_ =	shalt  }

// kernel: sparse-core-data-format-call.cloned.1.call-start
scs
called_computation_lowered:
.L_overlay_start_0:
0x0: {  	s2 =	sld [smem:$0x3FD9]  }
0x1: {  	s3 =	sld [smem:$0x3FFE];
	_ =	sdelay $0x1  }
0x2: {  	s1 =	srdreg.scid  }
0x3: {  	s0 =	sand.u32 $0x1, s1  }
0x4: {  	s18 =	sshll.u32 s0, $0xA;
	s2 =	sadd.s32 s3, s2  }
0x5: {  	s2 =	sadd.s32 s2, s18  }
0x6: {  	[smem:$0x3FC5] =	sst s2  }
0x7: {  	_ = 	snop  }
0x8: {  	s2 =	sld [smem:$0x3FD0];
	(tm) =	ssettm $0x1  }
0x9: {  	s19 =	sld [smem:$0x3FFB];
	_ =	sdelay $0x3  }
0xa: {  	_ =	strace s19  }
0xb: {  	s3 =	sld [smem:$0x3FFC];
	_ =	sdelay $0x3  }
0xc: {  	_ =	strace s3  }
0xd: {  	s3 =	sld [smem:$0x3FFD];
	_ =	sdelay $0x3  }
0xe: {  	_ =	strace s3  }
0xf: {  	_ =	strace $0x8FFFFFFF  }
0x10: {  	s20 =	sld [smem:$0x3FDB];
	_ =	sdelay $0x1  }
0x11: {  	s4 =	simm.s32 $_scs_section_size  }
0x12: {  	s5 =	simm.s32 $_size__tile_overlayer_lowered;
	s6 =	simm.s32 $_tile_overlayer_lowered  }
0x13: {  	s23 =	simm.s32 $0x1BFF;
	s22 =	sshll.u32 s6, $0x1;
	s3 =	sadd.s32 s4, s20  }
0x14: {  	s7 =	simm.s32 $0x0;
	s21 =	sshll.u32 s5, $0x1;
	s5 =	sadd.s32 s22, s3  }
0x15: {  	[timem:s7], [sflag:s23] =	dma.local [hbm:s5], s21  }
0x16: {  	_ =	swait.ge [sflag:s23], s21  }
0x17: {  	s4 =	ssub.s32 $0x0, s21;
	[sflag:s23] =	ssyncset.done $0x0  }
0x18: {  	[sflag:s23] =	ssyncadd.s32 s4;
	_ =	sdelay $0x1  }
0x19: {  	s24 =	simm.s32 $0x1B8B  }
0x1a: {  	_ =	swait.ge [sflag:s24], $0x1  }
0x1b: {  	[sflag:s24] =	ssyncset.done $0x0  }
0x1c: {  	s26 =	simm.s32 $0x1B8E;
	s25 =	sld [smem:$0x3FFE];
	[sflag:s24] =	ssyncadd.s32 $0xFFFFFFFF  }
0x1d: {  	s27 =	simm.s32 $execute0_lowered;
	[smem:$0x3FD2] =	sst s26  }
0x1e: {  	s5 =	sshll.u32 s27, $0x1;
	_ =	strace $0x80000049;
	[dreg:$0x1] =	wrdreg $0xFFFFFFFF  }
0x1f: {  	s28 =	simm.s32 $_size_execute0_lowered;
	s3 =	sadd.s32 s3, s5;
	[dreg:$0x0] =	wrdreg $0x0  }
0x20: {  	s5 =	sshll.u32 s28, $0x1;
	[dreg:$0x2] =	wrdreg s3  }
0x21: {  	[dreg:$0x3] =	wrdreg s5  }
0x22: {  	[dreg:$0x4] =	wrdreg $0xC0  }
0x23: {  	_ =	task [dreg:s7], $0x5FFFF  }
0x24: {  	[dreg:$0x1] =	wrdreg $0xFFFFFFFF  }
0x25: {  	[dreg:$0x0] =	wrdreg $0x60  }
0x26: {  	[dreg:$0x2] =	wrdreg s25  }
0x27: {  	[dreg:$0x3] =	wrdreg s2  }
0x28: {  	[dreg:$0x4] =	wrdreg $0x9  }
0x29: {  	_ =	task.clear_ibuf [dreg:s7], $0x5FFFF;
	_ =	strace $0x90000049  }
0x2a: {  	s29 =	simm.s32 $0x9;
	_ =	strace $0x8000004B  }
0x2b: {  	_ =	swait.ge [sflag:s29], $0x1  }
0x2c: {  	[sflag:s29] =	ssyncadd.s32 $0xFFFFFFFF  }
0x2d: {  	_ =	strace $0x9000004B  }
0x2e: {  	_ =	sfence  }
0x2f: {  	s30 =	sld [smem:$0x0];
	_ =	sdelay $0x2  }
0x30: {  	s31 =	sshll.u32 s1, $0xD;
	s1 =	sshrl.u32 s1, $0x2  }
0x31: {  	s3 =	sand.u32 $0x4000, s31;
	s1 =	sadd.s32 s1, s30  }
0x32: {  	s0 =	sor.u32 s3, s0;
	s1 =	sshll.u32 s1, $0x11  }
0x33: {  	s0 =	sor.u32 s1, s0  }
0x34: {  	s0 =	sadd.s32 $0x8F2B, s0  }
0x35: {  	[sflag:s0] =	ssyncadd.remote.s32 $0x1  }
0x36: {  	_ =	sfence.sel $0xFFFF  }
0x37: {  	[dreg:$0x0] =	wrdreg $0xFFFFFFFF;
	(pc) =	sbr.abs _section_cstart, $3  }
0x38: {  	[dreg:$0x1] =	wrdreg $0xFFFFFFFF  }
0x39: {  	_ =	task.clear_ibuf [dreg:s7], $0x2FFFF;
	_ =	strace $0x9FFFFFFF  }
0x3a: {  	(tm) =	ssettm $0x7FFFFFFF  }
0x3b: {  	_ =	shalt  }
tec
execute0_lowered:
.L_overlay_start_1:
0x0: {  	(tag) =	ssettag $0x1  }
0x1: {  	s0 =	srdreg.scid  }
0x2: {  	s1 =	sshll.u32 s0, $0x4  }
0x3: {  	s4 =	rddreg [dreg:$0x0];
	s0 =	stileid.u32;
	s1 =	sand.u32 $0x10, s1  }
0x4: {  	s2 =	rddreg [dreg:$0x1];
	s7 =	simm.s32 $0x1;
	s1 =	sor.u32 s0, s1  }
0x5: {  	s8 =	simm.s32 $0x2;
	s11 =	simm.s32 $0x0;
	s3 =	sshll.u32 s1, $0x7  }
0x6: {  	s10 =	simm.s32 $0x0;
	s4 =	sadd.s32 $0xA00, s4;
	s6 =	ssub.s32 $0xC8000, s3  }
.Ltmp0:
0x7: {  	s1 =	rddreg [dreg:$0x2];
	s5 =	sand.u32 $0xF80, s6;
	(pc) =	sbr.rel .LBB1_1-.Ltmp0, $4  }
0x8: {  	_ =	strace $0x8000004A;
	s9 =	smov.u32 s3;
	p0 =	sne.s32 s5, $0x0  }
0x9: {  	s6 =	sshrl.u32 s6, $0xC;
	s5 =	simm.s32 $0x1;
	s7 =	simm.s32 @!p0 $0x0  }
0xa: {  	[sflag:s5] =	ssyncpa.u1 $0x0;
	p0 =	por $0x0, $0x0;
	s6 =	sadd.s32 s7, s6  }
0xb: {  	[sflag:s8] =	ssyncpa.u1 $0x0;
	s8 =	simm.s32 $0x640000;
	s7 =	sadd.s32 $0x1, s6  }
.LBB1_4:
0xc: {  	s14 =	sshll.u32 s11, $0x3  }
0xd: {  	s30 =	sand.u32 $0x7F, s11;
	s15 =	sand.u32 $0xFFFFFC00, s14  }
0xe: {  	s11 =	sor.u32 s30, s15  }
0xf: {  	s15 =	smulhi.u32 $0x51EB851F, s11  }
0x10: {  	s14 =	smulhi.u32 $0x51EB851F, s14  }
0x11: {  	s15 =	sshrl.u32 s15, $0x12  }
0x12: {  	s14 =	sshrl.u32 s14, $0x12;
	s15 =	smul.u32 $0xC8000, s15  }
0x13: {  	s14 =	sand.u32 $0x1F, s14  }
0x14: {  	s14 =	smul.u32 $0x19000, s14;
	s11 =	ssub.s32 s11, s15  }
0x15: {  	s15 =	sand.u32 $0x7, s11  }
0x16: {  	s14 =	sadd.s32 s2, s14;
	s11 =	sshrl.u32 s11, $0x3;
	s15 =	sshll.u32 s15, $0x12  }
0x17: {  	[tilespmem:s13+$0x0 ss:$0x81] =	vst.msk $0xffff, v0;
	s11 =	sadd.s32 s11, s14;
	s31 =	sor.u32 $0x400, s15  }
0x18: {  	[hbm4b:s11+s31] =	stream.strided.scatter [tilespmem:s12], [sflag:$0x2], $0x1000, s8, s31, $0x20;
	[tilespmem:$0x4040] =	vst v63  }
.LBB1_5:
0x19: {  	s13 =	sadd.s32 $0x1000, s9  }
0x1a: {  	p2 =	sgt.s32 s13, $0xC7FFF  }
0x1b: {  	s13 =	smov.u32 @p2 s3;
	p2 =	sne.s32 s10, s7  }
.Ltmp1:
0x1c: {  	p1 =	slt.u32 s10, $0x2;
	(pc) =	sbr.rel @!p2 .LBB1_6-.Ltmp1, $4  }
0x1d: {  	s12 =	simm.s32 @!p1 $0x2  }
0x1e: {  	s14 =	sadd.s32 $0x1, s10;
	_ =	swait.ge @!p1 [sflag:s12], $0x1000  }
0x1f: {  	s11 =	smov.u32 s9;
	p0 =	por !p0, !p0;
	[sflag:s12] =	ssyncset.done @!p1 $0x0  }
0x20: {  	s10 =	smov.u32 s14;
	s9 =	smov.u32 s13;
	[sflag:s12] =	ssyncadd.s32 @!p1 $0xFFFFF000  }
.LBB1_1:
0x21: {  	p1 =	sge.u32 s10, s6  }
0x22: {  	s12 =	sand.u32 @!p1 $0x1FFFFFF, s9  }
0x23: {  	s13 =	smulhi.u32 @!p1 $0x147AE15, s12;
	_ =	sdelay $0x1  }
0x24: {  	s13 =	sshrl.u32 @!p1 s13, $0xC  }
0x25: {  	s13 =	smul.u32 @!p1 $0xC8000, s13;
	_ =	sdelay $0x1  }
0x26: {  	s31 =	sadd.s32 $0xFFFFFFFF, s10;
	s14 =	sxor.u32 @!p1 $0xFFFFFFFF, s10;
	s12 =	ssub.s32 @!p1 s12, s13  }
0x27: {  	s15 =	simm.s32 @!p1 $0x80;
	s14 =	sshll.u32 @!p1 s14, $0xC;
	s12 =	sshll.u32 @!p1 s12, $0x4  }
0x28: {  	s13 =	sand.u32 @!p1 $0x1000, s14;
	s14 =	simm.s32 @!p1 $0x20;
	s12 =	sadd.s32 @!p1 s4, s12  }
0x29: {  	[tilespmem:s13], [sflag:$0x1] =	stream.strided.gather @!p1 [hbm4b:s12+s14], $0x1000, s15, s14, $0x38;
	[tilespmem:$0x4040] =	vst v63  }
0x2a: {  	p1 =	sge.u32 s31, s6  }
.Ltmp2:
0x2b: {  	_ = 	snop;
	(pc) =	sbr.rel @p1 .LBB1_5-.Ltmp2, $1  }
0x2c: {  	_ =	sdelay $0x3  }
0x2d: {  	s12 =	simm.s32 $0x1  }
0x2e: {  	_ =	swait.ge [sflag:s5], $0x1000;
	s12 =	simm.s32 @!p0 $0x0  }
0x2f: {  	[sflag:s5] =	ssyncset.done $0x0;
	s13 =	sshll.u32 s12, $0xC  }
0x30: {  	[sflag:s5] =	ssyncadd.s32 $0xFFFFF000;
	s16 =	sor.u32 $0x10, s13  }
0x31: {  	s12 =	smul.u32 $0x4080, s12;
	v1 =	vld [tilespmem:s16+$0x0]  }
0x32: {  	s30 =	sand.u32 $0x1, s10;
	v0 =	vld [tilespmem:s16+$0xFFFFFFF0]  }
0x33: {  	s13 =	smul.u32 $0x4080, s30;
	s12 =	sshrl.u32 s12, $0x2  }
0x34: {  	s14 =	sor.u32 $0x2000, s12  }
0x35: {  	s31 =	sshrl.u32 s13, $0x2;
	s13 =	sadd.s32 $0x0, s14  }
0x36: {  	s15 =	simm.s32 $0x4;
	s16 =	sadd.s32 $0x20, s16;
	s12 =	sor.u32 $0x2000, s31;
	[tilespmem:s13+$0x810 ss:$0x81] =	vst.msk $0xffff, v1  }
.LBB1_3:
0x37: {  	v1 =	vld [tilespmem:s16+$0x0];
	p1 =	sne.s32 s15, $0x1FC;
	[tilespmem:s13+$0x0 ss:$0x81] =	vst.msk $0xffff, v0;
	s13 =	smov.u32 s15;
	s15 =	sadd.s32 $0x4, s15  }
.Ltmp3:
0x38: {  	v0 =	vld [tilespmem:s16+$0xFFFFFFF0];
	(pc) =	sbr.rel @p1 .LBB1_3-.Ltmp3, $4  }
0x39: {  	_ = 	snop  }
0x3a: {  	s13 =	sshra.s32 s13, $0x2  }
0x3b: {  	s13 =	sadd.s32 s13, s14  }
0x3c: {  	s16 =	sadd.s32 $0x20, s16;
	[tilespmem:s13+$0x810 ss:$0x81] =	vst.msk $0xffff, v1  }
.Ltmp4:
0x3d: {  	_ = 	snop;
	(pc) =	sbr.rel .LBB1_4-.Ltmp4, $1  }
0x3e: {  	_ =	sdelay $0x3  }
.LBB1_6:
0x3f: {  	_ =	sfence.sel $0x180000  }
0x40: {  	s2 =	simm.s32 $0x1;
	[bflag:$0x0] =	sbarrier.arrive $0xFFFF  }
0x41: {  	s31 =	simm.s32 $0x2;
	[sflag:s2] =	ssyncpa.u1 $0x1  }
0x42: {  	[sflag:s31] =	ssyncpa.u1 $0x1  }
0x43: {  	p0 =	sne.s32 s0, $0x0;
	_ =	strace $0x9000004A  }
0x44: {  	s0 =	sadd.s32 @!p0 $0x100000, s1;
	[bflag:$0x2] =	sbarrier.arrive $0xFFFF  }
0x45: {  	[sflag:s0] =	ssyncadd.tile.s32 @!p0 $0x1;
	_ =	shalt  }
.Lfunc_end1:
_tile_overlayer_lowered:
.L_overlay_start_2:
0x46: {  	(tag) =	ssettag $0x2  }
0x47: {  	s0 =	rddreg [dreg:$0x0];
	s2 =	stileid.u32  }
0x48: {  	s1 =	rddreg [dreg:$0x1];
	p0 =	sne.s32 s2, $0x0  }
0x49: {  	s3 =	rddreg [dreg:$0x2];
	[bflag:$0x3] =	sbarrier.arrive $0xFFFF;
	s2 =	simm.s32 @!p0 $0x1C01  }
0x4a: {  	[timem:s3], [sflag:s2] =	dma.local @!p0 [hbm:s0], s1  }
0x4b: {  	s0 =	simm.s32 @!p0 $0x1  }
0x4c: {  	_ =	swait.ge @!p0 [sflag:s0], s1  }
0x4d: {  	s1 =	ssub.s32 @!p0 $0x0, s1;
	[sflag:s0] =	ssyncset.done @!p0 $0x0  }
0x4e: {  	[sflag:s0] =	ssyncadd.s32 @!p0 s1  }
0x4f: {  	[bflag:$0x3] =	sbarrier.arrive $0xFFFF  }
0x50: {  	_ =	shalt  }

</sc_bundles>
